<compile_context>
chip_gen: v7x
topology: tpu7x:2x2x1
jax: 0.10.2.dev20260603
libtpu: 0.0.44.dev20260713+nightly
codegen_flags: <defaults>
</compile_context>

<pallas_src>
import jax
import jax.numpy as jnp
from jax import lax
from jax.experimental import pallas as pl
from jax.experimental.pallas import tpu as pltpu
from jax.experimental.pallas import tpu_sc as plsc

_ROWS = 64
_N = 32768
_NV = _N // 16
_UG = 8
_UGW = 16
_L1_BINS = 2048
_ABS_MASK = 0x7FFFFFFF
_ONE_F32_BITS = 0x3F800000

_GATHER_DNUMS = lax.GatherDimensionNumbers(
    offset_dims=(), collapsed_slice_dims=(0,), start_index_map=(0,))


def _lane_at(vec, j, iota):
    idx = iota * 0 + j
    g = lax.gather(vec, idx[:, None], _GATHER_DNUMS, (1,),
                   mode=lax.GatherScatterMode.PROMISE_IN_BOUNDS)
    return g[0]


def _clear(hist_ref, nbins, zeros):
    def body(i, c):
        hist_ref[pl.ds(i * 16, 16)] = zeros
        return c

    lax.fori_loop(0, nbins // 16, body, 0)


def _find_crossing(hist_ref, nbins, k_rem, iota):
    nchunks = nbins // 16
    if nchunks == 1:
        c_found = jnp.int32(0)
        run_found = jnp.int32(0)
    else:
        def group(g, carry):
            running, c_found, run_found = carry
            tots = [
                plsc.cumsum(hist_ref[pl.ds((g * _UG + u) * 16, 16)])[15]
                for u in range(_UG)
            ]
            for u in range(_UG):
                crossed = jnp.logical_and(running < k_rem,
                                          running + tots[u] >= k_rem)
                c_found = jnp.where(crossed, g * _UG + u, c_found)
                run_found = jnp.where(crossed, running, run_found)
                running = running + tots[u]
            return running, c_found, run_found

        init = (jnp.int32(0), jnp.int32(0), jnp.int32(0))
        _, c_found, run_found = lax.fori_loop(
            0, nchunks // _UG, group, init)

    v = hist_ref[pl.ds(c_found * 16, 16)]
    cum = plsc.cumsum(v) + run_found
    ge = cum >= k_rem
    j = plsc.all_reduce_population_count(jnp.logical_not(ge))[0]
    cum_j = _lane_at(cum, j, iota)
    v_j = _lane_at(v, j, iota)
    return c_found * 16 + j, cum_j - v_j


def _row_threshold(row_v, cbuf_v, hist_ref, k_s, zeros, ones, iota, pre_cp=None):
    _clear(hist_ref, _L1_BINS, zeros)

    def l1(g, c):
        for u in range(_UGW):
            raw = lax.bitcast_convert_type(
                row_v[pl.ds((g * _UGW + u) * 16, 16)], jnp.int32)
            flip = lax.shift_right_logical(~raw, 20) & jnp.int32(_L1_BINS - 1)
            plsc.addupdate_scatter(hist_ref, [flip], ones)
        return c

    lax.fori_loop(0, _NV // _UGW, l1, 0)
    fb1, above1 = _find_crossing(hist_ref, _L1_BINS, k_s, iota)
    b1 = jnp.int32(_L1_BINS - 1) - fb1
    k2 = k_s - above1
    b1_splat = iota * 0 + b1

    if pre_cp is not None:
        pre_cp()

    def cp(g, offm1):
        loaded = []
        for u in range(_UG):
            bits = lax.bitcast_convert_type(
                row_v[pl.ds((g * _UG + u) * 16, 16)], jnp.int32) & _ABS_MASK
            match = lax.shift_right_logical(bits, 20) == b1_splat
            loaded.append((bits, match,
                           plsc.all_reduce_population_count(match)))
        for u in range(_UG):
            bits, match, pop = loaded[u]
            inc = plsc.cumsum(match.astype(jnp.int32))
            plsc.store_scatter(cbuf_v, [offm1 + inc], bits, mask=match)
            offm1 = offm1 + pop
        return offm1

    offm1 = lax.fori_loop(0, _NV // _UG, cp, iota * 0 - 1)
    m = offm1[0] + 1
    m_splat = offm1 + 1
    nv2 = lax.shift_right_logical(m + 15, 4)

    _clear(hist_ref, 256, zeros)

    def l2(i, c):
        bits = cbuf_v[pl.ds(i * 16, 16)]
        valid = (i * 16 + iota) < m_splat
        flip = jnp.int32(255) - (lax.shift_right_logical(bits, 12) & 0xFF)
        plsc.addupdate_scatter(hist_ref, [flip], ones, mask=valid)
        return c

    lax.fori_loop(0, nv2, l2, 0)
    fb2, above2 = _find_crossing(hist_ref, 256, k2, iota)
    b2 = jnp.int32(255) - fb2
    k3 = k2 - above2
    b2_splat = iota * 0 + b2

    _clear(hist_ref, 256, zeros)

    def l3(i, c):
        bits = cbuf_v[pl.ds(i * 16, 16)]
        valid = jnp.logical_and(
            (i * 16 + iota) < m_splat,
            (lax.shift_right_logical(bits, 12) & 0xFF) == b2_splat)
        flip = jnp.int32(255) - (lax.shift_right_logical(bits, 4) & 0xFF)
        plsc.addupdate_scatter(hist_ref, [flip], ones, mask=valid)
        return c

    lax.fori_loop(0, nv2, l3, 0)
    fb3, above3 = _find_crossing(hist_ref, 256, k3, iota)
    b3 = jnp.int32(255) - fb3
    k4 = k3 - above3
    b3_splat = iota * 0 + b3

    _clear(hist_ref, 16, zeros)

    def l4(i, c):
        bits = cbuf_v[pl.ds(i * 16, 16)]
        valid = jnp.logical_and(
            jnp.logical_and(
                (i * 16 + iota) < m_splat,
                (lax.shift_right_logical(bits, 12) & 0xFF) == b2_splat),
            (lax.shift_right_logical(bits, 4) & 0xFF) == b3_splat)
        flip = jnp.int32(15) - (bits & 0xF)
        plsc.addupdate_scatter(hist_ref, [flip], ones, mask=valid)
        return c

    lax.fori_loop(0, nv2, l4, 0)
    fb4, _ = _find_crossing(hist_ref, 16, k4, iota)
    b4 = jnp.int32(15) - fb4

    return (lax.shift_left(b1, 20) | lax.shift_left(b2, 12)
            | lax.shift_left(b3, 4) | b4)


def _mask_pass(buf_v, cbuf_v, thresh, iota):
    t_splat = iota * 0 + thresh

    def mk(g, c):
        for u in range(_UGW):
            sl = pl.ds((g * _UGW + u) * 16, 16)
            v = buf_v[sl]
            bits = lax.bitcast_convert_type(v, jnp.int32) & _ABS_MASK
            keep = bits >= t_splat
            buf_v[sl] = jnp.where(keep, v, jnp.float32(0.0))
            cbuf_v[sl] = jnp.where(keep, jnp.int32(_ONE_F32_BITS), jnp.int32(0))
        return c

    lax.fori_loop(0, _NV // _UGW, mk, 0)


def _sc_body(scores_hbm, k_hbm, out_hbm, mask_hbm, a_v, b_v, cbuf_v, hist_v,
             kv_v, s_load, s_out, s_mask):
    wid = lax.axis_index("s") * 2 + lax.axis_index("c")
    r0 = wid * 2
    r1 = r0 + 1
    pltpu.sync_copy(k_hbm, kv_v)
    k_s = kv_v[...][0]
    zeros = jnp.zeros((16,), jnp.int32)
    ones = jnp.ones((16,), jnp.int32)
    iota = lax.iota(jnp.int32, 16)

    pltpu.async_copy(scores_hbm.at[r0], a_v, s_load).wait()
    h_load1 = pltpu.async_copy(scores_hbm.at[r1], b_v, s_load)

    th0 = _row_threshold(a_v, cbuf_v, hist_v, k_s, zeros, ones, iota)
    _mask_pass(a_v, cbuf_v, th0, iota)
    h_out0 = pltpu.async_copy(a_v, out_hbm.at[r0], s_out)
    h_mask0 = pltpu.async_copy(cbuf_v.at[pl.ds(0, _N)], mask_hbm.at[r0], s_mask)

    h_load1.wait()
    th1 = _row_threshold(b_v, cbuf_v, hist_v, k_s, zeros, ones, iota,
                         pre_cp=h_mask0.wait)
    _mask_pass(b_v, cbuf_v, th1, iota)
    h_out1 = pltpu.async_copy(b_v, out_hbm.at[r1], s_out)
    h_mask1 = pltpu.async_copy(cbuf_v.at[pl.ds(0, _N)], mask_hbm.at[r1], s_mask)

    h_out0.wait()
    h_out1.wait()
    h_mask1.wait()


def kernel(scores, k):
    karr = jnp.full((16,), k, jnp.int32)
    mesh = plsc.VectorSubcoreMesh(core_axis_name="c", subcore_axis_name="s")
    out, maski = pl.kernel(
        _sc_body,
        mesh=mesh,
        compiler_params=pltpu.CompilerParams(needs_layout_passes=False),
        out_type=[
            jax.ShapeDtypeStruct((_ROWS, _N), jnp.float32),
            jax.ShapeDtypeStruct((_ROWS, _N), jnp.int32),
        ],
        scratch_types=[
            pltpu.VMEM((_N,), jnp.float32),
            pltpu.VMEM((_N,), jnp.float32),
            pltpu.VMEM((_N + 16,), jnp.int32),
            pltpu.VMEM((_L1_BINS,), jnp.int32),
            pltpu.VMEM((16,), jnp.int32),
            pltpu.SemaphoreType.DMA,
            pltpu.SemaphoreType.DMA,
            pltpu.SemaphoreType.DMA,
        ],
    )(scores, karr)
    return out, maski.astype(jnp.bool_)

# --- scband reference (transcript-rebuilt; emitter-appended) ---
"""Pipeline reference for scband-dstscheduler-56779467653326 (READ-ONLY COPY).

The authoritative reference and input builder live on the scoring server;
editing this copy changes nothing except your own understanding.
"""

import jax, jax.numpy as jnp
import numpy as np

K = 2048

def setup_inputs(seed: int = 0) -> dict:
    key = jax.random.key(seed)
    k1, _ = jax.random.split(key)
    scores = jax.random.normal(k1, (64, 32768), dtype=jnp.float32)
    return {"scores": scores, "k": K}

def reference(scores, k):
    # DSTScheduler magnitude-death core: keep the top-k elements by |magnitude|
    # per row (layer), zero out (prune/'death') the rest. This is the
    # magnitude-based top-k masking performed at each mask-update step.
    mag = jnp.abs(scores)
    topk_vals, _ = jax.lax.top_k(mag, K)
    threshold = jax.lax.dynamic_slice_in_dim(topk_vals, k - 1, 1, axis=1)
    mask = mag >= threshold  # bool mask, analogous to MultiMask.data
    out = jnp.where(mask, scores, jnp.zeros_like(scores))
    return out, mask

if __name__ == "__main__":
    import jax
    _d = setup_inputs()
    print(jax.jit(kernel)(*tuple(_d.values())))

</pallas_src>

<mosaic_0001>
#map = affine_map<(d0, d1) -> (0, 0)>
#map1 = affine_map<(d0, d1) -> (0)>
module attributes {stable_mosaic.version = 14 : i64} {
  func.func @_sc_body(%arg0: i32, %arg1: i32, %arg2: memref<64x32768xf32, #tpu.memory_space<hbm>>, %arg3: memref<16xi32, #tpu.memory_space<hbm>>, %arg4: memref<64x32768xf32, #tpu.memory_space<hbm>>, %arg5: memref<64x32768xi32, #tpu.memory_space<hbm>>, %arg6: memref<32768xf32, #tpu.memory_space<vmem>>, %arg7: memref<32768xf32, #tpu.memory_space<vmem>>, %arg8: memref<32784xi32, #tpu.memory_space<vmem>>, %arg9: memref<2048xi32, #tpu.memory_space<vmem>>, %arg10: memref<16xi32, #tpu.memory_space<vmem>>, %arg11: memref<!tpu.dma_semaphore, #tpu.memory_space<semaphore_mem>>, %arg12: memref<!tpu.dma_semaphore, #tpu.memory_space<semaphore_mem>>, %arg13: memref<!tpu.dma_semaphore, #tpu.memory_space<semaphore_mem>>) attributes {dimension_semantics = [#tpu.dimension_semantics<core_parallel>, #tpu.dimension_semantics<subcore_parallel>], iteration_bounds = array<i64: 2, 16>, scalar_prefetch = 0 : i64, scratch_operands = 8 : i64, tpu.core_type = #tpu.core_type<sc_vector_subcore>, window_params = [{transform_indices = #map}, {transform_indices = #map1}, {transform_indices = #map}, {transform_indices = #map}]} {
    %mul3A = arith.constant 2 : i32
    %mul3A_0 = arith.muli %arg1, %mul3A : i32
    %add3A = arith.addi %mul3A_0, %arg0 : i32
    %mul3A_1 = arith.constant 2 : i32
    %mul3A_2 = arith.muli %add3A, %mul3A_1 : i32
    %add3A_3 = arith.constant 1 : i32
    %add3A_4 = arith.addi %mul3A_2, %add3A_3 : i32
    "tpu.region"() ({
      %run_scoped3A = tpu.sem_alloc : memref<!tpu.dma_semaphore, #tpu.memory_space<semaphore_mem>>
      tpu.enqueue_dma source(%arg3 : memref<16xi32, #tpu.memory_space<hbm>>) target(%arg10 : memref<16xi32, #tpu.memory_space<vmem>>) target_semaphore(%run_scoped3A : memref<!tpu.dma_semaphore, #tpu.memory_space<semaphore_mem>>)
      tpu.wait_dma2 semaphore(%run_scoped3A : memref<!tpu.dma_semaphore, #tpu.memory_space<semaphore_mem>>) src(%arg3 : memref<16xi32, #tpu.memory_space<hbm>>) dst(%arg10 : memref<16xi32, #tpu.memory_space<vmem>>)
      tpu.yield
    }) : () -> ()
    %get3A = arith.constant 0 : index
    %get3A_5 = tpu.vector_load %arg10[%get3A] {strides = array<i32>} : memref<16xi32, #tpu.memory_space<vmem>>, vector<16xi32>,
    %slice3A = vector.extract_strided_slice %get3A_5 {offsets = [0], sizes = [1], strides = [1]} : vector<16xi32> to vector<1xi32>
    %squeeze3A = vector.extract %slice3A[0] : i32 from vector<1xi32>
    %broadcast_in_dim3A = arith.constant 0 : i32
    %broadcast_in_dim3A_6 = vector.broadcast %broadcast_in_dim3A : i32 to vector<16xi32>
    %broadcast_in_dim3A_7 = arith.constant 1 : i32
    %broadcast_in_dim3A_8 = vector.broadcast %broadcast_in_dim3A_7 : i32 to vector<16xi32>
    %iota3A = tpu.iota {dimensions = array<i32: 0>} : vector<16xi32>
    %dma_start3A = arith.constant 0 : i32
    %dma_start3A_9 = tpu.memref_slice %arg2[%mul3A_2, %dma_start3A] : memref<64x32768xf32, #tpu.memory_space<hbm>> -> memref<1x32768xf32, #tpu.memory_space<hbm>>
    %dma_start3A_10 = tpu.memref_squeeze %dma_start3A_9 : memref<1x32768xf32, #tpu.memory_space<hbm>> -> memref<32768xf32, #tpu.memory_space<hbm>>
    %dma_start3A_11 = arith.constant 0 : i32
    %dma_start3A_12 = tpu.memref_slice %arg2[%mul3A_2, %dma_start3A_11] : memref<64x32768xf32, #tpu.memory_space<hbm>> -> memref<1x32768xf32, #tpu.memory_space<hbm>>
    %dma_start3A_13 = tpu.memref_squeeze %dma_start3A_12 : memref<1x32768xf32, #tpu.memory_space<hbm>> -> memref<32768xf32, #tpu.memory_space<hbm>>
    tpu.enqueue_dma source(%dma_start3A_13 : memref<32768xf32, #tpu.memory_space<hbm>>) target(%arg6 : memref<32768xf32, #tpu.memory_space<vmem>>) target_semaphore(%arg11 : memref<!tpu.dma_semaphore, #tpu.memory_space<semaphore_mem>>)
    %dma_wait3A = arith.constant 0 : i32
    %dma_wait3A_14 = tpu.memref_slice %arg2[%mul3A_2, %dma_wait3A] : memref<64x32768xf32, #tpu.memory_space<hbm>> -> memref<1x32768xf32, #tpu.memory_space<hbm>>
    %dma_wait3A_15 = tpu.memref_squeeze %dma_wait3A_14 : memref<1x32768xf32, #tpu.memory_space<hbm>> -> memref<32768xf32, #tpu.memory_space<hbm>>
    %dma_wait3A_16 = arith.constant 0 : i32
    %dma_wait3A_17 = tpu.memref_slice %arg2[%mul3A_2, %dma_wait3A_16] : memref<64x32768xf32, #tpu.memory_space<hbm>> -> memref<1x32768xf32, #tpu.memory_space<hbm>>
    %dma_wait3A_18 = tpu.memref_squeeze %dma_wait3A_17 : memref<1x32768xf32, #tpu.memory_space<hbm>> -> memref<32768xf32, #tpu.memory_space<hbm>>
    tpu.wait_dma2 semaphore(%arg11 : memref<!tpu.dma_semaphore, #tpu.memory_space<semaphore_mem>>) src(%dma_wait3A_18 : memref<32768xf32, #tpu.memory_space<hbm>>) dst(%arg6 : memref<32768xf32, #tpu.memory_space<vmem>>)
    %dma_start3A_19 = arith.constant 0 : i32
    %dma_start3A_20 = tpu.memref_slice %arg2[%add3A_4, %dma_start3A_19] : memref<64x32768xf32, #tpu.memory_space<hbm>> -> memref<1x32768xf32, #tpu.memory_space<hbm>>
    %dma_start3A_21 = tpu.memref_squeeze %dma_start3A_20 : memref<1x32768xf32, #tpu.memory_space<hbm>> -> memref<32768xf32, #tpu.memory_space<hbm>>
    %dma_start3A_22 = arith.constant 0 : i32
    %dma_start3A_23 = tpu.memref_slice %arg2[%add3A_4, %dma_start3A_22] : memref<64x32768xf32, #tpu.memory_space<hbm>> -> memref<1x32768xf32, #tpu.memory_space<hbm>>
    %dma_start3A_24 = tpu.memref_squeeze %dma_start3A_23 : memref<1x32768xf32, #tpu.memory_space<hbm>> -> memref<32768xf32, #tpu.memory_space<hbm>>
    tpu.enqueue_dma source(%dma_start3A_24 : memref<32768xf32, #tpu.memory_space<hbm>>) target(%arg7 : memref<32768xf32, #tpu.memory_space<vmem>>) target_semaphore(%arg11 : memref<!tpu.dma_semaphore, #tpu.memory_space<semaphore_mem>>)
    %scan3A = arith.constant 0 : i32
    %scan3A_25 = arith.constant 0 : i32
    %scan3A_26 = arith.constant 128 : i32
    %scan3A_27 = arith.addi %scan3A_25, %scan3A_26 : i32
    %scan3A_28 = arith.constant 1 : i32
    scf.for %scan3A_723 = %scan3A_25 to %scan3A_27 step %scan3A_28  : i32 {
      %mul3A_724 = arith.constant 16 : i32
      %mul3A_725 = arith.muli %scan3A_723, %mul3A_724 : i32
      %swap3A_726 = arith.index_cast %mul3A_725 : i32 to index
      %swap3A_727 = tpu.vector_load %arg9[%swap3A_726] {strides = array<i32>} : memref<2048xi32, #tpu.memory_space<vmem>>, vector<16xi32>,
      tpu.vector_store %arg9[%swap3A_726], %broadcast_in_dim3A_6 {strides = array<i32>} : memref<2048xi32, #tpu.memory_space<vmem>>, vector<16xi32>,
    }
    %scan3A_29 = arith.constant 128 : i32
    %scan3A_30 = arith.constant 0 : i32
    %scan3A_31 = arith.constant 0 : i32
    %scan3A_32 = arith.constant 128 : i32
    %scan3A_33 = arith.addi %scan3A_31, %scan3A_32 : i32
    %scan3A_34 = arith.constant 1 : i32
    scf.for %scan3A_723 = %scan3A_31 to %scan3A_33 step %scan3A_34  : i32 {
      %mul3A_724 = arith.constant 16 : i32
      %mul3A_725 = arith.muli %scan3A_723, %mul3A_724 : i32
      %add3A_726 = arith.constant 0 : i32
      %add3A_727 = arith.addi %mul3A_725, %add3A_726 : i32
      %mul3A_728 = arith.constant 16 : i32
      %mul3A_729 = arith.muli %add3A_727, %mul3A_728 : i32
      %get3A_730 = arith.index_cast %mul3A_729 : i32 to index
      %get3A_731 = tpu.vector_load %arg6[%get3A_730] {strides = array<i32>} : memref<32768xf32, #tpu.memory_space<vmem>>, vector<16xf32>,
      %bitcast_convert_type3A = tpu.bitcast %get3A_731 : vector<16xf32> -> vector<16xi32>
      %not3A_732 = arith.constant dense<-1> : vector<16xi32>
      %not3A_733 = arith.xori %bitcast_convert_type3A, %not3A_732 : vector<16xi32>
      %shift_right_logical3A_734 = arith.constant 20 : i32
      %shift_right_logical3A_735 = vector.broadcast %shift_right_logical3A_734 : i32 to vector<16xi32>
      %shift_right_logical3A_736 = arith.shrui %not3A_733, %shift_right_logical3A_735 : vector<16xi32>
      %and3A = arith.constant 2047 : i32
      %and3A_737 = vector.broadcast %and3A : i32 to vector<16xi32>
      %and3A_738 = arith.andi %shift_right_logical3A_736, %and3A_737 : vector<16xi32>
      tpu.vector_store_idx %arg9[%and3A_738], %broadcast_in_dim3A_8 {add = true} : memref<2048xi32, #tpu.memory_space<vmem>>[vector<16xi32>], vector<16xi32>,
      %mul3A_739 = arith.constant 16 : i32
      %mul3A_740 = arith.muli %scan3A_723, %mul3A_739 : i32
      %add3A_741 = arith.constant 1 : i32
      %add3A_742 = arith.addi %mul3A_740, %add3A_741 : i32
      %mul3A_743 = arith.constant 16 : i32
      %mul3A_744 = arith.muli %add3A_742, %mul3A_743 : i32
      %get3A_745 = arith.index_cast %mul3A_744 : i32 to index
      %get3A_746 = tpu.vector_load %arg6[%get3A_745] {strides = array<i32>} : memref<32768xf32, #tpu.memory_space<vmem>>, vector<16xf32>,
      %bitcast_convert_type3A_747 = tpu.bitcast %get3A_746 : vector<16xf32> -> vector<16xi32>
      %not3A_748 = arith.constant dense<-1> : vector<16xi32>
      %not3A_749 = arith.xori %bitcast_convert_type3A_747, %not3A_748 : vector<16xi32>
      %shift_right_logical3A_750 = arith.constant 20 : i32
      %shift_right_logical3A_751 = vector.broadcast %shift_right_logical3A_750 : i32 to vector<16xi32>
      %shift_right_logical3A_752 = arith.shrui %not3A_749, %shift_right_logical3A_751 : vector<16xi32>
      %and3A_753 = arith.constant 2047 : i32
      %and3A_754 = vector.broadcast %and3A_753 : i32 to vector<16xi32>
      %and3A_755 = arith.andi %shift_right_logical3A_752, %and3A_754 : vector<16xi32>
      tpu.vector_store_idx %arg9[%and3A_755], %broadcast_in_dim3A_8 {add = true} : memref<2048xi32, #tpu.memory_space<vmem>>[vector<16xi32>], vector<16xi32>,
      %mul3A_756 = arith.constant 16 : i32
      %mul3A_757 = arith.muli %scan3A_723, %mul3A_756 : i32
      %add3A_758 = arith.constant 2 : i32
      %add3A_759 = arith.addi %mul3A_757, %add3A_758 : i32
      %mul3A_760 = arith.constant 16 : i32
      %mul3A_761 = arith.muli %add3A_759, %mul3A_760 : i32
      %get3A_762 = arith.index_cast %mul3A_761 : i32 to index
      %get3A_763 = tpu.vector_load %arg6[%get3A_762] {strides = array<i32>} : memref<32768xf32, #tpu.memory_space<vmem>>, vector<16xf32>,
      %bitcast_convert_type3A_764 = tpu.bitcast %get3A_763 : vector<16xf32> -> vector<16xi32>
      %not3A_765 = arith.constant dense<-1> : vector<16xi32>
      %not3A_766 = arith.xori %bitcast_convert_type3A_764, %not3A_765 : vector<16xi32>
      %shift_right_logical3A_767 = arith.constant 20 : i32
      %shift_right_logical3A_768 = vector.broadcast %shift_right_logical3A_767 : i32 to vector<16xi32>
      %shift_right_logical3A_769 = arith.shrui %not3A_766, %shift_right_logical3A_768 : vector<16xi32>
      %and3A_770 = arith.constant 2047 : i32
      %and3A_771 = vector.broadcast %and3A_770 : i32 to vector<16xi32>
      %and3A_772 = arith.andi %shift_right_logical3A_769, %and3A_771 : vector<16xi32>
      tpu.vector_store_idx %arg9[%and3A_772], %broadcast_in_dim3A_8 {add = true} : memref<2048xi32, #tpu.memory_space<vmem>>[vector<16xi32>], vector<16xi32>,
      %mul3A_773 = arith.constant 16 : i32
      %mul3A_774 = arith.muli %scan3A_723, %mul3A_773 : i32
      %add3A_775 = arith.constant 3 : i32
      %add3A_776 = arith.addi %mul3A_774, %add3A_775 : i32
      %mul3A_777 = arith.constant 16 : i32
      %mul3A_778 = arith.muli %add3A_776, %mul3A_777 : i32
      %get3A_779 = arith.index_cast %mul3A_778 : i32 to index
      %get3A_780 = tpu.vector_load %arg6[%get3A_779] {strides = array<i32>} : memref<32768xf32, #tpu.memory_space<vmem>>, vector<16xf32>,
      %bitcast_convert_type3A_781 = tpu.bitcast %get3A_780 : vector<16xf32> -> vector<16xi32>
      %not3A_782 = arith.constant dense<-1> : vector<16xi32>
      %not3A_783 = arith.xori %bitcast_convert_type3A_781, %not3A_782 : vector<16xi32>
      %shift_right_logical3A_784 = arith.constant 20 : i32
      %shift_right_logical3A_785 = vector.broadcast %shift_right_logical3A_784 : i32 to vector<16xi32>
      %shift_right_logical3A_786 = arith.shrui %not3A_783, %shift_right_logical3A_785 : vector<16xi32>
      %and3A_787 = arith.constant 2047 : i32
      %and3A_788 = vector.broadcast %and3A_787 : i32 to vector<16xi32>
      %and3A_789 = arith.andi %shift_right_logical3A_786, %and3A_788 : vector<16xi32>
      tpu.vector_store_idx %arg9[%and3A_789], %broadcast_in_dim3A_8 {add = true} : memref<2048xi32, #tpu.memory_space<vmem>>[vector<16xi32>], vector<16xi32>,
      %mul3A_790 = arith.constant 16 : i32
      %mul3A_791 = arith.muli %scan3A_723, %mul3A_790 : i32
      %add3A_792 = arith.constant 4 : i32
      %add3A_793 = arith.addi %mul3A_791, %add3A_792 : i32
      %mul3A_794 = arith.constant 16 : i32
      %mul3A_795 = arith.muli %add3A_793, %mul3A_794 : i32
      %get3A_796 = arith.index_cast %mul3A_795 : i32 to index
      %get3A_797 = tpu.vector_load %arg6[%get3A_796] {strides = array<i32>} : memref<32768xf32, #tpu.memory_space<vmem>>, vector<16xf32>,
      %bitcast_convert_type3A_798 = tpu.bitcast %get3A_797 : vector<16xf32> -> vector<16xi32>
      %not3A_799 = arith.constant dense<-1> : vector<16xi32>
      %not3A_800 = arith.xori %bitcast_convert_type3A_798, %not3A_799 : vector<16xi32>
      %shift_right_logical3A_801 = arith.constant 20 : i32
      %shift_right_logical3A_802 = vector.broadcast %shift_right_logical3A_801 : i32 to vector<16xi32>
      %shift_right_logical3A_803 = arith.shrui %not3A_800, %shift_right_logical3A_802 : vector<16xi32>
      %and3A_804 = arith.constant 2047 : i32
      %and3A_805 = vector.broadcast %and3A_804 : i32 to vector<16xi32>
      %and3A_806 = arith.andi %shift_right_logical3A_803, %and3A_805 : vector<16xi32>
      tpu.vector_store_idx %arg9[%and3A_806], %broadcast_in_dim3A_8 {add = true} : memref<2048xi32, #tpu.memory_space<vmem>>[vector<16xi32>], vector<16xi32>,
      %mul3A_807 = arith.constant 16 : i32
      %mul3A_808 = arith.muli %scan3A_723, %mul3A_807 : i32
      %add3A_809 = arith.constant 5 : i32
      %add3A_810 = arith.addi %mul3A_808, %add3A_809 : i32
      %mul3A_811 = arith.constant 16 : i32
      %mul3A_812 = arith.muli %add3A_810, %mul3A_811 : i32
      %get3A_813 = arith.index_cast %mul3A_812 : i32 to index
      %get3A_814 = tpu.vector_load %arg6[%get3A_813] {strides = array<i32>} : memref<32768xf32, #tpu.memory_space<vmem>>, vector<16xf32>,
      %bitcast_convert_type3A_815 = tpu.bitcast %get3A_814 : vector<16xf32> -> vector<16xi32>
      %not3A_816 = arith.constant dense<-1> : vector<16xi32>
      %not3A_817 = arith.xori %bitcast_convert_type3A_815, %not3A_816 : vector<16xi32>
      %shift_right_logical3A_818 = arith.constant 20 : i32
      %shift_right_logical3A_819 = vector.broadcast %shift_right_logical3A_818 : i32 to vector<16xi32>
      %shift_right_logical3A_820 = arith.shrui %not3A_817, %shift_right_logical3A_819 : vector<16xi32>
      %and3A_821 = arith.constant 2047 : i32
      %and3A_822 = vector.broadcast %and3A_821 : i32 to vector<16xi32>
      %and3A_823 = arith.andi %shift_right_logical3A_820, %and3A_822 : vector<16xi32>
      tpu.vector_store_idx %arg9[%and3A_823], %broadcast_in_dim3A_8 {add = true} : memref<2048xi32, #tpu.memory_space<vmem>>[vector<16xi32>], vector<16xi32>,
      %mul3A_824 = arith.constant 16 : i32
      %mul3A_825 = arith.muli %scan3A_723, %mul3A_824 : i32
      %add3A_826 = arith.constant 6 : i32
      %add3A_827 = arith.addi %mul3A_825, %add3A_826 : i32
      %mul3A_828 = arith.constant 16 : i32
      %mul3A_829 = arith.muli %add3A_827, %mul3A_828 : i32
      %get3A_830 = arith.index_cast %mul3A_829 : i32 to index
      %get3A_831 = tpu.vector_load %arg6[%get3A_830] {strides = array<i32>} : memref<32768xf32, #tpu.memory_space<vmem>>, vector<16xf32>,
      %bitcast_convert_type3A_832 = tpu.bitcast %get3A_831 : vector<16xf32> -> vector<16xi32>
      %not3A_833 = arith.constant dense<-1> : vector<16xi32>
      %not3A_834 = arith.xori %bitcast_convert_type3A_832, %not3A_833 : vector<16xi32>
      %shift_right_logical3A_835 = arith.constant 20 : i32
      %shift_right_logical3A_836 = vector.broadcast %shift_right_logical3A_835 : i32 to vector<16xi32>
      %shift_right_logical3A_837 = arith.shrui %not3A_834, %shift_right_logical3A_836 : vector<16xi32>
      %and3A_838 = arith.constant 2047 : i32
      %and3A_839 = vector.broadcast %and3A_838 : i32 to vector<16xi32>
      %and3A_840 = arith.andi %shift_right_logical3A_837, %and3A_839 : vector<16xi32>
      tpu.vector_store_idx %arg9[%and3A_840], %broadcast_in_dim3A_8 {add = true} : memref<2048xi32, #tpu.memory_space<vmem>>[vector<16xi32>], vector<16xi32>,
      %mul3A_841 = arith.constant 16 : i32
      %mul3A_842 = arith.muli %scan3A_723, %mul3A_841 : i32
      %add3A_843 = arith.constant 7 : i32
      %add3A_844 = arith.addi %mul3A_842, %add3A_843 : i32
      %mul3A_845 = arith.constant 16 : i32
      %mul3A_846 = arith.muli %add3A_844, %mul3A_845 : i32
      %get3A_847 = arith.index_cast %mul3A_846 : i32 to index
      %get3A_848 = tpu.vector_load %arg6[%get3A_847] {strides = array<i32>} : memref<32768xf32, #tpu.memory_space<vmem>>, vector<16xf32>,
      %bitcast_convert_type3A_849 = tpu.bitcast %get3A_848 : vector<16xf32> -> vector<16xi32>
      %not3A_850 = arith.constant dense<-1> : vector<16xi32>
      %not3A_851 = arith.xori %bitcast_convert_type3A_849, %not3A_850 : vector<16xi32>
      %shift_right_logical3A_852 = arith.constant 20 : i32
      %shift_right_logical3A_853 = vector.broadcast %shift_right_logical3A_852 : i32 to vector<16xi32>
      %shift_right_logical3A_854 = arith.shrui %not3A_851, %shift_right_logical3A_853 : vector<16xi32>
      %and3A_855 = arith.constant 2047 : i32
      %and3A_856 = vector.broadcast %and3A_855 : i32 to vector<16xi32>
      %and3A_857 = arith.andi %shift_right_logical3A_854, %and3A_856 : vector<16xi32>
      tpu.vector_store_idx %arg9[%and3A_857], %broadcast_in_dim3A_8 {add = true} : memref<2048xi32, #tpu.memory_space<vmem>>[vector<16xi32>], vector<16xi32>,
      %mul3A_858 = arith.constant 16 : i32
      %mul3A_859 = arith.muli %scan3A_723, %mul3A_858 : i32
      %add3A_860 = arith.constant 8 : i32
      %add3A_861 = arith.addi %mul3A_859, %add3A_860 : i32
      %mul3A_862 = arith.constant 16 : i32
      %mul3A_863 = arith.muli %add3A_861, %mul3A_862 : i32
      %get3A_864 = arith.index_cast %mul3A_863 : i32 to index
      %get3A_865 = tpu.vector_load %arg6[%get3A_864] {strides = array<i32>} : memref<32768xf32, #tpu.memory_space<vmem>>, vector<16xf32>,
      %bitcast_convert_type3A_866 = tpu.bitcast %get3A_865 : vector<16xf32> -> vector<16xi32>
      %not3A_867 = arith.constant dense<-1> : vector<16xi32>
      %not3A_868 = arith.xori %bitcast_convert_type3A_866, %not3A_867 : vector<16xi32>
      %shift_right_logical3A_869 = arith.constant 20 : i32
      %shift_right_logical3A_870 = vector.broadcast %shift_right_logical3A_869 : i32 to vector<16xi32>
      %shift_right_logical3A_871 = arith.shrui %not3A_868, %shift_right_logical3A_870 : vector<16xi32>
      %and3A_872 = arith.constant 2047 : i32
      %and3A_873 = vector.broadcast %and3A_872 : i32 to vector<16xi32>
      %and3A_874 = arith.andi %shift_right_logical3A_871, %and3A_873 : vector<16xi32>
      tpu.vector_store_idx %arg9[%and3A_874], %broadcast_in_dim3A_8 {add = true} : memref<2048xi32, #tpu.memory_space<vmem>>[vector<16xi32>], vector<16xi32>,
      %mul3A_875 = arith.constant 16 : i32
      %mul3A_876 = arith.muli %scan3A_723, %mul3A_875 : i32
      %add3A_877 = arith.constant 9 : i32
      %add3A_878 = arith.addi %mul3A_876, %add3A_877 : i32
      %mul3A_879 = arith.constant 16 : i32
      %mul3A_880 = arith.muli %add3A_878, %mul3A_879 : i32
      %get3A_881 = arith.index_cast %mul3A_880 : i32 to index
      %get3A_882 = tpu.vector_load %arg6[%get3A_881] {strides = array<i32>} : memref<32768xf32, #tpu.memory_space<vmem>>, vector<16xf32>,
      %bitcast_convert_type3A_883 = tpu.bitcast %get3A_882 : vector<16xf32> -> vector<16xi32>
      %not3A_884 = arith.constant dense<-1> : vector<16xi32>
      %not3A_885 = arith.xori %bitcast_convert_type3A_883, %not3A_884 : vector<16xi32>
      %shift_right_logical3A_886 = arith.constant 20 : i32
      %shift_right_logical3A_887 = vector.broadcast %shift_right_logical3A_886 : i32 to vector<16xi32>
      %shift_right_logical3A_888 = arith.shrui %not3A_885, %shift_right_logical3A_887 : vector<16xi32>
      %and3A_889 = arith.constant 2047 : i32
      %and3A_890 = vector.broadcast %and3A_889 : i32 to vector<16xi32>
      %and3A_891 = arith.andi %shift_right_logical3A_888, %and3A_890 : vector<16xi32>
      tpu.vector_store_idx %arg9[%and3A_891], %broadcast_in_dim3A_8 {add = true} : memref<2048xi32, #tpu.memory_space<vmem>>[vector<16xi32>], vector<16xi32>,
      %mul3A_892 = arith.constant 16 : i32
      %mul3A_893 = arith.muli %scan3A_723, %mul3A_892 : i32
      %add3A_894 = arith.constant 10 : i32
      %add3A_895 = arith.addi %mul3A_893, %add3A_894 : i32
      %mul3A_896 = arith.constant 16 : i32
      %mul3A_897 = arith.muli %add3A_895, %mul3A_896 : i32
      %get3A_898 = arith.index_cast %mul3A_897 : i32 to index
      %get3A_899 = tpu.vector_load %arg6[%get3A_898] {strides = array<i32>} : memref<32768xf32, #tpu.memory_space<vmem>>, vector<16xf32>,
      %bitcast_convert_type3A_900 = tpu.bitcast %get3A_899 : vector<16xf32> -> vector<16xi32>
      %not3A_901 = arith.constant dense<-1> : vector<16xi32>
      %not3A_902 = arith.xori %bitcast_convert_type3A_900, %not3A_901 : vector<16xi32>
      %shift_right_logical3A_903 = arith.constant 20 : i32
      %shift_right_logical3A_904 = vector.broadcast %shift_right_logical3A_903 : i32 to vector<16xi32>
      %shift_right_logical3A_905 = arith.shrui %not3A_902, %shift_right_logical3A_904 : vector<16xi32>
      %and3A_906 = arith.constant 2047 : i32
      %and3A_907 = vector.broadcast %and3A_906 : i32 to vector<16xi32>
      %and3A_908 = arith.andi %shift_right_logical3A_905, %and3A_907 : vector<16xi32>
      tpu.vector_store_idx %arg9[%and3A_908], %broadcast_in_dim3A_8 {add = true} : memref<2048xi32, #tpu.memory_space<vmem>>[vector<16xi32>], vector<16xi32>,
      %mul3A_909 = arith.constant 16 : i32
      %mul3A_910 = arith.muli %scan3A_723, %mul3A_909 : i32
      %add3A_911 = arith.constant 11 : i32
      %add3A_912 = arith.addi %mul3A_910, %add3A_911 : i32
      %mul3A_913 = arith.constant 16 : i32
      %mul3A_914 = arith.muli %add3A_912, %mul3A_913 : i32
      %get3A_915 = arith.index_cast %mul3A_914 : i32 to index
      %get3A_916 = tpu.vector_load %arg6[%get3A_915] {strides = array<i32>} : memref<32768xf32, #tpu.memory_space<vmem>>, vector<16xf32>,
      %bitcast_convert_type3A_917 = tpu.bitcast %get3A_916 : vector<16xf32> -> vector<16xi32>
      %not3A_918 = arith.constant dense<-1> : vector<16xi32>
      %not3A_919 = arith.xori %bitcast_convert_type3A_917, %not3A_918 : vector<16xi32>
      %shift_right_logical3A_920 = arith.constant 20 : i32
      %shift_right_logical3A_921 = vector.broadcast %shift_right_logical3A_920 : i32 to vector<16xi32>
      %shift_right_logical3A_922 = arith.shrui %not3A_919, %shift_right_logical3A_921 : vector<16xi32>
      %and3A_923 = arith.constant 2047 : i32
      %and3A_924 = vector.broadcast %and3A_923 : i32 to vector<16xi32>
      %and3A_925 = arith.andi %shift_right_logical3A_922, %and3A_924 : vector<16xi32>
      tpu.vector_store_idx %arg9[%and3A_925], %broadcast_in_dim3A_8 {add = true} : memref<2048xi32, #tpu.memory_space<vmem>>[vector<16xi32>], vector<16xi32>,
      %mul3A_926 = arith.constant 16 : i32
      %mul3A_927 = arith.muli %scan3A_723, %mul3A_926 : i32
      %add3A_928 = arith.constant 12 : i32
      %add3A_929 = arith.addi %mul3A_927, %add3A_928 : i32
      %mul3A_930 = arith.constant 16 : i32
      %mul3A_931 = arith.muli %add3A_929, %mul3A_930 : i32
      %get3A_932 = arith.index_cast %mul3A_931 : i32 to index
      %get3A_933 = tpu.vector_load %arg6[%get3A_932] {strides = array<i32>} : memref<32768xf32, #tpu.memory_space<vmem>>, vector<16xf32>,
      %bitcast_convert_type3A_934 = tpu.bitcast %get3A_933 : vector<16xf32> -> vector<16xi32>
      %not3A_935 = arith.constant dense<-1> : vector<16xi32>
      %not3A_936 = arith.xori %bitcast_convert_type3A_934, %not3A_935 : vector<16xi32>
      %shift_right_logical3A_937 = arith.constant 20 : i32
      %shift_right_logical3A_938 = vector.broadcast %shift_right_logical3A_937 : i32 to vector<16xi32>
      %shift_right_logical3A_939 = arith.shrui %not3A_936, %shift_right_logical3A_938 : vector<16xi32>
      %and3A_940 = arith.constant 2047 : i32
      %and3A_941 = vector.broadcast %and3A_940 : i32 to vector<16xi32>
      %and3A_942 = arith.andi %shift_right_logical3A_939, %and3A_941 : vector<16xi32>
      tpu.vector_store_idx %arg9[%and3A_942], %broadcast_in_dim3A_8 {add = true} : memref<2048xi32, #tpu.memory_space<vmem>>[vector<16xi32>], vector<16xi32>,
      %mul3A_943 = arith.constant 16 : i32
      %mul3A_944 = arith.muli %scan3A_723, %mul3A_943 : i32
      %add3A_945 = arith.constant 13 : i32
      %add3A_946 = arith.addi %mul3A_944, %add3A_945 : i32
      %mul3A_947 = arith.constant 16 : i32
      %mul3A_948 = arith.muli %add3A_946, %mul3A_947 : i32
      %get3A_949 = arith.index_cast %mul3A_948 : i32 to index
      %get3A_950 = tpu.vector_load %arg6[%get3A_949] {strides = array<i32>} : memref<32768xf32, #tpu.memory_space<vmem>>, vector<16xf32>,
      %bitcast_convert_type3A_951 = tpu.bitcast %get3A_950 : vector<16xf32> -> vector<16xi32>
      %not3A_952 = arith.constant dense<-1> : vector<16xi32>
      %not3A_953 = arith.xori %bitcast_convert_type3A_951, %not3A_952 : vector<16xi32>
      %shift_right_logical3A_954 = arith.constant 20 : i32
      %shift_right_logical3A_955 = vector.broadcast %shift_right_logical3A_954 : i32 to vector<16xi32>
      %shift_right_logical3A_956 = arith.shrui %not3A_953, %shift_right_logical3A_955 : vector<16xi32>
      %and3A_957 = arith.constant 2047 : i32
      %and3A_958 = vector.broadcast %and3A_957 : i32 to vector<16xi32>
      %and3A_959 = arith.andi %shift_right_logical3A_956, %and3A_958 : vector<16xi32>
      tpu.vector_store_idx %arg9[%and3A_959], %broadcast_in_dim3A_8 {add = true} : memref<2048xi32, #tpu.memory_space<vmem>>[vector<16xi32>], vector<16xi32>,
      %mul3A_960 = arith.constant 16 : i32
      %mul3A_961 = arith.muli %scan3A_723, %mul3A_960 : i32
      %add3A_962 = arith.constant 14 : i32
      %add3A_963 = arith.addi %mul3A_961, %add3A_962 : i32
      %mul3A_964 = arith.constant 16 : i32
      %mul3A_965 = arith.muli %add3A_963, %mul3A_964 : i32
      %get3A_966 = arith.index_cast %mul3A_965 : i32 to index
      %get3A_967 = tpu.vector_load %arg6[%get3A_966] {strides = array<i32>} : memref<32768xf32, #tpu.memory_space<vmem>>, vector<16xf32>,
      %bitcast_convert_type3A_968 = tpu.bitcast %get3A_967 : vector<16xf32> -> vector<16xi32>
      %not3A_969 = arith.constant dense<-1> : vector<16xi32>
      %not3A_970 = arith.xori %bitcast_convert_type3A_968, %not3A_969 : vector<16xi32>
      %shift_right_logical3A_971 = arith.constant 20 : i32
      %shift_right_logical3A_972 = vector.broadcast %shift_right_logical3A_971 : i32 to vector<16xi32>
      %shift_right_logical3A_973 = arith.shrui %not3A_970, %shift_right_logical3A_972 : vector<16xi32>
      %and3A_974 = arith.constant 2047 : i32
      %and3A_975 = vector.broadcast %and3A_974 : i32 to vector<16xi32>
      %and3A_976 = arith.andi %shift_right_logical3A_973, %and3A_975 : vector<16xi32>
      tpu.vector_store_idx %arg9[%and3A_976], %broadcast_in_dim3A_8 {add = true} : memref<2048xi32, #tpu.memory_space<vmem>>[vector<16xi32>], vector<16xi32>,
      %mul3A_977 = arith.constant 16 : i32
      %mul3A_978 = arith.muli %scan3A_723, %mul3A_977 : i32
      %add3A_979 = arith.constant 15 : i32
      %add3A_980 = arith.addi %mul3A_978, %add3A_979 : i32
      %mul3A_981 = arith.constant 16 : i32
      %mul3A_982 = arith.muli %add3A_980, %mul3A_981 : i32
      %get3A_983 = arith.index_cast %mul3A_982 : i32 to index
      %get3A_984 = tpu.vector_load %arg6[%get3A_983] {strides = array<i32>} : memref<32768xf32, #tpu.memory_space<vmem>>, vector<16xf32>,
      %bitcast_convert_type3A_985 = tpu.bitcast %get3A_984 : vector<16xf32> -> vector<16xi32>
      %not3A_986 = arith.constant dense<-1> : vector<16xi32>
      %not3A_987 = arith.xori %bitcast_convert_type3A_985, %not3A_986 : vector<16xi32>
      %shift_right_logical3A_988 = arith.constant 20 : i32
      %shift_right_logical3A_989 = vector.broadcast %shift_right_logical3A_988 : i32 to vector<16xi32>
      %shift_right_logical3A_990 = arith.shrui %not3A_987, %shift_right_logical3A_989 : vector<16xi32>
      %and3A_991 = arith.constant 2047 : i32
      %and3A_992 = vector.broadcast %and3A_991 : i32 to vector<16xi32>
      %and3A_993 = arith.andi %shift_right_logical3A_990, %and3A_992 : vector<16xi32>
      tpu.vector_store_idx %arg9[%and3A_993], %broadcast_in_dim3A_8 {add = true} : memref<2048xi32, #tpu.memory_space<vmem>>[vector<16xi32>], vector<16xi32>,
    }
    %scan3A_35 = arith.constant 128 : i32
    %scan3A_36 = arith.constant 0 : i32
    %scan3A_37 = arith.constant 0 : i32
    %scan3A_38 = arith.constant 0 : i32
    %scan3A_39 = arith.constant 0 : i32
    %scan3A_40 = arith.constant 16 : i32
    %scan3A_41 = arith.addi %scan3A_39, %scan3A_40 : i32
    %scan3A_42 = arith.constant 1 : i32
    %scan3A_43:3 = scf.for %scan3A_723 = %scan3A_39 to %scan3A_41 step %scan3A_42 iter_args(%scan3A_724 = %scan3A_36, %scan3A_725 = %scan3A_37, %scan3A_726 = %scan3A_38) -> (i32, i32, i32)  : i32 {
      %mul3A_727 = arith.constant 8 : i32
      %mul3A_728 = arith.muli %scan3A_723, %mul3A_727 : i32
      %add3A_729 = arith.constant 0 : i32
      %add3A_730 = arith.addi %mul3A_728, %add3A_729 : i32
      %mul3A_731 = arith.constant 16 : i32
      %mul3A_732 = arith.muli %add3A_730, %mul3A_731 : i32
      %get3A_733 = arith.index_cast %mul3A_732 : i32 to index
      %get3A_734 = tpu.vector_load %arg9[%get3A_733] {strides = array<i32>} : memref<2048xi32, #tpu.memory_space<vmem>>, vector<16xi32>,
      %broadcast_in_dim3A_735 = arith.constant true
      %broadcast_in_dim3A_736 = vector.broadcast %broadcast_in_dim3A_735 : i1 to vector<16xi1>
      %masked_cumsum3A_737 = tpu.scan <sum>, %get3A_734 masked %broadcast_in_dim3A_736 : vector<16xi32>, vector<16xi1> -> vector<16xi32>
      %slice3A_738 = vector.extract_strided_slice %masked_cumsum3A_737 {offsets = [15], sizes = [1], strides = [1]} : vector<16xi32> to vector<1xi32>
      %squeeze3A_739 = vector.extract %slice3A_738[0] : i32 from vector<1xi32>
      %mul3A_740 = arith.constant 8 : i32
      %mul3A_741 = arith.muli %scan3A_723, %mul3A_740 : i32
      %add3A_742 = arith.constant 1 : i32
      %add3A_743 = arith.addi %mul3A_741, %add3A_742 : i32
      %mul3A_744 = arith.constant 16 : i32
      %mul3A_745 = arith.muli %add3A_743, %mul3A_744 : i32
      %get3A_746 = arith.index_cast %mul3A_745 : i32 to index
      %get3A_747 = tpu.vector_load %arg9[%get3A_746] {strides = array<i32>} : memref<2048xi32, #tpu.memory_space<vmem>>, vector<16xi32>,
      %broadcast_in_dim3A_748 = arith.constant true
      %broadcast_in_dim3A_749 = vector.broadcast %broadcast_in_dim3A_748 : i1 to vector<16xi1>
      %masked_cumsum3A_750 = tpu.scan <sum>, %get3A_747 masked %broadcast_in_dim3A_749 : vector<16xi32>, vector<16xi1> -> vector<16xi32>
      %slice3A_751 = vector.extract_strided_slice %masked_cumsum3A_750 {offsets = [15], sizes = [1], strides = [1]} : vector<16xi32> to vector<1xi32>
      %squeeze3A_752 = vector.extract %slice3A_751[0] : i32 from vector<1xi32>
      %mul3A_753 = arith.constant 8 : i32
      %mul3A_754 = arith.muli %scan3A_723, %mul3A_753 : i32
      %add3A_755 = arith.constant 2 : i32
      %add3A_756 = arith.addi %mul3A_754, %add3A_755 : i32
      %mul3A_757 = arith.constant 16 : i32
      %mul3A_758 = arith.muli %add3A_756, %mul3A_757 : i32
      %get3A_759 = arith.index_cast %mul3A_758 : i32 to index
      %get3A_760 = tpu.vector_load %arg9[%get3A_759] {strides = array<i32>} : memref<2048xi32, #tpu.memory_space<vmem>>, vector<16xi32>,
      %broadcast_in_dim3A_761 = arith.constant true
      %broadcast_in_dim3A_762 = vector.broadcast %broadcast_in_dim3A_761 : i1 to vector<16xi1>
      %masked_cumsum3A_763 = tpu.scan <sum>, %get3A_760 masked %broadcast_in_dim3A_762 : vector<16xi32>, vector<16xi1> -> vector<16xi32>
      %slice3A_764 = vector.extract_strided_slice %masked_cumsum3A_763 {offsets = [15], sizes = [1], strides = [1]} : vector<16xi32> to vector<1xi32>
      %squeeze3A_765 = vector.extract %slice3A_764[0] : i32 from vector<1xi32>
      %mul3A_766 = arith.constant 8 : i32
      %mul3A_767 = arith.muli %scan3A_723, %mul3A_766 : i32
      %add3A_768 = arith.constant 3 : i32
      %add3A_769 = arith.addi %mul3A_767, %add3A_768 : i32
      %mul3A_770 = arith.constant 16 : i32
      %mul3A_771 = arith.muli %add3A_769, %mul3A_770 : i32
      %get3A_772 = arith.index_cast %mul3A_771 : i32 to index
      %get3A_773 = tpu.vector_load %arg9[%get3A_772] {strides = array<i32>} : memref<2048xi32, #tpu.memory_space<vmem>>, vector<16xi32>,
      %broadcast_in_dim3A_774 = arith.constant true
      %broadcast_in_dim3A_775 = vector.broadcast %broadcast_in_dim3A_774 : i1 to vector<16xi1>
      %masked_cumsum3A_776 = tpu.scan <sum>, %get3A_773 masked %broadcast_in_dim3A_775 : vector<16xi32>, vector<16xi1> -> vector<16xi32>
      %slice3A_777 = vector.extract_strided_slice %masked_cumsum3A_776 {offsets = [15], sizes = [1], strides = [1]} : vector<16xi32> to vector<1xi32>
      %squeeze3A_778 = vector.extract %slice3A_777[0] : i32 from vector<1xi32>
      %mul3A_779 = arith.constant 8 : i32
      %mul3A_780 = arith.muli %scan3A_723, %mul3A_779 : i32
      %add3A_781 = arith.constant 4 : i32
      %add3A_782 = arith.addi %mul3A_780, %add3A_781 : i32
      %mul3A_783 = arith.constant 16 : i32
      %mul3A_784 = arith.muli %add3A_782, %mul3A_783 : i32
      %get3A_785 = arith.index_cast %mul3A_784 : i32 to index
      %get3A_786 = tpu.vector_load %arg9[%get3A_785] {strides = array<i32>} : memref<2048xi32, #tpu.memory_space<vmem>>, vector<16xi32>,
      %broadcast_in_dim3A_787 = arith.constant true
      %broadcast_in_dim3A_788 = vector.broadcast %broadcast_in_dim3A_787 : i1 to vector<16xi1>
      %masked_cumsum3A_789 = tpu.scan <sum>, %get3A_786 masked %broadcast_in_dim3A_788 : vector<16xi32>, vector<16xi1> -> vector<16xi32>
      %slice3A_790 = vector.extract_strided_slice %masked_cumsum3A_789 {offsets = [15], sizes = [1], strides = [1]} : vector<16xi32> to vector<1xi32>
      %squeeze3A_791 = vector.extract %slice3A_790[0] : i32 from vector<1xi32>
      %mul3A_792 = arith.constant 8 : i32
      %mul3A_793 = arith.muli %scan3A_723, %mul3A_792 : i32
      %add3A_794 = arith.constant 5 : i32
      %add3A_795 = arith.addi %mul3A_793, %add3A_794 : i32
      %mul3A_796 = arith.constant 16 : i32
      %mul3A_797 = arith.muli %add3A_795, %mul3A_796 : i32
      %get3A_798 = arith.index_cast %mul3A_797 : i32 to index
      %get3A_799 = tpu.vector_load %arg9[%get3A_798] {strides = array<i32>} : memref<2048xi32, #tpu.memory_space<vmem>>, vector<16xi32>,
      %broadcast_in_dim3A_800 = arith.constant true
      %broadcast_in_dim3A_801 = vector.broadcast %broadcast_in_dim3A_800 : i1 to vector<16xi1>
      %masked_cumsum3A_802 = tpu.scan <sum>, %get3A_799 masked %broadcast_in_dim3A_801 : vector<16xi32>, vector<16xi1> -> vector<16xi32>
      %slice3A_803 = vector.extract_strided_slice %masked_cumsum3A_802 {offsets = [15], sizes = [1], strides = [1]} : vector<16xi32> to vector<1xi32>
      %squeeze3A_804 = vector.extract %slice3A_803[0] : i32 from vector<1xi32>
      %mul3A_805 = arith.constant 8 : i32
      %mul3A_806 = arith.muli %scan3A_723, %mul3A_805 : i32
      %add3A_807 = arith.constant 6 : i32
      %add3A_808 = arith.addi %mul3A_806, %add3A_807 : i32
      %mul3A_809 = arith.constant 16 : i32
      %mul3A_810 = arith.muli %add3A_808, %mul3A_809 : i32
      %get3A_811 = arith.index_cast %mul3A_810 : i32 to index
      %get3A_812 = tpu.vector_load %arg9[%get3A_811] {strides = array<i32>} : memref<2048xi32, #tpu.memory_space<vmem>>, vector<16xi32>,
      %broadcast_in_dim3A_813 = arith.constant true
      %broadcast_in_dim3A_814 = vector.broadcast %broadcast_in_dim3A_813 : i1 to vector<16xi1>
      %masked_cumsum3A_815 = tpu.scan <sum>, %get3A_812 masked %broadcast_in_dim3A_814 : vector<16xi32>, vector<16xi1> -> vector<16xi32>
      %slice3A_816 = vector.extract_strided_slice %masked_cumsum3A_815 {offsets = [15], sizes = [1], strides = [1]} : vector<16xi32> to vector<1xi32>
      %squeeze3A_817 = vector.extract %slice3A_816[0] : i32 from vector<1xi32>
      %mul3A_818 = arith.constant 8 : i32
      %mul3A_819 = arith.muli %scan3A_723, %mul3A_818 : i32
      %add3A_820 = arith.constant 7 : i32
      %add3A_821 = arith.addi %mul3A_819, %add3A_820 : i32
      %mul3A_822 = arith.constant 16 : i32
      %mul3A_823 = arith.muli %add3A_821, %mul3A_822 : i32
      %get3A_824 = arith.index_cast %mul3A_823 : i32 to index
      %get3A_825 = tpu.vector_load %arg9[%get3A_824] {strides = array<i32>} : memref<2048xi32, #tpu.memory_space<vmem>>, vector<16xi32>,
      %broadcast_in_dim3A_826 = arith.constant true
      %broadcast_in_dim3A_827 = vector.broadcast %broadcast_in_dim3A_826 : i1 to vector<16xi1>
      %masked_cumsum3A_828 = tpu.scan <sum>, %get3A_825 masked %broadcast_in_dim3A_827 : vector<16xi32>, vector<16xi1> -> vector<16xi32>
      %slice3A_829 = vector.extract_strided_slice %masked_cumsum3A_828 {offsets = [15], sizes = [1], strides = [1]} : vector<16xi32> to vector<1xi32>
      %squeeze3A_830 = vector.extract %slice3A_829[0] : i32 from vector<1xi32>
      %lt3A = arith.cmpi slt, %scan3A_724, %squeeze3A : i32
      %add3A_831 = arith.addi %scan3A_724, %squeeze3A_739 : i32
      %ge3A_832 = arith.cmpi sge, %add3A_831, %squeeze3A : i32
      %and3A = arith.andi %lt3A, %ge3A_832 : i1
      %mul3A_833 = arith.constant 8 : i32
      %mul3A_834 = arith.muli %scan3A_723, %mul3A_833 : i32
      %add3A_835 = arith.constant 0 : i32
      %add3A_836 = arith.addi %mul3A_834, %add3A_835 : i32
      %select_n3A = arith.select %and3A, %add3A_836, %scan3A_725 : i32
      %select_n3A_837 = arith.select %and3A, %scan3A_724, %scan3A_726 : i32
      %add3A_838 = arith.addi %scan3A_724, %squeeze3A_739 : i32
      %lt3A_839 = arith.cmpi slt, %add3A_838, %squeeze3A : i32
      %add3A_840 = arith.addi %add3A_838, %squeeze3A_752 : i32
      %ge3A_841 = arith.cmpi sge, %add3A_840, %squeeze3A : i32
      %and3A_842 = arith.andi %lt3A_839, %ge3A_841 : i1
      %mul3A_843 = arith.constant 8 : i32
      %mul3A_844 = arith.muli %scan3A_723, %mul3A_843 : i32
      %add3A_845 = arith.constant 1 : i32
      %add3A_846 = arith.addi %mul3A_844, %add3A_845 : i32
      %select_n3A_847 = arith.select %and3A_842, %add3A_846, %select_n3A : i32
      %select_n3A_848 = arith.select %and3A_842, %add3A_838, %select_n3A_837 : i32
      %add3A_849 = arith.addi %add3A_838, %squeeze3A_752 : i32
      %lt3A_850 = arith.cmpi slt, %add3A_849, %squeeze3A : i32
      %add3A_851 = arith.addi %add3A_849, %squeeze3A_765 : i32
      %ge3A_852 = arith.cmpi sge, %add3A_851, %squeeze3A : i32
      %and3A_853 = arith.andi %lt3A_850, %ge3A_852 : i1
      %mul3A_854 = arith.constant 8 : i32
      %mul3A_855 = arith.muli %scan3A_723, %mul3A_854 : i32
      %add3A_856 = arith.constant 2 : i32
      %add3A_857 = arith.addi %mul3A_855, %add3A_856 : i32
      %select_n3A_858 = arith.select %and3A_853, %add3A_857, %select_n3A_847 : i32
      %select_n3A_859 = arith.select %and3A_853, %add3A_849, %select_n3A_848 : i32
      %add3A_860 = arith.addi %add3A_849, %squeeze3A_765 : i32
      %lt3A_861 = arith.cmpi slt, %add3A_860, %squeeze3A : i32
      %add3A_862 = arith.addi %add3A_860, %squeeze3A_778 : i32
      %ge3A_863 = arith.cmpi sge, %add3A_862, %squeeze3A : i32
      %and3A_864 = arith.andi %lt3A_861, %ge3A_863 : i1
      %mul3A_865 = arith.constant 8 : i32
      %mul3A_866 = arith.muli %scan3A_723, %mul3A_865 : i32
      %add3A_867 = arith.constant 3 : i32
      %add3A_868 = arith.addi %mul3A_866, %add3A_867 : i32
      %select_n3A_869 = arith.select %and3A_864, %add3A_868, %select_n3A_858 : i32
      %select_n3A_870 = arith.select %and3A_864, %add3A_860, %select_n3A_859 : i32
      %add3A_871 = arith.addi %add3A_860, %squeeze3A_778 : i32
      %lt3A_872 = arith.cmpi slt, %add3A_871, %squeeze3A : i32
      %add3A_873 = arith.addi %add3A_871, %squeeze3A_791 : i32
      %ge3A_874 = arith.cmpi sge, %add3A_873, %squeeze3A : i32
      %and3A_875 = arith.andi %lt3A_872, %ge3A_874 : i1
      %mul3A_876 = arith.constant 8 : i32
      %mul3A_877 = arith.muli %scan3A_723, %mul3A_876 : i32
      %add3A_878 = arith.constant 4 : i32
      %add3A_879 = arith.addi %mul3A_877, %add3A_878 : i32
      %select_n3A_880 = arith.select %and3A_875, %add3A_879, %select_n3A_869 : i32
      %select_n3A_881 = arith.select %and3A_875, %add3A_871, %select_n3A_870 : i32
      %add3A_882 = arith.addi %add3A_871, %squeeze3A_791 : i32
      %lt3A_883 = arith.cmpi slt, %add3A_882, %squeeze3A : i32
      %add3A_884 = arith.addi %add3A_882, %squeeze3A_804 : i32
      %ge3A_885 = arith.cmpi sge, %add3A_884, %squeeze3A : i32
      %and3A_886 = arith.andi %lt3A_883, %ge3A_885 : i1
      %mul3A_887 = arith.constant 8 : i32
      %mul3A_888 = arith.muli %scan3A_723, %mul3A_887 : i32
      %add3A_889 = arith.constant 5 : i32
      %add3A_890 = arith.addi %mul3A_888, %add3A_889 : i32
      %select_n3A_891 = arith.select %and3A_886, %add3A_890, %select_n3A_880 : i32
      %select_n3A_892 = arith.select %and3A_886, %add3A_882, %select_n3A_881 : i32
      %add3A_893 = arith.addi %add3A_882, %squeeze3A_804 : i32
      %lt3A_894 = arith.cmpi slt, %add3A_893, %squeeze3A : i32
      %add3A_895 = arith.addi %add3A_893, %squeeze3A_817 : i32
      %ge3A_896 = arith.cmpi sge, %add3A_895, %squeeze3A : i32
      %and3A_897 = arith.andi %lt3A_894, %ge3A_896 : i1
      %mul3A_898 = arith.constant 8 : i32
      %mul3A_899 = arith.muli %scan3A_723, %mul3A_898 : i32
      %add3A_900 = arith.constant 6 : i32
      %add3A_901 = arith.addi %mul3A_899, %add3A_900 : i32
      %select_n3A_902 = arith.select %and3A_897, %add3A_901, %select_n3A_891 : i32
      %select_n3A_903 = arith.select %and3A_897, %add3A_893, %select_n3A_892 : i32
      %add3A_904 = arith.addi %add3A_893, %squeeze3A_817 : i32
      %lt3A_905 = arith.cmpi slt, %add3A_904, %squeeze3A : i32
      %add3A_906 = arith.addi %add3A_904, %squeeze3A_830 : i32
      %ge3A_907 = arith.cmpi sge, %add3A_906, %squeeze3A : i32
      %and3A_908 = arith.andi %lt3A_905, %ge3A_907 : i1
      %mul3A_909 = arith.constant 8 : i32
      %mul3A_910 = arith.muli %scan3A_723, %mul3A_909 : i32
      %add3A_911 = arith.constant 7 : i32
      %add3A_912 = arith.addi %mul3A_910, %add3A_911 : i32
      %select_n3A_913 = arith.select %and3A_908, %add3A_912, %select_n3A_902 : i32
      %select_n3A_914 = arith.select %and3A_908, %add3A_904, %select_n3A_903 : i32
      %add3A_915 = arith.addi %add3A_904, %squeeze3A_830 : i32
      scf.yield %add3A_915, %select_n3A_913, %select_n3A_914 : i32, i32, i32
    }
    %scan3A_44 = arith.constant 16 : i32
    %mul3A_45 = arith.constant 16 : i32
    %mul3A_46 = arith.muli %scan3A_43#1, %mul3A_45 : i32
    %get3A_47 = arith.index_cast %mul3A_46 : i32 to index
    %get3A_48 = tpu.vector_load %arg9[%get3A_47] {strides = array<i32>} : memref<2048xi32, #tpu.memory_space<vmem>>, vector<16xi32>,
    %broadcast_in_dim3A_49 = arith.constant true
    %broadcast_in_dim3A_50 = vector.broadcast %broadcast_in_dim3A_49 : i1 to vector<16xi1>
    %masked_cumsum3A = tpu.scan <sum>, %get3A_48 masked %broadcast_in_dim3A_50 : vector<16xi32>, vector<16xi1> -> vector<16xi32>
    %add3A_51 = vector.broadcast %scan3A_43#2 : i32 to vector<16xi32>
    %add3A_52 = arith.addi %masked_cumsum3A, %add3A_51 : vector<16xi32>
    %ge3A = vector.broadcast %squeeze3A : i32 to vector<16xi32>
    %ge3A_53 = arith.cmpi sge, %add3A_52, %ge3A : vector<16xi32>
    %not3A = arith.constant dense<true> : vector<16xi1>
    %not3A_54 = arith.xori %ge3A_53, %not3A : vector<16xi1>
    %all_reduce_population_count3A = tpu.all_reduce %not3A_54 {dim = 0 : i64, kind = #tpu.reduction_kind<sum>} : vector<16xi1> -> vector<16xi32>
    %slice3A_55 = vector.extract_strided_slice %all_reduce_population_count3A {offsets = [0], sizes = [1], strides = [1]} : vector<16xi32> to vector<1xi32>
    %squeeze3A_56 = vector.extract %slice3A_55[0] : i32 from vector<1xi32>
    %mul3A_57 = arith.constant 0 : i32
    %mul3A_58 = vector.broadcast %mul3A_57 : i32 to vector<16xi32>
    %mul3A_59 = arith.muli %iota3A, %mul3A_58 : vector<16xi32>
    %add3A_60 = vector.broadcast %squeeze3A_56 : i32 to vector<16xi32>
    %add3A_61 = arith.addi %mul3A_59, %add3A_60 : vector<16xi32>
    %broadcast_in_dim3A_62 = vector.shape_cast %add3A_61 : vector<16xi32> to vector<16x1xi32>
    %gather3A = vector.shape_cast %broadcast_in_dim3A_62 : vector<16x1xi32> to vector<16xi32>
    %gather3A_63 = tpu.dynamic_gather %add3A_52[%gather3A] in [0] : vector<16xi32>, vector<16xi32> -> vector<16xi32>
    %slice3A_64 = vector.extract_strided_slice %gather3A_63 {offsets = [0], sizes = [1], strides = [1]} : vector<16xi32> to vector<1xi32>
    %squeeze3A_65 = vector.extract %slice3A_64[0] : i32 from vector<1xi32>
    %mul3A_66 = arith.constant 0 : i32
    %mul3A_67 = vector.broadcast %mul3A_66 : i32 to vector<16xi32>
    %mul3A_68 = arith.muli %iota3A, %mul3A_67 : vector<16xi32>
    %add3A_69 = vector.broadcast %squeeze3A_56 : i32 to vector<16xi32>
    %add3A_70 = arith.addi %mul3A_68, %add3A_69 : vector<16xi32>
    %broadcast_in_dim3A_71 = vector.shape_cast %add3A_70 : vector<16xi32> to vector<16x1xi32>
    %gather3A_72 = vector.shape_cast %broadcast_in_dim3A_71 : vector<16x1xi32> to vector<16xi32>
    %gather3A_73 = tpu.dynamic_gather %get3A_48[%gather3A_72] in [0] : vector<16xi32>, vector<16xi32> -> vector<16xi32>
    %slice3A_74 = vector.extract_strided_slice %gather3A_73 {offsets = [0], sizes = [1], strides = [1]} : vector<16xi32> to vector<1xi32>
    %squeeze3A_75 = vector.extract %slice3A_74[0] : i32 from vector<1xi32>
    %mul3A_76 = arith.constant 16 : i32
    %mul3A_77 = arith.muli %scan3A_43#1, %mul3A_76 : i32
    %add3A_78 = arith.addi %mul3A_77, %squeeze3A_56 : i32
    %sub3A = arith.subi %squeeze3A_65, %squeeze3A_75 : i32
    %sub3A_79 = arith.constant 2047 : i32
    %sub3A_80 = arith.subi %sub3A_79, %add3A_78 : i32
    %sub3A_81 = arith.subi %squeeze3A, %sub3A : i32
    %mul3A_82 = arith.constant 0 : i32
    %mul3A_83 = vector.broadcast %mul3A_82 : i32 to vector<16xi32>
    %mul3A_84 = arith.muli %iota3A, %mul3A_83 : vector<16xi32>
    %add3A_85 = vector.broadcast %sub3A_80 : i32 to vector<16xi32>
    %add3A_86 = arith.addi %mul3A_84, %add3A_85 : vector<16xi32>
    %mul3A_87 = arith.constant 0 : i32
    %mul3A_88 = vector.broadcast %mul3A_87 : i32 to vector<16xi32>
    %mul3A_89 = arith.muli %iota3A, %mul3A_88 : vector<16xi32>
    %sub3A_90 = arith.constant 1 : i32
    %sub3A_91 = vector.broadcast %sub3A_90 : i32 to vector<16xi32>
    %sub3A_92 = arith.subi %mul3A_89, %sub3A_91 : vector<16xi32>
    %scan3A_93 = arith.constant 0 : i32
    %scan3A_94 = arith.constant 256 : i32
    %scan3A_95 = arith.addi %scan3A_93, %scan3A_94 : i32
    %scan3A_96 = arith.constant 1 : i32
    %scan3A_97 = scf.for %scan3A_723 = %scan3A_93 to %scan3A_95 step %scan3A_96 iter_args(%scan3A_724 = %sub3A_92) -> (vector<16xi32>)  : i32 {
      %mul3A_725 = arith.constant 8 : i32
      %mul3A_726 = arith.muli %scan3A_723, %mul3A_725 : i32
      %add3A_727 = arith.constant 0 : i32
      %add3A_728 = arith.addi %mul3A_726, %add3A_727 : i32
      %mul3A_729 = arith.constant 16 : i32
      %mul3A_730 = arith.muli %add3A_728, %mul3A_729 : i32
      %get3A_731 = arith.index_cast %mul3A_730 : i32 to index
      %get3A_732 = tpu.vector_load %arg6[%get3A_731] {strides = array<i32>} : memref<32768xf32, #tpu.memory_space<vmem>>, vector<16xf32>,
      %bitcast_convert_type3A = tpu.bitcast %get3A_732 : vector<16xf32> -> vector<16xi32>
      %and3A = arith.constant 2147483647 : i32
      %and3A_733 = vector.broadcast %and3A : i32 to vector<16xi32>
      %and3A_734 = arith.andi %bitcast_convert_type3A, %and3A_733 : vector<16xi32>
      %shift_right_logical3A_735 = arith.constant 20 : i32
      %shift_right_logical3A_736 = vector.broadcast %shift_right_logical3A_735 : i32 to vector<16xi32>
      %shift_right_logical3A_737 = arith.shrui %and3A_734, %shift_right_logical3A_736 : vector<16xi32>
      %eq3A = arith.cmpi eq, %shift_right_logical3A_737, %add3A_86 : vector<16xi32>
      %all_reduce_population_count3A_738 = tpu.all_reduce %eq3A {dim = 0 : i64, kind = #tpu.reduction_kind<sum>} : vector<16xi1> -> vector<16xi32>
      %mul3A_739 = arith.constant 8 : i32
      %mul3A_740 = arith.muli %scan3A_723, %mul3A_739 : i32
      %add3A_741 = arith.constant 1 : i32
      %add3A_742 = arith.addi %mul3A_740, %add3A_741 : i32
      %mul3A_743 = arith.constant 16 : i32
      %mul3A_744 = arith.muli %add3A_742, %mul3A_743 : i32
      %get3A_745 = arith.index_cast %mul3A_744 : i32 to index
      %get3A_746 = tpu.vector_load %arg6[%get3A_745] {strides = array<i32>} : memref<32768xf32, #tpu.memory_space<vmem>>, vector<16xf32>,
      %bitcast_convert_type3A_747 = tpu.bitcast %get3A_746 : vector<16xf32> -> vector<16xi32>
      %and3A_748 = arith.constant 2147483647 : i32
      %and3A_749 = vector.broadcast %and3A_748 : i32 to vector<16xi32>
      %and3A_750 = arith.andi %bitcast_convert_type3A_747, %and3A_749 : vector<16xi32>
      %shift_right_logical3A_751 = arith.constant 20 : i32
      %shift_right_logical3A_752 = vector.broadcast %shift_right_logical3A_751 : i32 to vector<16xi32>
      %shift_right_logical3A_753 = arith.shrui %and3A_750, %shift_right_logical3A_752 : vector<16xi32>
      %eq3A_754 = arith.cmpi eq, %shift_right_logical3A_753, %add3A_86 : vector<16xi32>
      %all_reduce_population_count3A_755 = tpu.all_reduce %eq3A_754 {dim = 0 : i64, kind = #tpu.reduction_kind<sum>} : vector<16xi1> -> vector<16xi32>
      %mul3A_756 = arith.constant 8 : i32
      %mul3A_757 = arith.muli %scan3A_723, %mul3A_756 : i32
      %add3A_758 = arith.constant 2 : i32
      %add3A_759 = arith.addi %mul3A_757, %add3A_758 : i32
      %mul3A_760 = arith.constant 16 : i32
      %mul3A_761 = arith.muli %add3A_759, %mul3A_760 : i32
      %get3A_762 = arith.index_cast %mul3A_761 : i32 to index
      %get3A_763 = tpu.vector_load %arg6[%get3A_762] {strides = array<i32>} : memref<32768xf32, #tpu.memory_space<vmem>>, vector<16xf32>,
      %bitcast_convert_type3A_764 = tpu.bitcast %get3A_763 : vector<16xf32> -> vector<16xi32>
      %and3A_765 = arith.constant 2147483647 : i32
      %and3A_766 = vector.broadcast %and3A_765 : i32 to vector<16xi32>
      %and3A_767 = arith.andi %bitcast_convert_type3A_764, %and3A_766 : vector<16xi32>
      %shift_right_logical3A_768 = arith.constant 20 : i32
      %shift_right_logical3A_769 = vector.broadcast %shift_right_logical3A_768 : i32 to vector<16xi32>
      %shift_right_logical3A_770 = arith.shrui %and3A_767, %shift_right_logical3A_769 : vector<16xi32>
      %eq3A_771 = arith.cmpi eq, %shift_right_logical3A_770, %add3A_86 : vector<16xi32>
      %all_reduce_population_count3A_772 = tpu.all_reduce %eq3A_771 {dim = 0 : i64, kind = #tpu.reduction_kind<sum>} : vector<16xi1> -> vector<16xi32>
      %mul3A_773 = arith.constant 8 : i32
      %mul3A_774 = arith.muli %scan3A_723, %mul3A_773 : i32
      %add3A_775 = arith.constant 3 : i32
      %add3A_776 = arith.addi %mul3A_774, %add3A_775 : i32
      %mul3A_777 = arith.constant 16 : i32
      %mul3A_778 = arith.muli %add3A_776, %mul3A_777 : i32
      %get3A_779 = arith.index_cast %mul3A_778 : i32 to index
      %get3A_780 = tpu.vector_load %arg6[%get3A_779] {strides = array<i32>} : memref<32768xf32, #tpu.memory_space<vmem>>, vector<16xf32>,
      %bitcast_convert_type3A_781 = tpu.bitcast %get3A_780 : vector<16xf32> -> vector<16xi32>
      %and3A_782 = arith.constant 2147483647 : i32
      %and3A_783 = vector.broadcast %and3A_782 : i32 to vector<16xi32>
      %and3A_784 = arith.andi %bitcast_convert_type3A_781, %and3A_783 : vector<16xi32>
      %shift_right_logical3A_785 = arith.constant 20 : i32
      %shift_right_logical3A_786 = vector.broadcast %shift_right_logical3A_785 : i32 to vector<16xi32>
      %shift_right_logical3A_787 = arith.shrui %and3A_784, %shift_right_logical3A_786 : vector<16xi32>
      %eq3A_788 = arith.cmpi eq, %shift_right_logical3A_787, %add3A_86 : vector<16xi32>
      %all_reduce_population_count3A_789 = tpu.all_reduce %eq3A_788 {dim = 0 : i64, kind = #tpu.reduction_kind<sum>} : vector<16xi1> -> vector<16xi32>
      %mul3A_790 = arith.constant 8 : i32
      %mul3A_791 = arith.muli %scan3A_723, %mul3A_790 : i32
      %add3A_792 = arith.constant 4 : i32
      %add3A_793 = arith.addi %mul3A_791, %add3A_792 : i32
      %mul3A_794 = arith.constant 16 : i32
      %mul3A_795 = arith.muli %add3A_793, %mul3A_794 : i32
      %get3A_796 = arith.index_cast %mul3A_795 : i32 to index
      %get3A_797 = tpu.vector_load %arg6[%get3A_796] {strides = array<i32>} : memref<32768xf32, #tpu.memory_space<vmem>>, vector<16xf32>,
      %bitcast_convert_type3A_798 = tpu.bitcast %get3A_797 : vector<16xf32> -> vector<16xi32>
      %and3A_799 = arith.constant 2147483647 : i32
      %and3A_800 = vector.broadcast %and3A_799 : i32 to vector<16xi32>
      %and3A_801 = arith.andi %bitcast_convert_type3A_798, %and3A_800 : vector<16xi32>
      %shift_right_logical3A_802 = arith.constant 20 : i32
      %shift_right_logical3A_803 = vector.broadcast %shift_right_logical3A_802 : i32 to vector<16xi32>
      %shift_right_logical3A_804 = arith.shrui %and3A_801, %shift_right_logical3A_803 : vector<16xi32>
      %eq3A_805 = arith.cmpi eq, %shift_right_logical3A_804, %add3A_86 : vector<16xi32>
      %all_reduce_population_count3A_806 = tpu.all_reduce %eq3A_805 {dim = 0 : i64, kind = #tpu.reduction_kind<sum>} : vector<16xi1> -> vector<16xi32>
      %mul3A_807 = arith.constant 8 : i32
      %mul3A_808 = arith.muli %scan3A_723, %mul3A_807 : i32
      %add3A_809 = arith.constant 5 : i32
      %add3A_810 = arith.addi %mul3A_808, %add3A_809 : i32
      %mul3A_811 = arith.constant 16 : i32
      %mul3A_812 = arith.muli %add3A_810, %mul3A_811 : i32
      %get3A_813 = arith.index_cast %mul3A_812 : i32 to index
      %get3A_814 = tpu.vector_load %arg6[%get3A_813] {strides = array<i32>} : memref<32768xf32, #tpu.memory_space<vmem>>, vector<16xf32>,
      %bitcast_convert_type3A_815 = tpu.bitcast %get3A_814 : vector<16xf32> -> vector<16xi32>
      %and3A_816 = arith.constant 2147483647 : i32
      %and3A_817 = vector.broadcast %and3A_816 : i32 to vector<16xi32>
      %and3A_818 = arith.andi %bitcast_convert_type3A_815, %and3A_817 : vector<16xi32>
      %shift_right_logical3A_819 = arith.constant 20 : i32
      %shift_right_logical3A_820 = vector.broadcast %shift_right_logical3A_819 : i32 to vector<16xi32>
      %shift_right_logical3A_821 = arith.shrui %and3A_818, %shift_right_logical3A_820 : vector<16xi32>
      %eq3A_822 = arith.cmpi eq, %shift_right_logical3A_821, %add3A_86 : vector<16xi32>
      %all_reduce_population_count3A_823 = tpu.all_reduce %eq3A_822 {dim = 0 : i64, kind = #tpu.reduction_kind<sum>} : vector<16xi1> -> vector<16xi32>
      %mul3A_824 = arith.constant 8 : i32
      %mul3A_825 = arith.muli %scan3A_723, %mul3A_824 : i32
      %add3A_826 = arith.constant 6 : i32
      %add3A_827 = arith.addi %mul3A_825, %add3A_826 : i32
      %mul3A_828 = arith.constant 16 : i32
      %mul3A_829 = arith.muli %add3A_827, %mul3A_828 : i32
      %get3A_830 = arith.index_cast %mul3A_829 : i32 to index
      %get3A_831 = tpu.vector_load %arg6[%get3A_830] {strides = array<i32>} : memref<32768xf32, #tpu.memory_space<vmem>>, vector<16xf32>,
      %bitcast_convert_type3A_832 = tpu.bitcast %get3A_831 : vector<16xf32> -> vector<16xi32>
      %and3A_833 = arith.constant 2147483647 : i32
      %and3A_834 = vector.broadcast %and3A_833 : i32 to vector<16xi32>
      %and3A_835 = arith.andi %bitcast_convert_type3A_832, %and3A_834 : vector<16xi32>
      %shift_right_logical3A_836 = arith.constant 20 : i32
      %shift_right_logical3A_837 = vector.broadcast %shift_right_logical3A_836 : i32 to vector<16xi32>
      %shift_right_logical3A_838 = arith.shrui %and3A_835, %shift_right_logical3A_837 : vector<16xi32>
      %eq3A_839 = arith.cmpi eq, %shift_right_logical3A_838, %add3A_86 : vector<16xi32>
      %all_reduce_population_count3A_840 = tpu.all_reduce %eq3A_839 {dim = 0 : i64, kind = #tpu.reduction_kind<sum>} : vector<16xi1> -> vector<16xi32>
      %mul3A_841 = arith.constant 8 : i32
      %mul3A_842 = arith.muli %scan3A_723, %mul3A_841 : i32
      %add3A_843 = arith.constant 7 : i32
      %add3A_844 = arith.addi %mul3A_842, %add3A_843 : i32
      %mul3A_845 = arith.constant 16 : i32
      %mul3A_846 = arith.muli %add3A_844, %mul3A_845 : i32
      %get3A_847 = arith.index_cast %mul3A_846 : i32 to index
      %get3A_848 = tpu.vector_load %arg6[%get3A_847] {strides = array<i32>} : memref<32768xf32, #tpu.memory_space<vmem>>, vector<16xf32>,
      %bitcast_convert_type3A_849 = tpu.bitcast %get3A_848 : vector<16xf32> -> vector<16xi32>
      %and3A_850 = arith.constant 2147483647 : i32
      %and3A_851 = vector.broadcast %and3A_850 : i32 to vector<16xi32>
      %and3A_852 = arith.andi %bitcast_convert_type3A_849, %and3A_851 : vector<16xi32>
      %shift_right_logical3A_853 = arith.constant 20 : i32
      %shift_right_logical3A_854 = vector.broadcast %shift_right_logical3A_853 : i32 to vector<16xi32>
      %shift_right_logical3A_855 = arith.shrui %and3A_852, %shift_right_logical3A_854 : vector<16xi32>
      %eq3A_856 = arith.cmpi eq, %shift_right_logical3A_855, %add3A_86 : vector<16xi32>
      %all_reduce_population_count3A_857 = tpu.all_reduce %eq3A_856 {dim = 0 : i64, kind = #tpu.reduction_kind<sum>} : vector<16xi1> -> vector<16xi32>
      %convert_element_type3A = arith.extui %eq3A : vector<16xi1> to vector<16xi32>
      %broadcast_in_dim3A_858 = arith.constant true
      %broadcast_in_dim3A_859 = vector.broadcast %broadcast_in_dim3A_858 : i1 to vector<16xi1>
      %masked_cumsum3A_860 = tpu.scan <sum>, %convert_element_type3A masked %broadcast_in_dim3A_859 : vector<16xi32>, vector<16xi1> -> vector<16xi32>
      %add3A_861 = arith.addi %scan3A_724, %masked_cumsum3A_860 : vector<16xi32>
      tpu.vector_store_idx %arg8[%add3A_861], %and3A_734 masked %eq3A : memref<32784xi32, #tpu.memory_space<vmem>>[vector<16xi32>], vector<16xi32>, vector<16xi1>
      %add3A_862 = arith.addi %scan3A_724, %all_reduce_population_count3A_738 : vector<16xi32>
      %convert_element_type3A_863 = arith.extui %eq3A_754 : vector<16xi1> to vector<16xi32>
      %broadcast_in_dim3A_864 = arith.constant true
      %broadcast_in_dim3A_865 = vector.broadcast %broadcast_in_dim3A_864 : i1 to vector<16xi1>
      %masked_cumsum3A_866 = tpu.scan <sum>, %convert_element_type3A_863 masked %broadcast_in_dim3A_865 : vector<16xi32>, vector<16xi1> -> vector<16xi32>
      %add3A_867 = arith.addi %add3A_862, %masked_cumsum3A_866 : vector<16xi32>
      tpu.vector_store_idx %arg8[%add3A_867], %and3A_750 masked %eq3A_754 : memref<32784xi32, #tpu.memory_space<vmem>>[vector<16xi32>], vector<16xi32>, vector<16xi1>
      %add3A_868 = arith.addi %add3A_862, %all_reduce_population_count3A_755 : vector<16xi32>
      %convert_element_type3A_869 = arith.extui %eq3A_771 : vector<16xi1> to vector<16xi32>
      %broadcast_in_dim3A_870 = arith.constant true
      %broadcast_in_dim3A_871 = vector.broadcast %broadcast_in_dim3A_870 : i1 to vector<16xi1>
      %masked_cumsum3A_872 = tpu.scan <sum>, %convert_element_type3A_869 masked %broadcast_in_dim3A_871 : vector<16xi32>, vector<16xi1> -> vector<16xi32>
      %add3A_873 = arith.addi %add3A_868, %masked_cumsum3A_872 : vector<16xi32>
      tpu.vector_store_idx %arg8[%add3A_873], %and3A_767 masked %eq3A_771 : memref<32784xi32, #tpu.memory_space<vmem>>[vector<16xi32>], vector<16xi32>, vector<16xi1>
      %add3A_874 = arith.addi %add3A_868, %all_reduce_population_count3A_772 : vector<16xi32>
      %convert_element_type3A_875 = arith.extui %eq3A_788 : vector<16xi1> to vector<16xi32>
      %broadcast_in_dim3A_876 = arith.constant true
      %broadcast_in_dim3A_877 = vector.broadcast %broadcast_in_dim3A_876 : i1 to vector<16xi1>
      %masked_cumsum3A_878 = tpu.scan <sum>, %convert_element_type3A_875 masked %broadcast_in_dim3A_877 : vector<16xi32>, vector<16xi1> -> vector<16xi32>
      %add3A_879 = arith.addi %add3A_874, %masked_cumsum3A_878 : vector<16xi32>
      tpu.vector_store_idx %arg8[%add3A_879], %and3A_784 masked %eq3A_788 : memref<32784xi32, #tpu.memory_space<vmem>>[vector<16xi32>], vector<16xi32>, vector<16xi1>
      %add3A_880 = arith.addi %add3A_874, %all_reduce_population_count3A_789 : vector<16xi32>
      %convert_element_type3A_881 = arith.extui %eq3A_805 : vector<16xi1> to vector<16xi32>
      %broadcast_in_dim3A_882 = arith.constant true
      %broadcast_in_dim3A_883 = vector.broadcast %broadcast_in_dim3A_882 : i1 to vector<16xi1>
      %masked_cumsum3A_884 = tpu.scan <sum>, %convert_element_type3A_881 masked %broadcast_in_dim3A_883 : vector<16xi32>, vector<16xi1> -> vector<16xi32>
      %add3A_885 = arith.addi %add3A_880, %masked_cumsum3A_884 : vector<16xi32>
      tpu.vector_store_idx %arg8[%add3A_885], %and3A_801 masked %eq3A_805 : memref<32784xi32, #tpu.memory_space<vmem>>[vector<16xi32>], vector<16xi32>, vector<16xi1>
      %add3A_886 = arith.addi %add3A_880, %all_reduce_population_count3A_806 : vector<16xi32>
      %convert_element_type3A_887 = arith.extui %eq3A_822 : vector<16xi1> to vector<16xi32>
      %broadcast_in_dim3A_888 = arith.constant true
      %broadcast_in_dim3A_889 = vector.broadcast %broadcast_in_dim3A_888 : i1 to vector<16xi1>
      %masked_cumsum3A_890 = tpu.scan <sum>, %convert_element_type3A_887 masked %broadcast_in_dim3A_889 : vector<16xi32>, vector<16xi1> -> vector<16xi32>
      %add3A_891 = arith.addi %add3A_886, %masked_cumsum3A_890 : vector<16xi32>
      tpu.vector_store_idx %arg8[%add3A_891], %and3A_818 masked %eq3A_822 : memref<32784xi32, #tpu.memory_space<vmem>>[vector<16xi32>], vector<16xi32>, vector<16xi1>
      %add3A_892 = arith.addi %add3A_886, %all_reduce_population_count3A_823 : vector<16xi32>
      %convert_element_type3A_893 = arith.extui %eq3A_839 : vector<16xi1> to vector<16xi32>
      %broadcast_in_dim3A_894 = arith.constant true
      %broadcast_in_dim3A_895 = vector.broadcast %broadcast_in_dim3A_894 : i1 to vector<16xi1>
      %masked_cumsum3A_896 = tpu.scan <sum>, %convert_element_type3A_893 masked %broadcast_in_dim3A_895 : vector<16xi32>, vector<16xi1> -> vector<16xi32>
      %add3A_897 = arith.addi %add3A_892, %masked_cumsum3A_896 : vector<16xi32>
      tpu.vector_store_idx %arg8[%add3A_897], %and3A_835 masked %eq3A_839 : memref<32784xi32, #tpu.memory_space<vmem>>[vector<16xi32>], vector<16xi32>, vector<16xi1>
      %add3A_898 = arith.addi %add3A_892, %all_reduce_population_count3A_840 : vector<16xi32>
      %convert_element_type3A_899 = arith.extui %eq3A_856 : vector<16xi1> to vector<16xi32>
      %broadcast_in_dim3A_900 = arith.constant true
      %broadcast_in_dim3A_901 = vector.broadcast %broadcast_in_dim3A_900 : i1 to vector<16xi1>
      %masked_cumsum3A_902 = tpu.scan <sum>, %convert_element_type3A_899 masked %broadcast_in_dim3A_901 : vector<16xi32>, vector<16xi1> -> vector<16xi32>
      %add3A_903 = arith.addi %add3A_898, %masked_cumsum3A_902 : vector<16xi32>
      tpu.vector_store_idx %arg8[%add3A_903], %and3A_852 masked %eq3A_856 : memref<32784xi32, #tpu.memory_space<vmem>>[vector<16xi32>], vector<16xi32>, vector<16xi1>
      %add3A_904 = arith.addi %add3A_898, %all_reduce_population_count3A_857 : vector<16xi32>
      scf.yield %add3A_904 : vector<16xi32>
    }
    %scan3A_98 = arith.constant 256 : i32
    %slice3A_99 = vector.extract_strided_slice %scan3A_97 {offsets = [0], sizes = [1], strides = [1]} : vector<16xi32> to vector<1xi32>
    %squeeze3A_100 = vector.extract %slice3A_99[0] : i32 from vector<1xi32>
    %add3A_101 = arith.constant 1 : i32
    %add3A_102 = arith.addi %squeeze3A_100, %add3A_101 : i32
    %add3A_103 = arith.constant 1 : i32
    %add3A_104 = vector.broadcast %add3A_103 : i32 to vector<16xi32>
    %add3A_105 = arith.addi %scan3A_97, %add3A_104 : vector<16xi32>
    %add3A_106 = arith.constant 15 : i32
    %add3A_107 = arith.addi %add3A_102, %add3A_106 : i32
    %shift_right_logical3A = arith.constant 4 : i32
    %shift_right_logical3A_108 = arith.shrui %add3A_107, %shift_right_logical3A : i32
    %scan3A_109 = arith.constant 0 : i32
    %scan3A_110 = arith.constant 0 : i32
    %scan3A_111 = arith.constant 16 : i32
    %scan3A_112 = arith.addi %scan3A_110, %scan3A_111 : i32
    %scan3A_113 = arith.constant 1 : i32
    scf.for %scan3A_723 = %scan3A_110 to %scan3A_112 step %scan3A_113  : i32 {
      %mul3A_724 = arith.constant 16 : i32
      %mul3A_725 = arith.muli %scan3A_723, %mul3A_724 : i32
      %swap3A_726 = arith.index_cast %mul3A_725 : i32 to index
      %swap3A_727 = tpu.vector_load %arg9[%swap3A_726] {strides = array<i32>} : memref<2048xi32, #tpu.memory_space<vmem>>, vector<16xi32>,
      tpu.vector_store %arg9[%swap3A_726], %broadcast_in_dim3A_6 {strides = array<i32>} : memref<2048xi32, #tpu.memory_space<vmem>>, vector<16xi32>,
    }
    %scan3A_114 = arith.constant 16 : i32
    %while3A = arith.constant 0 : i32
    %while3A_115 = arith.constant 0 : i32
    %while3A_116 = arith.subi %shift_right_logical3A_108, %while3A_115 : i32
    %while3A_117 = arith.addi %while3A_115, %while3A_116 : i32
    %while3A_118 = arith.constant 1 : i32
    %while3A_119 = arith.divsi %while3A_116, %while3A_118 : i32
    %while3A_120 = arith.muli %while3A_119, %while3A_118 : i32
    %while3A_121 = arith.addi %while3A_115, %while3A_120 : i32
    %while3A_122 = arith.constant 1 : i32
    scf.for %while3A_723 = %while3A_115 to %while3A_121 step %while3A_122  : i32 {
      %mul3A_724 = arith.constant 16 : i32
      %mul3A_725 = arith.muli %while3A_723, %mul3A_724 : i32
      %get3A_726 = arith.index_cast %mul3A_725 : i32 to index
      %get3A_727 = tpu.vector_load %arg8[%get3A_726] {strides = array<i32>} : memref<32784xi32, #tpu.memory_space<vmem>>, vector<16xi32>,
      %mul3A_728 = arith.constant 16 : i32
      %mul3A_729 = arith.muli %while3A_723, %mul3A_728 : i32
      %add3A_730 = vector.broadcast %mul3A_729 : i32 to vector<16xi32>
      %add3A_731 = arith.addi %add3A_730, %iota3A : vector<16xi32>
      %lt3A = arith.cmpi slt, %add3A_731, %add3A_105 : vector<16xi32>
      %shift_right_logical3A_732 = arith.constant 12 : i32
      %shift_right_logical3A_733 = vector.broadcast %shift_right_logical3A_732 : i32 to vector<16xi32>
      %shift_right_logical3A_734 = arith.shrui %get3A_727, %shift_right_logical3A_733 : vector<16xi32>
      %and3A = arith.constant 255 : i32
      %and3A_735 = vector.broadcast %and3A : i32 to vector<16xi32>
      %and3A_736 = arith.andi %shift_right_logical3A_734, %and3A_735 : vector<16xi32>
      %sub3A_737 = arith.constant 255 : i32
      %sub3A_738 = vector.broadcast %sub3A_737 : i32 to vector<16xi32>
      %sub3A_739 = arith.subi %sub3A_738, %and3A_736 : vector<16xi32>
      tpu.vector_store_idx %arg9[%sub3A_739], %broadcast_in_dim3A_8 masked %lt3A {add = true} : memref<2048xi32, #tpu.memory_space<vmem>>[vector<16xi32>], vector<16xi32>, vector<16xi1>
    }
    %while3A_123 = arith.constant 1 : i32
    scf.for %while3A_723 = %while3A_121 to %while3A_117 step %while3A_123  : i32 {
      %mul3A_724 = arith.constant 16 : i32
      %mul3A_725 = arith.muli %while3A_723, %mul3A_724 : i32
      %get3A_726 = arith.index_cast %mul3A_725 : i32 to index
      %get3A_727 = tpu.vector_load %arg8[%get3A_726] {strides = array<i32>} : memref<32784xi32, #tpu.memory_space<vmem>>, vector<16xi32>,
      %mul3A_728 = arith.constant 16 : i32
      %mul3A_729 = arith.muli %while3A_723, %mul3A_728 : i32
      %add3A_730 = vector.broadcast %mul3A_729 : i32 to vector<16xi32>
      %add3A_731 = arith.addi %add3A_730, %iota3A : vector<16xi32>
      %lt3A = arith.cmpi slt, %add3A_731, %add3A_105 : vector<16xi32>
      %shift_right_logical3A_732 = arith.constant 12 : i32
      %shift_right_logical3A_733 = vector.broadcast %shift_right_logical3A_732 : i32 to vector<16xi32>
      %shift_right_logical3A_734 = arith.shrui %get3A_727, %shift_right_logical3A_733 : vector<16xi32>
      %and3A = arith.constant 255 : i32
      %and3A_735 = vector.broadcast %and3A : i32 to vector<16xi32>
      %and3A_736 = arith.andi %shift_right_logical3A_734, %and3A_735 : vector<16xi32>
      %sub3A_737 = arith.constant 255 : i32
      %sub3A_738 = vector.broadcast %sub3A_737 : i32 to vector<16xi32>
      %sub3A_739 = arith.subi %sub3A_738, %and3A_736 : vector<16xi32>
      tpu.vector_store_idx %arg9[%sub3A_739], %broadcast_in_dim3A_8 masked %lt3A {add = true} : memref<2048xi32, #tpu.memory_space<vmem>>[vector<16xi32>], vector<16xi32>, vector<16xi1>
    }
    %scan3A_124 = arith.constant 0 : i32
    %scan3A_125 = arith.constant 0 : i32
    %scan3A_126 = arith.constant 0 : i32
    %scan3A_127 = arith.constant 0 : i32
    %scan3A_128 = arith.constant 2 : i32
    %scan3A_129 = arith.addi %scan3A_127, %scan3A_128 : i32
    %scan3A_130 = arith.constant 1 : i32
    %scan3A_131:3 = scf.for %scan3A_723 = %scan3A_127 to %scan3A_129 step %scan3A_130 iter_args(%scan3A_724 = %scan3A_124, %scan3A_725 = %scan3A_125, %scan3A_726 = %scan3A_126) -> (i32, i32, i32)  : i32 {
      %mul3A_727 = arith.constant 8 : i32
      %mul3A_728 = arith.muli %scan3A_723, %mul3A_727 : i32
      %add3A_729 = arith.constant 0 : i32
      %add3A_730 = arith.addi %mul3A_728, %add3A_729 : i32
      %mul3A_731 = arith.constant 16 : i32
      %mul3A_732 = arith.muli %add3A_730, %mul3A_731 : i32
      %get3A_733 = arith.index_cast %mul3A_732 : i32 to index
      %get3A_734 = tpu.vector_load %arg9[%get3A_733] {strides = array<i32>} : memref<2048xi32, #tpu.memory_space<vmem>>, vector<16xi32>,
      %broadcast_in_dim3A_735 = arith.constant true
      %broadcast_in_dim3A_736 = vector.broadcast %broadcast_in_dim3A_735 : i1 to vector<16xi1>
      %masked_cumsum3A_737 = tpu.scan <sum>, %get3A_734 masked %broadcast_in_dim3A_736 : vector<16xi32>, vector<16xi1> -> vector<16xi32>
      %slice3A_738 = vector.extract_strided_slice %masked_cumsum3A_737 {offsets = [15], sizes = [1], strides = [1]} : vector<16xi32> to vector<1xi32>
      %squeeze3A_739 = vector.extract %slice3A_738[0] : i32 from vector<1xi32>
      %mul3A_740 = arith.constant 8 : i32
      %mul3A_741 = arith.muli %scan3A_723, %mul3A_740 : i32
      %add3A_742 = arith.constant 1 : i32
      %add3A_743 = arith.addi %mul3A_741, %add3A_742 : i32
      %mul3A_744 = arith.constant 16 : i32
      %mul3A_745 = arith.muli %add3A_743, %mul3A_744 : i32
      %get3A_746 = arith.index_cast %mul3A_745 : i32 to index
      %get3A_747 = tpu.vector_load %arg9[%get3A_746] {strides = array<i32>} : memref<2048xi32, #tpu.memory_space<vmem>>, vector<16xi32>,
      %broadcast_in_dim3A_748 = arith.constant true
      %broadcast_in_dim3A_749 = vector.broadcast %broadcast_in_dim3A_748 : i1 to vector<16xi1>
      %masked_cumsum3A_750 = tpu.scan <sum>, %get3A_747 masked %broadcast_in_dim3A_749 : vector<16xi32>, vector<16xi1> -> vector<16xi32>
      %slice3A_751 = vector.extract_strided_slice %masked_cumsum3A_750 {offsets = [15], sizes = [1], strides = [1]} : vector<16xi32> to vector<1xi32>
      %squeeze3A_752 = vector.extract %slice3A_751[0] : i32 from vector<1xi32>
      %mul3A_753 = arith.constant 8 : i32
      %mul3A_754 = arith.muli %scan3A_723, %mul3A_753 : i32
      %add3A_755 = arith.constant 2 : i32
      %add3A_756 = arith.addi %mul3A_754, %add3A_755 : i32
      %mul3A_757 = arith.constant 16 : i32
      %mul3A_758 = arith.muli %add3A_756, %mul3A_757 : i32
      %get3A_759 = arith.index_cast %mul3A_758 : i32 to index
      %get3A_760 = tpu.vector_load %arg9[%get3A_759] {strides = array<i32>} : memref<2048xi32, #tpu.memory_space<vmem>>, vector<16xi32>,
      %broadcast_in_dim3A_761 = arith.constant true
      %broadcast_in_dim3A_762 = vector.broadcast %broadcast_in_dim3A_761 : i1 to vector<16xi1>
      %masked_cumsum3A_763 = tpu.scan <sum>, %get3A_760 masked %broadcast_in_dim3A_762 : vector<16xi32>, vector<16xi1> -> vector<16xi32>
      %slice3A_764 = vector.extract_strided_slice %masked_cumsum3A_763 {offsets = [15], sizes = [1], strides = [1]} : vector<16xi32> to vector<1xi32>
      %squeeze3A_765 = vector.extract %slice3A_764[0] : i32 from vector<1xi32>
      %mul3A_766 = arith.constant 8 : i32
      %mul3A_767 = arith.muli %scan3A_723, %mul3A_766 : i32
      %add3A_768 = arith.constant 3 : i32
      %add3A_769 = arith.addi %mul3A_767, %add3A_768 : i32
      %mul3A_770 = arith.constant 16 : i32
      %mul3A_771 = arith.muli %add3A_769, %mul3A_770 : i32
      %get3A_772 = arith.index_cast %mul3A_771 : i32 to index
      %get3A_773 = tpu.vector_load %arg9[%get3A_772] {strides = array<i32>} : memref<2048xi32, #tpu.memory_space<vmem>>, vector<16xi32>,
      %broadcast_in_dim3A_774 = arith.constant true
      %broadcast_in_dim3A_775 = vector.broadcast %broadcast_in_dim3A_774 : i1 to vector<16xi1>
      %masked_cumsum3A_776 = tpu.scan <sum>, %get3A_773 masked %broadcast_in_dim3A_775 : vector<16xi32>, vector<16xi1> -> vector<16xi32>
      %slice3A_777 = vector.extract_strided_slice %masked_cumsum3A_776 {offsets = [15], sizes = [1], strides = [1]} : vector<16xi32> to vector<1xi32>
      %squeeze3A_778 = vector.extract %slice3A_777[0] : i32 from vector<1xi32>
      %mul3A_779 = arith.constant 8 : i32
      %mul3A_780 = arith.muli %scan3A_723, %mul3A_779 : i32
      %add3A_781 = arith.constant 4 : i32
      %add3A_782 = arith.addi %mul3A_780, %add3A_781 : i32
      %mul3A_783 = arith.constant 16 : i32
      %mul3A_784 = arith.muli %add3A_782, %mul3A_783 : i32
      %get3A_785 = arith.index_cast %mul3A_784 : i32 to index
      %get3A_786 = tpu.vector_load %arg9[%get3A_785] {strides = array<i32>} : memref<2048xi32, #tpu.memory_space<vmem>>, vector<16xi32>,
      %broadcast_in_dim3A_787 = arith.constant true
      %broadcast_in_dim3A_788 = vector.broadcast %broadcast_in_dim3A_787 : i1 to vector<16xi1>
      %masked_cumsum3A_789 = tpu.scan <sum>, %get3A_786 masked %broadcast_in_dim3A_788 : vector<16xi32>, vector<16xi1> -> vector<16xi32>
      %slice3A_790 = vector.extract_strided_slice %masked_cumsum3A_789 {offsets = [15], sizes = [1], strides = [1]} : vector<16xi32> to vector<1xi32>
      %squeeze3A_791 = vector.extract %slice3A_790[0] : i32 from vector<1xi32>
      %mul3A_792 = arith.constant 8 : i32
      %mul3A_793 = arith.muli %scan3A_723, %mul3A_792 : i32
      %add3A_794 = arith.constant 5 : i32
      %add3A_795 = arith.addi %mul3A_793, %add3A_794 : i32
      %mul3A_796 = arith.constant 16 : i32
      %mul3A_797 = arith.muli %add3A_795, %mul3A_796 : i32
      %get3A_798 = arith.index_cast %mul3A_797 : i32 to index
      %get3A_799 = tpu.vector_load %arg9[%get3A_798] {strides = array<i32>} : memref<2048xi32, #tpu.memory_space<vmem>>, vector<16xi32>,
      %broadcast_in_dim3A_800 = arith.constant true
      %broadcast_in_dim3A_801 = vector.broadcast %broadcast_in_dim3A_800 : i1 to vector<16xi1>
      %masked_cumsum3A_802 = tpu.scan <sum>, %get3A_799 masked %broadcast_in_dim3A_801 : vector<16xi32>, vector<16xi1> -> vector<16xi32>
      %slice3A_803 = vector.extract_strided_slice %masked_cumsum3A_802 {offsets = [15], sizes = [1], strides = [1]} : vector<16xi32> to vector<1xi32>
      %squeeze3A_804 = vector.extract %slice3A_803[0] : i32 from vector<1xi32>
      %mul3A_805 = arith.constant 8 : i32
      %mul3A_806 = arith.muli %scan3A_723, %mul3A_805 : i32
      %add3A_807 = arith.constant 6 : i32
      %add3A_808 = arith.addi %mul3A_806, %add3A_807 : i32
      %mul3A_809 = arith.constant 16 : i32
      %mul3A_810 = arith.muli %add3A_808, %mul3A_809 : i32
      %get3A_811 = arith.index_cast %mul3A_810 : i32 to index
      %get3A_812 = tpu.vector_load %arg9[%get3A_811] {strides = array<i32>} : memref<2048xi32, #tpu.memory_space<vmem>>, vector<16xi32>,
      %broadcast_in_dim3A_813 = arith.constant true
      %broadcast_in_dim3A_814 = vector.broadcast %broadcast_in_dim3A_813 : i1 to vector<16xi1>
      %masked_cumsum3A_815 = tpu.scan <sum>, %get3A_812 masked %broadcast_in_dim3A_814 : vector<16xi32>, vector<16xi1> -> vector<16xi32>
      %slice3A_816 = vector.extract_strided_slice %masked_cumsum3A_815 {offsets = [15], sizes = [1], strides = [1]} : vector<16xi32> to vector<1xi32>
      %squeeze3A_817 = vector.extract %slice3A_816[0] : i32 from vector<1xi32>
      %mul3A_818 = arith.constant 8 : i32
      %mul3A_819 = arith.muli %scan3A_723, %mul3A_818 : i32
      %add3A_820 = arith.constant 7 : i32
      %add3A_821 = arith.addi %mul3A_819, %add3A_820 : i32
      %mul3A_822 = arith.constant 16 : i32
      %mul3A_823 = arith.muli %add3A_821, %mul3A_822 : i32
      %get3A_824 = arith.index_cast %mul3A_823 : i32 to index
      %get3A_825 = tpu.vector_load %arg9[%get3A_824] {strides = array<i32>} : memref<2048xi32, #tpu.memory_space<vmem>>, vector<16xi32>,
      %broadcast_in_dim3A_826 = arith.constant true
      %broadcast_in_dim3A_827 = vector.broadcast %broadcast_in_dim3A_826 : i1 to vector<16xi1>
      %masked_cumsum3A_828 = tpu.scan <sum>, %get3A_825 masked %broadcast_in_dim3A_827 : vector<16xi32>, vector<16xi1> -> vector<16xi32>
      %slice3A_829 = vector.extract_strided_slice %masked_cumsum3A_828 {offsets = [15], sizes = [1], strides = [1]} : vector<16xi32> to vector<1xi32>
      %squeeze3A_830 = vector.extract %slice3A_829[0] : i32 from vector<1xi32>
      %lt3A = arith.cmpi slt, %scan3A_724, %sub3A_81 : i32
      %add3A_831 = arith.addi %scan3A_724, %squeeze3A_739 : i32
      %ge3A_832 = arith.cmpi sge, %add3A_831, %sub3A_81 : i32
      %and3A = arith.andi %lt3A, %ge3A_832 : i1
      %mul3A_833 = arith.constant 8 : i32
      %mul3A_834 = arith.muli %scan3A_723, %mul3A_833 : i32
      %add3A_835 = arith.constant 0 : i32
      %add3A_836 = arith.addi %mul3A_834, %add3A_835 : i32
      %select_n3A = arith.select %and3A, %add3A_836, %scan3A_725 : i32
      %select_n3A_837 = arith.select %and3A, %scan3A_724, %scan3A_726 : i32
      %add3A_838 = arith.addi %scan3A_724, %squeeze3A_739 : i32
      %lt3A_839 = arith.cmpi slt, %add3A_838, %sub3A_81 : i32
      %add3A_840 = arith.addi %add3A_838, %squeeze3A_752 : i32
      %ge3A_841 = arith.cmpi sge, %add3A_840, %sub3A_81 : i32
      %and3A_842 = arith.andi %lt3A_839, %ge3A_841 : i1
      %mul3A_843 = arith.constant 8 : i32
      %mul3A_844 = arith.muli %scan3A_723, %mul3A_843 : i32
      %add3A_845 = arith.constant 1 : i32
      %add3A_846 = arith.addi %mul3A_844, %add3A_845 : i32
      %select_n3A_847 = arith.select %and3A_842, %add3A_846, %select_n3A : i32
      %select_n3A_848 = arith.select %and3A_842, %add3A_838, %select_n3A_837 : i32
      %add3A_849 = arith.addi %add3A_838, %squeeze3A_752 : i32
      %lt3A_850 = arith.cmpi slt, %add3A_849, %sub3A_81 : i32
      %add3A_851 = arith.addi %add3A_849, %squeeze3A_765 : i32
      %ge3A_852 = arith.cmpi sge, %add3A_851, %sub3A_81 : i32
      %and3A_853 = arith.andi %lt3A_850, %ge3A_852 : i1
      %mul3A_854 = arith.constant 8 : i32
      %mul3A_855 = arith.muli %scan3A_723, %mul3A_854 : i32
      %add3A_856 = arith.constant 2 : i32
      %add3A_857 = arith.addi %mul3A_855, %add3A_856 : i32
      %select_n3A_858 = arith.select %and3A_853, %add3A_857, %select_n3A_847 : i32
      %select_n3A_859 = arith.select %and3A_853, %add3A_849, %select_n3A_848 : i32
      %add3A_860 = arith.addi %add3A_849, %squeeze3A_765 : i32
      %lt3A_861 = arith.cmpi slt, %add3A_860, %sub3A_81 : i32
      %add3A_862 = arith.addi %add3A_860, %squeeze3A_778 : i32
      %ge3A_863 = arith.cmpi sge, %add3A_862, %sub3A_81 : i32
      %and3A_864 = arith.andi %lt3A_861, %ge3A_863 : i1
      %mul3A_865 = arith.constant 8 : i32
      %mul3A_866 = arith.muli %scan3A_723, %mul3A_865 : i32
      %add3A_867 = arith.constant 3 : i32
      %add3A_868 = arith.addi %mul3A_866, %add3A_867 : i32
      %select_n3A_869 = arith.select %and3A_864, %add3A_868, %select_n3A_858 : i32
      %select_n3A_870 = arith.select %and3A_864, %add3A_860, %select_n3A_859 : i32
      %add3A_871 = arith.addi %add3A_860, %squeeze3A_778 : i32
      %lt3A_872 = arith.cmpi slt, %add3A_871, %sub3A_81 : i32
      %add3A_873 = arith.addi %add3A_871, %squeeze3A_791 : i32
      %ge3A_874 = arith.cmpi sge, %add3A_873, %sub3A_81 : i32
      %and3A_875 = arith.andi %lt3A_872, %ge3A_874 : i1
      %mul3A_876 = arith.constant 8 : i32
      %mul3A_877 = arith.muli %scan3A_723, %mul3A_876 : i32
      %add3A_878 = arith.constant 4 : i32
      %add3A_879 = arith.addi %mul3A_877, %add3A_878 : i32
      %select_n3A_880 = arith.select %and3A_875, %add3A_879, %select_n3A_869 : i32
      %select_n3A_881 = arith.select %and3A_875, %add3A_871, %select_n3A_870 : i32
      %add3A_882 = arith.addi %add3A_871, %squeeze3A_791 : i32
      %lt3A_883 = arith.cmpi slt, %add3A_882, %sub3A_81 : i32
      %add3A_884 = arith.addi %add3A_882, %squeeze3A_804 : i32
      %ge3A_885 = arith.cmpi sge, %add3A_884, %sub3A_81 : i32
      %and3A_886 = arith.andi %lt3A_883, %ge3A_885 : i1
      %mul3A_887 = arith.constant 8 : i32
      %mul3A_888 = arith.muli %scan3A_723, %mul3A_887 : i32
      %add3A_889 = arith.constant 5 : i32
      %add3A_890 = arith.addi %mul3A_888, %add3A_889 : i32
      %select_n3A_891 = arith.select %and3A_886, %add3A_890, %select_n3A_880 : i32
      %select_n3A_892 = arith.select %and3A_886, %add3A_882, %select_n3A_881 : i32
      %add3A_893 = arith.addi %add3A_882, %squeeze3A_804 : i32
      %lt3A_894 = arith.cmpi slt, %add3A_893, %sub3A_81 : i32
      %add3A_895 = arith.addi %add3A_893, %squeeze3A_817 : i32
      %ge3A_896 = arith.cmpi sge, %add3A_895, %sub3A_81 : i32
      %and3A_897 = arith.andi %lt3A_894, %ge3A_896 : i1
      %mul3A_898 = arith.constant 8 : i32
      %mul3A_899 = arith.muli %scan3A_723, %mul3A_898 : i32
      %add3A_900 = arith.constant 6 : i32
      %add3A_901 = arith.addi %mul3A_899, %add3A_900 : i32
      %select_n3A_902 = arith.select %and3A_897, %add3A_901, %select_n3A_891 : i32
      %select_n3A_903 = arith.select %and3A_897, %add3A_893, %select_n3A_892 : i32
      %add3A_904 = arith.addi %add3A_893, %squeeze3A_817 : i32
      %lt3A_905 = arith.cmpi slt, %add3A_904, %sub3A_81 : i32
      %add3A_906 = arith.addi %add3A_904, %squeeze3A_830 : i32
      %ge3A_907 = arith.cmpi sge, %add3A_906, %sub3A_81 : i32
      %and3A_908 = arith.andi %lt3A_905, %ge3A_907 : i1
      %mul3A_909 = arith.constant 8 : i32
      %mul3A_910 = arith.muli %scan3A_723, %mul3A_909 : i32
      %add3A_911 = arith.constant 7 : i32
      %add3A_912 = arith.addi %mul3A_910, %add3A_911 : i32
      %select_n3A_913 = arith.select %and3A_908, %add3A_912, %select_n3A_902 : i32
      %select_n3A_914 = arith.select %and3A_908, %add3A_904, %select_n3A_903 : i32
      %add3A_915 = arith.addi %add3A_904, %squeeze3A_830 : i32
      scf.yield %add3A_915, %select_n3A_913, %select_n3A_914 : i32, i32, i32
    }
    %scan3A_132 = arith.constant 2 : i32
    %mul3A_133 = arith.constant 16 : i32
    %mul3A_134 = arith.muli %scan3A_131#1, %mul3A_133 : i32
    %get3A_135 = arith.index_cast %mul3A_134 : i32 to index
    %get3A_136 = tpu.vector_load %arg9[%get3A_135] {strides = array<i32>} : memref<2048xi32, #tpu.memory_space<vmem>>, vector<16xi32>,
    %broadcast_in_dim3A_137 = arith.constant true
    %broadcast_in_dim3A_138 = vector.broadcast %broadcast_in_dim3A_137 : i1 to vector<16xi1>
    %masked_cumsum3A_139 = tpu.scan <sum>, %get3A_136 masked %broadcast_in_dim3A_138 : vector<16xi32>, vector<16xi1> -> vector<16xi32>
    %add3A_140 = vector.broadcast %scan3A_131#2 : i32 to vector<16xi32>
    %add3A_141 = arith.addi %masked_cumsum3A_139, %add3A_140 : vector<16xi32>
    %ge3A_142 = vector.broadcast %sub3A_81 : i32 to vector<16xi32>
    %ge3A_143 = arith.cmpi sge, %add3A_141, %ge3A_142 : vector<16xi32>
    %not3A_144 = arith.constant dense<true> : vector<16xi1>
    %not3A_145 = arith.xori %ge3A_143, %not3A_144 : vector<16xi1>
    %all_reduce_population_count3A_146 = tpu.all_reduce %not3A_145 {dim = 0 : i64, kind = #tpu.reduction_kind<sum>} : vector<16xi1> -> vector<16xi32>
    %slice3A_147 = vector.extract_strided_slice %all_reduce_population_count3A_146 {offsets = [0], sizes = [1], strides = [1]} : vector<16xi32> to vector<1xi32>
    %squeeze3A_148 = vector.extract %slice3A_147[0] : i32 from vector<1xi32>
    %mul3A_149 = arith.constant 0 : i32
    %mul3A_150 = vector.broadcast %mul3A_149 : i32 to vector<16xi32>
    %mul3A_151 = arith.muli %iota3A, %mul3A_150 : vector<16xi32>
    %add3A_152 = vector.broadcast %squeeze3A_148 : i32 to vector<16xi32>
    %add3A_153 = arith.addi %mul3A_151, %add3A_152 : vector<16xi32>
    %broadcast_in_dim3A_154 = vector.shape_cast %add3A_153 : vector<16xi32> to vector<16x1xi32>
    %gather3A_155 = vector.shape_cast %broadcast_in_dim3A_154 : vector<16x1xi32> to vector<16xi32>
    %gather3A_156 = tpu.dynamic_gather %add3A_141[%gather3A_155] in [0] : vector<16xi32>, vector<16xi32> -> vector<16xi32>
    %slice3A_157 = vector.extract_strided_slice %gather3A_156 {offsets = [0], sizes = [1], strides = [1]} : vector<16xi32> to vector<1xi32>
    %squeeze3A_158 = vector.extract %slice3A_157[0] : i32 from vector<1xi32>
    %mul3A_159 = arith.constant 0 : i32
    %mul3A_160 = vector.broadcast %mul3A_159 : i32 to vector<16xi32>
    %mul3A_161 = arith.muli %iota3A, %mul3A_160 : vector<16xi32>
    %add3A_162 = vector.broadcast %squeeze3A_148 : i32 to vector<16xi32>
    %add3A_163 = arith.addi %mul3A_161, %add3A_162 : vector<16xi32>
    %broadcast_in_dim3A_164 = vector.shape_cast %add3A_163 : vector<16xi32> to vector<16x1xi32>
    %gather3A_165 = vector.shape_cast %broadcast_in_dim3A_164 : vector<16x1xi32> to vector<16xi32>
    %gather3A_166 = tpu.dynamic_gather %get3A_136[%gather3A_165] in [0] : vector<16xi32>, vector<16xi32> -> vector<16xi32>
    %slice3A_167 = vector.extract_strided_slice %gather3A_166 {offsets = [0], sizes = [1], strides = [1]} : vector<16xi32> to vector<1xi32>
    %squeeze3A_168 = vector.extract %slice3A_167[0] : i32 from vector<1xi32>
    %mul3A_169 = arith.constant 16 : i32
    %mul3A_170 = arith.muli %scan3A_131#1, %mul3A_169 : i32
    %add3A_171 = arith.addi %mul3A_170, %squeeze3A_148 : i32
    %sub3A_172 = arith.subi %squeeze3A_158, %squeeze3A_168 : i32
    %sub3A_173 = arith.constant 255 : i32
    %sub3A_174 = arith.subi %sub3A_173, %add3A_171 : i32
    %sub3A_175 = arith.subi %sub3A_81, %sub3A_172 : i32
    %mul3A_176 = arith.constant 0 : i32
    %mul3A_177 = vector.broadcast %mul3A_176 : i32 to vector<16xi32>
    %mul3A_178 = arith.muli %iota3A, %mul3A_177 : vector<16xi32>
    %add3A_179 = vector.broadcast %sub3A_174 : i32 to vector<16xi32>
    %add3A_180 = arith.addi %mul3A_178, %add3A_179 : vector<16xi32>
    %scan3A_181 = arith.constant 0 : i32
    %scan3A_182 = arith.constant 0 : i32
    %scan3A_183 = arith.constant 16 : i32
    %scan3A_184 = arith.addi %scan3A_182, %scan3A_183 : i32
    %scan3A_185 = arith.constant 1 : i32
    scf.for %scan3A_723 = %scan3A_182 to %scan3A_184 step %scan3A_185  : i32 {
      %mul3A_724 = arith.constant 16 : i32
      %mul3A_725 = arith.muli %scan3A_723, %mul3A_724 : i32
      %swap3A_726 = arith.index_cast %mul3A_725 : i32 to index
      %swap3A_727 = tpu.vector_load %arg9[%swap3A_726] {strides = array<i32>} : memref<2048xi32, #tpu.memory_space<vmem>>, vector<16xi32>,
      tpu.vector_store %arg9[%swap3A_726], %broadcast_in_dim3A_6 {strides = array<i32>} : memref<2048xi32, #tpu.memory_space<vmem>>, vector<16xi32>,
    }
    %scan3A_186 = arith.constant 16 : i32
    %while3A_187 = arith.constant 0 : i32
    %while3A_188 = arith.constant 0 : i32
    %while3A_189 = arith.subi %shift_right_logical3A_108, %while3A_188 : i32
    %while3A_190 = arith.addi %while3A_188, %while3A_189 : i32
    %while3A_191 = arith.constant 1 : i32
    %while3A_192 = arith.divsi %while3A_189, %while3A_191 : i32
    %while3A_193 = arith.muli %while3A_192, %while3A_191 : i32
    %while3A_194 = arith.addi %while3A_188, %while3A_193 : i32
    %while3A_195 = arith.constant 1 : i32
    scf.for %while3A_723 = %while3A_188 to %while3A_194 step %while3A_195  : i32 {
      %mul3A_724 = arith.constant 16 : i32
      %mul3A_725 = arith.muli %while3A_723, %mul3A_724 : i32
      %get3A_726 = arith.index_cast %mul3A_725 : i32 to index
      %get3A_727 = tpu.vector_load %arg8[%get3A_726] {strides = array<i32>} : memref<32784xi32, #tpu.memory_space<vmem>>, vector<16xi32>,
      %mul3A_728 = arith.constant 16 : i32
      %mul3A_729 = arith.muli %while3A_723, %mul3A_728 : i32
      %add3A_730 = vector.broadcast %mul3A_729 : i32 to vector<16xi32>
      %add3A_731 = arith.addi %add3A_730, %iota3A : vector<16xi32>
      %lt3A = arith.cmpi slt, %add3A_731, %add3A_105 : vector<16xi32>
      %shift_right_logical3A_732 = arith.constant 12 : i32
      %shift_right_logical3A_733 = vector.broadcast %shift_right_logical3A_732 : i32 to vector<16xi32>
      %shift_right_logical3A_734 = arith.shrui %get3A_727, %shift_right_logical3A_733 : vector<16xi32>
      %and3A = arith.constant 255 : i32
      %and3A_735 = vector.broadcast %and3A : i32 to vector<16xi32>
      %and3A_736 = arith.andi %shift_right_logical3A_734, %and3A_735 : vector<16xi32>
      %eq3A = arith.cmpi eq, %and3A_736, %add3A_180 : vector<16xi32>
      %and3A_737 = arith.andi %lt3A, %eq3A : vector<16xi1>
      %shift_right_logical3A_738 = arith.constant 4 : i32
      %shift_right_logical3A_739 = vector.broadcast %shift_right_logical3A_738 : i32 to vector<16xi32>
      %shift_right_logical3A_740 = arith.shrui %get3A_727, %shift_right_logical3A_739 : vector<16xi32>
      %and3A_741 = arith.constant 255 : i32
      %and3A_742 = vector.broadcast %and3A_741 : i32 to vector<16xi32>
      %and3A_743 = arith.andi %shift_right_logical3A_740, %and3A_742 : vector<16xi32>
      %sub3A_744 = arith.constant 255 : i32
      %sub3A_745 = vector.broadcast %sub3A_744 : i32 to vector<16xi32>
      %sub3A_746 = arith.subi %sub3A_745, %and3A_743 : vector<16xi32>
      tpu.vector_store_idx %arg9[%sub3A_746], %broadcast_in_dim3A_8 masked %and3A_737 {add = true} : memref<2048xi32, #tpu.memory_space<vmem>>[vector<16xi32>], vector<16xi32>, vector<16xi1>
    }
    %while3A_196 = arith.constant 1 : i32
    scf.for %while3A_723 = %while3A_194 to %while3A_190 step %while3A_196  : i32 {
      %mul3A_724 = arith.constant 16 : i32
      %mul3A_725 = arith.muli %while3A_723, %mul3A_724 : i32
      %get3A_726 = arith.index_cast %mul3A_725 : i32 to index
      %get3A_727 = tpu.vector_load %arg8[%get3A_726] {strides = array<i32>} : memref<32784xi32, #tpu.memory_space<vmem>>, vector<16xi32>,
      %mul3A_728 = arith.constant 16 : i32
      %mul3A_729 = arith.muli %while3A_723, %mul3A_728 : i32
      %add3A_730 = vector.broadcast %mul3A_729 : i32 to vector<16xi32>
      %add3A_731 = arith.addi %add3A_730, %iota3A : vector<16xi32>
      %lt3A = arith.cmpi slt, %add3A_731, %add3A_105 : vector<16xi32>
      %shift_right_logical3A_732 = arith.constant 12 : i32
      %shift_right_logical3A_733 = vector.broadcast %shift_right_logical3A_732 : i32 to vector<16xi32>
      %shift_right_logical3A_734 = arith.shrui %get3A_727, %shift_right_logical3A_733 : vector<16xi32>
      %and3A = arith.constant 255 : i32
      %and3A_735 = vector.broadcast %and3A : i32 to vector<16xi32>
      %and3A_736 = arith.andi %shift_right_logical3A_734, %and3A_735 : vector<16xi32>
      %eq3A = arith.cmpi eq, %and3A_736, %add3A_180 : vector<16xi32>
      %and3A_737 = arith.andi %lt3A, %eq3A : vector<16xi1>
      %shift_right_logical3A_738 = arith.constant 4 : i32
      %shift_right_logical3A_739 = vector.broadcast %shift_right_logical3A_738 : i32 to vector<16xi32>
      %shift_right_logical3A_740 = arith.shrui %get3A_727, %shift_right_logical3A_739 : vector<16xi32>
      %and3A_741 = arith.constant 255 : i32
      %and3A_742 = vector.broadcast %and3A_741 : i32 to vector<16xi32>
      %and3A_743 = arith.andi %shift_right_logical3A_740, %and3A_742 : vector<16xi32>
      %sub3A_744 = arith.constant 255 : i32
      %sub3A_745 = vector.broadcast %sub3A_744 : i32 to vector<16xi32>
      %sub3A_746 = arith.subi %sub3A_745, %and3A_743 : vector<16xi32>
      tpu.vector_store_idx %arg9[%sub3A_746], %broadcast_in_dim3A_8 masked %and3A_737 {add = true} : memref<2048xi32, #tpu.memory_space<vmem>>[vector<16xi32>], vector<16xi32>, vector<16xi1>
    }
    %scan3A_197 = arith.constant 0 : i32
    %scan3A_198 = arith.constant 0 : i32
    %scan3A_199 = arith.constant 0 : i32
    %scan3A_200 = arith.constant 0 : i32
    %scan3A_201 = arith.constant 2 : i32
    %scan3A_202 = arith.addi %scan3A_200, %scan3A_201 : i32
    %scan3A_203 = arith.constant 1 : i32
    %scan3A_204:3 = scf.for %scan3A_723 = %scan3A_200 to %scan3A_202 step %scan3A_203 iter_args(%scan3A_724 = %scan3A_197, %scan3A_725 = %scan3A_198, %scan3A_726 = %scan3A_199) -> (i32, i32, i32)  : i32 {
      %mul3A_727 = arith.constant 8 : i32
      %mul3A_728 = arith.muli %scan3A_723, %mul3A_727 : i32
      %add3A_729 = arith.constant 0 : i32
      %add3A_730 = arith.addi %mul3A_728, %add3A_729 : i32
      %mul3A_731 = arith.constant 16 : i32
      %mul3A_732 = arith.muli %add3A_730, %mul3A_731 : i32
      %get3A_733 = arith.index_cast %mul3A_732 : i32 to index
      %get3A_734 = tpu.vector_load %arg9[%get3A_733] {strides = array<i32>} : memref<2048xi32, #tpu.memory_space<vmem>>, vector<16xi32>,
      %broadcast_in_dim3A_735 = arith.constant true
      %broadcast_in_dim3A_736 = vector.broadcast %broadcast_in_dim3A_735 : i1 to vector<16xi1>
      %masked_cumsum3A_737 = tpu.scan <sum>, %get3A_734 masked %broadcast_in_dim3A_736 : vector<16xi32>, vector<16xi1> -> vector<16xi32>
      %slice3A_738 = vector.extract_strided_slice %masked_cumsum3A_737 {offsets = [15], sizes = [1], strides = [1]} : vector<16xi32> to vector<1xi32>
      %squeeze3A_739 = vector.extract %slice3A_738[0] : i32 from vector<1xi32>
      %mul3A_740 = arith.constant 8 : i32
      %mul3A_741 = arith.muli %scan3A_723, %mul3A_740 : i32
      %add3A_742 = arith.constant 1 : i32
      %add3A_743 = arith.addi %mul3A_741, %add3A_742 : i32
      %mul3A_744 = arith.constant 16 : i32
      %mul3A_745 = arith.muli %add3A_743, %mul3A_744 : i32
      %get3A_746 = arith.index_cast %mul3A_745 : i32 to index
      %get3A_747 = tpu.vector_load %arg9[%get3A_746] {strides = array<i32>} : memref<2048xi32, #tpu.memory_space<vmem>>, vector<16xi32>,
      %broadcast_in_dim3A_748 = arith.constant true
      %broadcast_in_dim3A_749 = vector.broadcast %broadcast_in_dim3A_748 : i1 to vector<16xi1>
      %masked_cumsum3A_750 = tpu.scan <sum>, %get3A_747 masked %broadcast_in_dim3A_749 : vector<16xi32>, vector<16xi1> -> vector<16xi32>
      %slice3A_751 = vector.extract_strided_slice %masked_cumsum3A_750 {offsets = [15], sizes = [1], strides = [1]} : vector<16xi32> to vector<1xi32>
      %squeeze3A_752 = vector.extract %slice3A_751[0] : i32 from vector<1xi32>
      %mul3A_753 = arith.constant 8 : i32
      %mul3A_754 = arith.muli %scan3A_723, %mul3A_753 : i32
      %add3A_755 = arith.constant 2 : i32
      %add3A_756 = arith.addi %mul3A_754, %add3A_755 : i32
      %mul3A_757 = arith.constant 16 : i32
      %mul3A_758 = arith.muli %add3A_756, %mul3A_757 : i32
      %get3A_759 = arith.index_cast %mul3A_758 : i32 to index
      %get3A_760 = tpu.vector_load %arg9[%get3A_759] {strides = array<i32>} : memref<2048xi32, #tpu.memory_space<vmem>>, vector<16xi32>,
      %broadcast_in_dim3A_761 = arith.constant true
      %broadcast_in_dim3A_762 = vector.broadcast %broadcast_in_dim3A_761 : i1 to vector<16xi1>
      %masked_cumsum3A_763 = tpu.scan <sum>, %get3A_760 masked %broadcast_in_dim3A_762 : vector<16xi32>, vector<16xi1> -> vector<16xi32>
      %slice3A_764 = vector.extract_strided_slice %masked_cumsum3A_763 {offsets = [15], sizes = [1], strides = [1]} : vector<16xi32> to vector<1xi32>
      %squeeze3A_765 = vector.extract %slice3A_764[0] : i32 from vector<1xi32>
      %mul3A_766 = arith.constant 8 : i32
      %mul3A_767 = arith.muli %scan3A_723, %mul3A_766 : i32
      %add3A_768 = arith.constant 3 : i32
      %add3A_769 = arith.addi %mul3A_767, %add3A_768 : i32
      %mul3A_770 = arith.constant 16 : i32
      %mul3A_771 = arith.muli %add3A_769, %mul3A_770 : i32
      %get3A_772 = arith.index_cast %mul3A_771 : i32 to index
      %get3A_773 = tpu.vector_load %arg9[%get3A_772] {strides = array<i32>} : memref<2048xi32, #tpu.memory_space<vmem>>, vector<16xi32>,
      %broadcast_in_dim3A_774 = arith.constant true
      %broadcast_in_dim3A_775 = vector.broadcast %broadcast_in_dim3A_774 : i1 to vector<16xi1>
      %masked_cumsum3A_776 = tpu.scan <sum>, %get3A_773 masked %broadcast_in_dim3A_775 : vector<16xi32>, vector<16xi1> -> vector<16xi32>
      %slice3A_777 = vector.extract_strided_slice %masked_cumsum3A_776 {offsets = [15], sizes = [1], strides = [1]} : vector<16xi32> to vector<1xi32>
      %squeeze3A_778 = vector.extract %slice3A_777[0] : i32 from vector<1xi32>
      %mul3A_779 = arith.constant 8 : i32
      %mul3A_780 = arith.muli %scan3A_723, %mul3A_779 : i32
      %add3A_781 = arith.constant 4 : i32
      %add3A_782 = arith.addi %mul3A_780, %add3A_781 : i32
      %mul3A_783 = arith.constant 16 : i32
      %mul3A_784 = arith.muli %add3A_782, %mul3A_783 : i32
      %get3A_785 = arith.index_cast %mul3A_784 : i32 to index
      %get3A_786 = tpu.vector_load %arg9[%get3A_785] {strides = array<i32>} : memref<2048xi32, #tpu.memory_space<vmem>>, vector<16xi32>,
      %broadcast_in_dim3A_787 = arith.constant true
      %broadcast_in_dim3A_788 = vector.broadcast %broadcast_in_dim3A_787 : i1 to vector<16xi1>
      %masked_cumsum3A_789 = tpu.scan <sum>, %get3A_786 masked %broadcast_in_dim3A_788 : vector<16xi32>, vector<16xi1> -> vector<16xi32>
      %slice3A_790 = vector.extract_strided_slice %masked_cumsum3A_789 {offsets = [15], sizes = [1], strides = [1]} : vector<16xi32> to vector<1xi32>
      %squeeze3A_791 = vector.extract %slice3A_790[0] : i32 from vector<1xi32>
      %mul3A_792 = arith.constant 8 : i32
      %mul3A_793 = arith.muli %scan3A_723, %mul3A_792 : i32
      %add3A_794 = arith.constant 5 : i32
      %add3A_795 = arith.addi %mul3A_793, %add3A_794 : i32
      %mul3A_796 = arith.constant 16 : i32
      %mul3A_797 = arith.muli %add3A_795, %mul3A_796 : i32
      %get3A_798 = arith.index_cast %mul3A_797 : i32 to index
      %get3A_799 = tpu.vector_load %arg9[%get3A_798] {strides = array<i32>} : memref<2048xi32, #tpu.memory_space<vmem>>, vector<16xi32>,
      %broadcast_in_dim3A_800 = arith.constant true
      %broadcast_in_dim3A_801 = vector.broadcast %broadcast_in_dim3A_800 : i1 to vector<16xi1>
      %masked_cumsum3A_802 = tpu.scan <sum>, %get3A_799 masked %broadcast_in_dim3A_801 : vector<16xi32>, vector<16xi1> -> vector<16xi32>
      %slice3A_803 = vector.extract_strided_slice %masked_cumsum3A_802 {offsets = [15], sizes = [1], strides = [1]} : vector<16xi32> to vector<1xi32>
      %squeeze3A_804 = vector.extract %slice3A_803[0] : i32 from vector<1xi32>
      %mul3A_805 = arith.constant 8 : i32
      %mul3A_806 = arith.muli %scan3A_723, %mul3A_805 : i32
      %add3A_807 = arith.constant 6 : i32
      %add3A_808 = arith.addi %mul3A_806, %add3A_807 : i32
      %mul3A_809 = arith.constant 16 : i32
      %mul3A_810 = arith.muli %add3A_808, %mul3A_809 : i32
      %get3A_811 = arith.index_cast %mul3A_810 : i32 to index
      %get3A_812 = tpu.vector_load %arg9[%get3A_811] {strides = array<i32>} : memref<2048xi32, #tpu.memory_space<vmem>>, vector<16xi32>,
      %broadcast_in_dim3A_813 = arith.constant true
      %broadcast_in_dim3A_814 = vector.broadcast %broadcast_in_dim3A_813 : i1 to vector<16xi1>
      %masked_cumsum3A_815 = tpu.scan <sum>, %get3A_812 masked %broadcast_in_dim3A_814 : vector<16xi32>, vector<16xi1> -> vector<16xi32>
      %slice3A_816 = vector.extract_strided_slice %masked_cumsum3A_815 {offsets = [15], sizes = [1], strides = [1]} : vector<16xi32> to vector<1xi32>
      %squeeze3A_817 = vector.extract %slice3A_816[0] : i32 from vector<1xi32>
      %mul3A_818 = arith.constant 8 : i32
      %mul3A_819 = arith.muli %scan3A_723, %mul3A_818 : i32
      %add3A_820 = arith.constant 7 : i32
      %add3A_821 = arith.addi %mul3A_819, %add3A_820 : i32
      %mul3A_822 = arith.constant 16 : i32
      %mul3A_823 = arith.muli %add3A_821, %mul3A_822 : i32
      %get3A_824 = arith.index_cast %mul3A_823 : i32 to index
      %get3A_825 = tpu.vector_load %arg9[%get3A_824] {strides = array<i32>} : memref<2048xi32, #tpu.memory_space<vmem>>, vector<16xi32>,
      %broadcast_in_dim3A_826 = arith.constant true
      %broadcast_in_dim3A_827 = vector.broadcast %broadcast_in_dim3A_826 : i1 to vector<16xi1>
      %masked_cumsum3A_828 = tpu.scan <sum>, %get3A_825 masked %broadcast_in_dim3A_827 : vector<16xi32>, vector<16xi1> -> vector<16xi32>
      %slice3A_829 = vector.extract_strided_slice %masked_cumsum3A_828 {offsets = [15], sizes = [1], strides = [1]} : vector<16xi32> to vector<1xi32>
      %squeeze3A_830 = vector.extract %slice3A_829[0] : i32 from vector<1xi32>
      %lt3A = arith.cmpi slt, %scan3A_724, %sub3A_175 : i32
      %add3A_831 = arith.addi %scan3A_724, %squeeze3A_739 : i32
      %ge3A_832 = arith.cmpi sge, %add3A_831, %sub3A_175 : i32
      %and3A = arith.andi %lt3A, %ge3A_832 : i1
      %mul3A_833 = arith.constant 8 : i32
      %mul3A_834 = arith.muli %scan3A_723, %mul3A_833 : i32
      %add3A_835 = arith.constant 0 : i32
      %add3A_836 = arith.addi %mul3A_834, %add3A_835 : i32
      %select_n3A = arith.select %and3A, %add3A_836, %scan3A_725 : i32
      %select_n3A_837 = arith.select %and3A, %scan3A_724, %scan3A_726 : i32
      %add3A_838 = arith.addi %scan3A_724, %squeeze3A_739 : i32
      %lt3A_839 = arith.cmpi slt, %add3A_838, %sub3A_175 : i32
      %add3A_840 = arith.addi %add3A_838, %squeeze3A_752 : i32
      %ge3A_841 = arith.cmpi sge, %add3A_840, %sub3A_175 : i32
      %and3A_842 = arith.andi %lt3A_839, %ge3A_841 : i1
      %mul3A_843 = arith.constant 8 : i32
      %mul3A_844 = arith.muli %scan3A_723, %mul3A_843 : i32
      %add3A_845 = arith.constant 1 : i32
      %add3A_846 = arith.addi %mul3A_844, %add3A_845 : i32
      %select_n3A_847 = arith.select %and3A_842, %add3A_846, %select_n3A : i32
      %select_n3A_848 = arith.select %and3A_842, %add3A_838, %select_n3A_837 : i32
      %add3A_849 = arith.addi %add3A_838, %squeeze3A_752 : i32
      %lt3A_850 = arith.cmpi slt, %add3A_849, %sub3A_175 : i32
      %add3A_851 = arith.addi %add3A_849, %squeeze3A_765 : i32
      %ge3A_852 = arith.cmpi sge, %add3A_851, %sub3A_175 : i32
      %and3A_853 = arith.andi %lt3A_850, %ge3A_852 : i1
      %mul3A_854 = arith.constant 8 : i32
      %mul3A_855 = arith.muli %scan3A_723, %mul3A_854 : i32
      %add3A_856 = arith.constant 2 : i32
      %add3A_857 = arith.addi %mul3A_855, %add3A_856 : i32
      %select_n3A_858 = arith.select %and3A_853, %add3A_857, %select_n3A_847 : i32
      %select_n3A_859 = arith.select %and3A_853, %add3A_849, %select_n3A_848 : i32
      %add3A_860 = arith.addi %add3A_849, %squeeze3A_765 : i32
      %lt3A_861 = arith.cmpi slt, %add3A_860, %sub3A_175 : i32
      %add3A_862 = arith.addi %add3A_860, %squeeze3A_778 : i32
      %ge3A_863 = arith.cmpi sge, %add3A_862, %sub3A_175 : i32
      %and3A_864 = arith.andi %lt3A_861, %ge3A_863 : i1
      %mul3A_865 = arith.constant 8 : i32
      %mul3A_866 = arith.muli %scan3A_723, %mul3A_865 : i32
      %add3A_867 = arith.constant 3 : i32
      %add3A_868 = arith.addi %mul3A_866, %add3A_867 : i32
      %select_n3A_869 = arith.select %and3A_864, %add3A_868, %select_n3A_858 : i32
      %select_n3A_870 = arith.select %and3A_864, %add3A_860, %select_n3A_859 : i32
      %add3A_871 = arith.addi %add3A_860, %squeeze3A_778 : i32
      %lt3A_872 = arith.cmpi slt, %add3A_871, %sub3A_175 : i32
      %add3A_873 = arith.addi %add3A_871, %squeeze3A_791 : i32
      %ge3A_874 = arith.cmpi sge, %add3A_873, %sub3A_175 : i32
      %and3A_875 = arith.andi %lt3A_872, %ge3A_874 : i1
      %mul3A_876 = arith.constant 8 : i32
      %mul3A_877 = arith.muli %scan3A_723, %mul3A_876 : i32
      %add3A_878 = arith.constant 4 : i32
      %add3A_879 = arith.addi %mul3A_877, %add3A_878 : i32
      %select_n3A_880 = arith.select %and3A_875, %add3A_879, %select_n3A_869 : i32
      %select_n3A_881 = arith.select %and3A_875, %add3A_871, %select_n3A_870 : i32
      %add3A_882 = arith.addi %add3A_871, %squeeze3A_791 : i32
      %lt3A_883 = arith.cmpi slt, %add3A_882, %sub3A_175 : i32
      %add3A_884 = arith.addi %add3A_882, %squeeze3A_804 : i32
      %ge3A_885 = arith.cmpi sge, %add3A_884, %sub3A_175 : i32
      %and3A_886 = arith.andi %lt3A_883, %ge3A_885 : i1
      %mul3A_887 = arith.constant 8 : i32
      %mul3A_888 = arith.muli %scan3A_723, %mul3A_887 : i32
      %add3A_889 = arith.constant 5 : i32
      %add3A_890 = arith.addi %mul3A_888, %add3A_889 : i32
      %select_n3A_891 = arith.select %and3A_886, %add3A_890, %select_n3A_880 : i32
      %select_n3A_892 = arith.select %and3A_886, %add3A_882, %select_n3A_881 : i32
      %add3A_893 = arith.addi %add3A_882, %squeeze3A_804 : i32
      %lt3A_894 = arith.cmpi slt, %add3A_893, %sub3A_175 : i32
      %add3A_895 = arith.addi %add3A_893, %squeeze3A_817 : i32
      %ge3A_896 = arith.cmpi sge, %add3A_895, %sub3A_175 : i32
      %and3A_897 = arith.andi %lt3A_894, %ge3A_896 : i1
      %mul3A_898 = arith.constant 8 : i32
      %mul3A_899 = arith.muli %scan3A_723, %mul3A_898 : i32
      %add3A_900 = arith.constant 6 : i32
      %add3A_901 = arith.addi %mul3A_899, %add3A_900 : i32
      %select_n3A_902 = arith.select %and3A_897, %add3A_901, %select_n3A_891 : i32
      %select_n3A_903 = arith.select %and3A_897, %add3A_893, %select_n3A_892 : i32
      %add3A_904 = arith.addi %add3A_893, %squeeze3A_817 : i32
      %lt3A_905 = arith.cmpi slt, %add3A_904, %sub3A_175 : i32
      %add3A_906 = arith.addi %add3A_904, %squeeze3A_830 : i32
      %ge3A_907 = arith.cmpi sge, %add3A_906, %sub3A_175 : i32
      %and3A_908 = arith.andi %lt3A_905, %ge3A_907 : i1
      %mul3A_909 = arith.constant 8 : i32
      %mul3A_910 = arith.muli %scan3A_723, %mul3A_909 : i32
      %add3A_911 = arith.constant 7 : i32
      %add3A_912 = arith.addi %mul3A_910, %add3A_911 : i32
      %select_n3A_913 = arith.select %and3A_908, %add3A_912, %select_n3A_902 : i32
      %select_n3A_914 = arith.select %and3A_908, %add3A_904, %select_n3A_903 : i32
      %add3A_915 = arith.addi %add3A_904, %squeeze3A_830 : i32
      scf.yield %add3A_915, %select_n3A_913, %select_n3A_914 : i32, i32, i32
    }
    %scan3A_205 = arith.constant 2 : i32
    %mul3A_206 = arith.constant 16 : i32
    %mul3A_207 = arith.muli %scan3A_204#1, %mul3A_206 : i32
    %get3A_208 = arith.index_cast %mul3A_207 : i32 to index
    %get3A_209 = tpu.vector_load %arg9[%get3A_208] {strides = array<i32>} : memref<2048xi32, #tpu.memory_space<vmem>>, vector<16xi32>,
    %broadcast_in_dim3A_210 = arith.constant true
    %broadcast_in_dim3A_211 = vector.broadcast %broadcast_in_dim3A_210 : i1 to vector<16xi1>
    %masked_cumsum3A_212 = tpu.scan <sum>, %get3A_209 masked %broadcast_in_dim3A_211 : vector<16xi32>, vector<16xi1> -> vector<16xi32>
    %add3A_213 = vector.broadcast %scan3A_204#2 : i32 to vector<16xi32>
    %add3A_214 = arith.addi %masked_cumsum3A_212, %add3A_213 : vector<16xi32>
    %ge3A_215 = vector.broadcast %sub3A_175 : i32 to vector<16xi32>
    %ge3A_216 = arith.cmpi sge, %add3A_214, %ge3A_215 : vector<16xi32>
    %not3A_217 = arith.constant dense<true> : vector<16xi1>
    %not3A_218 = arith.xori %ge3A_216, %not3A_217 : vector<16xi1>
    %all_reduce_population_count3A_219 = tpu.all_reduce %not3A_218 {dim = 0 : i64, kind = #tpu.reduction_kind<sum>} : vector<16xi1> -> vector<16xi32>
    %slice3A_220 = vector.extract_strided_slice %all_reduce_population_count3A_219 {offsets = [0], sizes = [1], strides = [1]} : vector<16xi32> to vector<1xi32>
    %squeeze3A_221 = vector.extract %slice3A_220[0] : i32 from vector<1xi32>
    %mul3A_222 = arith.constant 0 : i32
    %mul3A_223 = vector.broadcast %mul3A_222 : i32 to vector<16xi32>
    %mul3A_224 = arith.muli %iota3A, %mul3A_223 : vector<16xi32>
    %add3A_225 = vector.broadcast %squeeze3A_221 : i32 to vector<16xi32>
    %add3A_226 = arith.addi %mul3A_224, %add3A_225 : vector<16xi32>
    %broadcast_in_dim3A_227 = vector.shape_cast %add3A_226 : vector<16xi32> to vector<16x1xi32>
    %gather3A_228 = vector.shape_cast %broadcast_in_dim3A_227 : vector<16x1xi32> to vector<16xi32>
    %gather3A_229 = tpu.dynamic_gather %add3A_214[%gather3A_228] in [0] : vector<16xi32>, vector<16xi32> -> vector<16xi32>
    %slice3A_230 = vector.extract_strided_slice %gather3A_229 {offsets = [0], sizes = [1], strides = [1]} : vector<16xi32> to vector<1xi32>
    %squeeze3A_231 = vector.extract %slice3A_230[0] : i32 from vector<1xi32>
    %mul3A_232 = arith.constant 0 : i32
    %mul3A_233 = vector.broadcast %mul3A_232 : i32 to vector<16xi32>
    %mul3A_234 = arith.muli %iota3A, %mul3A_233 : vector<16xi32>
    %add3A_235 = vector.broadcast %squeeze3A_221 : i32 to vector<16xi32>
    %add3A_236 = arith.addi %mul3A_234, %add3A_235 : vector<16xi32>
    %broadcast_in_dim3A_237 = vector.shape_cast %add3A_236 : vector<16xi32> to vector<16x1xi32>
    %gather3A_238 = vector.shape_cast %broadcast_in_dim3A_237 : vector<16x1xi32> to vector<16xi32>
    %gather3A_239 = tpu.dynamic_gather %get3A_209[%gather3A_238] in [0] : vector<16xi32>, vector<16xi32> -> vector<16xi32>
    %slice3A_240 = vector.extract_strided_slice %gather3A_239 {offsets = [0], sizes = [1], strides = [1]} : vector<16xi32> to vector<1xi32>
    %squeeze3A_241 = vector.extract %slice3A_240[0] : i32 from vector<1xi32>
    %mul3A_242 = arith.constant 16 : i32
    %mul3A_243 = arith.muli %scan3A_204#1, %mul3A_242 : i32
    %add3A_244 = arith.addi %mul3A_243, %squeeze3A_221 : i32
    %sub3A_245 = arith.subi %squeeze3A_231, %squeeze3A_241 : i32
    %sub3A_246 = arith.constant 255 : i32
    %sub3A_247 = arith.subi %sub3A_246, %add3A_244 : i32
    %sub3A_248 = arith.subi %sub3A_175, %sub3A_245 : i32
    %mul3A_249 = arith.constant 0 : i32
    %mul3A_250 = vector.broadcast %mul3A_249 : i32 to vector<16xi32>
    %mul3A_251 = arith.muli %iota3A, %mul3A_250 : vector<16xi32>
    %add3A_252 = vector.broadcast %sub3A_247 : i32 to vector<16xi32>
    %add3A_253 = arith.addi %mul3A_251, %add3A_252 : vector<16xi32>
    %scan3A_254 = arith.constant 0 : i32
    %scan3A_255 = arith.constant 0 : i32
    %mul3A_256 = arith.constant 16 : i32
    %mul3A_257 = arith.muli %scan3A_255, %mul3A_256 : i32
    %swap3A = arith.index_cast %mul3A_257 : i32 to index
    %swap3A_258 = tpu.vector_load %arg9[%swap3A] {strides = array<i32>} : memref<2048xi32, #tpu.memory_space<vmem>>, vector<16xi32>,
    tpu.vector_store %arg9[%swap3A], %broadcast_in_dim3A_6 {strides = array<i32>} : memref<2048xi32, #tpu.memory_space<vmem>>, vector<16xi32>,
    %scan3A_259 = arith.constant 1 : i32
    %while3A_260 = arith.constant 0 : i32
    %while3A_261 = arith.constant 0 : i32
    %while3A_262 = arith.subi %shift_right_logical3A_108, %while3A_261 : i32
    %while3A_263 = arith.addi %while3A_261, %while3A_262 : i32
    %while3A_264 = arith.constant 1 : i32
    %while3A_265 = arith.divsi %while3A_262, %while3A_264 : i32
    %while3A_266 = arith.muli %while3A_265, %while3A_264 : i32
    %while3A_267 = arith.addi %while3A_261, %while3A_266 : i32
    %while3A_268 = arith.constant 1 : i32
    scf.for %while3A_723 = %while3A_261 to %while3A_267 step %while3A_268  : i32 {
      %mul3A_724 = arith.constant 16 : i32
      %mul3A_725 = arith.muli %while3A_723, %mul3A_724 : i32
      %get3A_726 = arith.index_cast %mul3A_725 : i32 to index
      %get3A_727 = tpu.vector_load %arg8[%get3A_726] {strides = array<i32>} : memref<32784xi32, #tpu.memory_space<vmem>>, vector<16xi32>,
      %mul3A_728 = arith.constant 16 : i32
      %mul3A_729 = arith.muli %while3A_723, %mul3A_728 : i32
      %add3A_730 = vector.broadcast %mul3A_729 : i32 to vector<16xi32>
      %add3A_731 = arith.addi %add3A_730, %iota3A : vector<16xi32>
      %lt3A = arith.cmpi slt, %add3A_731, %add3A_105 : vector<16xi32>
      %shift_right_logical3A_732 = arith.constant 12 : i32
      %shift_right_logical3A_733 = vector.broadcast %shift_right_logical3A_732 : i32 to vector<16xi32>
      %shift_right_logical3A_734 = arith.shrui %get3A_727, %shift_right_logical3A_733 : vector<16xi32>
      %and3A = arith.constant 255 : i32
      %and3A_735 = vector.broadcast %and3A : i32 to vector<16xi32>
      %and3A_736 = arith.andi %shift_right_logical3A_734, %and3A_735 : vector<16xi32>
      %eq3A = arith.cmpi eq, %and3A_736, %add3A_180 : vector<16xi32>
      %and3A_737 = arith.andi %lt3A, %eq3A : vector<16xi1>
      %shift_right_logical3A_738 = arith.constant 4 : i32
      %shift_right_logical3A_739 = vector.broadcast %shift_right_logical3A_738 : i32 to vector<16xi32>
      %shift_right_logical3A_740 = arith.shrui %get3A_727, %shift_right_logical3A_739 : vector<16xi32>
      %and3A_741 = arith.constant 255 : i32
      %and3A_742 = vector.broadcast %and3A_741 : i32 to vector<16xi32>
      %and3A_743 = arith.andi %shift_right_logical3A_740, %and3A_742 : vector<16xi32>
      %eq3A_744 = arith.cmpi eq, %and3A_743, %add3A_253 : vector<16xi32>
      %and3A_745 = arith.andi %and3A_737, %eq3A_744 : vector<16xi1>
      %and3A_746 = arith.constant 15 : i32
      %and3A_747 = vector.broadcast %and3A_746 : i32 to vector<16xi32>
      %and3A_748 = arith.andi %get3A_727, %and3A_747 : vector<16xi32>
      %sub3A_749 = arith.constant 15 : i32
      %sub3A_750 = vector.broadcast %sub3A_749 : i32 to vector<16xi32>
      %sub3A_751 = arith.subi %sub3A_750, %and3A_748 : vector<16xi32>
      tpu.vector_store_idx %arg9[%sub3A_751], %broadcast_in_dim3A_8 masked %and3A_745 {add = true} : memref<2048xi32, #tpu.memory_space<vmem>>[vector<16xi32>], vector<16xi32>, vector<16xi1>
    }
    %while3A_269 = arith.constant 1 : i32
    scf.for %while3A_723 = %while3A_267 to %while3A_263 step %while3A_269  : i32 {
      %mul3A_724 = arith.constant 16 : i32
      %mul3A_725 = arith.muli %while3A_723, %mul3A_724 : i32
      %get3A_726 = arith.index_cast %mul3A_725 : i32 to index
      %get3A_727 = tpu.vector_load %arg8[%get3A_726] {strides = array<i32>} : memref<32784xi32, #tpu.memory_space<vmem>>, vector<16xi32>,
      %mul3A_728 = arith.constant 16 : i32
      %mul3A_729 = arith.muli %while3A_723, %mul3A_728 : i32
      %add3A_730 = vector.broadcast %mul3A_729 : i32 to vector<16xi32>
      %add3A_731 = arith.addi %add3A_730, %iota3A : vector<16xi32>
      %lt3A = arith.cmpi slt, %add3A_731, %add3A_105 : vector<16xi32>
      %shift_right_logical3A_732 = arith.constant 12 : i32
      %shift_right_logical3A_733 = vector.broadcast %shift_right_logical3A_732 : i32 to vector<16xi32>
      %shift_right_logical3A_734 = arith.shrui %get3A_727, %shift_right_logical3A_733 : vector<16xi32>
      %and3A = arith.constant 255 : i32
      %and3A_735 = vector.broadcast %and3A : i32 to vector<16xi32>
      %and3A_736 = arith.andi %shift_right_logical3A_734, %and3A_735 : vector<16xi32>
      %eq3A = arith.cmpi eq, %and3A_736, %add3A_180 : vector<16xi32>
      %and3A_737 = arith.andi %lt3A, %eq3A : vector<16xi1>
      %shift_right_logical3A_738 = arith.constant 4 : i32
      %shift_right_logical3A_739 = vector.broadcast %shift_right_logical3A_738 : i32 to vector<16xi32>
      %shift_right_logical3A_740 = arith.shrui %get3A_727, %shift_right_logical3A_739 : vector<16xi32>
      %and3A_741 = arith.constant 255 : i32
      %and3A_742 = vector.broadcast %and3A_741 : i32 to vector<16xi32>
      %and3A_743 = arith.andi %shift_right_logical3A_740, %and3A_742 : vector<16xi32>
      %eq3A_744 = arith.cmpi eq, %and3A_743, %add3A_253 : vector<16xi32>
      %and3A_745 = arith.andi %and3A_737, %eq3A_744 : vector<16xi1>
      %and3A_746 = arith.constant 15 : i32
      %and3A_747 = vector.broadcast %and3A_746 : i32 to vector<16xi32>
      %and3A_748 = arith.andi %get3A_727, %and3A_747 : vector<16xi32>
      %sub3A_749 = arith.constant 15 : i32
      %sub3A_750 = vector.broadcast %sub3A_749 : i32 to vector<16xi32>
      %sub3A_751 = arith.subi %sub3A_750, %and3A_748 : vector<16xi32>
      tpu.vector_store_idx %arg9[%sub3A_751], %broadcast_in_dim3A_8 masked %and3A_745 {add = true} : memref<2048xi32, #tpu.memory_space<vmem>>[vector<16xi32>], vector<16xi32>, vector<16xi1>
    }
    %mul3A_270 = arith.constant 0 : i32
    %mul3A_271 = arith.constant 16 : i32
    %mul3A_272 = arith.muli %mul3A_270, %mul3A_271 : i32
    %get3A_273 = arith.index_cast %mul3A_272 : i32 to index
    %get3A_274 = tpu.vector_load %arg9[%get3A_273] {strides = array<i32>} : memref<2048xi32, #tpu.memory_space<vmem>>, vector<16xi32>,
    %broadcast_in_dim3A_275 = arith.constant true
    %broadcast_in_dim3A_276 = vector.broadcast %broadcast_in_dim3A_275 : i1 to vector<16xi1>
    %masked_cumsum3A_277 = tpu.scan <sum>, %get3A_274 masked %broadcast_in_dim3A_276 : vector<16xi32>, vector<16xi1> -> vector<16xi32>
    %add3A_278 = arith.constant 0 : i32
    %add3A_279 = vector.broadcast %add3A_278 : i32 to vector<16xi32>
    %add3A_280 = arith.addi %masked_cumsum3A_277, %add3A_279 : vector<16xi32>
    %ge3A_281 = vector.broadcast %sub3A_248 : i32 to vector<16xi32>
    %ge3A_282 = arith.cmpi sge, %add3A_280, %ge3A_281 : vector<16xi32>
    %not3A_283 = arith.constant dense<true> : vector<16xi1>
    %not3A_284 = arith.xori %ge3A_282, %not3A_283 : vector<16xi1>
    %all_reduce_population_count3A_285 = tpu.all_reduce %not3A_284 {dim = 0 : i64, kind = #tpu.reduction_kind<sum>} : vector<16xi1> -> vector<16xi32>
    %slice3A_286 = vector.extract_strided_slice %all_reduce_population_count3A_285 {offsets = [0], sizes = [1], strides = [1]} : vector<16xi32> to vector<1xi32>
    %squeeze3A_287 = vector.extract %slice3A_286[0] : i32 from vector<1xi32>
    %mul3A_288 = arith.constant 0 : i32
    %mul3A_289 = vector.broadcast %mul3A_288 : i32 to vector<16xi32>
    %mul3A_290 = arith.muli %iota3A, %mul3A_289 : vector<16xi32>
    %add3A_291 = vector.broadcast %squeeze3A_287 : i32 to vector<16xi32>
    %add3A_292 = arith.addi %mul3A_290, %add3A_291 : vector<16xi32>
    %broadcast_in_dim3A_293 = vector.shape_cast %add3A_292 : vector<16xi32> to vector<16x1xi32>
    %gather3A_294 = vector.shape_cast %broadcast_in_dim3A_293 : vector<16x1xi32> to vector<16xi32>
    %gather3A_295 = tpu.dynamic_gather %add3A_280[%gather3A_294] in [0] : vector<16xi32>, vector<16xi32> -> vector<16xi32>
    %slice3A_296 = vector.extract_strided_slice %gather3A_295 {offsets = [0], sizes = [1], strides = [1]} : vector<16xi32> to vector<1xi32>
    %squeeze3A_297 = vector.extract %slice3A_296[0] : i32 from vector<1xi32>
    %mul3A_298 = arith.constant 0 : i32
    %mul3A_299 = vector.broadcast %mul3A_298 : i32 to vector<16xi32>
    %mul3A_300 = arith.muli %iota3A, %mul3A_299 : vector<16xi32>
    %add3A_301 = vector.broadcast %squeeze3A_287 : i32 to vector<16xi32>
    %add3A_302 = arith.addi %mul3A_300, %add3A_301 : vector<16xi32>
    %broadcast_in_dim3A_303 = vector.shape_cast %add3A_302 : vector<16xi32> to vector<16x1xi32>
    %gather3A_304 = vector.shape_cast %broadcast_in_dim3A_303 : vector<16x1xi32> to vector<16xi32>
    %gather3A_305 = tpu.dynamic_gather %get3A_274[%gather3A_304] in [0] : vector<16xi32>, vector<16xi32> -> vector<16xi32>
    %slice3A_306 = vector.extract_strided_slice %gather3A_305 {offsets = [0], sizes = [1], strides = [1]} : vector<16xi32> to vector<1xi32>
    %squeeze3A_307 = vector.extract %slice3A_306[0] : i32 from vector<1xi32>
    %mul3A_308 = arith.constant 0 : i32
    %mul3A_309 = arith.constant 16 : i32
    %mul3A_310 = arith.muli %mul3A_308, %mul3A_309 : i32
    %add3A_311 = arith.addi %mul3A_310, %squeeze3A_287 : i32
    %sub3A_312 = arith.subi %squeeze3A_297, %squeeze3A_307 : i32
    %sub3A_313 = arith.constant 15 : i32
    %sub3A_314 = arith.subi %sub3A_313, %add3A_311 : i32
    %shift_left3A = arith.constant 20 : i32
    %shift_left3A_315 = arith.shli %sub3A_80, %shift_left3A : i32
    %shift_left3A_316 = arith.constant 12 : i32
    %shift_left3A_317 = arith.shli %sub3A_174, %shift_left3A_316 : i32
    %or3A = arith.ori %shift_left3A_315, %shift_left3A_317 : i32
    %shift_left3A_318 = arith.constant 4 : i32
    %shift_left3A_319 = arith.shli %sub3A_247, %shift_left3A_318 : i32
    %or3A_320 = arith.ori %or3A, %shift_left3A_319 : i32
    %or3A_321 = arith.ori %or3A_320, %sub3A_314 : i32
    %mul3A_322 = arith.constant 0 : i32
    %mul3A_323 = vector.broadcast %mul3A_322 : i32 to vector<16xi32>
    %mul3A_324 = arith.muli %iota3A, %mul3A_323 : vector<16xi32>
    %add3A_325 = vector.broadcast %or3A_321 : i32 to vector<16xi32>
    %add3A_326 = arith.addi %mul3A_324, %add3A_325 : vector<16xi32>
    %scan3A_327 = arith.constant 0 : i32
    %scan3A_328 = arith.constant 0 : i32
    %scan3A_329 = arith.constant 128 : i32
    %scan3A_330 = arith.addi %scan3A_328, %scan3A_329 : i32
    %scan3A_331 = arith.constant 1 : i32
    scf.for %scan3A_723 = %scan3A_328 to %scan3A_330 step %scan3A_331  : i32 {
      %mul3A_724 = arith.constant 16 : i32
      %mul3A_725 = arith.muli %scan3A_723, %mul3A_724 : i32
      %add3A_726 = arith.constant 0 : i32
      %add3A_727 = arith.addi %mul3A_725, %add3A_726 : i32
      %mul3A_728 = arith.constant 16 : i32
      %mul3A_729 = arith.muli %add3A_727, %mul3A_728 : i32
      %get3A_730 = arith.index_cast %mul3A_729 : i32 to index
      %get3A_731 = tpu.vector_load %arg6[%get3A_730] {strides = array<i32>} : memref<32768xf32, #tpu.memory_space<vmem>>, vector<16xf32>,
      %bitcast_convert_type3A = tpu.bitcast %get3A_731 : vector<16xf32> -> vector<16xi32>
      %and3A = arith.constant 2147483647 : i32
      %and3A_732 = vector.broadcast %and3A : i32 to vector<16xi32>
      %and3A_733 = arith.andi %bitcast_convert_type3A, %and3A_732 : vector<16xi32>
      %ge3A_734 = arith.cmpi sge, %and3A_733, %add3A_326 : vector<16xi32>
      %jit3A = arith.constant 0.000000e+00 : f32
      %broadcast_in_dim3A_735 = vector.broadcast %jit3A : f32 to vector<16xf32>
      %select_n3A = arith.select %ge3A_734, %get3A_731, %broadcast_in_dim3A_735 : vector<16xi1>, vector<16xf32>
      %swap3A_736 = arith.index_cast %mul3A_729 : i32 to index
      %swap3A_737 = tpu.vector_load %arg6[%swap3A_736] {strides = array<i32>} : memref<32768xf32, #tpu.memory_space<vmem>>, vector<16xf32>,
      tpu.vector_store %arg6[%swap3A_736], %select_n3A {strides = array<i32>} : memref<32768xf32, #tpu.memory_space<vmem>>, vector<16xf32>,
      %jit3A_738 = arith.constant 1065353216 : i32
      %jit3A_739 = arith.constant 0 : i32
      %broadcast_in_dim3A_740 = vector.broadcast %jit3A_738 : i32 to vector<16xi32>
      %broadcast_in_dim3A_741 = vector.broadcast %jit3A_739 : i32 to vector<16xi32>
      %select_n3A_742 = arith.select %ge3A_734, %broadcast_in_dim3A_740, %broadcast_in_dim3A_741 : vector<16xi1>, vector<16xi32>
      %swap3A_743 = arith.index_cast %mul3A_729 : i32 to index
      %swap3A_744 = tpu.vector_load %arg8[%swap3A_743] {strides = array<i32>} : memref<32784xi32, #tpu.memory_space<vmem>>, vector<16xi32>,
      tpu.vector_store %arg8[%swap3A_743], %select_n3A_742 {strides = array<i32>} : memref<32784xi32, #tpu.memory_space<vmem>>, vector<16xi32>,
      %mul3A_745 = arith.constant 16 : i32
      %mul3A_746 = arith.muli %scan3A_723, %mul3A_745 : i32
      %add3A_747 = arith.constant 1 : i32
      %add3A_748 = arith.addi %mul3A_746, %add3A_747 : i32
      %mul3A_749 = arith.constant 16 : i32
      %mul3A_750 = arith.muli %add3A_748, %mul3A_749 : i32
      %get3A_751 = arith.index_cast %mul3A_750 : i32 to index
      %get3A_752 = tpu.vector_load %arg6[%get3A_751] {strides = array<i32>} : memref<32768xf32, #tpu.memory_space<vmem>>, vector<16xf32>,
      %bitcast_convert_type3A_753 = tpu.bitcast %get3A_752 : vector<16xf32> -> vector<16xi32>
      %and3A_754 = arith.constant 2147483647 : i32
      %and3A_755 = vector.broadcast %and3A_754 : i32 to vector<16xi32>
      %and3A_756 = arith.andi %bitcast_convert_type3A_753, %and3A_755 : vector<16xi32>
      %ge3A_757 = arith.cmpi sge, %and3A_756, %add3A_326 : vector<16xi32>
      %jit3A_758 = arith.constant 0.000000e+00 : f32
      %broadcast_in_dim3A_759 = vector.broadcast %jit3A_758 : f32 to vector<16xf32>
      %select_n3A_760 = arith.select %ge3A_757, %get3A_752, %broadcast_in_dim3A_759 : vector<16xi1>, vector<16xf32>
      %swap3A_761 = arith.index_cast %mul3A_750 : i32 to index
      %swap3A_762 = tpu.vector_load %arg6[%swap3A_761] {strides = array<i32>} : memref<32768xf32, #tpu.memory_space<vmem>>, vector<16xf32>,
      tpu.vector_store %arg6[%swap3A_761], %select_n3A_760 {strides = array<i32>} : memref<32768xf32, #tpu.memory_space<vmem>>, vector<16xf32>,
      %jit3A_763 = arith.constant 1065353216 : i32
      %jit3A_764 = arith.constant 0 : i32
      %broadcast_in_dim3A_765 = vector.broadcast %jit3A_763 : i32 to vector<16xi32>
      %broadcast_in_dim3A_766 = vector.broadcast %jit3A_764 : i32 to vector<16xi32>
      %select_n3A_767 = arith.select %ge3A_757, %broadcast_in_dim3A_765, %broadcast_in_dim3A_766 : vector<16xi1>, vector<16xi32>
      %swap3A_768 = arith.index_cast %mul3A_750 : i32 to index
      %swap3A_769 = tpu.vector_load %arg8[%swap3A_768] {strides = array<i32>} : memref<32784xi32, #tpu.memory_space<vmem>>, vector<16xi32>,
      tpu.vector_store %arg8[%swap3A_768], %select_n3A_767 {strides = array<i32>} : memref<32784xi32, #tpu.memory_space<vmem>>, vector<16xi32>,
      %mul3A_770 = arith.constant 16 : i32
      %mul3A_771 = arith.muli %scan3A_723, %mul3A_770 : i32
      %add3A_772 = arith.constant 2 : i32
      %add3A_773 = arith.addi %mul3A_771, %add3A_772 : i32
      %mul3A_774 = arith.constant 16 : i32
      %mul3A_775 = arith.muli %add3A_773, %mul3A_774 : i32
      %get3A_776 = arith.index_cast %mul3A_775 : i32 to index
      %get3A_777 = tpu.vector_load %arg6[%get3A_776] {strides = array<i32>} : memref<32768xf32, #tpu.memory_space<vmem>>, vector<16xf32>,
      %bitcast_convert_type3A_778 = tpu.bitcast %get3A_777 : vector<16xf32> -> vector<16xi32>
      %and3A_779 = arith.constant 2147483647 : i32
      %and3A_780 = vector.broadcast %and3A_779 : i32 to vector<16xi32>
      %and3A_781 = arith.andi %bitcast_convert_type3A_778, %and3A_780 : vector<16xi32>
      %ge3A_782 = arith.cmpi sge, %and3A_781, %add3A_326 : vector<16xi32>
      %jit3A_783 = arith.constant 0.000000e+00 : f32
      %broadcast_in_dim3A_784 = vector.broadcast %jit3A_783 : f32 to vector<16xf32>
      %select_n3A_785 = arith.select %ge3A_782, %get3A_777, %broadcast_in_dim3A_784 : vector<16xi1>, vector<16xf32>
      %swap3A_786 = arith.index_cast %mul3A_775 : i32 to index
      %swap3A_787 = tpu.vector_load %arg6[%swap3A_786] {strides = array<i32>} : memref<32768xf32, #tpu.memory_space<vmem>>, vector<16xf32>,
      tpu.vector_store %arg6[%swap3A_786], %select_n3A_785 {strides = array<i32>} : memref<32768xf32, #tpu.memory_space<vmem>>, vector<16xf32>,
      %jit3A_788 = arith.constant 1065353216 : i32
      %jit3A_789 = arith.constant 0 : i32
      %broadcast_in_dim3A_790 = vector.broadcast %jit3A_788 : i32 to vector<16xi32>
      %broadcast_in_dim3A_791 = vector.broadcast %jit3A_789 : i32 to vector<16xi32>
      %select_n3A_792 = arith.select %ge3A_782, %broadcast_in_dim3A_790, %broadcast_in_dim3A_791 : vector<16xi1>, vector<16xi32>
      %swap3A_793 = arith.index_cast %mul3A_775 : i32 to index
      %swap3A_794 = tpu.vector_load %arg8[%swap3A_793] {strides = array<i32>} : memref<32784xi32, #tpu.memory_space<vmem>>, vector<16xi32>,
      tpu.vector_store %arg8[%swap3A_793], %select_n3A_792 {strides = array<i32>} : memref<32784xi32, #tpu.memory_space<vmem>>, vector<16xi32>,
      %mul3A_795 = arith.constant 16 : i32
      %mul3A_796 = arith.muli %scan3A_723, %mul3A_795 : i32
      %add3A_797 = arith.constant 3 : i32
      %add3A_798 = arith.addi %mul3A_796, %add3A_797 : i32
      %mul3A_799 = arith.constant 16 : i32
      %mul3A_800 = arith.muli %add3A_798, %mul3A_799 : i32
      %get3A_801 = arith.index_cast %mul3A_800 : i32 to index
      %get3A_802 = tpu.vector_load %arg6[%get3A_801] {strides = array<i32>} : memref<32768xf32, #tpu.memory_space<vmem>>, vector<16xf32>,
      %bitcast_convert_type3A_803 = tpu.bitcast %get3A_802 : vector<16xf32> -> vector<16xi32>
      %and3A_804 = arith.constant 2147483647 : i32
      %and3A_805 = vector.broadcast %and3A_804 : i32 to vector<16xi32>
      %and3A_806 = arith.andi %bitcast_convert_type3A_803, %and3A_805 : vector<16xi32>
      %ge3A_807 = arith.cmpi sge, %and3A_806, %add3A_326 : vector<16xi32>
      %jit3A_808 = arith.constant 0.000000e+00 : f32
      %broadcast_in_dim3A_809 = vector.broadcast %jit3A_808 : f32 to vector<16xf32>
      %select_n3A_810 = arith.select %ge3A_807, %get3A_802, %broadcast_in_dim3A_809 : vector<16xi1>, vector<16xf32>
      %swap3A_811 = arith.index_cast %mul3A_800 : i32 to index
      %swap3A_812 = tpu.vector_load %arg6[%swap3A_811] {strides = array<i32>} : memref<32768xf32, #tpu.memory_space<vmem>>, vector<16xf32>,
      tpu.vector_store %arg6[%swap3A_811], %select_n3A_810 {strides = array<i32>} : memref<32768xf32, #tpu.memory_space<vmem>>, vector<16xf32>,
      %jit3A_813 = arith.constant 1065353216 : i32
      %jit3A_814 = arith.constant 0 : i32
      %broadcast_in_dim3A_815 = vector.broadcast %jit3A_813 : i32 to vector<16xi32>
      %broadcast_in_dim3A_816 = vector.broadcast %jit3A_814 : i32 to vector<16xi32>
      %select_n3A_817 = arith.select %ge3A_807, %broadcast_in_dim3A_815, %broadcast_in_dim3A_816 : vector<16xi1>, vector<16xi32>
      %swap3A_818 = arith.index_cast %mul3A_800 : i32 to index
      %swap3A_819 = tpu.vector_load %arg8[%swap3A_818] {strides = array<i32>} : memref<32784xi32, #tpu.memory_space<vmem>>, vector<16xi32>,
      tpu.vector_store %arg8[%swap3A_818], %select_n3A_817 {strides = array<i32>} : memref<32784xi32, #tpu.memory_space<vmem>>, vector<16xi32>,
      %mul3A_820 = arith.constant 16 : i32
      %mul3A_821 = arith.muli %scan3A_723, %mul3A_820 : i32
      %add3A_822 = arith.constant 4 : i32
      %add3A_823 = arith.addi %mul3A_821, %add3A_822 : i32
      %mul3A_824 = arith.constant 16 : i32
      %mul3A_825 = arith.muli %add3A_823, %mul3A_824 : i32
      %get3A_826 = arith.index_cast %mul3A_825 : i32 to index
      %get3A_827 = tpu.vector_load %arg6[%get3A_826] {strides = array<i32>} : memref<32768xf32, #tpu.memory_space<vmem>>, vector<16xf32>,
      %bitcast_convert_type3A_828 = tpu.bitcast %get3A_827 : vector<16xf32> -> vector<16xi32>
      %and3A_829 = arith.constant 2147483647 : i32
      %and3A_830 = vector.broadcast %and3A_829 : i32 to vector<16xi32>
      %and3A_831 = arith.andi %bitcast_convert_type3A_828, %and3A_830 : vector<16xi32>
      %ge3A_832 = arith.cmpi sge, %and3A_831, %add3A_326 : vector<16xi32>
      %jit3A_833 = arith.constant 0.000000e+00 : f32
      %broadcast_in_dim3A_834 = vector.broadcast %jit3A_833 : f32 to vector<16xf32>
      %select_n3A_835 = arith.select %ge3A_832, %get3A_827, %broadcast_in_dim3A_834 : vector<16xi1>, vector<16xf32>
      %swap3A_836 = arith.index_cast %mul3A_825 : i32 to index
      %swap3A_837 = tpu.vector_load %arg6[%swap3A_836] {strides = array<i32>} : memref<32768xf32, #tpu.memory_space<vmem>>, vector<16xf32>,
      tpu.vector_store %arg6[%swap3A_836], %select_n3A_835 {strides = array<i32>} : memref<32768xf32, #tpu.memory_space<vmem>>, vector<16xf32>,
      %jit3A_838 = arith.constant 1065353216 : i32
      %jit3A_839 = arith.constant 0 : i32
      %broadcast_in_dim3A_840 = vector.broadcast %jit3A_838 : i32 to vector<16xi32>
      %broadcast_in_dim3A_841 = vector.broadcast %jit3A_839 : i32 to vector<16xi32>
      %select_n3A_842 = arith.select %ge3A_832, %broadcast_in_dim3A_840, %broadcast_in_dim3A_841 : vector<16xi1>, vector<16xi32>
      %swap3A_843 = arith.index_cast %mul3A_825 : i32 to index
      %swap3A_844 = tpu.vector_load %arg8[%swap3A_843] {strides = array<i32>} : memref<32784xi32, #tpu.memory_space<vmem>>, vector<16xi32>,
      tpu.vector_store %arg8[%swap3A_843], %select_n3A_842 {strides = array<i32>} : memref<32784xi32, #tpu.memory_space<vmem>>, vector<16xi32>,
      %mul3A_845 = arith.constant 16 : i32
      %mul3A_846 = arith.muli %scan3A_723, %mul3A_845 : i32
      %add3A_847 = arith.constant 5 : i32
      %add3A_848 = arith.addi %mul3A_846, %add3A_847 : i32
      %mul3A_849 = arith.constant 16 : i32
      %mul3A_850 = arith.muli %add3A_848, %mul3A_849 : i32
      %get3A_851 = arith.index_cast %mul3A_850 : i32 to index
      %get3A_852 = tpu.vector_load %arg6[%get3A_851] {strides = array<i32>} : memref<32768xf32, #tpu.memory_space<vmem>>, vector<16xf32>,
      %bitcast_convert_type3A_853 = tpu.bitcast %get3A_852 : vector<16xf32> -> vector<16xi32>
      %and3A_854 = arith.constant 2147483647 : i32
      %and3A_855 = vector.broadcast %and3A_854 : i32 to vector<16xi32>
      %and3A_856 = arith.andi %bitcast_convert_type3A_853, %and3A_855 : vector<16xi32>
      %ge3A_857 = arith.cmpi sge, %and3A_856, %add3A_326 : vector<16xi32>
      %jit3A_858 = arith.constant 0.000000e+00 : f32
      %broadcast_in_dim3A_859 = vector.broadcast %jit3A_858 : f32 to vector<16xf32>
      %select_n3A_860 = arith.select %ge3A_857, %get3A_852, %broadcast_in_dim3A_859 : vector<16xi1>, vector<16xf32>
      %swap3A_861 = arith.index_cast %mul3A_850 : i32 to index
      %swap3A_862 = tpu.vector_load %arg6[%swap3A_861] {strides = array<i32>} : memref<32768xf32, #tpu.memory_space<vmem>>, vector<16xf32>,
      tpu.vector_store %arg6[%swap3A_861], %select_n3A_860 {strides = array<i32>} : memref<32768xf32, #tpu.memory_space<vmem>>, vector<16xf32>,
      %jit3A_863 = arith.constant 1065353216 : i32
      %jit3A_864 = arith.constant 0 : i32
      %broadcast_in_dim3A_865 = vector.broadcast %jit3A_863 : i32 to vector<16xi32>
      %broadcast_in_dim3A_866 = vector.broadcast %jit3A_864 : i32 to vector<16xi32>
      %select_n3A_867 = arith.select %ge3A_857, %broadcast_in_dim3A_865, %broadcast_in_dim3A_866 : vector<16xi1>, vector<16xi32>
      %swap3A_868 = arith.index_cast %mul3A_850 : i32 to index
      %swap3A_869 = tpu.vector_load %arg8[%swap3A_868] {strides = array<i32>} : memref<32784xi32, #tpu.memory_space<vmem>>, vector<16xi32>,
      tpu.vector_store %arg8[%swap3A_868], %select_n3A_867 {strides = array<i32>} : memref<32784xi32, #tpu.memory_space<vmem>>, vector<16xi32>,
      %mul3A_870 = arith.constant 16 : i32
      %mul3A_871 = arith.muli %scan3A_723, %mul3A_870 : i32
      %add3A_872 = arith.constant 6 : i32
      %add3A_873 = arith.addi %mul3A_871, %add3A_872 : i32
      %mul3A_874 = arith.constant 16 : i32
      %mul3A_875 = arith.muli %add3A_873, %mul3A_874 : i32
      %get3A_876 = arith.index_cast %mul3A_875 : i32 to index
      %get3A_877 = tpu.vector_load %arg6[%get3A_876] {strides = array<i32>} : memref<32768xf32, #tpu.memory_space<vmem>>, vector<16xf32>,
      %bitcast_convert_type3A_878 = tpu.bitcast %get3A_877 : vector<16xf32> -> vector<16xi32>
      %and3A_879 = arith.constant 2147483647 : i32
      %and3A_880 = vector.broadcast %and3A_879 : i32 to vector<16xi32>
      %and3A_881 = arith.andi %bitcast_convert_type3A_878, %and3A_880 : vector<16xi32>
      %ge3A_882 = arith.cmpi sge, %and3A_881, %add3A_326 : vector<16xi32>
      %jit3A_883 = arith.constant 0.000000e+00 : f32
      %broadcast_in_dim3A_884 = vector.broadcast %jit3A_883 : f32 to vector<16xf32>
      %select_n3A_885 = arith.select %ge3A_882, %get3A_877, %broadcast_in_dim3A_884 : vector<16xi1>, vector<16xf32>
      %swap3A_886 = arith.index_cast %mul3A_875 : i32 to index
      %swap3A_887 = tpu.vector_load %arg6[%swap3A_886] {strides = array<i32>} : memref<32768xf32, #tpu.memory_space<vmem>>, vector<16xf32>,
      tpu.vector_store %arg6[%swap3A_886], %select_n3A_885 {strides = array<i32>} : memref<32768xf32, #tpu.memory_space<vmem>>, vector<16xf32>,
      %jit3A_888 = arith.constant 1065353216 : i32
      %jit3A_889 = arith.constant 0 : i32
      %broadcast_in_dim3A_890 = vector.broadcast %jit3A_888 : i32 to vector<16xi32>
      %broadcast_in_dim3A_891 = vector.broadcast %jit3A_889 : i32 to vector<16xi32>
      %select_n3A_892 = arith.select %ge3A_882, %broadcast_in_dim3A_890, %broadcast_in_dim3A_891 : vector<16xi1>, vector<16xi32>
      %swap3A_893 = arith.index_cast %mul3A_875 : i32 to index
      %swap3A_894 = tpu.vector_load %arg8[%swap3A_893] {strides = array<i32>} : memref<32784xi32, #tpu.memory_space<vmem>>, vector<16xi32>,
      tpu.vector_store %arg8[%swap3A_893], %select_n3A_892 {strides = array<i32>} : memref<32784xi32, #tpu.memory_space<vmem>>, vector<16xi32>,
      %mul3A_895 = arith.constant 16 : i32
      %mul3A_896 = arith.muli %scan3A_723, %mul3A_895 : i32
      %add3A_897 = arith.constant 7 : i32
      %add3A_898 = arith.addi %mul3A_896, %add3A_897 : i32
      %mul3A_899 = arith.constant 16 : i32
      %mul3A_900 = arith.muli %add3A_898, %mul3A_899 : i32
      %get3A_901 = arith.index_cast %mul3A_900 : i32 to index
      %get3A_902 = tpu.vector_load %arg6[%get3A_901] {strides = array<i32>} : memref<32768xf32, #tpu.memory_space<vmem>>, vector<16xf32>,
      %bitcast_convert_type3A_903 = tpu.bitcast %get3A_902 : vector<16xf32> -> vector<16xi32>
      %and3A_904 = arith.constant 2147483647 : i32
      %and3A_905 = vector.broadcast %and3A_904 : i32 to vector<16xi32>
      %and3A_906 = arith.andi %bitcast_convert_type3A_903, %and3A_905 : vector<16xi32>
      %ge3A_907 = arith.cmpi sge, %and3A_906, %add3A_326 : vector<16xi32>
      %jit3A_908 = arith.constant 0.000000e+00 : f32
      %broadcast_in_dim3A_909 = vector.broadcast %jit3A_908 : f32 to vector<16xf32>
      %select_n3A_910 = arith.select %ge3A_907, %get3A_902, %broadcast_in_dim3A_909 : vector<16xi1>, vector<16xf32>
      %swap3A_911 = arith.index_cast %mul3A_900 : i32 to index
      %swap3A_912 = tpu.vector_load %arg6[%swap3A_911] {strides = array<i32>} : memref<32768xf32, #tpu.memory_space<vmem>>, vector<16xf32>,
      tpu.vector_store %arg6[%swap3A_911], %select_n3A_910 {strides = array<i32>} : memref<32768xf32, #tpu.memory_space<vmem>>, vector<16xf32>,
      %jit3A_913 = arith.constant 1065353216 : i32
      %jit3A_914 = arith.constant 0 : i32
      %broadcast_in_dim3A_915 = vector.broadcast %jit3A_913 : i32 to vector<16xi32>
      %broadcast_in_dim3A_916 = vector.broadcast %jit3A_914 : i32 to vector<16xi32>
      %select_n3A_917 = arith.select %ge3A_907, %broadcast_in_dim3A_915, %broadcast_in_dim3A_916 : vector<16xi1>, vector<16xi32>
      %swap3A_918 = arith.index_cast %mul3A_900 : i32 to index
      %swap3A_919 = tpu.vector_load %arg8[%swap3A_918] {strides = array<i32>} : memref<32784xi32, #tpu.memory_space<vmem>>, vector<16xi32>,
      tpu.vector_store %arg8[%swap3A_918], %select_n3A_917 {strides = array<i32>} : memref<32784xi32, #tpu.memory_space<vmem>>, vector<16xi32>,
      %mul3A_920 = arith.constant 16 : i32
      %mul3A_921 = arith.muli %scan3A_723, %mul3A_920 : i32
      %add3A_922 = arith.constant 8 : i32
      %add3A_923 = arith.addi %mul3A_921, %add3A_922 : i32
      %mul3A_924 = arith.constant 16 : i32
      %mul3A_925 = arith.muli %add3A_923, %mul3A_924 : i32
      %get3A_926 = arith.index_cast %mul3A_925 : i32 to index
      %get3A_927 = tpu.vector_load %arg6[%get3A_926] {strides = array<i32>} : memref<32768xf32, #tpu.memory_space<vmem>>, vector<16xf32>,
      %bitcast_convert_type3A_928 = tpu.bitcast %get3A_927 : vector<16xf32> -> vector<16xi32>
      %and3A_929 = arith.constant 2147483647 : i32
      %and3A_930 = vector.broadcast %and3A_929 : i32 to vector<16xi32>
      %and3A_931 = arith.andi %bitcast_convert_type3A_928, %and3A_930 : vector<16xi32>
      %ge3A_932 = arith.cmpi sge, %and3A_931, %add3A_326 : vector<16xi32>
      %jit3A_933 = arith.constant 0.000000e+00 : f32
      %broadcast_in_dim3A_934 = vector.broadcast %jit3A_933 : f32 to vector<16xf32>
      %select_n3A_935 = arith.select %ge3A_932, %get3A_927, %broadcast_in_dim3A_934 : vector<16xi1>, vector<16xf32>
      %swap3A_936 = arith.index_cast %mul3A_925 : i32 to index
      %swap3A_937 = tpu.vector_load %arg6[%swap3A_936] {strides = array<i32>} : memref<32768xf32, #tpu.memory_space<vmem>>, vector<16xf32>,
      tpu.vector_store %arg6[%swap3A_936], %select_n3A_935 {strides = array<i32>} : memref<32768xf32, #tpu.memory_space<vmem>>, vector<16xf32>,
      %jit3A_938 = arith.constant 1065353216 : i32
      %jit3A_939 = arith.constant 0 : i32
      %broadcast_in_dim3A_940 = vector.broadcast %jit3A_938 : i32 to vector<16xi32>
      %broadcast_in_dim3A_941 = vector.broadcast %jit3A_939 : i32 to vector<16xi32>
      %select_n3A_942 = arith.select %ge3A_932, %broadcast_in_dim3A_940, %broadcast_in_dim3A_941 : vector<16xi1>, vector<16xi32>
      %swap3A_943 = arith.index_cast %mul3A_925 : i32 to index
      %swap3A_944 = tpu.vector_load %arg8[%swap3A_943] {strides = array<i32>} : memref<32784xi32, #tpu.memory_space<vmem>>, vector<16xi32>,
      tpu.vector_store %arg8[%swap3A_943], %select_n3A_942 {strides = array<i32>} : memref<32784xi32, #tpu.memory_space<vmem>>, vector<16xi32>,
      %mul3A_945 = arith.constant 16 : i32
      %mul3A_946 = arith.muli %scan3A_723, %mul3A_945 : i32
      %add3A_947 = arith.constant 9 : i32
      %add3A_948 = arith.addi %mul3A_946, %add3A_947 : i32
      %mul3A_949 = arith.constant 16 : i32
      %mul3A_950 = arith.muli %add3A_948, %mul3A_949 : i32
      %get3A_951 = arith.index_cast %mul3A_950 : i32 to index
      %get3A_952 = tpu.vector_load %arg6[%get3A_951] {strides = array<i32>} : memref<32768xf32, #tpu.memory_space<vmem>>, vector<16xf32>,
      %bitcast_convert_type3A_953 = tpu.bitcast %get3A_952 : vector<16xf32> -> vector<16xi32>
      %and3A_954 = arith.constant 2147483647 : i32
      %and3A_955 = vector.broadcast %and3A_954 : i32 to vector<16xi32>
      %and3A_956 = arith.andi %bitcast_convert_type3A_953, %and3A_955 : vector<16xi32>
      %ge3A_957 = arith.cmpi sge, %and3A_956, %add3A_326 : vector<16xi32>
      %jit3A_958 = arith.constant 0.000000e+00 : f32
      %broadcast_in_dim3A_959 = vector.broadcast %jit3A_958 : f32 to vector<16xf32>
      %select_n3A_960 = arith.select %ge3A_957, %get3A_952, %broadcast_in_dim3A_959 : vector<16xi1>, vector<16xf32>
      %swap3A_961 = arith.index_cast %mul3A_950 : i32 to index
      %swap3A_962 = tpu.vector_load %arg6[%swap3A_961] {strides = array<i32>} : memref<32768xf32, #tpu.memory_space<vmem>>, vector<16xf32>,
      tpu.vector_store %arg6[%swap3A_961], %select_n3A_960 {strides = array<i32>} : memref<32768xf32, #tpu.memory_space<vmem>>, vector<16xf32>,
      %jit3A_963 = arith.constant 1065353216 : i32
      %jit3A_964 = arith.constant 0 : i32
      %broadcast_in_dim3A_965 = vector.broadcast %jit3A_963 : i32 to vector<16xi32>
      %broadcast_in_dim3A_966 = vector.broadcast %jit3A_964 : i32 to vector<16xi32>
      %select_n3A_967 = arith.select %ge3A_957, %broadcast_in_dim3A_965, %broadcast_in_dim3A_966 : vector<16xi1>, vector<16xi32>
      %swap3A_968 = arith.index_cast %mul3A_950 : i32 to index
      %swap3A_969 = tpu.vector_load %arg8[%swap3A_968] {strides = array<i32>} : memref<32784xi32, #tpu.memory_space<vmem>>, vector<16xi32>,
      tpu.vector_store %arg8[%swap3A_968], %select_n3A_967 {strides = array<i32>} : memref<32784xi32, #tpu.memory_space<vmem>>, vector<16xi32>,
      %mul3A_970 = arith.constant 16 : i32
      %mul3A_971 = arith.muli %scan3A_723, %mul3A_970 : i32
      %add3A_972 = arith.constant 10 : i32
      %add3A_973 = arith.addi %mul3A_971, %add3A_972 : i32
      %mul3A_974 = arith.constant 16 : i32
      %mul3A_975 = arith.muli %add3A_973, %mul3A_974 : i32
      %get3A_976 = arith.index_cast %mul3A_975 : i32 to index
      %get3A_977 = tpu.vector_load %arg6[%get3A_976] {strides = array<i32>} : memref<32768xf32, #tpu.memory_space<vmem>>, vector<16xf32>,
      %bitcast_convert_type3A_978 = tpu.bitcast %get3A_977 : vector<16xf32> -> vector<16xi32>
      %and3A_979 = arith.constant 2147483647 : i32
      %and3A_980 = vector.broadcast %and3A_979 : i32 to vector<16xi32>
      %and3A_981 = arith.andi %bitcast_convert_type3A_978, %and3A_980 : vector<16xi32>
      %ge3A_982 = arith.cmpi sge, %and3A_981, %add3A_326 : vector<16xi32>
      %jit3A_983 = arith.constant 0.000000e+00 : f32
      %broadcast_in_dim3A_984 = vector.broadcast %jit3A_983 : f32 to vector<16xf32>
      %select_n3A_985 = arith.select %ge3A_982, %get3A_977, %broadcast_in_dim3A_984 : vector<16xi1>, vector<16xf32>
      %swap3A_986 = arith.index_cast %mul3A_975 : i32 to index
      %swap3A_987 = tpu.vector_load %arg6[%swap3A_986] {strides = array<i32>} : memref<32768xf32, #tpu.memory_space<vmem>>, vector<16xf32>,
      tpu.vector_store %arg6[%swap3A_986], %select_n3A_985 {strides = array<i32>} : memref<32768xf32, #tpu.memory_space<vmem>>, vector<16xf32>,
      %jit3A_988 = arith.constant 1065353216 : i32
      %jit3A_989 = arith.constant 0 : i32
      %broadcast_in_dim3A_990 = vector.broadcast %jit3A_988 : i32 to vector<16xi32>
      %broadcast_in_dim3A_991 = vector.broadcast %jit3A_989 : i32 to vector<16xi32>
      %select_n3A_992 = arith.select %ge3A_982, %broadcast_in_dim3A_990, %broadcast_in_dim3A_991 : vector<16xi1>, vector<16xi32>
      %swap3A_993 = arith.index_cast %mul3A_975 : i32 to index
      %swap3A_994 = tpu.vector_load %arg8[%swap3A_993] {strides = array<i32>} : memref<32784xi32, #tpu.memory_space<vmem>>, vector<16xi32>,
      tpu.vector_store %arg8[%swap3A_993], %select_n3A_992 {strides = array<i32>} : memref<32784xi32, #tpu.memory_space<vmem>>, vector<16xi32>,
      %mul3A_995 = arith.constant 16 : i32
      %mul3A_996 = arith.muli %scan3A_723, %mul3A_995 : i32
      %add3A_997 = arith.constant 11 : i32
      %add3A_998 = arith.addi %mul3A_996, %add3A_997 : i32
      %mul3A_999 = arith.constant 16 : i32
      %mul3A_1000 = arith.muli %add3A_998, %mul3A_999 : i32
      %get3A_1001 = arith.index_cast %mul3A_1000 : i32 to index
      %get3A_1002 = tpu.vector_load %arg6[%get3A_1001] {strides = array<i32>} : memref<32768xf32, #tpu.memory_space<vmem>>, vector<16xf32>,
      %bitcast_convert_type3A_1003 = tpu.bitcast %get3A_1002 : vector<16xf32> -> vector<16xi32>
      %and3A_1004 = arith.constant 2147483647 : i32
      %and3A_1005 = vector.broadcast %and3A_1004 : i32 to vector<16xi32>
      %and3A_1006 = arith.andi %bitcast_convert_type3A_1003, %and3A_1005 : vector<16xi32>
      %ge3A_1007 = arith.cmpi sge, %and3A_1006, %add3A_326 : vector<16xi32>
      %jit3A_1008 = arith.constant 0.000000e+00 : f32
      %broadcast_in_dim3A_1009 = vector.broadcast %jit3A_1008 : f32 to vector<16xf32>
      %select_n3A_1010 = arith.select %ge3A_1007, %get3A_1002, %broadcast_in_dim3A_1009 : vector<16xi1>, vector<16xf32>
      %swap3A_1011 = arith.index_cast %mul3A_1000 : i32 to index
      %swap3A_1012 = tpu.vector_load %arg6[%swap3A_1011] {strides = array<i32>} : memref<32768xf32, #tpu.memory_space<vmem>>, vector<16xf32>,
      tpu.vector_store %arg6[%swap3A_1011], %select_n3A_1010 {strides = array<i32>} : memref<32768xf32, #tpu.memory_space<vmem>>, vector<16xf32>,
      %jit3A_1013 = arith.constant 1065353216 : i32
      %jit3A_1014 = arith.constant 0 : i32
      %broadcast_in_dim3A_1015 = vector.broadcast %jit3A_1013 : i32 to vector<16xi32>
      %broadcast_in_dim3A_1016 = vector.broadcast %jit3A_1014 : i32 to vector<16xi32>
      %select_n3A_1017 = arith.select %ge3A_1007, %broadcast_in_dim3A_1015, %broadcast_in_dim3A_1016 : vector<16xi1>, vector<16xi32>
      %swap3A_1018 = arith.index_cast %mul3A_1000 : i32 to index
      %swap3A_1019 = tpu.vector_load %arg8[%swap3A_1018] {strides = array<i32>} : memref<32784xi32, #tpu.memory_space<vmem>>, vector<16xi32>,
      tpu.vector_store %arg8[%swap3A_1018], %select_n3A_1017 {strides = array<i32>} : memref<32784xi32, #tpu.memory_space<vmem>>, vector<16xi32>,
      %mul3A_1020 = arith.constant 16 : i32
      %mul3A_1021 = arith.muli %scan3A_723, %mul3A_1020 : i32
      %add3A_1022 = arith.constant 12 : i32
      %add3A_1023 = arith.addi %mul3A_1021, %add3A_1022 : i32
      %mul3A_1024 = arith.constant 16 : i32
      %mul3A_1025 = arith.muli %add3A_1023, %mul3A_1024 : i32
      %get3A_1026 = arith.index_cast %mul3A_1025 : i32 to index
      %get3A_1027 = tpu.vector_load %arg6[%get3A_1026] {strides = array<i32>} : memref<32768xf32, #tpu.memory_space<vmem>>, vector<16xf32>,
      %bitcast_convert_type3A_1028 = tpu.bitcast %get3A_1027 : vector<16xf32> -> vector<16xi32>
      %and3A_1029 = arith.constant 2147483647 : i32
      %and3A_1030 = vector.broadcast %and3A_1029 : i32 to vector<16xi32>
      %and3A_1031 = arith.andi %bitcast_convert_type3A_1028, %and3A_1030 : vector<16xi32>
      %ge3A_1032 = arith.cmpi sge, %and3A_1031, %add3A_326 : vector<16xi32>
      %jit3A_1033 = arith.constant 0.000000e+00 : f32
      %broadcast_in_dim3A_1034 = vector.broadcast %jit3A_1033 : f32 to vector<16xf32>
      %select_n3A_1035 = arith.select %ge3A_1032, %get3A_1027, %broadcast_in_dim3A_1034 : vector<16xi1>, vector<16xf32>
      %swap3A_1036 = arith.index_cast %mul3A_1025 : i32 to index
      %swap3A_1037 = tpu.vector_load %arg6[%swap3A_1036] {strides = array<i32>} : memref<32768xf32, #tpu.memory_space<vmem>>, vector<16xf32>,
      tpu.vector_store %arg6[%swap3A_1036], %select_n3A_1035 {strides = array<i32>} : memref<32768xf32, #tpu.memory_space<vmem>>, vector<16xf32>,
      %jit3A_1038 = arith.constant 1065353216 : i32
      %jit3A_1039 = arith.constant 0 : i32
      %broadcast_in_dim3A_1040 = vector.broadcast %jit3A_1038 : i32 to vector<16xi32>
      %broadcast_in_dim3A_1041 = vector.broadcast %jit3A_1039 : i32 to vector<16xi32>
      %select_n3A_1042 = arith.select %ge3A_1032, %broadcast_in_dim3A_1040, %broadcast_in_dim3A_1041 : vector<16xi1>, vector<16xi32>
      %swap3A_1043 = arith.index_cast %mul3A_1025 : i32 to index
      %swap3A_1044 = tpu.vector_load %arg8[%swap3A_1043] {strides = array<i32>} : memref<32784xi32, #tpu.memory_space<vmem>>, vector<16xi32>,
      tpu.vector_store %arg8[%swap3A_1043], %select_n3A_1042 {strides = array<i32>} : memref<32784xi32, #tpu.memory_space<vmem>>, vector<16xi32>,
      %mul3A_1045 = arith.constant 16 : i32
      %mul3A_1046 = arith.muli %scan3A_723, %mul3A_1045 : i32
      %add3A_1047 = arith.constant 13 : i32
      %add3A_1048 = arith.addi %mul3A_1046, %add3A_1047 : i32
      %mul3A_1049 = arith.constant 16 : i32
      %mul3A_1050 = arith.muli %add3A_1048, %mul3A_1049 : i32
      %get3A_1051 = arith.index_cast %mul3A_1050 : i32 to index
      %get3A_1052 = tpu.vector_load %arg6[%get3A_1051] {strides = array<i32>} : memref<32768xf32, #tpu.memory_space<vmem>>, vector<16xf32>,
      %bitcast_convert_type3A_1053 = tpu.bitcast %get3A_1052 : vector<16xf32> -> vector<16xi32>
      %and3A_1054 = arith.constant 2147483647 : i32
      %and3A_1055 = vector.broadcast %and3A_1054 : i32 to vector<16xi32>
      %and3A_1056 = arith.andi %bitcast_convert_type3A_1053, %and3A_1055 : vector<16xi32>
      %ge3A_1057 = arith.cmpi sge, %and3A_1056, %add3A_326 : vector<16xi32>
      %jit3A_1058 = arith.constant 0.000000e+00 : f32
      %broadcast_in_dim3A_1059 = vector.broadcast %jit3A_1058 : f32 to vector<16xf32>
      %select_n3A_1060 = arith.select %ge3A_1057, %get3A_1052, %broadcast_in_dim3A_1059 : vector<16xi1>, vector<16xf32>
      %swap3A_1061 = arith.index_cast %mul3A_1050 : i32 to index
      %swap3A_1062 = tpu.vector_load %arg6[%swap3A_1061] {strides = array<i32>} : memref<32768xf32, #tpu.memory_space<vmem>>, vector<16xf32>,
      tpu.vector_store %arg6[%swap3A_1061], %select_n3A_1060 {strides = array<i32>} : memref<32768xf32, #tpu.memory_space<vmem>>, vector<16xf32>,
      %jit3A_1063 = arith.constant 1065353216 : i32
      %jit3A_1064 = arith.constant 0 : i32
      %broadcast_in_dim3A_1065 = vector.broadcast %jit3A_1063 : i32 to vector<16xi32>
      %broadcast_in_dim3A_1066 = vector.broadcast %jit3A_1064 : i32 to vector<16xi32>
      %select_n3A_1067 = arith.select %ge3A_1057, %broadcast_in_dim3A_1065, %broadcast_in_dim3A_1066 : vector<16xi1>, vector<16xi32>
      %swap3A_1068 = arith.index_cast %mul3A_1050 : i32 to index
      %swap3A_1069 = tpu.vector_load %arg8[%swap3A_1068] {strides = array<i32>} : memref<32784xi32, #tpu.memory_space<vmem>>, vector<16xi32>,
      tpu.vector_store %arg8[%swap3A_1068], %select_n3A_1067 {strides = array<i32>} : memref<32784xi32, #tpu.memory_space<vmem>>, vector<16xi32>,
      %mul3A_1070 = arith.constant 16 : i32
      %mul3A_1071 = arith.muli %scan3A_723, %mul3A_1070 : i32
      %add3A_1072 = arith.constant 14 : i32
      %add3A_1073 = arith.addi %mul3A_1071, %add3A_1072 : i32
      %mul3A_1074 = arith.constant 16 : i32
      %mul3A_1075 = arith.muli %add3A_1073, %mul3A_1074 : i32
      %get3A_1076 = arith.index_cast %mul3A_1075 : i32 to index
      %get3A_1077 = tpu.vector_load %arg6[%get3A_1076] {strides = array<i32>} : memref<32768xf32, #tpu.memory_space<vmem>>, vector<16xf32>,
      %bitcast_convert_type3A_1078 = tpu.bitcast %get3A_1077 : vector<16xf32> -> vector<16xi32>
      %and3A_1079 = arith.constant 2147483647 : i32
      %and3A_1080 = vector.broadcast %and3A_1079 : i32 to vector<16xi32>
      %and3A_1081 = arith.andi %bitcast_convert_type3A_1078, %and3A_1080 : vector<16xi32>
      %ge3A_1082 = arith.cmpi sge, %and3A_1081, %add3A_326 : vector<16xi32>
      %jit3A_1083 = arith.constant 0.000000e+00 : f32
      %broadcast_in_dim3A_1084 = vector.broadcast %jit3A_1083 : f32 to vector<16xf32>
      %select_n3A_1085 = arith.select %ge3A_1082, %get3A_1077, %broadcast_in_dim3A_1084 : vector<16xi1>, vector<16xf32>
      %swap3A_1086 = arith.index_cast %mul3A_1075 : i32 to index
      %swap3A_1087 = tpu.vector_load %arg6[%swap3A_1086] {strides = array<i32>} : memref<32768xf32, #tpu.memory_space<vmem>>, vector<16xf32>,
      tpu.vector_store %arg6[%swap3A_1086], %select_n3A_1085 {strides = array<i32>} : memref<32768xf32, #tpu.memory_space<vmem>>, vector<16xf32>,
      %jit3A_1088 = arith.constant 1065353216 : i32
      %jit3A_1089 = arith.constant 0 : i32
      %broadcast_in_dim3A_1090 = vector.broadcast %jit3A_1088 : i32 to vector<16xi32>
      %broadcast_in_dim3A_1091 = vector.broadcast %jit3A_1089 : i32 to vector<16xi32>
      %select_n3A_1092 = arith.select %ge3A_1082, %broadcast_in_dim3A_1090, %broadcast_in_dim3A_1091 : vector<16xi1>, vector<16xi32>
      %swap3A_1093 = arith.index_cast %mul3A_1075 : i32 to index
      %swap3A_1094 = tpu.vector_load %arg8[%swap3A_1093] {strides = array<i32>} : memref<32784xi32, #tpu.memory_space<vmem>>, vector<16xi32>,
      tpu.vector_store %arg8[%swap3A_1093], %select_n3A_1092 {strides = array<i32>} : memref<32784xi32, #tpu.memory_space<vmem>>, vector<16xi32>,
      %mul3A_1095 = arith.constant 16 : i32
      %mul3A_1096 = arith.muli %scan3A_723, %mul3A_1095 : i32
      %add3A_1097 = arith.constant 15 : i32
      %add3A_1098 = arith.addi %mul3A_1096, %add3A_1097 : i32
      %mul3A_1099 = arith.constant 16 : i32
      %mul3A_1100 = arith.muli %add3A_1098, %mul3A_1099 : i32
      %get3A_1101 = arith.index_cast %mul3A_1100 : i32 to index
      %get3A_1102 = tpu.vector_load %arg6[%get3A_1101] {strides = array<i32>} : memref<32768xf32, #tpu.memory_space<vmem>>, vector<16xf32>,
      %bitcast_convert_type3A_1103 = tpu.bitcast %get3A_1102 : vector<16xf32> -> vector<16xi32>
      %and3A_1104 = arith.constant 2147483647 : i32
      %and3A_1105 = vector.broadcast %and3A_1104 : i32 to vector<16xi32>
      %and3A_1106 = arith.andi %bitcast_convert_type3A_1103, %and3A_1105 : vector<16xi32>
      %ge3A_1107 = arith.cmpi sge, %and3A_1106, %add3A_326 : vector<16xi32>
      %jit3A_1108 = arith.constant 0.000000e+00 : f32
      %broadcast_in_dim3A_1109 = vector.broadcast %jit3A_1108 : f32 to vector<16xf32>
      %select_n3A_1110 = arith.select %ge3A_1107, %get3A_1102, %broadcast_in_dim3A_1109 : vector<16xi1>, vector<16xf32>
      %swap3A_1111 = arith.index_cast %mul3A_1100 : i32 to index
      %swap3A_1112 = tpu.vector_load %arg6[%swap3A_1111] {strides = array<i32>} : memref<32768xf32, #tpu.memory_space<vmem>>, vector<16xf32>,
      tpu.vector_store %arg6[%swap3A_1111], %select_n3A_1110 {strides = array<i32>} : memref<32768xf32, #tpu.memory_space<vmem>>, vector<16xf32>,
      %jit3A_1113 = arith.constant 1065353216 : i32
      %jit3A_1114 = arith.constant 0 : i32
      %broadcast_in_dim3A_1115 = vector.broadcast %jit3A_1113 : i32 to vector<16xi32>
      %broadcast_in_dim3A_1116 = vector.broadcast %jit3A_1114 : i32 to vector<16xi32>
      %select_n3A_1117 = arith.select %ge3A_1107, %broadcast_in_dim3A_1115, %broadcast_in_dim3A_1116 : vector<16xi1>, vector<16xi32>
      %swap3A_1118 = arith.index_cast %mul3A_1100 : i32 to index
      %swap3A_1119 = tpu.vector_load %arg8[%swap3A_1118] {strides = array<i32>} : memref<32784xi32, #tpu.memory_space<vmem>>, vector<16xi32>,
      tpu.vector_store %arg8[%swap3A_1118], %select_n3A_1117 {strides = array<i32>} : memref<32784xi32, #tpu.memory_space<vmem>>, vector<16xi32>,
    }
    %scan3A_332 = arith.constant 128 : i32
    %dma_start3A_333 = arith.constant 0 : i32
    %dma_start3A_334 = tpu.memref_slice %arg4[%mul3A_2, %dma_start3A_333] : memref<64x32768xf32, #tpu.memory_space<hbm>> -> memref<1x32768xf32, #tpu.memory_space<hbm>>
    %dma_start3A_335 = tpu.memref_squeeze %dma_start3A_334 : memref<1x32768xf32, #tpu.memory_space<hbm>> -> memref<32768xf32, #tpu.memory_space<hbm>>
    %dma_start3A_336 = arith.constant 0 : i32
    %dma_start3A_337 = tpu.memref_slice %arg4[%mul3A_2, %dma_start3A_336] : memref<64x32768xf32, #tpu.memory_space<hbm>> -> memref<1x32768xf32, #tpu.memory_space<hbm>>
    %dma_start3A_338 = tpu.memref_squeeze %dma_start3A_337 : memref<1x32768xf32, #tpu.memory_space<hbm>> -> memref<32768xf32, #tpu.memory_space<hbm>>
    tpu.enqueue_dma source(%arg6 : memref<32768xf32, #tpu.memory_space<vmem>>) target(%dma_start3A_338 : memref<32768xf32, #tpu.memory_space<hbm>>) target_semaphore(%arg12 : memref<!tpu.dma_semaphore, #tpu.memory_space<semaphore_mem>>)
    %dma_start3A_339 = arith.constant 0 : i32
    %dma_start3A_340 = tpu.memref_slice %arg8[%dma_start3A_339] : memref<32784xi32, #tpu.memory_space<vmem>> -> memref<32768xi32, #tpu.memory_space<vmem>>
    %dma_start3A_341 = arith.constant 0 : i32
    %dma_start3A_342 = tpu.memref_slice %arg5[%mul3A_2, %dma_start3A_341] : memref<64x32768xi32, #tpu.memory_space<hbm>> -> memref<1x32768xi32, #tpu.memory_space<hbm>>
    %dma_start3A_343 = tpu.memref_squeeze %dma_start3A_342 : memref<1x32768xi32, #tpu.memory_space<hbm>> -> memref<32768xi32, #tpu.memory_space<hbm>>
    %dma_start3A_344 = arith.constant 0 : i32
    %dma_start3A_345 = tpu.memref_slice %arg5[%mul3A_2, %dma_start3A_344] : memref<64x32768xi32, #tpu.memory_space<hbm>> -> memref<1x32768xi32, #tpu.memory_space<hbm>>
    %dma_start3A_346 = tpu.memref_squeeze %dma_start3A_345 : memref<1x32768xi32, #tpu.memory_space<hbm>> -> memref<32768xi32, #tpu.memory_space<hbm>>
    %dma_start3A_347 = arith.constant 0 : i32
    %dma_start3A_348 = tpu.memref_slice %arg8[%dma_start3A_347] : memref<32784xi32, #tpu.memory_space<vmem>> -> memref<32768xi32, #tpu.memory_space<vmem>>
    tpu.enqueue_dma source(%dma_start3A_348 : memref<32768xi32, #tpu.memory_space<vmem>>) target(%dma_start3A_346 : memref<32768xi32, #tpu.memory_space<hbm>>) target_semaphore(%arg13 : memref<!tpu.dma_semaphore, #tpu.memory_space<semaphore_mem>>)
    %dma_wait3A_349 = arith.constant 0 : i32
    %dma_wait3A_350 = tpu.memref_slice %arg2[%add3A_4, %dma_wait3A_349] : memref<64x32768xf32, #tpu.memory_space<hbm>> -> memref<1x32768xf32, #tpu.memory_space<hbm>>
    %dma_wait3A_351 = tpu.memref_squeeze %dma_wait3A_350 : memref<1x32768xf32, #tpu.memory_space<hbm>> -> memref<32768xf32, #tpu.memory_space<hbm>>
    %dma_wait3A_352 = arith.constant 0 : i32
    %dma_wait3A_353 = tpu.memref_slice %arg2[%add3A_4, %dma_wait3A_352] : memref<64x32768xf32, #tpu.memory_space<hbm>> -> memref<1x32768xf32, #tpu.memory_space<hbm>>
    %dma_wait3A_354 = tpu.memref_squeeze %dma_wait3A_353 : memref<1x32768xf32, #tpu.memory_space<hbm>> -> memref<32768xf32, #tpu.memory_space<hbm>>
    tpu.wait_dma2 semaphore(%arg11 : memref<!tpu.dma_semaphore, #tpu.memory_space<semaphore_mem>>) src(%dma_wait3A_354 : memref<32768xf32, #tpu.memory_space<hbm>>) dst(%arg7 : memref<32768xf32, #tpu.memory_space<vmem>>)
    %scan3A_355 = arith.constant 0 : i32
    %scan3A_356 = arith.constant 0 : i32
    %scan3A_357 = arith.constant 128 : i32
    %scan3A_358 = arith.addi %scan3A_356, %scan3A_357 : i32
    %scan3A_359 = arith.constant 1 : i32
    scf.for %scan3A_723 = %scan3A_356 to %scan3A_358 step %scan3A_359  : i32 {
      %mul3A_724 = arith.constant 16 : i32
      %mul3A_725 = arith.muli %scan3A_723, %mul3A_724 : i32
      %swap3A_726 = arith.index_cast %mul3A_725 : i32 to index
      %swap3A_727 = tpu.vector_load %arg9[%swap3A_726] {strides = array<i32>} : memref<2048xi32, #tpu.memory_space<vmem>>, vector<16xi32>,
      tpu.vector_store %arg9[%swap3A_726], %broadcast_in_dim3A_6 {strides = array<i32>} : memref<2048xi32, #tpu.memory_space<vmem>>, vector<16xi32>,
    }
    %scan3A_360 = arith.constant 128 : i32
    %scan3A_361 = arith.constant 0 : i32
    %scan3A_362 = arith.constant 0 : i32
    %scan3A_363 = arith.constant 128 : i32
    %scan3A_364 = arith.addi %scan3A_362, %scan3A_363 : i32
    %scan3A_365 = arith.constant 1 : i32
    scf.for %scan3A_723 = %scan3A_362 to %scan3A_364 step %scan3A_365  : i32 {
      %mul3A_724 = arith.constant 16 : i32
      %mul3A_725 = arith.muli %scan3A_723, %mul3A_724 : i32
      %add3A_726 = arith.constant 0 : i32
      %add3A_727 = arith.addi %mul3A_725, %add3A_726 : i32
      %mul3A_728 = arith.constant 16 : i32
      %mul3A_729 = arith.muli %add3A_727, %mul3A_728 : i32
      %get3A_730 = arith.index_cast %mul3A_729 : i32 to index
      %get3A_731 = tpu.vector_load %arg7[%get3A_730] {strides = array<i32>} : memref<32768xf32, #tpu.memory_space<vmem>>, vector<16xf32>,
      %bitcast_convert_type3A = tpu.bitcast %get3A_731 : vector<16xf32> -> vector<16xi32>
      %not3A_732 = arith.constant dense<-1> : vector<16xi32>
      %not3A_733 = arith.xori %bitcast_convert_type3A, %not3A_732 : vector<16xi32>
      %shift_right_logical3A_734 = arith.constant 20 : i32
      %shift_right_logical3A_735 = vector.broadcast %shift_right_logical3A_734 : i32 to vector<16xi32>
      %shift_right_logical3A_736 = arith.shrui %not3A_733, %shift_right_logical3A_735 : vector<16xi32>
      %and3A = arith.constant 2047 : i32
      %and3A_737 = vector.broadcast %and3A : i32 to vector<16xi32>
      %and3A_738 = arith.andi %shift_right_logical3A_736, %and3A_737 : vector<16xi32>
      tpu.vector_store_idx %arg9[%and3A_738], %broadcast_in_dim3A_8 {add = true} : memref<2048xi32, #tpu.memory_space<vmem>>[vector<16xi32>], vector<16xi32>,
      %mul3A_739 = arith.constant 16 : i32
      %mul3A_740 = arith.muli %scan3A_723, %mul3A_739 : i32
      %add3A_741 = arith.constant 1 : i32
      %add3A_742 = arith.addi %mul3A_740, %add3A_741 : i32
      %mul3A_743 = arith.constant 16 : i32
      %mul3A_744 = arith.muli %add3A_742, %mul3A_743 : i32
      %get3A_745 = arith.index_cast %mul3A_744 : i32 to index
      %get3A_746 = tpu.vector_load %arg7[%get3A_745] {strides = array<i32>} : memref<32768xf32, #tpu.memory_space<vmem>>, vector<16xf32>,
      %bitcast_convert_type3A_747 = tpu.bitcast %get3A_746 : vector<16xf32> -> vector<16xi32>
      %not3A_748 = arith.constant dense<-1> : vector<16xi32>
      %not3A_749 = arith.xori %bitcast_convert_type3A_747, %not3A_748 : vector<16xi32>
      %shift_right_logical3A_750 = arith.constant 20 : i32
      %shift_right_logical3A_751 = vector.broadcast %shift_right_logical3A_750 : i32 to vector<16xi32>
      %shift_right_logical3A_752 = arith.shrui %not3A_749, %shift_right_logical3A_751 : vector<16xi32>
      %and3A_753 = arith.constant 2047 : i32
      %and3A_754 = vector.broadcast %and3A_753 : i32 to vector<16xi32>
      %and3A_755 = arith.andi %shift_right_logical3A_752, %and3A_754 : vector<16xi32>
      tpu.vector_store_idx %arg9[%and3A_755], %broadcast_in_dim3A_8 {add = true} : memref<2048xi32, #tpu.memory_space<vmem>>[vector<16xi32>], vector<16xi32>,
      %mul3A_756 = arith.constant 16 : i32
      %mul3A_757 = arith.muli %scan3A_723, %mul3A_756 : i32
      %add3A_758 = arith.constant 2 : i32
      %add3A_759 = arith.addi %mul3A_757, %add3A_758 : i32
      %mul3A_760 = arith.constant 16 : i32
      %mul3A_761 = arith.muli %add3A_759, %mul3A_760 : i32
      %get3A_762 = arith.index_cast %mul3A_761 : i32 to index
      %get3A_763 = tpu.vector_load %arg7[%get3A_762] {strides = array<i32>} : memref<32768xf32, #tpu.memory_space<vmem>>, vector<16xf32>,
      %bitcast_convert_type3A_764 = tpu.bitcast %get3A_763 : vector<16xf32> -> vector<16xi32>
      %not3A_765 = arith.constant dense<-1> : vector<16xi32>
      %not3A_766 = arith.xori %bitcast_convert_type3A_764, %not3A_765 : vector<16xi32>
      %shift_right_logical3A_767 = arith.constant 20 : i32
      %shift_right_logical3A_768 = vector.broadcast %shift_right_logical3A_767 : i32 to vector<16xi32>
      %shift_right_logical3A_769 = arith.shrui %not3A_766, %shift_right_logical3A_768 : vector<16xi32>
      %and3A_770 = arith.constant 2047 : i32
      %and3A_771 = vector.broadcast %and3A_770 : i32 to vector<16xi32>
      %and3A_772 = arith.andi %shift_right_logical3A_769, %and3A_771 : vector<16xi32>
      tpu.vector_store_idx %arg9[%and3A_772], %broadcast_in_dim3A_8 {add = true} : memref<2048xi32, #tpu.memory_space<vmem>>[vector<16xi32>], vector<16xi32>,
      %mul3A_773 = arith.constant 16 : i32
      %mul3A_774 = arith.muli %scan3A_723, %mul3A_773 : i32
      %add3A_775 = arith.constant 3 : i32
      %add3A_776 = arith.addi %mul3A_774, %add3A_775 : i32
      %mul3A_777 = arith.constant 16 : i32
      %mul3A_778 = arith.muli %add3A_776, %mul3A_777 : i32
      %get3A_779 = arith.index_cast %mul3A_778 : i32 to index
      %get3A_780 = tpu.vector_load %arg7[%get3A_779] {strides = array<i32>} : memref<32768xf32, #tpu.memory_space<vmem>>, vector<16xf32>,
      %bitcast_convert_type3A_781 = tpu.bitcast %get3A_780 : vector<16xf32> -> vector<16xi32>
      %not3A_782 = arith.constant dense<-1> : vector<16xi32>
      %not3A_783 = arith.xori %bitcast_convert_type3A_781, %not3A_782 : vector<16xi32>
      %shift_right_logical3A_784 = arith.constant 20 : i32
      %shift_right_logical3A_785 = vector.broadcast %shift_right_logical3A_784 : i32 to vector<16xi32>
      %shift_right_logical3A_786 = arith.shrui %not3A_783, %shift_right_logical3A_785 : vector<16xi32>
      %and3A_787 = arith.constant 2047 : i32
      %and3A_788 = vector.broadcast %and3A_787 : i32 to vector<16xi32>
      %and3A_789 = arith.andi %shift_right_logical3A_786, %and3A_788 : vector<16xi32>
      tpu.vector_store_idx %arg9[%and3A_789], %broadcast_in_dim3A_8 {add = true} : memref<2048xi32, #tpu.memory_space<vmem>>[vector<16xi32>], vector<16xi32>,
      %mul3A_790 = arith.constant 16 : i32
      %mul3A_791 = arith.muli %scan3A_723, %mul3A_790 : i32
      %add3A_792 = arith.constant 4 : i32
      %add3A_793 = arith.addi %mul3A_791, %add3A_792 : i32
      %mul3A_794 = arith.constant 16 : i32
      %mul3A_795 = arith.muli %add3A_793, %mul3A_794 : i32
      %get3A_796 = arith.index_cast %mul3A_795 : i32 to index
      %get3A_797 = tpu.vector_load %arg7[%get3A_796] {strides = array<i32>} : memref<32768xf32, #tpu.memory_space<vmem>>, vector<16xf32>,
      %bitcast_convert_type3A_798 = tpu.bitcast %get3A_797 : vector<16xf32> -> vector<16xi32>
      %not3A_799 = arith.constant dense<-1> : vector<16xi32>
      %not3A_800 = arith.xori %bitcast_convert_type3A_798, %not3A_799 : vector<16xi32>
      %shift_right_logical3A_801 = arith.constant 20 : i32
      %shift_right_logical3A_802 = vector.broadcast %shift_right_logical3A_801 : i32 to vector<16xi32>
      %shift_right_logical3A_803 = arith.shrui %not3A_800, %shift_right_logical3A_802 : vector<16xi32>
      %and3A_804 = arith.constant 2047 : i32
      %and3A_805 = vector.broadcast %and3A_804 : i32 to vector<16xi32>
      %and3A_806 = arith.andi %shift_right_logical3A_803, %and3A_805 : vector<16xi32>
      tpu.vector_store_idx %arg9[%and3A_806], %broadcast_in_dim3A_8 {add = true} : memref<2048xi32, #tpu.memory_space<vmem>>[vector<16xi32>], vector<16xi32>,
      %mul3A_807 = arith.constant 16 : i32
      %mul3A_808 = arith.muli %scan3A_723, %mul3A_807 : i32
      %add3A_809 = arith.constant 5 : i32
      %add3A_810 = arith.addi %mul3A_808, %add3A_809 : i32
      %mul3A_811 = arith.constant 16 : i32
      %mul3A_812 = arith.muli %add3A_810, %mul3A_811 : i32
      %get3A_813 = arith.index_cast %mul3A_812 : i32 to index
      %get3A_814 = tpu.vector_load %arg7[%get3A_813] {strides = array<i32>} : memref<32768xf32, #tpu.memory_space<vmem>>, vector<16xf32>,
      %bitcast_convert_type3A_815 = tpu.bitcast %get3A_814 : vector<16xf32> -> vector<16xi32>
      %not3A_816 = arith.constant dense<-1> : vector<16xi32>
      %not3A_817 = arith.xori %bitcast_convert_type3A_815, %not3A_816 : vector<16xi32>
      %shift_right_logical3A_818 = arith.constant 20 : i32
      %shift_right_logical3A_819 = vector.broadcast %shift_right_logical3A_818 : i32 to vector<16xi32>
      %shift_right_logical3A_820 = arith.shrui %not3A_817, %shift_right_logical3A_819 : vector<16xi32>
      %and3A_821 = arith.constant 2047 : i32
      %and3A_822 = vector.broadcast %and3A_821 : i32 to vector<16xi32>
      %and3A_823 = arith.andi %shift_right_logical3A_820, %and3A_822 : vector<16xi32>
      tpu.vector_store_idx %arg9[%and3A_823], %broadcast_in_dim3A_8 {add = true} : memref<2048xi32, #tpu.memory_space<vmem>>[vector<16xi32>], vector<16xi32>,
      %mul3A_824 = arith.constant 16 : i32
      %mul3A_825 = arith.muli %scan3A_723, %mul3A_824 : i32
      %add3A_826 = arith.constant 6 : i32
      %add3A_827 = arith.addi %mul3A_825, %add3A_826 : i32
      %mul3A_828 = arith.constant 16 : i32
      %mul3A_829 = arith.muli %add3A_827, %mul3A_828 : i32
      %get3A_830 = arith.index_cast %mul3A_829 : i32 to index
      %get3A_831 = tpu.vector_load %arg7[%get3A_830] {strides = array<i32>} : memref<32768xf32, #tpu.memory_space<vmem>>, vector<16xf32>,
      %bitcast_convert_type3A_832 = tpu.bitcast %get3A_831 : vector<16xf32> -> vector<16xi32>
      %not3A_833 = arith.constant dense<-1> : vector<16xi32>
      %not3A_834 = arith.xori %bitcast_convert_type3A_832, %not3A_833 : vector<16xi32>
      %shift_right_logical3A_835 = arith.constant 20 : i32
      %shift_right_logical3A_836 = vector.broadcast %shift_right_logical3A_835 : i32 to vector<16xi32>
      %shift_right_logical3A_837 = arith.shrui %not3A_834, %shift_right_logical3A_836 : vector<16xi32>
      %and3A_838 = arith.constant 2047 : i32
      %and3A_839 = vector.broadcast %and3A_838 : i32 to vector<16xi32>
      %and3A_840 = arith.andi %shift_right_logical3A_837, %and3A_839 : vector<16xi32>
      tpu.vector_store_idx %arg9[%and3A_840], %broadcast_in_dim3A_8 {add = true} : memref<2048xi32, #tpu.memory_space<vmem>>[vector<16xi32>], vector<16xi32>,
      %mul3A_841 = arith.constant 16 : i32
      %mul3A_842 = arith.muli %scan3A_723, %mul3A_841 : i32
      %add3A_843 = arith.constant 7 : i32
      %add3A_844 = arith.addi %mul3A_842, %add3A_843 : i32
      %mul3A_845 = arith.constant 16 : i32
      %mul3A_846 = arith.muli %add3A_844, %mul3A_845 : i32
      %get3A_847 = arith.index_cast %mul3A_846 : i32 to index
      %get3A_848 = tpu.vector_load %arg7[%get3A_847] {strides = array<i32>} : memref<32768xf32, #tpu.memory_space<vmem>>, vector<16xf32>,
      %bitcast_convert_type3A_849 = tpu.bitcast %get3A_848 : vector<16xf32> -> vector<16xi32>
      %not3A_850 = arith.constant dense<-1> : vector<16xi32>
      %not3A_851 = arith.xori %bitcast_convert_type3A_849, %not3A_850 : vector<16xi32>
      %shift_right_logical3A_852 = arith.constant 20 : i32
      %shift_right_logical3A_853 = vector.broadcast %shift_right_logical3A_852 : i32 to vector<16xi32>
      %shift_right_logical3A_854 = arith.shrui %not3A_851, %shift_right_logical3A_853 : vector<16xi32>
      %and3A_855 = arith.constant 2047 : i32
      %and3A_856 = vector.broadcast %and3A_855 : i32 to vector<16xi32>
      %and3A_857 = arith.andi %shift_right_logical3A_854, %and3A_856 : vector<16xi32>
      tpu.vector_store_idx %arg9[%and3A_857], %broadcast_in_dim3A_8 {add = true} : memref<2048xi32, #tpu.memory_space<vmem>>[vector<16xi32>], vector<16xi32>,
      %mul3A_858 = arith.constant 16 : i32
      %mul3A_859 = arith.muli %scan3A_723, %mul3A_858 : i32
      %add3A_860 = arith.constant 8 : i32
      %add3A_861 = arith.addi %mul3A_859, %add3A_860 : i32
      %mul3A_862 = arith.constant 16 : i32
      %mul3A_863 = arith.muli %add3A_861, %mul3A_862 : i32
      %get3A_864 = arith.index_cast %mul3A_863 : i32 to index
      %get3A_865 = tpu.vector_load %arg7[%get3A_864] {strides = array<i32>} : memref<32768xf32, #tpu.memory_space<vmem>>, vector<16xf32>,
      %bitcast_convert_type3A_866 = tpu.bitcast %get3A_865 : vector<16xf32> -> vector<16xi32>
      %not3A_867 = arith.constant dense<-1> : vector<16xi32>
      %not3A_868 = arith.xori %bitcast_convert_type3A_866, %not3A_867 : vector<16xi32>
      %shift_right_logical3A_869 = arith.constant 20 : i32
      %shift_right_logical3A_870 = vector.broadcast %shift_right_logical3A_869 : i32 to vector<16xi32>
      %shift_right_logical3A_871 = arith.shrui %not3A_868, %shift_right_logical3A_870 : vector<16xi32>
      %and3A_872 = arith.constant 2047 : i32
      %and3A_873 = vector.broadcast %and3A_872 : i32 to vector<16xi32>
      %and3A_874 = arith.andi %shift_right_logical3A_871, %and3A_873 : vector<16xi32>
      tpu.vector_store_idx %arg9[%and3A_874], %broadcast_in_dim3A_8 {add = true} : memref<2048xi32, #tpu.memory_space<vmem>>[vector<16xi32>], vector<16xi32>,
      %mul3A_875 = arith.constant 16 : i32
      %mul3A_876 = arith.muli %scan3A_723, %mul3A_875 : i32
      %add3A_877 = arith.constant 9 : i32
      %add3A_878 = arith.addi %mul3A_876, %add3A_877 : i32
      %mul3A_879 = arith.constant 16 : i32
      %mul3A_880 = arith.muli %add3A_878, %mul3A_879 : i32
      %get3A_881 = arith.index_cast %mul3A_880 : i32 to index
      %get3A_882 = tpu.vector_load %arg7[%get3A_881] {strides = array<i32>} : memref<32768xf32, #tpu.memory_space<vmem>>, vector<16xf32>,
      %bitcast_convert_type3A_883 = tpu.bitcast %get3A_882 : vector<16xf32> -> vector<16xi32>
      %not3A_884 = arith.constant dense<-1> : vector<16xi32>
      %not3A_885 = arith.xori %bitcast_convert_type3A_883, %not3A_884 : vector<16xi32>
      %shift_right_logical3A_886 = arith.constant 20 : i32
      %shift_right_logical3A_887 = vector.broadcast %shift_right_logical3A_886 : i32 to vector<16xi32>
      %shift_right_logical3A_888 = arith.shrui %not3A_885, %shift_right_logical3A_887 : vector<16xi32>
      %and3A_889 = arith.constant 2047 : i32
      %and3A_890 = vector.broadcast %and3A_889 : i32 to vector<16xi32>
      %and3A_891 = arith.andi %shift_right_logical3A_888, %and3A_890 : vector<16xi32>
      tpu.vector_store_idx %arg9[%and3A_891], %broadcast_in_dim3A_8 {add = true} : memref<2048xi32, #tpu.memory_space<vmem>>[vector<16xi32>], vector<16xi32>,
      %mul3A_892 = arith.constant 16 : i32
      %mul3A_893 = arith.muli %scan3A_723, %mul3A_892 : i32
      %add3A_894 = arith.constant 10 : i32
      %add3A_895 = arith.addi %mul3A_893, %add3A_894 : i32
      %mul3A_896 = arith.constant 16 : i32
      %mul3A_897 = arith.muli %add3A_895, %mul3A_896 : i32
      %get3A_898 = arith.index_cast %mul3A_897 : i32 to index
      %get3A_899 = tpu.vector_load %arg7[%get3A_898] {strides = array<i32>} : memref<32768xf32, #tpu.memory_space<vmem>>, vector<16xf32>,
      %bitcast_convert_type3A_900 = tpu.bitcast %get3A_899 : vector<16xf32> -> vector<16xi32>
      %not3A_901 = arith.constant dense<-1> : vector<16xi32>
      %not3A_902 = arith.xori %bitcast_convert_type3A_900, %not3A_901 : vector<16xi32>
      %shift_right_logical3A_903 = arith.constant 20 : i32
      %shift_right_logical3A_904 = vector.broadcast %shift_right_logical3A_903 : i32 to vector<16xi32>
      %shift_right_logical3A_905 = arith.shrui %not3A_902, %shift_right_logical3A_904 : vector<16xi32>
      %and3A_906 = arith.constant 2047 : i32
      %and3A_907 = vector.broadcast %and3A_906 : i32 to vector<16xi32>
      %and3A_908 = arith.andi %shift_right_logical3A_905, %and3A_907 : vector<16xi32>
      tpu.vector_store_idx %arg9[%and3A_908], %broadcast_in_dim3A_8 {add = true} : memref<2048xi32, #tpu.memory_space<vmem>>[vector<16xi32>], vector<16xi32>,
      %mul3A_909 = arith.constant 16 : i32
      %mul3A_910 = arith.muli %scan3A_723, %mul3A_909 : i32
      %add3A_911 = arith.constant 11 : i32
      %add3A_912 = arith.addi %mul3A_910, %add3A_911 : i32
      %mul3A_913 = arith.constant 16 : i32
      %mul3A_914 = arith.muli %add3A_912, %mul3A_913 : i32
      %get3A_915 = arith.index_cast %mul3A_914 : i32 to index
      %get3A_916 = tpu.vector_load %arg7[%get3A_915] {strides = array<i32>} : memref<32768xf32, #tpu.memory_space<vmem>>, vector<16xf32>,
      %bitcast_convert_type3A_917 = tpu.bitcast %get3A_916 : vector<16xf32> -> vector<16xi32>
      %not3A_918 = arith.constant dense<-1> : vector<16xi32>
      %not3A_919 = arith.xori %bitcast_convert_type3A_917, %not3A_918 : vector<16xi32>
      %shift_right_logical3A_920 = arith.constant 20 : i32
      %shift_right_logical3A_921 = vector.broadcast %shift_right_logical3A_920 : i32 to vector<16xi32>
      %shift_right_logical3A_922 = arith.shrui %not3A_919, %shift_right_logical3A_921 : vector<16xi32>
      %and3A_923 = arith.constant 2047 : i32
      %and3A_924 = vector.broadcast %and3A_923 : i32 to vector<16xi32>
      %and3A_925 = arith.andi %shift_right_logical3A_922, %and3A_924 : vector<16xi32>
      tpu.vector_store_idx %arg9[%and3A_925], %broadcast_in_dim3A_8 {add = true} : memref<2048xi32, #tpu.memory_space<vmem>>[vector<16xi32>], vector<16xi32>,
      %mul3A_926 = arith.constant 16 : i32
      %mul3A_927 = arith.muli %scan3A_723, %mul3A_926 : i32
      %add3A_928 = arith.constant 12 : i32
      %add3A_929 = arith.addi %mul3A_927, %add3A_928 : i32
      %mul3A_930 = arith.constant 16 : i32
      %mul3A_931 = arith.muli %add3A_929, %mul3A_930 : i32
      %get3A_932 = arith.index_cast %mul3A_931 : i32 to index
      %get3A_933 = tpu.vector_load %arg7[%get3A_932] {strides = array<i32>} : memref<32768xf32, #tpu.memory_space<vmem>>, vector<16xf32>,
      %bitcast_convert_type3A_934 = tpu.bitcast %get3A_933 : vector<16xf32> -> vector<16xi32>
      %not3A_935 = arith.constant dense<-1> : vector<16xi32>
      %not3A_936 = arith.xori %bitcast_convert_type3A_934, %not3A_935 : vector<16xi32>
      %shift_right_logical3A_937 = arith.constant 20 : i32
      %shift_right_logical3A_938 = vector.broadcast %shift_right_logical3A_937 : i32 to vector<16xi32>
      %shift_right_logical3A_939 = arith.shrui %not3A_936, %shift_right_logical3A_938 : vector<16xi32>
      %and3A_940 = arith.constant 2047 : i32
      %and3A_941 = vector.broadcast %and3A_940 : i32 to vector<16xi32>
      %and3A_942 = arith.andi %shift_right_logical3A_939, %and3A_941 : vector<16xi32>
      tpu.vector_store_idx %arg9[%and3A_942], %broadcast_in_dim3A_8 {add = true} : memref<2048xi32, #tpu.memory_space<vmem>>[vector<16xi32>], vector<16xi32>,
      %mul3A_943 = arith.constant 16 : i32
      %mul3A_944 = arith.muli %scan3A_723, %mul3A_943 : i32
      %add3A_945 = arith.constant 13 : i32
      %add3A_946 = arith.addi %mul3A_944, %add3A_945 : i32
      %mul3A_947 = arith.constant 16 : i32
      %mul3A_948 = arith.muli %add3A_946, %mul3A_947 : i32
      %get3A_949 = arith.index_cast %mul3A_948 : i32 to index
      %get3A_950 = tpu.vector_load %arg7[%get3A_949] {strides = array<i32>} : memref<32768xf32, #tpu.memory_space<vmem>>, vector<16xf32>,
      %bitcast_convert_type3A_951 = tpu.bitcast %get3A_950 : vector<16xf32> -> vector<16xi32>
      %not3A_952 = arith.constant dense<-1> : vector<16xi32>
      %not3A_953 = arith.xori %bitcast_convert_type3A_951, %not3A_952 : vector<16xi32>
      %shift_right_logical3A_954 = arith.constant 20 : i32
      %shift_right_logical3A_955 = vector.broadcast %shift_right_logical3A_954 : i32 to vector<16xi32>
      %shift_right_logical3A_956 = arith.shrui %not3A_953, %shift_right_logical3A_955 : vector<16xi32>
      %and3A_957 = arith.constant 2047 : i32
      %and3A_958 = vector.broadcast %and3A_957 : i32 to vector<16xi32>
      %and3A_959 = arith.andi %shift_right_logical3A_956, %and3A_958 : vector<16xi32>
      tpu.vector_store_idx %arg9[%and3A_959], %broadcast_in_dim3A_8 {add = true} : memref<2048xi32, #tpu.memory_space<vmem>>[vector<16xi32>], vector<16xi32>,
      %mul3A_960 = arith.constant 16 : i32
      %mul3A_961 = arith.muli %scan3A_723, %mul3A_960 : i32
      %add3A_962 = arith.constant 14 : i32
      %add3A_963 = arith.addi %mul3A_961, %add3A_962 : i32
      %mul3A_964 = arith.constant 16 : i32
      %mul3A_965 = arith.muli %add3A_963, %mul3A_964 : i32
      %get3A_966 = arith.index_cast %mul3A_965 : i32 to index
      %get3A_967 = tpu.vector_load %arg7[%get3A_966] {strides = array<i32>} : memref<32768xf32, #tpu.memory_space<vmem>>, vector<16xf32>,
      %bitcast_convert_type3A_968 = tpu.bitcast %get3A_967 : vector<16xf32> -> vector<16xi32>
      %not3A_969 = arith.constant dense<-1> : vector<16xi32>
      %not3A_970 = arith.xori %bitcast_convert_type3A_968, %not3A_969 : vector<16xi32>
      %shift_right_logical3A_971 = arith.constant 20 : i32
      %shift_right_logical3A_972 = vector.broadcast %shift_right_logical3A_971 : i32 to vector<16xi32>
      %shift_right_logical3A_973 = arith.shrui %not3A_970, %shift_right_logical3A_972 : vector<16xi32>
      %and3A_974 = arith.constant 2047 : i32
      %and3A_975 = vector.broadcast %and3A_974 : i32 to vector<16xi32>
      %and3A_976 = arith.andi %shift_right_logical3A_973, %and3A_975 : vector<16xi32>
      tpu.vector_store_idx %arg9[%and3A_976], %broadcast_in_dim3A_8 {add = true} : memref<2048xi32, #tpu.memory_space<vmem>>[vector<16xi32>], vector<16xi32>,
      %mul3A_977 = arith.constant 16 : i32
      %mul3A_978 = arith.muli %scan3A_723, %mul3A_977 : i32
      %add3A_979 = arith.constant 15 : i32
      %add3A_980 = arith.addi %mul3A_978, %add3A_979 : i32
      %mul3A_981 = arith.constant 16 : i32
      %mul3A_982 = arith.muli %add3A_980, %mul3A_981 : i32
      %get3A_983 = arith.index_cast %mul3A_982 : i32 to index
      %get3A_984 = tpu.vector_load %arg7[%get3A_983] {strides = array<i32>} : memref<32768xf32, #tpu.memory_space<vmem>>, vector<16xf32>,
      %bitcast_convert_type3A_985 = tpu.bitcast %get3A_984 : vector<16xf32> -> vector<16xi32>
      %not3A_986 = arith.constant dense<-1> : vector<16xi32>
      %not3A_987 = arith.xori %bitcast_convert_type3A_985, %not3A_986 : vector<16xi32>
      %shift_right_logical3A_988 = arith.constant 20 : i32
      %shift_right_logical3A_989 = vector.broadcast %shift_right_logical3A_988 : i32 to vector<16xi32>
      %shift_right_logical3A_990 = arith.shrui %not3A_987, %shift_right_logical3A_989 : vector<16xi32>
      %and3A_991 = arith.constant 2047 : i32
      %and3A_992 = vector.broadcast %and3A_991 : i32 to vector<16xi32>
      %and3A_993 = arith.andi %shift_right_logical3A_990, %and3A_992 : vector<16xi32>
      tpu.vector_store_idx %arg9[%and3A_993], %broadcast_in_dim3A_8 {add = true} : memref<2048xi32, #tpu.memory_space<vmem>>[vector<16xi32>], vector<16xi32>,
    }
    %scan3A_366 = arith.constant 128 : i32
    %scan3A_367 = arith.constant 0 : i32
    %scan3A_368 = arith.constant 0 : i32
    %scan3A_369 = arith.constant 0 : i32
    %scan3A_370 = arith.constant 0 : i32
    %scan3A_371 = arith.constant 16 : i32
    %scan3A_372 = arith.addi %scan3A_370, %scan3A_371 : i32
    %scan3A_373 = arith.constant 1 : i32
    %scan3A_374:3 = scf.for %scan3A_723 = %scan3A_370 to %scan3A_372 step %scan3A_373 iter_args(%scan3A_724 = %scan3A_367, %scan3A_725 = %scan3A_368, %scan3A_726 = %scan3A_369) -> (i32, i32, i32)  : i32 {
      %mul3A_727 = arith.constant 8 : i32
      %mul3A_728 = arith.muli %scan3A_723, %mul3A_727 : i32
      %add3A_729 = arith.constant 0 : i32
      %add3A_730 = arith.addi %mul3A_728, %add3A_729 : i32
      %mul3A_731 = arith.constant 16 : i32
      %mul3A_732 = arith.muli %add3A_730, %mul3A_731 : i32
      %get3A_733 = arith.index_cast %mul3A_732 : i32 to index
      %get3A_734 = tpu.vector_load %arg9[%get3A_733] {strides = array<i32>} : memref<2048xi32, #tpu.memory_space<vmem>>, vector<16xi32>,
      %broadcast_in_dim3A_735 = arith.constant true
      %broadcast_in_dim3A_736 = vector.broadcast %broadcast_in_dim3A_735 : i1 to vector<16xi1>
      %masked_cumsum3A_737 = tpu.scan <sum>, %get3A_734 masked %broadcast_in_dim3A_736 : vector<16xi32>, vector<16xi1> -> vector<16xi32>
      %slice3A_738 = vector.extract_strided_slice %masked_cumsum3A_737 {offsets = [15], sizes = [1], strides = [1]} : vector<16xi32> to vector<1xi32>
      %squeeze3A_739 = vector.extract %slice3A_738[0] : i32 from vector<1xi32>
      %mul3A_740 = arith.constant 8 : i32
      %mul3A_741 = arith.muli %scan3A_723, %mul3A_740 : i32
      %add3A_742 = arith.constant 1 : i32
      %add3A_743 = arith.addi %mul3A_741, %add3A_742 : i32
      %mul3A_744 = arith.constant 16 : i32
      %mul3A_745 = arith.muli %add3A_743, %mul3A_744 : i32
      %get3A_746 = arith.index_cast %mul3A_745 : i32 to index
      %get3A_747 = tpu.vector_load %arg9[%get3A_746] {strides = array<i32>} : memref<2048xi32, #tpu.memory_space<vmem>>, vector<16xi32>,
      %broadcast_in_dim3A_748 = arith.constant true
      %broadcast_in_dim3A_749 = vector.broadcast %broadcast_in_dim3A_748 : i1 to vector<16xi1>
      %masked_cumsum3A_750 = tpu.scan <sum>, %get3A_747 masked %broadcast_in_dim3A_749 : vector<16xi32>, vector<16xi1> -> vector<16xi32>
      %slice3A_751 = vector.extract_strided_slice %masked_cumsum3A_750 {offsets = [15], sizes = [1], strides = [1]} : vector<16xi32> to vector<1xi32>
      %squeeze3A_752 = vector.extract %slice3A_751[0] : i32 from vector<1xi32>
      %mul3A_753 = arith.constant 8 : i32
      %mul3A_754 = arith.muli %scan3A_723, %mul3A_753 : i32
      %add3A_755 = arith.constant 2 : i32
      %add3A_756 = arith.addi %mul3A_754, %add3A_755 : i32
      %mul3A_757 = arith.constant 16 : i32
      %mul3A_758 = arith.muli %add3A_756, %mul3A_757 : i32
      %get3A_759 = arith.index_cast %mul3A_758 : i32 to index
      %get3A_760 = tpu.vector_load %arg9[%get3A_759] {strides = array<i32>} : memref<2048xi32, #tpu.memory_space<vmem>>, vector<16xi32>,
      %broadcast_in_dim3A_761 = arith.constant true
      %broadcast_in_dim3A_762 = vector.broadcast %broadcast_in_dim3A_761 : i1 to vector<16xi1>
      %masked_cumsum3A_763 = tpu.scan <sum>, %get3A_760 masked %broadcast_in_dim3A_762 : vector<16xi32>, vector<16xi1> -> vector<16xi32>
      %slice3A_764 = vector.extract_strided_slice %masked_cumsum3A_763 {offsets = [15], sizes = [1], strides = [1]} : vector<16xi32> to vector<1xi32>
      %squeeze3A_765 = vector.extract %slice3A_764[0] : i32 from vector<1xi32>
      %mul3A_766 = arith.constant 8 : i32
      %mul3A_767 = arith.muli %scan3A_723, %mul3A_766 : i32
      %add3A_768 = arith.constant 3 : i32
      %add3A_769 = arith.addi %mul3A_767, %add3A_768 : i32
      %mul3A_770 = arith.constant 16 : i32
      %mul3A_771 = arith.muli %add3A_769, %mul3A_770 : i32
      %get3A_772 = arith.index_cast %mul3A_771 : i32 to index
      %get3A_773 = tpu.vector_load %arg9[%get3A_772] {strides = array<i32>} : memref<2048xi32, #tpu.memory_space<vmem>>, vector<16xi32>,
      %broadcast_in_dim3A_774 = arith.constant true
      %broadcast_in_dim3A_775 = vector.broadcast %broadcast_in_dim3A_774 : i1 to vector<16xi1>
      %masked_cumsum3A_776 = tpu.scan <sum>, %get3A_773 masked %broadcast_in_dim3A_775 : vector<16xi32>, vector<16xi1> -> vector<16xi32>
      %slice3A_777 = vector.extract_strided_slice %masked_cumsum3A_776 {offsets = [15], sizes = [1], strides = [1]} : vector<16xi32> to vector<1xi32>
      %squeeze3A_778 = vector.extract %slice3A_777[0] : i32 from vector<1xi32>
      %mul3A_779 = arith.constant 8 : i32
      %mul3A_780 = arith.muli %scan3A_723, %mul3A_779 : i32
      %add3A_781 = arith.constant 4 : i32
      %add3A_782 = arith.addi %mul3A_780, %add3A_781 : i32
      %mul3A_783 = arith.constant 16 : i32
      %mul3A_784 = arith.muli %add3A_782, %mul3A_783 : i32
      %get3A_785 = arith.index_cast %mul3A_784 : i32 to index
      %get3A_786 = tpu.vector_load %arg9[%get3A_785] {strides = array<i32>} : memref<2048xi32, #tpu.memory_space<vmem>>, vector<16xi32>,
      %broadcast_in_dim3A_787 = arith.constant true
      %broadcast_in_dim3A_788 = vector.broadcast %broadcast_in_dim3A_787 : i1 to vector<16xi1>
      %masked_cumsum3A_789 = tpu.scan <sum>, %get3A_786 masked %broadcast_in_dim3A_788 : vector<16xi32>, vector<16xi1> -> vector<16xi32>
      %slice3A_790 = vector.extract_strided_slice %masked_cumsum3A_789 {offsets = [15], sizes = [1], strides = [1]} : vector<16xi32> to vector<1xi32>
      %squeeze3A_791 = vector.extract %slice3A_790[0] : i32 from vector<1xi32>
      %mul3A_792 = arith.constant 8 : i32
      %mul3A_793 = arith.muli %scan3A_723, %mul3A_792 : i32
      %add3A_794 = arith.constant 5 : i32
      %add3A_795 = arith.addi %mul3A_793, %add3A_794 : i32
      %mul3A_796 = arith.constant 16 : i32
      %mul3A_797 = arith.muli %add3A_795, %mul3A_796 : i32
      %get3A_798 = arith.index_cast %mul3A_797 : i32 to index
      %get3A_799 = tpu.vector_load %arg9[%get3A_798] {strides = array<i32>} : memref<2048xi32, #tpu.memory_space<vmem>>, vector<16xi32>,
      %broadcast_in_dim3A_800 = arith.constant true
      %broadcast_in_dim3A_801 = vector.broadcast %broadcast_in_dim3A_800 : i1 to vector<16xi1>
      %masked_cumsum3A_802 = tpu.scan <sum>, %get3A_799 masked %broadcast_in_dim3A_801 : vector<16xi32>, vector<16xi1> -> vector<16xi32>
      %slice3A_803 = vector.extract_strided_slice %masked_cumsum3A_802 {offsets = [15], sizes = [1], strides = [1]} : vector<16xi32> to vector<1xi32>
      %squeeze3A_804 = vector.extract %slice3A_803[0] : i32 from vector<1xi32>
      %mul3A_805 = arith.constant 8 : i32
      %mul3A_806 = arith.muli %scan3A_723, %mul3A_805 : i32
      %add3A_807 = arith.constant 6 : i32
      %add3A_808 = arith.addi %mul3A_806, %add3A_807 : i32
      %mul3A_809 = arith.constant 16 : i32
      %mul3A_810 = arith.muli %add3A_808, %mul3A_809 : i32
      %get3A_811 = arith.index_cast %mul3A_810 : i32 to index
      %get3A_812 = tpu.vector_load %arg9[%get3A_811] {strides = array<i32>} : memref<2048xi32, #tpu.memory_space<vmem>>, vector<16xi32>,
      %broadcast_in_dim3A_813 = arith.constant true
      %broadcast_in_dim3A_814 = vector.broadcast %broadcast_in_dim3A_813 : i1 to vector<16xi1>
      %masked_cumsum3A_815 = tpu.scan <sum>, %get3A_812 masked %broadcast_in_dim3A_814 : vector<16xi32>, vector<16xi1> -> vector<16xi32>
      %slice3A_816 = vector.extract_strided_slice %masked_cumsum3A_815 {offsets = [15], sizes = [1], strides = [1]} : vector<16xi32> to vector<1xi32>
      %squeeze3A_817 = vector.extract %slice3A_816[0] : i32 from vector<1xi32>
      %mul3A_818 = arith.constant 8 : i32
      %mul3A_819 = arith.muli %scan3A_723, %mul3A_818 : i32
      %add3A_820 = arith.constant 7 : i32
      %add3A_821 = arith.addi %mul3A_819, %add3A_820 : i32
      %mul3A_822 = arith.constant 16 : i32
      %mul3A_823 = arith.muli %add3A_821, %mul3A_822 : i32
      %get3A_824 = arith.index_cast %mul3A_823 : i32 to index
      %get3A_825 = tpu.vector_load %arg9[%get3A_824] {strides = array<i32>} : memref<2048xi32, #tpu.memory_space<vmem>>, vector<16xi32>,
      %broadcast_in_dim3A_826 = arith.constant true
      %broadcast_in_dim3A_827 = vector.broadcast %broadcast_in_dim3A_826 : i1 to vector<16xi1>
      %masked_cumsum3A_828 = tpu.scan <sum>, %get3A_825 masked %broadcast_in_dim3A_827 : vector<16xi32>, vector<16xi1> -> vector<16xi32>
      %slice3A_829 = vector.extract_strided_slice %masked_cumsum3A_828 {offsets = [15], sizes = [1], strides = [1]} : vector<16xi32> to vector<1xi32>
      %squeeze3A_830 = vector.extract %slice3A_829[0] : i32 from vector<1xi32>
      %lt3A = arith.cmpi slt, %scan3A_724, %squeeze3A : i32
      %add3A_831 = arith.addi %scan3A_724, %squeeze3A_739 : i32
      %ge3A_832 = arith.cmpi sge, %add3A_831, %squeeze3A : i32
      %and3A = arith.andi %lt3A, %ge3A_832 : i1
      %mul3A_833 = arith.constant 8 : i32
      %mul3A_834 = arith.muli %scan3A_723, %mul3A_833 : i32
      %add3A_835 = arith.constant 0 : i32
      %add3A_836 = arith.addi %mul3A_834, %add3A_835 : i32
      %select_n3A = arith.select %and3A, %add3A_836, %scan3A_725 : i32
      %select_n3A_837 = arith.select %and3A, %scan3A_724, %scan3A_726 : i32
      %add3A_838 = arith.addi %scan3A_724, %squeeze3A_739 : i32
      %lt3A_839 = arith.cmpi slt, %add3A_838, %squeeze3A : i32
      %add3A_840 = arith.addi %add3A_838, %squeeze3A_752 : i32
      %ge3A_841 = arith.cmpi sge, %add3A_840, %squeeze3A : i32
      %and3A_842 = arith.andi %lt3A_839, %ge3A_841 : i1
      %mul3A_843 = arith.constant 8 : i32
      %mul3A_844 = arith.muli %scan3A_723, %mul3A_843 : i32
      %add3A_845 = arith.constant 1 : i32
      %add3A_846 = arith.addi %mul3A_844, %add3A_845 : i32
      %select_n3A_847 = arith.select %and3A_842, %add3A_846, %select_n3A : i32
      %select_n3A_848 = arith.select %and3A_842, %add3A_838, %select_n3A_837 : i32
      %add3A_849 = arith.addi %add3A_838, %squeeze3A_752 : i32
      %lt3A_850 = arith.cmpi slt, %add3A_849, %squeeze3A : i32
      %add3A_851 = arith.addi %add3A_849, %squeeze3A_765 : i32
      %ge3A_852 = arith.cmpi sge, %add3A_851, %squeeze3A : i32
      %and3A_853 = arith.andi %lt3A_850, %ge3A_852 : i1
      %mul3A_854 = arith.constant 8 : i32
      %mul3A_855 = arith.muli %scan3A_723, %mul3A_854 : i32
      %add3A_856 = arith.constant 2 : i32
      %add3A_857 = arith.addi %mul3A_855, %add3A_856 : i32
      %select_n3A_858 = arith.select %and3A_853, %add3A_857, %select_n3A_847 : i32
      %select_n3A_859 = arith.select %and3A_853, %add3A_849, %select_n3A_848 : i32
      %add3A_860 = arith.addi %add3A_849, %squeeze3A_765 : i32
      %lt3A_861 = arith.cmpi slt, %add3A_860, %squeeze3A : i32
      %add3A_862 = arith.addi %add3A_860, %squeeze3A_778 : i32
      %ge3A_863 = arith.cmpi sge, %add3A_862, %squeeze3A : i32
      %and3A_864 = arith.andi %lt3A_861, %ge3A_863 : i1
      %mul3A_865 = arith.constant 8 : i32
      %mul3A_866 = arith.muli %scan3A_723, %mul3A_865 : i32
      %add3A_867 = arith.constant 3 : i32
      %add3A_868 = arith.addi %mul3A_866, %add3A_867 : i32
      %select_n3A_869 = arith.select %and3A_864, %add3A_868, %select_n3A_858 : i32
      %select_n3A_870 = arith.select %and3A_864, %add3A_860, %select_n3A_859 : i32
      %add3A_871 = arith.addi %add3A_860, %squeeze3A_778 : i32
      %lt3A_872 = arith.cmpi slt, %add3A_871, %squeeze3A : i32
      %add3A_873 = arith.addi %add3A_871, %squeeze3A_791 : i32
      %ge3A_874 = arith.cmpi sge, %add3A_873, %squeeze3A : i32
      %and3A_875 = arith.andi %lt3A_872, %ge3A_874 : i1
      %mul3A_876 = arith.constant 8 : i32
      %mul3A_877 = arith.muli %scan3A_723, %mul3A_876 : i32
      %add3A_878 = arith.constant 4 : i32
      %add3A_879 = arith.addi %mul3A_877, %add3A_878 : i32
      %select_n3A_880 = arith.select %and3A_875, %add3A_879, %select_n3A_869 : i32
      %select_n3A_881 = arith.select %and3A_875, %add3A_871, %select_n3A_870 : i32
      %add3A_882 = arith.addi %add3A_871, %squeeze3A_791 : i32
      %lt3A_883 = arith.cmpi slt, %add3A_882, %squeeze3A : i32
      %add3A_884 = arith.addi %add3A_882, %squeeze3A_804 : i32
      %ge3A_885 = arith.cmpi sge, %add3A_884, %squeeze3A : i32
      %and3A_886 = arith.andi %lt3A_883, %ge3A_885 : i1
      %mul3A_887 = arith.constant 8 : i32
      %mul3A_888 = arith.muli %scan3A_723, %mul3A_887 : i32
      %add3A_889 = arith.constant 5 : i32
      %add3A_890 = arith.addi %mul3A_888, %add3A_889 : i32
      %select_n3A_891 = arith.select %and3A_886, %add3A_890, %select_n3A_880 : i32
      %select_n3A_892 = arith.select %and3A_886, %add3A_882, %select_n3A_881 : i32
      %add3A_893 = arith.addi %add3A_882, %squeeze3A_804 : i32
      %lt3A_894 = arith.cmpi slt, %add3A_893, %squeeze3A : i32
      %add3A_895 = arith.addi %add3A_893, %squeeze3A_817 : i32
      %ge3A_896 = arith.cmpi sge, %add3A_895, %squeeze3A : i32
      %and3A_897 = arith.andi %lt3A_894, %ge3A_896 : i1
      %mul3A_898 = arith.constant 8 : i32
      %mul3A_899 = arith.muli %scan3A_723, %mul3A_898 : i32
      %add3A_900 = arith.constant 6 : i32
      %add3A_901 = arith.addi %mul3A_899, %add3A_900 : i32
      %select_n3A_902 = arith.select %and3A_897, %add3A_901, %select_n3A_891 : i32
      %select_n3A_903 = arith.select %and3A_897, %add3A_893, %select_n3A_892 : i32
      %add3A_904 = arith.addi %add3A_893, %squeeze3A_817 : i32
      %lt3A_905 = arith.cmpi slt, %add3A_904, %squeeze3A : i32
      %add3A_906 = arith.addi %add3A_904, %squeeze3A_830 : i32
      %ge3A_907 = arith.cmpi sge, %add3A_906, %squeeze3A : i32
      %and3A_908 = arith.andi %lt3A_905, %ge3A_907 : i1
      %mul3A_909 = arith.constant 8 : i32
      %mul3A_910 = arith.muli %scan3A_723, %mul3A_909 : i32
      %add3A_911 = arith.constant 7 : i32
      %add3A_912 = arith.addi %mul3A_910, %add3A_911 : i32
      %select_n3A_913 = arith.select %and3A_908, %add3A_912, %select_n3A_902 : i32
      %select_n3A_914 = arith.select %and3A_908, %add3A_904, %select_n3A_903 : i32
      %add3A_915 = arith.addi %add3A_904, %squeeze3A_830 : i32
      scf.yield %add3A_915, %select_n3A_913, %select_n3A_914 : i32, i32, i32
    }
    %scan3A_375 = arith.constant 16 : i32
    %mul3A_376 = arith.constant 16 : i32
    %mul3A_377 = arith.muli %scan3A_374#1, %mul3A_376 : i32
    %get3A_378 = arith.index_cast %mul3A_377 : i32 to index
    %get3A_379 = tpu.vector_load %arg9[%get3A_378] {strides = array<i32>} : memref<2048xi32, #tpu.memory_space<vmem>>, vector<16xi32>,
    %broadcast_in_dim3A_380 = arith.constant true
    %broadcast_in_dim3A_381 = vector.broadcast %broadcast_in_dim3A_380 : i1 to vector<16xi1>
    %masked_cumsum3A_382 = tpu.scan <sum>, %get3A_379 masked %broadcast_in_dim3A_381 : vector<16xi32>, vector<16xi1> -> vector<16xi32>
    %add3A_383 = vector.broadcast %scan3A_374#2 : i32 to vector<16xi32>
    %add3A_384 = arith.addi %masked_cumsum3A_382, %add3A_383 : vector<16xi32>
    %ge3A_385 = vector.broadcast %squeeze3A : i32 to vector<16xi32>
    %ge3A_386 = arith.cmpi sge, %add3A_384, %ge3A_385 : vector<16xi32>
    %not3A_387 = arith.constant dense<true> : vector<16xi1>
    %not3A_388 = arith.xori %ge3A_386, %not3A_387 : vector<16xi1>
    %all_reduce_population_count3A_389 = tpu.all_reduce %not3A_388 {dim = 0 : i64, kind = #tpu.reduction_kind<sum>} : vector<16xi1> -> vector<16xi32>
    %slice3A_390 = vector.extract_strided_slice %all_reduce_population_count3A_389 {offsets = [0], sizes = [1], strides = [1]} : vector<16xi32> to vector<1xi32>
    %squeeze3A_391 = vector.extract %slice3A_390[0] : i32 from vector<1xi32>
    %mul3A_392 = arith.constant 0 : i32
    %mul3A_393 = vector.broadcast %mul3A_392 : i32 to vector<16xi32>
    %mul3A_394 = arith.muli %iota3A, %mul3A_393 : vector<16xi32>
    %add3A_395 = vector.broadcast %squeeze3A_391 : i32 to vector<16xi32>
    %add3A_396 = arith.addi %mul3A_394, %add3A_395 : vector<16xi32>
    %broadcast_in_dim3A_397 = vector.shape_cast %add3A_396 : vector<16xi32> to vector<16x1xi32>
    %gather3A_398 = vector.shape_cast %broadcast_in_dim3A_397 : vector<16x1xi32> to vector<16xi32>
    %gather3A_399 = tpu.dynamic_gather %add3A_384[%gather3A_398] in [0] : vector<16xi32>, vector<16xi32> -> vector<16xi32>
    %slice3A_400 = vector.extract_strided_slice %gather3A_399 {offsets = [0], sizes = [1], strides = [1]} : vector<16xi32> to vector<1xi32>
    %squeeze3A_401 = vector.extract %slice3A_400[0] : i32 from vector<1xi32>
    %mul3A_402 = arith.constant 0 : i32
    %mul3A_403 = vector.broadcast %mul3A_402 : i32 to vector<16xi32>
    %mul3A_404 = arith.muli %iota3A, %mul3A_403 : vector<16xi32>
    %add3A_405 = vector.broadcast %squeeze3A_391 : i32 to vector<16xi32>
    %add3A_406 = arith.addi %mul3A_404, %add3A_405 : vector<16xi32>
    %broadcast_in_dim3A_407 = vector.shape_cast %add3A_406 : vector<16xi32> to vector<16x1xi32>
    %gather3A_408 = vector.shape_cast %broadcast_in_dim3A_407 : vector<16x1xi32> to vector<16xi32>
    %gather3A_409 = tpu.dynamic_gather %get3A_379[%gather3A_408] in [0] : vector<16xi32>, vector<16xi32> -> vector<16xi32>
    %slice3A_410 = vector.extract_strided_slice %gather3A_409 {offsets = [0], sizes = [1], strides = [1]} : vector<16xi32> to vector<1xi32>
    %squeeze3A_411 = vector.extract %slice3A_410[0] : i32 from vector<1xi32>
    %mul3A_412 = arith.constant 16 : i32
    %mul3A_413 = arith.muli %scan3A_374#1, %mul3A_412 : i32
    %add3A_414 = arith.addi %mul3A_413, %squeeze3A_391 : i32
    %sub3A_415 = arith.subi %squeeze3A_401, %squeeze3A_411 : i32
    %sub3A_416 = arith.constant 2047 : i32
    %sub3A_417 = arith.subi %sub3A_416, %add3A_414 : i32
    %sub3A_418 = arith.subi %squeeze3A, %sub3A_415 : i32
    %mul3A_419 = arith.constant 0 : i32
    %mul3A_420 = vector.broadcast %mul3A_419 : i32 to vector<16xi32>
    %mul3A_421 = arith.muli %iota3A, %mul3A_420 : vector<16xi32>
    %add3A_422 = vector.broadcast %sub3A_417 : i32 to vector<16xi32>
    %add3A_423 = arith.addi %mul3A_421, %add3A_422 : vector<16xi32>
    %dma_wait3A_424 = arith.constant 0 : i32
    %dma_wait3A_425 = tpu.memref_slice %arg8[%dma_wait3A_424] : memref<32784xi32, #tpu.memory_space<vmem>> -> memref<32768xi32, #tpu.memory_space<vmem>>
    %dma_wait3A_426 = arith.constant 0 : i32
    %dma_wait3A_427 = tpu.memref_slice %arg5[%mul3A_2, %dma_wait3A_426] : memref<64x32768xi32, #tpu.memory_space<hbm>> -> memref<1x32768xi32, #tpu.memory_space<hbm>>
    %dma_wait3A_428 = tpu.memref_squeeze %dma_wait3A_427 : memref<1x32768xi32, #tpu.memory_space<hbm>> -> memref<32768xi32, #tpu.memory_space<hbm>>
    %dma_wait3A_429 = arith.constant 0 : i32
    %dma_wait3A_430 = tpu.memref_slice %arg5[%mul3A_2, %dma_wait3A_429] : memref<64x32768xi32, #tpu.memory_space<hbm>> -> memref<1x32768xi32, #tpu.memory_space<hbm>>
    %dma_wait3A_431 = tpu.memref_squeeze %dma_wait3A_430 : memref<1x32768xi32, #tpu.memory_space<hbm>> -> memref<32768xi32, #tpu.memory_space<hbm>>
    %dma_wait3A_432 = arith.constant 0 : i32
    %dma_wait3A_433 = tpu.memref_slice %arg8[%dma_wait3A_432] : memref<32784xi32, #tpu.memory_space<vmem>> -> memref<32768xi32, #tpu.memory_space<vmem>>
    tpu.wait_dma2 semaphore(%arg13 : memref<!tpu.dma_semaphore, #tpu.memory_space<semaphore_mem>>) src(%dma_wait3A_433 : memref<32768xi32, #tpu.memory_space<vmem>>) dst(%dma_wait3A_431 : memref<32768xi32, #tpu.memory_space<hbm>>)
    %mul3A_434 = arith.constant 0 : i32
    %mul3A_435 = vector.broadcast %mul3A_434 : i32 to vector<16xi32>
    %mul3A_436 = arith.muli %iota3A, %mul3A_435 : vector<16xi32>
    %sub3A_437 = arith.constant 1 : i32
    %sub3A_438 = vector.broadcast %sub3A_437 : i32 to vector<16xi32>
    %sub3A_439 = arith.subi %mul3A_436, %sub3A_438 : vector<16xi32>
    %scan3A_440 = arith.constant 0 : i32
    %scan3A_441 = arith.constant 256 : i32
    %scan3A_442 = arith.addi %scan3A_440, %scan3A_441 : i32
    %scan3A_443 = arith.constant 1 : i32
    %scan3A_444 = scf.for %scan3A_723 = %scan3A_440 to %scan3A_442 step %scan3A_443 iter_args(%scan3A_724 = %sub3A_439) -> (vector<16xi32>)  : i32 {
      %mul3A_725 = arith.constant 8 : i32
      %mul3A_726 = arith.muli %scan3A_723, %mul3A_725 : i32
      %add3A_727 = arith.constant 0 : i32
      %add3A_728 = arith.addi %mul3A_726, %add3A_727 : i32
      %mul3A_729 = arith.constant 16 : i32
      %mul3A_730 = arith.muli %add3A_728, %mul3A_729 : i32
      %get3A_731 = arith.index_cast %mul3A_730 : i32 to index
      %get3A_732 = tpu.vector_load %arg7[%get3A_731] {strides = array<i32>} : memref<32768xf32, #tpu.memory_space<vmem>>, vector<16xf32>,
      %bitcast_convert_type3A = tpu.bitcast %get3A_732 : vector<16xf32> -> vector<16xi32>
      %and3A = arith.constant 2147483647 : i32
      %and3A_733 = vector.broadcast %and3A : i32 to vector<16xi32>
      %and3A_734 = arith.andi %bitcast_convert_type3A, %and3A_733 : vector<16xi32>
      %shift_right_logical3A_735 = arith.constant 20 : i32
      %shift_right_logical3A_736 = vector.broadcast %shift_right_logical3A_735 : i32 to vector<16xi32>
      %shift_right_logical3A_737 = arith.shrui %and3A_734, %shift_right_logical3A_736 : vector<16xi32>
      %eq3A = arith.cmpi eq, %shift_right_logical3A_737, %add3A_423 : vector<16xi32>
      %all_reduce_population_count3A_738 = tpu.all_reduce %eq3A {dim = 0 : i64, kind = #tpu.reduction_kind<sum>} : vector<16xi1> -> vector<16xi32>
      %mul3A_739 = arith.constant 8 : i32
      %mul3A_740 = arith.muli %scan3A_723, %mul3A_739 : i32
      %add3A_741 = arith.constant 1 : i32
      %add3A_742 = arith.addi %mul3A_740, %add3A_741 : i32
      %mul3A_743 = arith.constant 16 : i32
      %mul3A_744 = arith.muli %add3A_742, %mul3A_743 : i32
      %get3A_745 = arith.index_cast %mul3A_744 : i32 to index
      %get3A_746 = tpu.vector_load %arg7[%get3A_745] {strides = array<i32>} : memref<32768xf32, #tpu.memory_space<vmem>>, vector<16xf32>,
      %bitcast_convert_type3A_747 = tpu.bitcast %get3A_746 : vector<16xf32> -> vector<16xi32>
      %and3A_748 = arith.constant 2147483647 : i32
      %and3A_749 = vector.broadcast %and3A_748 : i32 to vector<16xi32>
      %and3A_750 = arith.andi %bitcast_convert_type3A_747, %and3A_749 : vector<16xi32>
      %shift_right_logical3A_751 = arith.constant 20 : i32
      %shift_right_logical3A_752 = vector.broadcast %shift_right_logical3A_751 : i32 to vector<16xi32>
      %shift_right_logical3A_753 = arith.shrui %and3A_750, %shift_right_logical3A_752 : vector<16xi32>
      %eq3A_754 = arith.cmpi eq, %shift_right_logical3A_753, %add3A_423 : vector<16xi32>
      %all_reduce_population_count3A_755 = tpu.all_reduce %eq3A_754 {dim = 0 : i64, kind = #tpu.reduction_kind<sum>} : vector<16xi1> -> vector<16xi32>
      %mul3A_756 = arith.constant 8 : i32
      %mul3A_757 = arith.muli %scan3A_723, %mul3A_756 : i32
      %add3A_758 = arith.constant 2 : i32
      %add3A_759 = arith.addi %mul3A_757, %add3A_758 : i32
      %mul3A_760 = arith.constant 16 : i32
      %mul3A_761 = arith.muli %add3A_759, %mul3A_760 : i32
      %get3A_762 = arith.index_cast %mul3A_761 : i32 to index
      %get3A_763 = tpu.vector_load %arg7[%get3A_762] {strides = array<i32>} : memref<32768xf32, #tpu.memory_space<vmem>>, vector<16xf32>,
      %bitcast_convert_type3A_764 = tpu.bitcast %get3A_763 : vector<16xf32> -> vector<16xi32>
      %and3A_765 = arith.constant 2147483647 : i32
      %and3A_766 = vector.broadcast %and3A_765 : i32 to vector<16xi32>
      %and3A_767 = arith.andi %bitcast_convert_type3A_764, %and3A_766 : vector<16xi32>
      %shift_right_logical3A_768 = arith.constant 20 : i32
      %shift_right_logical3A_769 = vector.broadcast %shift_right_logical3A_768 : i32 to vector<16xi32>
      %shift_right_logical3A_770 = arith.shrui %and3A_767, %shift_right_logical3A_769 : vector<16xi32>
      %eq3A_771 = arith.cmpi eq, %shift_right_logical3A_770, %add3A_423 : vector<16xi32>
      %all_reduce_population_count3A_772 = tpu.all_reduce %eq3A_771 {dim = 0 : i64, kind = #tpu.reduction_kind<sum>} : vector<16xi1> -> vector<16xi32>
      %mul3A_773 = arith.constant 8 : i32
      %mul3A_774 = arith.muli %scan3A_723, %mul3A_773 : i32
      %add3A_775 = arith.constant 3 : i32
      %add3A_776 = arith.addi %mul3A_774, %add3A_775 : i32
      %mul3A_777 = arith.constant 16 : i32
      %mul3A_778 = arith.muli %add3A_776, %mul3A_777 : i32
      %get3A_779 = arith.index_cast %mul3A_778 : i32 to index
      %get3A_780 = tpu.vector_load %arg7[%get3A_779] {strides = array<i32>} : memref<32768xf32, #tpu.memory_space<vmem>>, vector<16xf32>,
      %bitcast_convert_type3A_781 = tpu.bitcast %get3A_780 : vector<16xf32> -> vector<16xi32>
      %and3A_782 = arith.constant 2147483647 : i32
      %and3A_783 = vector.broadcast %and3A_782 : i32 to vector<16xi32>
      %and3A_784 = arith.andi %bitcast_convert_type3A_781, %and3A_783 : vector<16xi32>
      %shift_right_logical3A_785 = arith.constant 20 : i32
      %shift_right_logical3A_786 = vector.broadcast %shift_right_logical3A_785 : i32 to vector<16xi32>
      %shift_right_logical3A_787 = arith.shrui %and3A_784, %shift_right_logical3A_786 : vector<16xi32>
      %eq3A_788 = arith.cmpi eq, %shift_right_logical3A_787, %add3A_423 : vector<16xi32>
      %all_reduce_population_count3A_789 = tpu.all_reduce %eq3A_788 {dim = 0 : i64, kind = #tpu.reduction_kind<sum>} : vector<16xi1> -> vector<16xi32>
      %mul3A_790 = arith.constant 8 : i32
      %mul3A_791 = arith.muli %scan3A_723, %mul3A_790 : i32
      %add3A_792 = arith.constant 4 : i32
      %add3A_793 = arith.addi %mul3A_791, %add3A_792 : i32
      %mul3A_794 = arith.constant 16 : i32
      %mul3A_795 = arith.muli %add3A_793, %mul3A_794 : i32
      %get3A_796 = arith.index_cast %mul3A_795 : i32 to index
      %get3A_797 = tpu.vector_load %arg7[%get3A_796] {strides = array<i32>} : memref<32768xf32, #tpu.memory_space<vmem>>, vector<16xf32>,
      %bitcast_convert_type3A_798 = tpu.bitcast %get3A_797 : vector<16xf32> -> vector<16xi32>
      %and3A_799 = arith.constant 2147483647 : i32
      %and3A_800 = vector.broadcast %and3A_799 : i32 to vector<16xi32>
      %and3A_801 = arith.andi %bitcast_convert_type3A_798, %and3A_800 : vector<16xi32>
      %shift_right_logical3A_802 = arith.constant 20 : i32
      %shift_right_logical3A_803 = vector.broadcast %shift_right_logical3A_802 : i32 to vector<16xi32>
      %shift_right_logical3A_804 = arith.shrui %and3A_801, %shift_right_logical3A_803 : vector<16xi32>
      %eq3A_805 = arith.cmpi eq, %shift_right_logical3A_804, %add3A_423 : vector<16xi32>
      %all_reduce_population_count3A_806 = tpu.all_reduce %eq3A_805 {dim = 0 : i64, kind = #tpu.reduction_kind<sum>} : vector<16xi1> -> vector<16xi32>
      %mul3A_807 = arith.constant 8 : i32
      %mul3A_808 = arith.muli %scan3A_723, %mul3A_807 : i32
      %add3A_809 = arith.constant 5 : i32
      %add3A_810 = arith.addi %mul3A_808, %add3A_809 : i32
      %mul3A_811 = arith.constant 16 : i32
      %mul3A_812 = arith.muli %add3A_810, %mul3A_811 : i32
      %get3A_813 = arith.index_cast %mul3A_812 : i32 to index
      %get3A_814 = tpu.vector_load %arg7[%get3A_813] {strides = array<i32>} : memref<32768xf32, #tpu.memory_space<vmem>>, vector<16xf32>,
      %bitcast_convert_type3A_815 = tpu.bitcast %get3A_814 : vector<16xf32> -> vector<16xi32>
      %and3A_816 = arith.constant 2147483647 : i32
      %and3A_817 = vector.broadcast %and3A_816 : i32 to vector<16xi32>
      %and3A_818 = arith.andi %bitcast_convert_type3A_815, %and3A_817 : vector<16xi32>
      %shift_right_logical3A_819 = arith.constant 20 : i32
      %shift_right_logical3A_820 = vector.broadcast %shift_right_logical3A_819 : i32 to vector<16xi32>
      %shift_right_logical3A_821 = arith.shrui %and3A_818, %shift_right_logical3A_820 : vector<16xi32>
      %eq3A_822 = arith.cmpi eq, %shift_right_logical3A_821, %add3A_423 : vector<16xi32>
      %all_reduce_population_count3A_823 = tpu.all_reduce %eq3A_822 {dim = 0 : i64, kind = #tpu.reduction_kind<sum>} : vector<16xi1> -> vector<16xi32>
      %mul3A_824 = arith.constant 8 : i32
      %mul3A_825 = arith.muli %scan3A_723, %mul3A_824 : i32
      %add3A_826 = arith.constant 6 : i32
      %add3A_827 = arith.addi %mul3A_825, %add3A_826 : i32
      %mul3A_828 = arith.constant 16 : i32
      %mul3A_829 = arith.muli %add3A_827, %mul3A_828 : i32
      %get3A_830 = arith.index_cast %mul3A_829 : i32 to index
      %get3A_831 = tpu.vector_load %arg7[%get3A_830] {strides = array<i32>} : memref<32768xf32, #tpu.memory_space<vmem>>, vector<16xf32>,
      %bitcast_convert_type3A_832 = tpu.bitcast %get3A_831 : vector<16xf32> -> vector<16xi32>
      %and3A_833 = arith.constant 2147483647 : i32
      %and3A_834 = vector.broadcast %and3A_833 : i32 to vector<16xi32>
      %and3A_835 = arith.andi %bitcast_convert_type3A_832, %and3A_834 : vector<16xi32>
      %shift_right_logical3A_836 = arith.constant 20 : i32
      %shift_right_logical3A_837 = vector.broadcast %shift_right_logical3A_836 : i32 to vector<16xi32>
      %shift_right_logical3A_838 = arith.shrui %and3A_835, %shift_right_logical3A_837 : vector<16xi32>
      %eq3A_839 = arith.cmpi eq, %shift_right_logical3A_838, %add3A_423 : vector<16xi32>
      %all_reduce_population_count3A_840 = tpu.all_reduce %eq3A_839 {dim = 0 : i64, kind = #tpu.reduction_kind<sum>} : vector<16xi1> -> vector<16xi32>
      %mul3A_841 = arith.constant 8 : i32
      %mul3A_842 = arith.muli %scan3A_723, %mul3A_841 : i32
      %add3A_843 = arith.constant 7 : i32
      %add3A_844 = arith.addi %mul3A_842, %add3A_843 : i32
      %mul3A_845 = arith.constant 16 : i32
      %mul3A_846 = arith.muli %add3A_844, %mul3A_845 : i32
      %get3A_847 = arith.index_cast %mul3A_846 : i32 to index
      %get3A_848 = tpu.vector_load %arg7[%get3A_847] {strides = array<i32>} : memref<32768xf32, #tpu.memory_space<vmem>>, vector<16xf32>,
      %bitcast_convert_type3A_849 = tpu.bitcast %get3A_848 : vector<16xf32> -> vector<16xi32>
      %and3A_850 = arith.constant 2147483647 : i32
      %and3A_851 = vector.broadcast %and3A_850 : i32 to vector<16xi32>
      %and3A_852 = arith.andi %bitcast_convert_type3A_849, %and3A_851 : vector<16xi32>
      %shift_right_logical3A_853 = arith.constant 20 : i32
      %shift_right_logical3A_854 = vector.broadcast %shift_right_logical3A_853 : i32 to vector<16xi32>
      %shift_right_logical3A_855 = arith.shrui %and3A_852, %shift_right_logical3A_854 : vector<16xi32>
      %eq3A_856 = arith.cmpi eq, %shift_right_logical3A_855, %add3A_423 : vector<16xi32>
      %all_reduce_population_count3A_857 = tpu.all_reduce %eq3A_856 {dim = 0 : i64, kind = #tpu.reduction_kind<sum>} : vector<16xi1> -> vector<16xi32>
      %convert_element_type3A = arith.extui %eq3A : vector<16xi1> to vector<16xi32>
      %broadcast_in_dim3A_858 = arith.constant true
      %broadcast_in_dim3A_859 = vector.broadcast %broadcast_in_dim3A_858 : i1 to vector<16xi1>
      %masked_cumsum3A_860 = tpu.scan <sum>, %convert_element_type3A masked %broadcast_in_dim3A_859 : vector<16xi32>, vector<16xi1> -> vector<16xi32>
      %add3A_861 = arith.addi %scan3A_724, %masked_cumsum3A_860 : vector<16xi32>
      tpu.vector_store_idx %arg8[%add3A_861], %and3A_734 masked %eq3A : memref<32784xi32, #tpu.memory_space<vmem>>[vector<16xi32>], vector<16xi32>, vector<16xi1>
      %add3A_862 = arith.addi %scan3A_724, %all_reduce_population_count3A_738 : vector<16xi32>
      %convert_element_type3A_863 = arith.extui %eq3A_754 : vector<16xi1> to vector<16xi32>
      %broadcast_in_dim3A_864 = arith.constant true
      %broadcast_in_dim3A_865 = vector.broadcast %broadcast_in_dim3A_864 : i1 to vector<16xi1>
      %masked_cumsum3A_866 = tpu.scan <sum>, %convert_element_type3A_863 masked %broadcast_in_dim3A_865 : vector<16xi32>, vector<16xi1> -> vector<16xi32>
      %add3A_867 = arith.addi %add3A_862, %masked_cumsum3A_866 : vector<16xi32>
      tpu.vector_store_idx %arg8[%add3A_867], %and3A_750 masked %eq3A_754 : memref<32784xi32, #tpu.memory_space<vmem>>[vector<16xi32>], vector<16xi32>, vector<16xi1>
      %add3A_868 = arith.addi %add3A_862, %all_reduce_population_count3A_755 : vector<16xi32>
      %convert_element_type3A_869 = arith.extui %eq3A_771 : vector<16xi1> to vector<16xi32>
      %broadcast_in_dim3A_870 = arith.constant true
      %broadcast_in_dim3A_871 = vector.broadcast %broadcast_in_dim3A_870 : i1 to vector<16xi1>
      %masked_cumsum3A_872 = tpu.scan <sum>, %convert_element_type3A_869 masked %broadcast_in_dim3A_871 : vector<16xi32>, vector<16xi1> -> vector<16xi32>
      %add3A_873 = arith.addi %add3A_868, %masked_cumsum3A_872 : vector<16xi32>
      tpu.vector_store_idx %arg8[%add3A_873], %and3A_767 masked %eq3A_771 : memref<32784xi32, #tpu.memory_space<vmem>>[vector<16xi32>], vector<16xi32>, vector<16xi1>
      %add3A_874 = arith.addi %add3A_868, %all_reduce_population_count3A_772 : vector<16xi32>
      %convert_element_type3A_875 = arith.extui %eq3A_788 : vector<16xi1> to vector<16xi32>
      %broadcast_in_dim3A_876 = arith.constant true
      %broadcast_in_dim3A_877 = vector.broadcast %broadcast_in_dim3A_876 : i1 to vector<16xi1>
      %masked_cumsum3A_878 = tpu.scan <sum>, %convert_element_type3A_875 masked %broadcast_in_dim3A_877 : vector<16xi32>, vector<16xi1> -> vector<16xi32>
      %add3A_879 = arith.addi %add3A_874, %masked_cumsum3A_878 : vector<16xi32>
      tpu.vector_store_idx %arg8[%add3A_879], %and3A_784 masked %eq3A_788 : memref<32784xi32, #tpu.memory_space<vmem>>[vector<16xi32>], vector<16xi32>, vector<16xi1>
      %add3A_880 = arith.addi %add3A_874, %all_reduce_population_count3A_789 : vector<16xi32>
      %convert_element_type3A_881 = arith.extui %eq3A_805 : vector<16xi1> to vector<16xi32>
      %broadcast_in_dim3A_882 = arith.constant true
      %broadcast_in_dim3A_883 = vector.broadcast %broadcast_in_dim3A_882 : i1 to vector<16xi1>
      %masked_cumsum3A_884 = tpu.scan <sum>, %convert_element_type3A_881 masked %broadcast_in_dim3A_883 : vector<16xi32>, vector<16xi1> -> vector<16xi32>
      %add3A_885 = arith.addi %add3A_880, %masked_cumsum3A_884 : vector<16xi32>
      tpu.vector_store_idx %arg8[%add3A_885], %and3A_801 masked %eq3A_805 : memref<32784xi32, #tpu.memory_space<vmem>>[vector<16xi32>], vector<16xi32>, vector<16xi1>
      %add3A_886 = arith.addi %add3A_880, %all_reduce_population_count3A_806 : vector<16xi32>
      %convert_element_type3A_887 = arith.extui %eq3A_822 : vector<16xi1> to vector<16xi32>
      %broadcast_in_dim3A_888 = arith.constant true
      %broadcast_in_dim3A_889 = vector.broadcast %broadcast_in_dim3A_888 : i1 to vector<16xi1>
      %masked_cumsum3A_890 = tpu.scan <sum>, %convert_element_type3A_887 masked %broadcast_in_dim3A_889 : vector<16xi32>, vector<16xi1> -> vector<16xi32>
      %add3A_891 = arith.addi %add3A_886, %masked_cumsum3A_890 : vector<16xi32>
      tpu.vector_store_idx %arg8[%add3A_891], %and3A_818 masked %eq3A_822 : memref<32784xi32, #tpu.memory_space<vmem>>[vector<16xi32>], vector<16xi32>, vector<16xi1>
      %add3A_892 = arith.addi %add3A_886, %all_reduce_population_count3A_823 : vector<16xi32>
      %convert_element_type3A_893 = arith.extui %eq3A_839 : vector<16xi1> to vector<16xi32>
      %broadcast_in_dim3A_894 = arith.constant true
      %broadcast_in_dim3A_895 = vector.broadcast %broadcast_in_dim3A_894 : i1 to vector<16xi1>
      %masked_cumsum3A_896 = tpu.scan <sum>, %convert_element_type3A_893 masked %broadcast_in_dim3A_895 : vector<16xi32>, vector<16xi1> -> vector<16xi32>
      %add3A_897 = arith.addi %add3A_892, %masked_cumsum3A_896 : vector<16xi32>
      tpu.vector_store_idx %arg8[%add3A_897], %and3A_835 masked %eq3A_839 : memref<32784xi32, #tpu.memory_space<vmem>>[vector<16xi32>], vector<16xi32>, vector<16xi1>
      %add3A_898 = arith.addi %add3A_892, %all_reduce_population_count3A_840 : vector<16xi32>
      %convert_element_type3A_899 = arith.extui %eq3A_856 : vector<16xi1> to vector<16xi32>
      %broadcast_in_dim3A_900 = arith.constant true
      %broadcast_in_dim3A_901 = vector.broadcast %broadcast_in_dim3A_900 : i1 to vector<16xi1>
      %masked_cumsum3A_902 = tpu.scan <sum>, %convert_element_type3A_899 masked %broadcast_in_dim3A_901 : vector<16xi32>, vector<16xi1> -> vector<16xi32>
      %add3A_903 = arith.addi %add3A_898, %masked_cumsum3A_902 : vector<16xi32>
      tpu.vector_store_idx %arg8[%add3A_903], %and3A_852 masked %eq3A_856 : memref<32784xi32, #tpu.memory_space<vmem>>[vector<16xi32>], vector<16xi32>, vector<16xi1>
      %add3A_904 = arith.addi %add3A_898, %all_reduce_population_count3A_857 : vector<16xi32>
      scf.yield %add3A_904 : vector<16xi32>
    }
    %scan3A_445 = arith.constant 256 : i32
    %slice3A_446 = vector.extract_strided_slice %scan3A_444 {offsets = [0], sizes = [1], strides = [1]} : vector<16xi32> to vector<1xi32>
    %squeeze3A_447 = vector.extract %slice3A_446[0] : i32 from vector<1xi32>
    %add3A_448 = arith.constant 1 : i32
    %add3A_449 = arith.addi %squeeze3A_447, %add3A_448 : i32
    %add3A_450 = arith.constant 1 : i32
    %add3A_451 = vector.broadcast %add3A_450 : i32 to vector<16xi32>
    %add3A_452 = arith.addi %scan3A_444, %add3A_451 : vector<16xi32>
    %add3A_453 = arith.constant 15 : i32
    %add3A_454 = arith.addi %add3A_449, %add3A_453 : i32
    %shift_right_logical3A_455 = arith.constant 4 : i32
    %shift_right_logical3A_456 = arith.shrui %add3A_454, %shift_right_logical3A_455 : i32
    %scan3A_457 = arith.constant 0 : i32
    %scan3A_458 = arith.constant 0 : i32
    %scan3A_459 = arith.constant 16 : i32
    %scan3A_460 = arith.addi %scan3A_458, %scan3A_459 : i32
    %scan3A_461 = arith.constant 1 : i32
    scf.for %scan3A_723 = %scan3A_458 to %scan3A_460 step %scan3A_461  : i32 {
      %mul3A_724 = arith.constant 16 : i32
      %mul3A_725 = arith.muli %scan3A_723, %mul3A_724 : i32
      %swap3A_726 = arith.index_cast %mul3A_725 : i32 to index
      %swap3A_727 = tpu.vector_load %arg9[%swap3A_726] {strides = array<i32>} : memref<2048xi32, #tpu.memory_space<vmem>>, vector<16xi32>,
      tpu.vector_store %arg9[%swap3A_726], %broadcast_in_dim3A_6 {strides = array<i32>} : memref<2048xi32, #tpu.memory_space<vmem>>, vector<16xi32>,
    }
    %scan3A_462 = arith.constant 16 : i32
    %while3A_463 = arith.constant 0 : i32
    %while3A_464 = arith.constant 0 : i32
    %while3A_465 = arith.subi %shift_right_logical3A_456, %while3A_464 : i32
    %while3A_466 = arith.addi %while3A_464, %while3A_465 : i32
    %while3A_467 = arith.constant 1 : i32
    %while3A_468 = arith.divsi %while3A_465, %while3A_467 : i32
    %while3A_469 = arith.muli %while3A_468, %while3A_467 : i32
    %while3A_470 = arith.addi %while3A_464, %while3A_469 : i32
    %while3A_471 = arith.constant 1 : i32
    scf.for %while3A_723 = %while3A_464 to %while3A_470 step %while3A_471  : i32 {
      %mul3A_724 = arith.constant 16 : i32
      %mul3A_725 = arith.muli %while3A_723, %mul3A_724 : i32
      %get3A_726 = arith.index_cast %mul3A_725 : i32 to index
      %get3A_727 = tpu.vector_load %arg8[%get3A_726] {strides = array<i32>} : memref<32784xi32, #tpu.memory_space<vmem>>, vector<16xi32>,
      %mul3A_728 = arith.constant 16 : i32
      %mul3A_729 = arith.muli %while3A_723, %mul3A_728 : i32
      %add3A_730 = vector.broadcast %mul3A_729 : i32 to vector<16xi32>
      %add3A_731 = arith.addi %add3A_730, %iota3A : vector<16xi32>
      %lt3A = arith.cmpi slt, %add3A_731, %add3A_452 : vector<16xi32>
      %shift_right_logical3A_732 = arith.constant 12 : i32
      %shift_right_logical3A_733 = vector.broadcast %shift_right_logical3A_732 : i32 to vector<16xi32>
      %shift_right_logical3A_734 = arith.shrui %get3A_727, %shift_right_logical3A_733 : vector<16xi32>
      %and3A = arith.constant 255 : i32
      %and3A_735 = vector.broadcast %and3A : i32 to vector<16xi32>
      %and3A_736 = arith.andi %shift_right_logical3A_734, %and3A_735 : vector<16xi32>
      %sub3A_737 = arith.constant 255 : i32
      %sub3A_738 = vector.broadcast %sub3A_737 : i32 to vector<16xi32>
      %sub3A_739 = arith.subi %sub3A_738, %and3A_736 : vector<16xi32>
      tpu.vector_store_idx %arg9[%sub3A_739], %broadcast_in_dim3A_8 masked %lt3A {add = true} : memref<2048xi32, #tpu.memory_space<vmem>>[vector<16xi32>], vector<16xi32>, vector<16xi1>
    }
    %while3A_472 = arith.constant 1 : i32
    scf.for %while3A_723 = %while3A_470 to %while3A_466 step %while3A_472  : i32 {
      %mul3A_724 = arith.constant 16 : i32
      %mul3A_725 = arith.muli %while3A_723, %mul3A_724 : i32
      %get3A_726 = arith.index_cast %mul3A_725 : i32 to index
      %get3A_727 = tpu.vector_load %arg8[%get3A_726] {strides = array<i32>} : memref<32784xi32, #tpu.memory_space<vmem>>, vector<16xi32>,
      %mul3A_728 = arith.constant 16 : i32
      %mul3A_729 = arith.muli %while3A_723, %mul3A_728 : i32
      %add3A_730 = vector.broadcast %mul3A_729 : i32 to vector<16xi32>
      %add3A_731 = arith.addi %add3A_730, %iota3A : vector<16xi32>
      %lt3A = arith.cmpi slt, %add3A_731, %add3A_452 : vector<16xi32>
      %shift_right_logical3A_732 = arith.constant 12 : i32
      %shift_right_logical3A_733 = vector.broadcast %shift_right_logical3A_732 : i32 to vector<16xi32>
      %shift_right_logical3A_734 = arith.shrui %get3A_727, %shift_right_logical3A_733 : vector<16xi32>
      %and3A = arith.constant 255 : i32
      %and3A_735 = vector.broadcast %and3A : i32 to vector<16xi32>
      %and3A_736 = arith.andi %shift_right_logical3A_734, %and3A_735 : vector<16xi32>
      %sub3A_737 = arith.constant 255 : i32
      %sub3A_738 = vector.broadcast %sub3A_737 : i32 to vector<16xi32>
      %sub3A_739 = arith.subi %sub3A_738, %and3A_736 : vector<16xi32>
      tpu.vector_store_idx %arg9[%sub3A_739], %broadcast_in_dim3A_8 masked %lt3A {add = true} : memref<2048xi32, #tpu.memory_space<vmem>>[vector<16xi32>], vector<16xi32>, vector<16xi1>
    }
    %scan3A_473 = arith.constant 0 : i32
    %scan3A_474 = arith.constant 0 : i32
    %scan3A_475 = arith.constant 0 : i32
    %scan3A_476 = arith.constant 0 : i32
    %scan3A_477 = arith.constant 2 : i32
    %scan3A_478 = arith.addi %scan3A_476, %scan3A_477 : i32
    %scan3A_479 = arith.constant 1 : i32
    %scan3A_480:3 = scf.for %scan3A_723 = %scan3A_476 to %scan3A_478 step %scan3A_479 iter_args(%scan3A_724 = %scan3A_473, %scan3A_725 = %scan3A_474, %scan3A_726 = %scan3A_475) -> (i32, i32, i32)  : i32 {
      %mul3A_727 = arith.constant 8 : i32
      %mul3A_728 = arith.muli %scan3A_723, %mul3A_727 : i32
      %add3A_729 = arith.constant 0 : i32
      %add3A_730 = arith.addi %mul3A_728, %add3A_729 : i32
      %mul3A_731 = arith.constant 16 : i32
      %mul3A_732 = arith.muli %add3A_730, %mul3A_731 : i32
      %get3A_733 = arith.index_cast %mul3A_732 : i32 to index
      %get3A_734 = tpu.vector_load %arg9[%get3A_733] {strides = array<i32>} : memref<2048xi32, #tpu.memory_space<vmem>>, vector<16xi32>,
      %broadcast_in_dim3A_735 = arith.constant true
      %broadcast_in_dim3A_736 = vector.broadcast %broadcast_in_dim3A_735 : i1 to vector<16xi1>
      %masked_cumsum3A_737 = tpu.scan <sum>, %get3A_734 masked %broadcast_in_dim3A_736 : vector<16xi32>, vector<16xi1> -> vector<16xi32>
      %slice3A_738 = vector.extract_strided_slice %masked_cumsum3A_737 {offsets = [15], sizes = [1], strides = [1]} : vector<16xi32> to vector<1xi32>
      %squeeze3A_739 = vector.extract %slice3A_738[0] : i32 from vector<1xi32>
      %mul3A_740 = arith.constant 8 : i32
      %mul3A_741 = arith.muli %scan3A_723, %mul3A_740 : i32
      %add3A_742 = arith.constant 1 : i32
      %add3A_743 = arith.addi %mul3A_741, %add3A_742 : i32
      %mul3A_744 = arith.constant 16 : i32
      %mul3A_745 = arith.muli %add3A_743, %mul3A_744 : i32
      %get3A_746 = arith.index_cast %mul3A_745 : i32 to index
      %get3A_747 = tpu.vector_load %arg9[%get3A_746] {strides = array<i32>} : memref<2048xi32, #tpu.memory_space<vmem>>, vector<16xi32>,
      %broadcast_in_dim3A_748 = arith.constant true
      %broadcast_in_dim3A_749 = vector.broadcast %broadcast_in_dim3A_748 : i1 to vector<16xi1>
      %masked_cumsum3A_750 = tpu.scan <sum>, %get3A_747 masked %broadcast_in_dim3A_749 : vector<16xi32>, vector<16xi1> -> vector<16xi32>
      %slice3A_751 = vector.extract_strided_slice %masked_cumsum3A_750 {offsets = [15], sizes = [1], strides = [1]} : vector<16xi32> to vector<1xi32>
      %squeeze3A_752 = vector.extract %slice3A_751[0] : i32 from vector<1xi32>
      %mul3A_753 = arith.constant 8 : i32
      %mul3A_754 = arith.muli %scan3A_723, %mul3A_753 : i32
      %add3A_755 = arith.constant 2 : i32
      %add3A_756 = arith.addi %mul3A_754, %add3A_755 : i32
      %mul3A_757 = arith.constant 16 : i32
      %mul3A_758 = arith.muli %add3A_756, %mul3A_757 : i32
      %get3A_759 = arith.index_cast %mul3A_758 : i32 to index
      %get3A_760 = tpu.vector_load %arg9[%get3A_759] {strides = array<i32>} : memref<2048xi32, #tpu.memory_space<vmem>>, vector<16xi32>,
      %broadcast_in_dim3A_761 = arith.constant true
      %broadcast_in_dim3A_762 = vector.broadcast %broadcast_in_dim3A_761 : i1 to vector<16xi1>
      %masked_cumsum3A_763 = tpu.scan <sum>, %get3A_760 masked %broadcast_in_dim3A_762 : vector<16xi32>, vector<16xi1> -> vector<16xi32>
      %slice3A_764 = vector.extract_strided_slice %masked_cumsum3A_763 {offsets = [15], sizes = [1], strides = [1]} : vector<16xi32> to vector<1xi32>
      %squeeze3A_765 = vector.extract %slice3A_764[0] : i32 from vector<1xi32>
      %mul3A_766 = arith.constant 8 : i32
      %mul3A_767 = arith.muli %scan3A_723, %mul3A_766 : i32
      %add3A_768 = arith.constant 3 : i32
      %add3A_769 = arith.addi %mul3A_767, %add3A_768 : i32
      %mul3A_770 = arith.constant 16 : i32
      %mul3A_771 = arith.muli %add3A_769, %mul3A_770 : i32
      %get3A_772 = arith.index_cast %mul3A_771 : i32 to index
      %get3A_773 = tpu.vector_load %arg9[%get3A_772] {strides = array<i32>} : memref<2048xi32, #tpu.memory_space<vmem>>, vector<16xi32>,
      %broadcast_in_dim3A_774 = arith.constant true
      %broadcast_in_dim3A_775 = vector.broadcast %broadcast_in_dim3A_774 : i1 to vector<16xi1>
      %masked_cumsum3A_776 = tpu.scan <sum>, %get3A_773 masked %broadcast_in_dim3A_775 : vector<16xi32>, vector<16xi1> -> vector<16xi32>
      %slice3A_777 = vector.extract_strided_slice %masked_cumsum3A_776 {offsets = [15], sizes = [1], strides = [1]} : vector<16xi32> to vector<1xi32>
      %squeeze3A_778 = vector.extract %slice3A_777[0] : i32 from vector<1xi32>
      %mul3A_779 = arith.constant 8 : i32
      %mul3A_780 = arith.muli %scan3A_723, %mul3A_779 : i32
      %add3A_781 = arith.constant 4 : i32
      %add3A_782 = arith.addi %mul3A_780, %add3A_781 : i32
      %mul3A_783 = arith.constant 16 : i32
      %mul3A_784 = arith.muli %add3A_782, %mul3A_783 : i32
      %get3A_785 = arith.index_cast %mul3A_784 : i32 to index
      %get3A_786 = tpu.vector_load %arg9[%get3A_785] {strides = array<i32>} : memref<2048xi32, #tpu.memory_space<vmem>>, vector<16xi32>,
      %broadcast_in_dim3A_787 = arith.constant true
      %broadcast_in_dim3A_788 = vector.broadcast %broadcast_in_dim3A_787 : i1 to vector<16xi1>
      %masked_cumsum3A_789 = tpu.scan <sum>, %get3A_786 masked %broadcast_in_dim3A_788 : vector<16xi32>, vector<16xi1> -> vector<16xi32>
      %slice3A_790 = vector.extract_strided_slice %masked_cumsum3A_789 {offsets = [15], sizes = [1], strides = [1]} : vector<16xi32> to vector<1xi32>
      %squeeze3A_791 = vector.extract %slice3A_790[0] : i32 from vector<1xi32>
      %mul3A_792 = arith.constant 8 : i32
      %mul3A_793 = arith.muli %scan3A_723, %mul3A_792 : i32
      %add3A_794 = arith.constant 5 : i32
      %add3A_795 = arith.addi %mul3A_793, %add3A_794 : i32
      %mul3A_796 = arith.constant 16 : i32
      %mul3A_797 = arith.muli %add3A_795, %mul3A_796 : i32
      %get3A_798 = arith.index_cast %mul3A_797 : i32 to index
      %get3A_799 = tpu.vector_load %arg9[%get3A_798] {strides = array<i32>} : memref<2048xi32, #tpu.memory_space<vmem>>, vector<16xi32>,
      %broadcast_in_dim3A_800 = arith.constant true
      %broadcast_in_dim3A_801 = vector.broadcast %broadcast_in_dim3A_800 : i1 to vector<16xi1>
      %masked_cumsum3A_802 = tpu.scan <sum>, %get3A_799 masked %broadcast_in_dim3A_801 : vector<16xi32>, vector<16xi1> -> vector<16xi32>
      %slice3A_803 = vector.extract_strided_slice %masked_cumsum3A_802 {offsets = [15], sizes = [1], strides = [1]} : vector<16xi32> to vector<1xi32>
      %squeeze3A_804 = vector.extract %slice3A_803[0] : i32 from vector<1xi32>
      %mul3A_805 = arith.constant 8 : i32
      %mul3A_806 = arith.muli %scan3A_723, %mul3A_805 : i32
      %add3A_807 = arith.constant 6 : i32
      %add3A_808 = arith.addi %mul3A_806, %add3A_807 : i32
      %mul3A_809 = arith.constant 16 : i32
      %mul3A_810 = arith.muli %add3A_808, %mul3A_809 : i32
      %get3A_811 = arith.index_cast %mul3A_810 : i32 to index
      %get3A_812 = tpu.vector_load %arg9[%get3A_811] {strides = array<i32>} : memref<2048xi32, #tpu.memory_space<vmem>>, vector<16xi32>,
      %broadcast_in_dim3A_813 = arith.constant true
      %broadcast_in_dim3A_814 = vector.broadcast %broadcast_in_dim3A_813 : i1 to vector<16xi1>
      %masked_cumsum3A_815 = tpu.scan <sum>, %get3A_812 masked %broadcast_in_dim3A_814 : vector<16xi32>, vector<16xi1> -> vector<16xi32>
      %slice3A_816 = vector.extract_strided_slice %masked_cumsum3A_815 {offsets = [15], sizes = [1], strides = [1]} : vector<16xi32> to vector<1xi32>
      %squeeze3A_817 = vector.extract %slice3A_816[0] : i32 from vector<1xi32>
      %mul3A_818 = arith.constant 8 : i32
      %mul3A_819 = arith.muli %scan3A_723, %mul3A_818 : i32
      %add3A_820 = arith.constant 7 : i32
      %add3A_821 = arith.addi %mul3A_819, %add3A_820 : i32
      %mul3A_822 = arith.constant 16 : i32
      %mul3A_823 = arith.muli %add3A_821, %mul3A_822 : i32
      %get3A_824 = arith.index_cast %mul3A_823 : i32 to index
      %get3A_825 = tpu.vector_load %arg9[%get3A_824] {strides = array<i32>} : memref<2048xi32, #tpu.memory_space<vmem>>, vector<16xi32>,
      %broadcast_in_dim3A_826 = arith.constant true
      %broadcast_in_dim3A_827 = vector.broadcast %broadcast_in_dim3A_826 : i1 to vector<16xi1>
      %masked_cumsum3A_828 = tpu.scan <sum>, %get3A_825 masked %broadcast_in_dim3A_827 : vector<16xi32>, vector<16xi1> -> vector<16xi32>
      %slice3A_829 = vector.extract_strided_slice %masked_cumsum3A_828 {offsets = [15], sizes = [1], strides = [1]} : vector<16xi32> to vector<1xi32>
      %squeeze3A_830 = vector.extract %slice3A_829[0] : i32 from vector<1xi32>
      %lt3A = arith.cmpi slt, %scan3A_724, %sub3A_418 : i32
      %add3A_831 = arith.addi %scan3A_724, %squeeze3A_739 : i32
      %ge3A_832 = arith.cmpi sge, %add3A_831, %sub3A_418 : i32
      %and3A = arith.andi %lt3A, %ge3A_832 : i1
      %mul3A_833 = arith.constant 8 : i32
      %mul3A_834 = arith.muli %scan3A_723, %mul3A_833 : i32
      %add3A_835 = arith.constant 0 : i32
      %add3A_836 = arith.addi %mul3A_834, %add3A_835 : i32
      %select_n3A = arith.select %and3A, %add3A_836, %scan3A_725 : i32
      %select_n3A_837 = arith.select %and3A, %scan3A_724, %scan3A_726 : i32
      %add3A_838 = arith.addi %scan3A_724, %squeeze3A_739 : i32
      %lt3A_839 = arith.cmpi slt, %add3A_838, %sub3A_418 : i32
      %add3A_840 = arith.addi %add3A_838, %squeeze3A_752 : i32
      %ge3A_841 = arith.cmpi sge, %add3A_840, %sub3A_418 : i32
      %and3A_842 = arith.andi %lt3A_839, %ge3A_841 : i1
      %mul3A_843 = arith.constant 8 : i32
      %mul3A_844 = arith.muli %scan3A_723, %mul3A_843 : i32
      %add3A_845 = arith.constant 1 : i32
      %add3A_846 = arith.addi %mul3A_844, %add3A_845 : i32
      %select_n3A_847 = arith.select %and3A_842, %add3A_846, %select_n3A : i32
      %select_n3A_848 = arith.select %and3A_842, %add3A_838, %select_n3A_837 : i32
      %add3A_849 = arith.addi %add3A_838, %squeeze3A_752 : i32
      %lt3A_850 = arith.cmpi slt, %add3A_849, %sub3A_418 : i32
      %add3A_851 = arith.addi %add3A_849, %squeeze3A_765 : i32
      %ge3A_852 = arith.cmpi sge, %add3A_851, %sub3A_418 : i32
      %and3A_853 = arith.andi %lt3A_850, %ge3A_852 : i1
      %mul3A_854 = arith.constant 8 : i32
      %mul3A_855 = arith.muli %scan3A_723, %mul3A_854 : i32
      %add3A_856 = arith.constant 2 : i32
      %add3A_857 = arith.addi %mul3A_855, %add3A_856 : i32
      %select_n3A_858 = arith.select %and3A_853, %add3A_857, %select_n3A_847 : i32
      %select_n3A_859 = arith.select %and3A_853, %add3A_849, %select_n3A_848 : i32
      %add3A_860 = arith.addi %add3A_849, %squeeze3A_765 : i32
      %lt3A_861 = arith.cmpi slt, %add3A_860, %sub3A_418 : i32
      %add3A_862 = arith.addi %add3A_860, %squeeze3A_778 : i32
      %ge3A_863 = arith.cmpi sge, %add3A_862, %sub3A_418 : i32
      %and3A_864 = arith.andi %lt3A_861, %ge3A_863 : i1
      %mul3A_865 = arith.constant 8 : i32
      %mul3A_866 = arith.muli %scan3A_723, %mul3A_865 : i32
      %add3A_867 = arith.constant 3 : i32
      %add3A_868 = arith.addi %mul3A_866, %add3A_867 : i32
      %select_n3A_869 = arith.select %and3A_864, %add3A_868, %select_n3A_858 : i32
      %select_n3A_870 = arith.select %and3A_864, %add3A_860, %select_n3A_859 : i32
      %add3A_871 = arith.addi %add3A_860, %squeeze3A_778 : i32
      %lt3A_872 = arith.cmpi slt, %add3A_871, %sub3A_418 : i32
      %add3A_873 = arith.addi %add3A_871, %squeeze3A_791 : i32
      %ge3A_874 = arith.cmpi sge, %add3A_873, %sub3A_418 : i32
      %and3A_875 = arith.andi %lt3A_872, %ge3A_874 : i1
      %mul3A_876 = arith.constant 8 : i32
      %mul3A_877 = arith.muli %scan3A_723, %mul3A_876 : i32
      %add3A_878 = arith.constant 4 : i32
      %add3A_879 = arith.addi %mul3A_877, %add3A_878 : i32
      %select_n3A_880 = arith.select %and3A_875, %add3A_879, %select_n3A_869 : i32
      %select_n3A_881 = arith.select %and3A_875, %add3A_871, %select_n3A_870 : i32
      %add3A_882 = arith.addi %add3A_871, %squeeze3A_791 : i32
      %lt3A_883 = arith.cmpi slt, %add3A_882, %sub3A_418 : i32
      %add3A_884 = arith.addi %add3A_882, %squeeze3A_804 : i32
      %ge3A_885 = arith.cmpi sge, %add3A_884, %sub3A_418 : i32
      %and3A_886 = arith.andi %lt3A_883, %ge3A_885 : i1
      %mul3A_887 = arith.constant 8 : i32
      %mul3A_888 = arith.muli %scan3A_723, %mul3A_887 : i32
      %add3A_889 = arith.constant 5 : i32
      %add3A_890 = arith.addi %mul3A_888, %add3A_889 : i32
      %select_n3A_891 = arith.select %and3A_886, %add3A_890, %select_n3A_880 : i32
      %select_n3A_892 = arith.select %and3A_886, %add3A_882, %select_n3A_881 : i32
      %add3A_893 = arith.addi %add3A_882, %squeeze3A_804 : i32
      %lt3A_894 = arith.cmpi slt, %add3A_893, %sub3A_418 : i32
      %add3A_895 = arith.addi %add3A_893, %squeeze3A_817 : i32
      %ge3A_896 = arith.cmpi sge, %add3A_895, %sub3A_418 : i32
      %and3A_897 = arith.andi %lt3A_894, %ge3A_896 : i1
      %mul3A_898 = arith.constant 8 : i32
      %mul3A_899 = arith.muli %scan3A_723, %mul3A_898 : i32
      %add3A_900 = arith.constant 6 : i32
      %add3A_901 = arith.addi %mul3A_899, %add3A_900 : i32
      %select_n3A_902 = arith.select %and3A_897, %add3A_901, %select_n3A_891 : i32
      %select_n3A_903 = arith.select %and3A_897, %add3A_893, %select_n3A_892 : i32
      %add3A_904 = arith.addi %add3A_893, %squeeze3A_817 : i32
      %lt3A_905 = arith.cmpi slt, %add3A_904, %sub3A_418 : i32
      %add3A_906 = arith.addi %add3A_904, %squeeze3A_830 : i32
      %ge3A_907 = arith.cmpi sge, %add3A_906, %sub3A_418 : i32
      %and3A_908 = arith.andi %lt3A_905, %ge3A_907 : i1
      %mul3A_909 = arith.constant 8 : i32
      %mul3A_910 = arith.muli %scan3A_723, %mul3A_909 : i32
      %add3A_911 = arith.constant 7 : i32
      %add3A_912 = arith.addi %mul3A_910, %add3A_911 : i32
      %select_n3A_913 = arith.select %and3A_908, %add3A_912, %select_n3A_902 : i32
      %select_n3A_914 = arith.select %and3A_908, %add3A_904, %select_n3A_903 : i32
      %add3A_915 = arith.addi %add3A_904, %squeeze3A_830 : i32
      scf.yield %add3A_915, %select_n3A_913, %select_n3A_914 : i32, i32, i32
    }
    %scan3A_481 = arith.constant 2 : i32
    %mul3A_482 = arith.constant 16 : i32
    %mul3A_483 = arith.muli %scan3A_480#1, %mul3A_482 : i32
    %get3A_484 = arith.index_cast %mul3A_483 : i32 to index
    %get3A_485 = tpu.vector_load %arg9[%get3A_484] {strides = array<i32>} : memref<2048xi32, #tpu.memory_space<vmem>>, vector<16xi32>,
    %broadcast_in_dim3A_486 = arith.constant true
    %broadcast_in_dim3A_487 = vector.broadcast %broadcast_in_dim3A_486 : i1 to vector<16xi1>
    %masked_cumsum3A_488 = tpu.scan <sum>, %get3A_485 masked %broadcast_in_dim3A_487 : vector<16xi32>, vector<16xi1> -> vector<16xi32>
    %add3A_489 = vector.broadcast %scan3A_480#2 : i32 to vector<16xi32>
    %add3A_490 = arith.addi %masked_cumsum3A_488, %add3A_489 : vector<16xi32>
    %ge3A_491 = vector.broadcast %sub3A_418 : i32 to vector<16xi32>
    %ge3A_492 = arith.cmpi sge, %add3A_490, %ge3A_491 : vector<16xi32>
    %not3A_493 = arith.constant dense<true> : vector<16xi1>
    %not3A_494 = arith.xori %ge3A_492, %not3A_493 : vector<16xi1>
    %all_reduce_population_count3A_495 = tpu.all_reduce %not3A_494 {dim = 0 : i64, kind = #tpu.reduction_kind<sum>} : vector<16xi1> -> vector<16xi32>
    %slice3A_496 = vector.extract_strided_slice %all_reduce_population_count3A_495 {offsets = [0], sizes = [1], strides = [1]} : vector<16xi32> to vector<1xi32>
    %squeeze3A_497 = vector.extract %slice3A_496[0] : i32 from vector<1xi32>
    %mul3A_498 = arith.constant 0 : i32
    %mul3A_499 = vector.broadcast %mul3A_498 : i32 to vector<16xi32>
    %mul3A_500 = arith.muli %iota3A, %mul3A_499 : vector<16xi32>
    %add3A_501 = vector.broadcast %squeeze3A_497 : i32 to vector<16xi32>
    %add3A_502 = arith.addi %mul3A_500, %add3A_501 : vector<16xi32>
    %broadcast_in_dim3A_503 = vector.shape_cast %add3A_502 : vector<16xi32> to vector<16x1xi32>
    %gather3A_504 = vector.shape_cast %broadcast_in_dim3A_503 : vector<16x1xi32> to vector<16xi32>
    %gather3A_505 = tpu.dynamic_gather %add3A_490[%gather3A_504] in [0] : vector<16xi32>, vector<16xi32> -> vector<16xi32>
    %slice3A_506 = vector.extract_strided_slice %gather3A_505 {offsets = [0], sizes = [1], strides = [1]} : vector<16xi32> to vector<1xi32>
    %squeeze3A_507 = vector.extract %slice3A_506[0] : i32 from vector<1xi32>
    %mul3A_508 = arith.constant 0 : i32
    %mul3A_509 = vector.broadcast %mul3A_508 : i32 to vector<16xi32>
    %mul3A_510 = arith.muli %iota3A, %mul3A_509 : vector<16xi32>
    %add3A_511 = vector.broadcast %squeeze3A_497 : i32 to vector<16xi32>
    %add3A_512 = arith.addi %mul3A_510, %add3A_511 : vector<16xi32>
    %broadcast_in_dim3A_513 = vector.shape_cast %add3A_512 : vector<16xi32> to vector<16x1xi32>
    %gather3A_514 = vector.shape_cast %broadcast_in_dim3A_513 : vector<16x1xi32> to vector<16xi32>
    %gather3A_515 = tpu.dynamic_gather %get3A_485[%gather3A_514] in [0] : vector<16xi32>, vector<16xi32> -> vector<16xi32>
    %slice3A_516 = vector.extract_strided_slice %gather3A_515 {offsets = [0], sizes = [1], strides = [1]} : vector<16xi32> to vector<1xi32>
    %squeeze3A_517 = vector.extract %slice3A_516[0] : i32 from vector<1xi32>
    %mul3A_518 = arith.constant 16 : i32
    %mul3A_519 = arith.muli %scan3A_480#1, %mul3A_518 : i32
    %add3A_520 = arith.addi %mul3A_519, %squeeze3A_497 : i32
    %sub3A_521 = arith.subi %squeeze3A_507, %squeeze3A_517 : i32
    %sub3A_522 = arith.constant 255 : i32
    %sub3A_523 = arith.subi %sub3A_522, %add3A_520 : i32
    %sub3A_524 = arith.subi %sub3A_418, %sub3A_521 : i32
    %mul3A_525 = arith.constant 0 : i32
    %mul3A_526 = vector.broadcast %mul3A_525 : i32 to vector<16xi32>
    %mul3A_527 = arith.muli %iota3A, %mul3A_526 : vector<16xi32>
    %add3A_528 = vector.broadcast %sub3A_523 : i32 to vector<16xi32>
    %add3A_529 = arith.addi %mul3A_527, %add3A_528 : vector<16xi32>
    %scan3A_530 = arith.constant 0 : i32
    %scan3A_531 = arith.constant 0 : i32
    %scan3A_532 = arith.constant 16 : i32
    %scan3A_533 = arith.addi %scan3A_531, %scan3A_532 : i32
    %scan3A_534 = arith.constant 1 : i32
    scf.for %scan3A_723 = %scan3A_531 to %scan3A_533 step %scan3A_534  : i32 {
      %mul3A_724 = arith.constant 16 : i32
      %mul3A_725 = arith.muli %scan3A_723, %mul3A_724 : i32
      %swap3A_726 = arith.index_cast %mul3A_725 : i32 to index
      %swap3A_727 = tpu.vector_load %arg9[%swap3A_726] {strides = array<i32>} : memref<2048xi32, #tpu.memory_space<vmem>>, vector<16xi32>,
      tpu.vector_store %arg9[%swap3A_726], %broadcast_in_dim3A_6 {strides = array<i32>} : memref<2048xi32, #tpu.memory_space<vmem>>, vector<16xi32>,
    }
    %scan3A_535 = arith.constant 16 : i32
    %while3A_536 = arith.constant 0 : i32
    %while3A_537 = arith.constant 0 : i32
    %while3A_538 = arith.subi %shift_right_logical3A_456, %while3A_537 : i32
    %while3A_539 = arith.addi %while3A_537, %while3A_538 : i32
    %while3A_540 = arith.constant 1 : i32
    %while3A_541 = arith.divsi %while3A_538, %while3A_540 : i32
    %while3A_542 = arith.muli %while3A_541, %while3A_540 : i32
    %while3A_543 = arith.addi %while3A_537, %while3A_542 : i32
    %while3A_544 = arith.constant 1 : i32
    scf.for %while3A_723 = %while3A_537 to %while3A_543 step %while3A_544  : i32 {
      %mul3A_724 = arith.constant 16 : i32
      %mul3A_725 = arith.muli %while3A_723, %mul3A_724 : i32
      %get3A_726 = arith.index_cast %mul3A_725 : i32 to index
      %get3A_727 = tpu.vector_load %arg8[%get3A_726] {strides = array<i32>} : memref<32784xi32, #tpu.memory_space<vmem>>, vector<16xi32>,
      %mul3A_728 = arith.constant 16 : i32
      %mul3A_729 = arith.muli %while3A_723, %mul3A_728 : i32
      %add3A_730 = vector.broadcast %mul3A_729 : i32 to vector<16xi32>
      %add3A_731 = arith.addi %add3A_730, %iota3A : vector<16xi32>
      %lt3A = arith.cmpi slt, %add3A_731, %add3A_452 : vector<16xi32>
      %shift_right_logical3A_732 = arith.constant 12 : i32
      %shift_right_logical3A_733 = vector.broadcast %shift_right_logical3A_732 : i32 to vector<16xi32>
      %shift_right_logical3A_734 = arith.shrui %get3A_727, %shift_right_logical3A_733 : vector<16xi32>
      %and3A = arith.constant 255 : i32
      %and3A_735 = vector.broadcast %and3A : i32 to vector<16xi32>
      %and3A_736 = arith.andi %shift_right_logical3A_734, %and3A_735 : vector<16xi32>
      %eq3A = arith.cmpi eq, %and3A_736, %add3A_529 : vector<16xi32>
      %and3A_737 = arith.andi %lt3A, %eq3A : vector<16xi1>
      %shift_right_logical3A_738 = arith.constant 4 : i32
      %shift_right_logical3A_739 = vector.broadcast %shift_right_logical3A_738 : i32 to vector<16xi32>
      %shift_right_logical3A_740 = arith.shrui %get3A_727, %shift_right_logical3A_739 : vector<16xi32>
      %and3A_741 = arith.constant 255 : i32
      %and3A_742 = vector.broadcast %and3A_741 : i32 to vector<16xi32>
      %and3A_743 = arith.andi %shift_right_logical3A_740, %and3A_742 : vector<16xi32>
      %sub3A_744 = arith.constant 255 : i32
      %sub3A_745 = vector.broadcast %sub3A_744 : i32 to vector<16xi32>
      %sub3A_746 = arith.subi %sub3A_745, %and3A_743 : vector<16xi32>
      tpu.vector_store_idx %arg9[%sub3A_746], %broadcast_in_dim3A_8 masked %and3A_737 {add = true} : memref<2048xi32, #tpu.memory_space<vmem>>[vector<16xi32>], vector<16xi32>, vector<16xi1>
    }
    %while3A_545 = arith.constant 1 : i32
    scf.for %while3A_723 = %while3A_543 to %while3A_539 step %while3A_545  : i32 {
      %mul3A_724 = arith.constant 16 : i32
      %mul3A_725 = arith.muli %while3A_723, %mul3A_724 : i32
      %get3A_726 = arith.index_cast %mul3A_725 : i32 to index
      %get3A_727 = tpu.vector_load %arg8[%get3A_726] {strides = array<i32>} : memref<32784xi32, #tpu.memory_space<vmem>>, vector<16xi32>,
      %mul3A_728 = arith.constant 16 : i32
      %mul3A_729 = arith.muli %while3A_723, %mul3A_728 : i32
      %add3A_730 = vector.broadcast %mul3A_729 : i32 to vector<16xi32>
      %add3A_731 = arith.addi %add3A_730, %iota3A : vector<16xi32>
      %lt3A = arith.cmpi slt, %add3A_731, %add3A_452 : vector<16xi32>
      %shift_right_logical3A_732 = arith.constant 12 : i32
      %shift_right_logical3A_733 = vector.broadcast %shift_right_logical3A_732 : i32 to vector<16xi32>
      %shift_right_logical3A_734 = arith.shrui %get3A_727, %shift_right_logical3A_733 : vector<16xi32>
      %and3A = arith.constant 255 : i32
      %and3A_735 = vector.broadcast %and3A : i32 to vector<16xi32>
      %and3A_736 = arith.andi %shift_right_logical3A_734, %and3A_735 : vector<16xi32>
      %eq3A = arith.cmpi eq, %and3A_736, %add3A_529 : vector<16xi32>
      %and3A_737 = arith.andi %lt3A, %eq3A : vector<16xi1>
      %shift_right_logical3A_738 = arith.constant 4 : i32
      %shift_right_logical3A_739 = vector.broadcast %shift_right_logical3A_738 : i32 to vector<16xi32>
      %shift_right_logical3A_740 = arith.shrui %get3A_727, %shift_right_logical3A_739 : vector<16xi32>
      %and3A_741 = arith.constant 255 : i32
      %and3A_742 = vector.broadcast %and3A_741 : i32 to vector<16xi32>
      %and3A_743 = arith.andi %shift_right_logical3A_740, %and3A_742 : vector<16xi32>
      %sub3A_744 = arith.constant 255 : i32
      %sub3A_745 = vector.broadcast %sub3A_744 : i32 to vector<16xi32>
      %sub3A_746 = arith.subi %sub3A_745, %and3A_743 : vector<16xi32>
      tpu.vector_store_idx %arg9[%sub3A_746], %broadcast_in_dim3A_8 masked %and3A_737 {add = true} : memref<2048xi32, #tpu.memory_space<vmem>>[vector<16xi32>], vector<16xi32>, vector<16xi1>
    }
    %scan3A_546 = arith.constant 0 : i32
    %scan3A_547 = arith.constant 0 : i32
    %scan3A_548 = arith.constant 0 : i32
    %scan3A_549 = arith.constant 0 : i32
    %scan3A_550 = arith.constant 2 : i32
    %scan3A_551 = arith.addi %scan3A_549, %scan3A_550 : i32
    %scan3A_552 = arith.constant 1 : i32
    %scan3A_553:3 = scf.for %scan3A_723 = %scan3A_549 to %scan3A_551 step %scan3A_552 iter_args(%scan3A_724 = %scan3A_546, %scan3A_725 = %scan3A_547, %scan3A_726 = %scan3A_548) -> (i32, i32, i32)  : i32 {
      %mul3A_727 = arith.constant 8 : i32
      %mul3A_728 = arith.muli %scan3A_723, %mul3A_727 : i32
      %add3A_729 = arith.constant 0 : i32
      %add3A_730 = arith.addi %mul3A_728, %add3A_729 : i32
      %mul3A_731 = arith.constant 16 : i32
      %mul3A_732 = arith.muli %add3A_730, %mul3A_731 : i32
      %get3A_733 = arith.index_cast %mul3A_732 : i32 to index
      %get3A_734 = tpu.vector_load %arg9[%get3A_733] {strides = array<i32>} : memref<2048xi32, #tpu.memory_space<vmem>>, vector<16xi32>,
      %broadcast_in_dim3A_735 = arith.constant true
      %broadcast_in_dim3A_736 = vector.broadcast %broadcast_in_dim3A_735 : i1 to vector<16xi1>
      %masked_cumsum3A_737 = tpu.scan <sum>, %get3A_734 masked %broadcast_in_dim3A_736 : vector<16xi32>, vector<16xi1> -> vector<16xi32>
      %slice3A_738 = vector.extract_strided_slice %masked_cumsum3A_737 {offsets = [15], sizes = [1], strides = [1]} : vector<16xi32> to vector<1xi32>
      %squeeze3A_739 = vector.extract %slice3A_738[0] : i32 from vector<1xi32>
      %mul3A_740 = arith.constant 8 : i32
      %mul3A_741 = arith.muli %scan3A_723, %mul3A_740 : i32
      %add3A_742 = arith.constant 1 : i32
      %add3A_743 = arith.addi %mul3A_741, %add3A_742 : i32
      %mul3A_744 = arith.constant 16 : i32
      %mul3A_745 = arith.muli %add3A_743, %mul3A_744 : i32
      %get3A_746 = arith.index_cast %mul3A_745 : i32 to index
      %get3A_747 = tpu.vector_load %arg9[%get3A_746] {strides = array<i32>} : memref<2048xi32, #tpu.memory_space<vmem>>, vector<16xi32>,
      %broadcast_in_dim3A_748 = arith.constant true
      %broadcast_in_dim3A_749 = vector.broadcast %broadcast_in_dim3A_748 : i1 to vector<16xi1>
      %masked_cumsum3A_750 = tpu.scan <sum>, %get3A_747 masked %broadcast_in_dim3A_749 : vector<16xi32>, vector<16xi1> -> vector<16xi32>
      %slice3A_751 = vector.extract_strided_slice %masked_cumsum3A_750 {offsets = [15], sizes = [1], strides = [1]} : vector<16xi32> to vector<1xi32>
      %squeeze3A_752 = vector.extract %slice3A_751[0] : i32 from vector<1xi32>
      %mul3A_753 = arith.constant 8 : i32
      %mul3A_754 = arith.muli %scan3A_723, %mul3A_753 : i32
      %add3A_755 = arith.constant 2 : i32
      %add3A_756 = arith.addi %mul3A_754, %add3A_755 : i32
      %mul3A_757 = arith.constant 16 : i32
      %mul3A_758 = arith.muli %add3A_756, %mul3A_757 : i32
      %get3A_759 = arith.index_cast %mul3A_758 : i32 to index
      %get3A_760 = tpu.vector_load %arg9[%get3A_759] {strides = array<i32>} : memref<2048xi32, #tpu.memory_space<vmem>>, vector<16xi32>,
      %broadcast_in_dim3A_761 = arith.constant true
      %broadcast_in_dim3A_762 = vector.broadcast %broadcast_in_dim3A_761 : i1 to vector<16xi1>
      %masked_cumsum3A_763 = tpu.scan <sum>, %get3A_760 masked %broadcast_in_dim3A_762 : vector<16xi32>, vector<16xi1> -> vector<16xi32>
      %slice3A_764 = vector.extract_strided_slice %masked_cumsum3A_763 {offsets = [15], sizes = [1], strides = [1]} : vector<16xi32> to vector<1xi32>
      %squeeze3A_765 = vector.extract %slice3A_764[0] : i32 from vector<1xi32>
      %mul3A_766 = arith.constant 8 : i32
      %mul3A_767 = arith.muli %scan3A_723, %mul3A_766 : i32
      %add3A_768 = arith.constant 3 : i32
      %add3A_769 = arith.addi %mul3A_767, %add3A_768 : i32
      %mul3A_770 = arith.constant 16 : i32
      %mul3A_771 = arith.muli %add3A_769, %mul3A_770 : i32
      %get3A_772 = arith.index_cast %mul3A_771 : i32 to index
      %get3A_773 = tpu.vector_load %arg9[%get3A_772] {strides = array<i32>} : memref<2048xi32, #tpu.memory_space<vmem>>, vector<16xi32>,
      %broadcast_in_dim3A_774 = arith.constant true
      %broadcast_in_dim3A_775 = vector.broadcast %broadcast_in_dim3A_774 : i1 to vector<16xi1>
      %masked_cumsum3A_776 = tpu.scan <sum>, %get3A_773 masked %broadcast_in_dim3A_775 : vector<16xi32>, vector<16xi1> -> vector<16xi32>
      %slice3A_777 = vector.extract_strided_slice %masked_cumsum3A_776 {offsets = [15], sizes = [1], strides = [1]} : vector<16xi32> to vector<1xi32>
      %squeeze3A_778 = vector.extract %slice3A_777[0] : i32 from vector<1xi32>
      %mul3A_779 = arith.constant 8 : i32
      %mul3A_780 = arith.muli %scan3A_723, %mul3A_779 : i32
      %add3A_781 = arith.constant 4 : i32
      %add3A_782 = arith.addi %mul3A_780, %add3A_781 : i32
      %mul3A_783 = arith.constant 16 : i32
      %mul3A_784 = arith.muli %add3A_782, %mul3A_783 : i32
      %get3A_785 = arith.index_cast %mul3A_784 : i32 to index
      %get3A_786 = tpu.vector_load %arg9[%get3A_785] {strides = array<i32>} : memref<2048xi32, #tpu.memory_space<vmem>>, vector<16xi32>,
      %broadcast_in_dim3A_787 = arith.constant true
      %broadcast_in_dim3A_788 = vector.broadcast %broadcast_in_dim3A_787 : i1 to vector<16xi1>
      %masked_cumsum3A_789 = tpu.scan <sum>, %get3A_786 masked %broadcast_in_dim3A_788 : vector<16xi32>, vector<16xi1> -> vector<16xi32>
      %slice3A_790 = vector.extract_strided_slice %masked_cumsum3A_789 {offsets = [15], sizes = [1], strides = [1]} : vector<16xi32> to vector<1xi32>
      %squeeze3A_791 = vector.extract %slice3A_790[0] : i32 from vector<1xi32>
      %mul3A_792 = arith.constant 8 : i32
      %mul3A_793 = arith.muli %scan3A_723, %mul3A_792 : i32
      %add3A_794 = arith.constant 5 : i32
      %add3A_795 = arith.addi %mul3A_793, %add3A_794 : i32
      %mul3A_796 = arith.constant 16 : i32
      %mul3A_797 = arith.muli %add3A_795, %mul3A_796 : i32
      %get3A_798 = arith.index_cast %mul3A_797 : i32 to index
      %get3A_799 = tpu.vector_load %arg9[%get3A_798] {strides = array<i32>} : memref<2048xi32, #tpu.memory_space<vmem>>, vector<16xi32>,
      %broadcast_in_dim3A_800 = arith.constant true
      %broadcast_in_dim3A_801 = vector.broadcast %broadcast_in_dim3A_800 : i1 to vector<16xi1>
      %masked_cumsum3A_802 = tpu.scan <sum>, %get3A_799 masked %broadcast_in_dim3A_801 : vector<16xi32>, vector<16xi1> -> vector<16xi32>
      %slice3A_803 = vector.extract_strided_slice %masked_cumsum3A_802 {offsets = [15], sizes = [1], strides = [1]} : vector<16xi32> to vector<1xi32>
      %squeeze3A_804 = vector.extract %slice3A_803[0] : i32 from vector<1xi32>
      %mul3A_805 = arith.constant 8 : i32
      %mul3A_806 = arith.muli %scan3A_723, %mul3A_805 : i32
      %add3A_807 = arith.constant 6 : i32
      %add3A_808 = arith.addi %mul3A_806, %add3A_807 : i32
      %mul3A_809 = arith.constant 16 : i32
      %mul3A_810 = arith.muli %add3A_808, %mul3A_809 : i32
      %get3A_811 = arith.index_cast %mul3A_810 : i32 to index
      %get3A_812 = tpu.vector_load %arg9[%get3A_811] {strides = array<i32>} : memref<2048xi32, #tpu.memory_space<vmem>>, vector<16xi32>,
      %broadcast_in_dim3A_813 = arith.constant true
      %broadcast_in_dim3A_814 = vector.broadcast %broadcast_in_dim3A_813 : i1 to vector<16xi1>
      %masked_cumsum3A_815 = tpu.scan <sum>, %get3A_812 masked %broadcast_in_dim3A_814 : vector<16xi32>, vector<16xi1> -> vector<16xi32>
      %slice3A_816 = vector.extract_strided_slice %masked_cumsum3A_815 {offsets = [15], sizes = [1], strides = [1]} : vector<16xi32> to vector<1xi32>
      %squeeze3A_817 = vector.extract %slice3A_816[0] : i32 from vector<1xi32>
      %mul3A_818 = arith.constant 8 : i32
      %mul3A_819 = arith.muli %scan3A_723, %mul3A_818 : i32
      %add3A_820 = arith.constant 7 : i32
      %add3A_821 = arith.addi %mul3A_819, %add3A_820 : i32
      %mul3A_822 = arith.constant 16 : i32
      %mul3A_823 = arith.muli %add3A_821, %mul3A_822 : i32
      %get3A_824 = arith.index_cast %mul3A_823 : i32 to index
      %get3A_825 = tpu.vector_load %arg9[%get3A_824] {strides = array<i32>} : memref<2048xi32, #tpu.memory_space<vmem>>, vector<16xi32>,
      %broadcast_in_dim3A_826 = arith.constant true
      %broadcast_in_dim3A_827 = vector.broadcast %broadcast_in_dim3A_826 : i1 to vector<16xi1>
      %masked_cumsum3A_828 = tpu.scan <sum>, %get3A_825 masked %broadcast_in_dim3A_827 : vector<16xi32>, vector<16xi1> -> vector<16xi32>
      %slice3A_829 = vector.extract_strided_slice %masked_cumsum3A_828 {offsets = [15], sizes = [1], strides = [1]} : vector<16xi32> to vector<1xi32>
      %squeeze3A_830 = vector.extract %slice3A_829[0] : i32 from vector<1xi32>
      %lt3A = arith.cmpi slt, %scan3A_724, %sub3A_524 : i32
      %add3A_831 = arith.addi %scan3A_724, %squeeze3A_739 : i32
      %ge3A_832 = arith.cmpi sge, %add3A_831, %sub3A_524 : i32
      %and3A = arith.andi %lt3A, %ge3A_832 : i1
      %mul3A_833 = arith.constant 8 : i32
      %mul3A_834 = arith.muli %scan3A_723, %mul3A_833 : i32
      %add3A_835 = arith.constant 0 : i32
      %add3A_836 = arith.addi %mul3A_834, %add3A_835 : i32
      %select_n3A = arith.select %and3A, %add3A_836, %scan3A_725 : i32
      %select_n3A_837 = arith.select %and3A, %scan3A_724, %scan3A_726 : i32
      %add3A_838 = arith.addi %scan3A_724, %squeeze3A_739 : i32
      %lt3A_839 = arith.cmpi slt, %add3A_838, %sub3A_524 : i32
      %add3A_840 = arith.addi %add3A_838, %squeeze3A_752 : i32
      %ge3A_841 = arith.cmpi sge, %add3A_840, %sub3A_524 : i32
      %and3A_842 = arith.andi %lt3A_839, %ge3A_841 : i1
      %mul3A_843 = arith.constant 8 : i32
      %mul3A_844 = arith.muli %scan3A_723, %mul3A_843 : i32
      %add3A_845 = arith.constant 1 : i32
      %add3A_846 = arith.addi %mul3A_844, %add3A_845 : i32
      %select_n3A_847 = arith.select %and3A_842, %add3A_846, %select_n3A : i32
      %select_n3A_848 = arith.select %and3A_842, %add3A_838, %select_n3A_837 : i32
      %add3A_849 = arith.addi %add3A_838, %squeeze3A_752 : i32
      %lt3A_850 = arith.cmpi slt, %add3A_849, %sub3A_524 : i32
      %add3A_851 = arith.addi %add3A_849, %squeeze3A_765 : i32
      %ge3A_852 = arith.cmpi sge, %add3A_851, %sub3A_524 : i32
      %and3A_853 = arith.andi %lt3A_850, %ge3A_852 : i1
      %mul3A_854 = arith.constant 8 : i32
      %mul3A_855 = arith.muli %scan3A_723, %mul3A_854 : i32
      %add3A_856 = arith.constant 2 : i32
      %add3A_857 = arith.addi %mul3A_855, %add3A_856 : i32
      %select_n3A_858 = arith.select %and3A_853, %add3A_857, %select_n3A_847 : i32
      %select_n3A_859 = arith.select %and3A_853, %add3A_849, %select_n3A_848 : i32
      %add3A_860 = arith.addi %add3A_849, %squeeze3A_765 : i32
      %lt3A_861 = arith.cmpi slt, %add3A_860, %sub3A_524 : i32
      %add3A_862 = arith.addi %add3A_860, %squeeze3A_778 : i32
      %ge3A_863 = arith.cmpi sge, %add3A_862, %sub3A_524 : i32
      %and3A_864 = arith.andi %lt3A_861, %ge3A_863 : i1
      %mul3A_865 = arith.constant 8 : i32
      %mul3A_866 = arith.muli %scan3A_723, %mul3A_865 : i32
      %add3A_867 = arith.constant 3 : i32
      %add3A_868 = arith.addi %mul3A_866, %add3A_867 : i32
      %select_n3A_869 = arith.select %and3A_864, %add3A_868, %select_n3A_858 : i32
      %select_n3A_870 = arith.select %and3A_864, %add3A_860, %select_n3A_859 : i32
      %add3A_871 = arith.addi %add3A_860, %squeeze3A_778 : i32
      %lt3A_872 = arith.cmpi slt, %add3A_871, %sub3A_524 : i32
      %add3A_873 = arith.addi %add3A_871, %squeeze3A_791 : i32
      %ge3A_874 = arith.cmpi sge, %add3A_873, %sub3A_524 : i32
      %and3A_875 = arith.andi %lt3A_872, %ge3A_874 : i1
      %mul3A_876 = arith.constant 8 : i32
      %mul3A_877 = arith.muli %scan3A_723, %mul3A_876 : i32
      %add3A_878 = arith.constant 4 : i32
      %add3A_879 = arith.addi %mul3A_877, %add3A_878 : i32
      %select_n3A_880 = arith.select %and3A_875, %add3A_879, %select_n3A_869 : i32
      %select_n3A_881 = arith.select %and3A_875, %add3A_871, %select_n3A_870 : i32
      %add3A_882 = arith.addi %add3A_871, %squeeze3A_791 : i32
      %lt3A_883 = arith.cmpi slt, %add3A_882, %sub3A_524 : i32
      %add3A_884 = arith.addi %add3A_882, %squeeze3A_804 : i32
      %ge3A_885 = arith.cmpi sge, %add3A_884, %sub3A_524 : i32
      %and3A_886 = arith.andi %lt3A_883, %ge3A_885 : i1
      %mul3A_887 = arith.constant 8 : i32
      %mul3A_888 = arith.muli %scan3A_723, %mul3A_887 : i32
      %add3A_889 = arith.constant 5 : i32
      %add3A_890 = arith.addi %mul3A_888, %add3A_889 : i32
      %select_n3A_891 = arith.select %and3A_886, %add3A_890, %select_n3A_880 : i32
      %select_n3A_892 = arith.select %and3A_886, %add3A_882, %select_n3A_881 : i32
      %add3A_893 = arith.addi %add3A_882, %squeeze3A_804 : i32
      %lt3A_894 = arith.cmpi slt, %add3A_893, %sub3A_524 : i32
      %add3A_895 = arith.addi %add3A_893, %squeeze3A_817 : i32
      %ge3A_896 = arith.cmpi sge, %add3A_895, %sub3A_524 : i32
      %and3A_897 = arith.andi %lt3A_894, %ge3A_896 : i1
      %mul3A_898 = arith.constant 8 : i32
      %mul3A_899 = arith.muli %scan3A_723, %mul3A_898 : i32
      %add3A_900 = arith.constant 6 : i32
      %add3A_901 = arith.addi %mul3A_899, %add3A_900 : i32
      %select_n3A_902 = arith.select %and3A_897, %add3A_901, %select_n3A_891 : i32
      %select_n3A_903 = arith.select %and3A_897, %add3A_893, %select_n3A_892 : i32
      %add3A_904 = arith.addi %add3A_893, %squeeze3A_817 : i32
      %lt3A_905 = arith.cmpi slt, %add3A_904, %sub3A_524 : i32
      %add3A_906 = arith.addi %add3A_904, %squeeze3A_830 : i32
      %ge3A_907 = arith.cmpi sge, %add3A_906, %sub3A_524 : i32
      %and3A_908 = arith.andi %lt3A_905, %ge3A_907 : i1
      %mul3A_909 = arith.constant 8 : i32
      %mul3A_910 = arith.muli %scan3A_723, %mul3A_909 : i32
      %add3A_911 = arith.constant 7 : i32
      %add3A_912 = arith.addi %mul3A_910, %add3A_911 : i32
      %select_n3A_913 = arith.select %and3A_908, %add3A_912, %select_n3A_902 : i32
      %select_n3A_914 = arith.select %and3A_908, %add3A_904, %select_n3A_903 : i32
      %add3A_915 = arith.addi %add3A_904, %squeeze3A_830 : i32
      scf.yield %add3A_915, %select_n3A_913, %select_n3A_914 : i32, i32, i32
    }
    %scan3A_554 = arith.constant 2 : i32
    %mul3A_555 = arith.constant 16 : i32
    %mul3A_556 = arith.muli %scan3A_553#1, %mul3A_555 : i32
    %get3A_557 = arith.index_cast %mul3A_556 : i32 to index
    %get3A_558 = tpu.vector_load %arg9[%get3A_557] {strides = array<i32>} : memref<2048xi32, #tpu.memory_space<vmem>>, vector<16xi32>,
    %broadcast_in_dim3A_559 = arith.constant true
    %broadcast_in_dim3A_560 = vector.broadcast %broadcast_in_dim3A_559 : i1 to vector<16xi1>
    %masked_cumsum3A_561 = tpu.scan <sum>, %get3A_558 masked %broadcast_in_dim3A_560 : vector<16xi32>, vector<16xi1> -> vector<16xi32>
    %add3A_562 = vector.broadcast %scan3A_553#2 : i32 to vector<16xi32>
    %add3A_563 = arith.addi %masked_cumsum3A_561, %add3A_562 : vector<16xi32>
    %ge3A_564 = vector.broadcast %sub3A_524 : i32 to vector<16xi32>
    %ge3A_565 = arith.cmpi sge, %add3A_563, %ge3A_564 : vector<16xi32>
    %not3A_566 = arith.constant dense<true> : vector<16xi1>
    %not3A_567 = arith.xori %ge3A_565, %not3A_566 : vector<16xi1>
    %all_reduce_population_count3A_568 = tpu.all_reduce %not3A_567 {dim = 0 : i64, kind = #tpu.reduction_kind<sum>} : vector<16xi1> -> vector<16xi32>
    %slice3A_569 = vector.extract_strided_slice %all_reduce_population_count3A_568 {offsets = [0], sizes = [1], strides = [1]} : vector<16xi32> to vector<1xi32>
    %squeeze3A_570 = vector.extract %slice3A_569[0] : i32 from vector<1xi32>
    %mul3A_571 = arith.constant 0 : i32
    %mul3A_572 = vector.broadcast %mul3A_571 : i32 to vector<16xi32>
    %mul3A_573 = arith.muli %iota3A, %mul3A_572 : vector<16xi32>
    %add3A_574 = vector.broadcast %squeeze3A_570 : i32 to vector<16xi32>
    %add3A_575 = arith.addi %mul3A_573, %add3A_574 : vector<16xi32>
    %broadcast_in_dim3A_576 = vector.shape_cast %add3A_575 : vector<16xi32> to vector<16x1xi32>
    %gather3A_577 = vector.shape_cast %broadcast_in_dim3A_576 : vector<16x1xi32> to vector<16xi32>
    %gather3A_578 = tpu.dynamic_gather %add3A_563[%gather3A_577] in [0] : vector<16xi32>, vector<16xi32> -> vector<16xi32>
    %slice3A_579 = vector.extract_strided_slice %gather3A_578 {offsets = [0], sizes = [1], strides = [1]} : vector<16xi32> to vector<1xi32>
    %squeeze3A_580 = vector.extract %slice3A_579[0] : i32 from vector<1xi32>
    %mul3A_581 = arith.constant 0 : i32
    %mul3A_582 = vector.broadcast %mul3A_581 : i32 to vector<16xi32>
    %mul3A_583 = arith.muli %iota3A, %mul3A_582 : vector<16xi32>
    %add3A_584 = vector.broadcast %squeeze3A_570 : i32 to vector<16xi32>
    %add3A_585 = arith.addi %mul3A_583, %add3A_584 : vector<16xi32>
    %broadcast_in_dim3A_586 = vector.shape_cast %add3A_585 : vector<16xi32> to vector<16x1xi32>
    %gather3A_587 = vector.shape_cast %broadcast_in_dim3A_586 : vector<16x1xi32> to vector<16xi32>
    %gather3A_588 = tpu.dynamic_gather %get3A_558[%gather3A_587] in [0] : vector<16xi32>, vector<16xi32> -> vector<16xi32>
    %slice3A_589 = vector.extract_strided_slice %gather3A_588 {offsets = [0], sizes = [1], strides = [1]} : vector<16xi32> to vector<1xi32>
    %squeeze3A_590 = vector.extract %slice3A_589[0] : i32 from vector<1xi32>
    %mul3A_591 = arith.constant 16 : i32
    %mul3A_592 = arith.muli %scan3A_553#1, %mul3A_591 : i32
    %add3A_593 = arith.addi %mul3A_592, %squeeze3A_570 : i32
    %sub3A_594 = arith.subi %squeeze3A_580, %squeeze3A_590 : i32
    %sub3A_595 = arith.constant 255 : i32
    %sub3A_596 = arith.subi %sub3A_595, %add3A_593 : i32
    %sub3A_597 = arith.subi %sub3A_524, %sub3A_594 : i32
    %mul3A_598 = arith.constant 0 : i32
    %mul3A_599 = vector.broadcast %mul3A_598 : i32 to vector<16xi32>
    %mul3A_600 = arith.muli %iota3A, %mul3A_599 : vector<16xi32>
    %add3A_601 = vector.broadcast %sub3A_596 : i32 to vector<16xi32>
    %add3A_602 = arith.addi %mul3A_600, %add3A_601 : vector<16xi32>
    %scan3A_603 = arith.constant 0 : i32
    %scan3A_604 = arith.constant 0 : i32
    %mul3A_605 = arith.constant 16 : i32
    %mul3A_606 = arith.muli %scan3A_604, %mul3A_605 : i32
    %swap3A_607 = arith.index_cast %mul3A_606 : i32 to index
    %swap3A_608 = tpu.vector_load %arg9[%swap3A_607] {strides = array<i32>} : memref<2048xi32, #tpu.memory_space<vmem>>, vector<16xi32>,
    tpu.vector_store %arg9[%swap3A_607], %broadcast_in_dim3A_6 {strides = array<i32>} : memref<2048xi32, #tpu.memory_space<vmem>>, vector<16xi32>,
    %scan3A_609 = arith.constant 1 : i32
    %while3A_610 = arith.constant 0 : i32
    %while3A_611 = arith.constant 0 : i32
    %while3A_612 = arith.subi %shift_right_logical3A_456, %while3A_611 : i32
    %while3A_613 = arith.addi %while3A_611, %while3A_612 : i32
    %while3A_614 = arith.constant 1 : i32
    %while3A_615 = arith.divsi %while3A_612, %while3A_614 : i32
    %while3A_616 = arith.muli %while3A_615, %while3A_614 : i32
    %while3A_617 = arith.addi %while3A_611, %while3A_616 : i32
    %while3A_618 = arith.constant 1 : i32
    scf.for %while3A_723 = %while3A_611 to %while3A_617 step %while3A_618  : i32 {
      %mul3A_724 = arith.constant 16 : i32
      %mul3A_725 = arith.muli %while3A_723, %mul3A_724 : i32
      %get3A_726 = arith.index_cast %mul3A_725 : i32 to index
      %get3A_727 = tpu.vector_load %arg8[%get3A_726] {strides = array<i32>} : memref<32784xi32, #tpu.memory_space<vmem>>, vector<16xi32>,
      %mul3A_728 = arith.constant 16 : i32
      %mul3A_729 = arith.muli %while3A_723, %mul3A_728 : i32
      %add3A_730 = vector.broadcast %mul3A_729 : i32 to vector<16xi32>
      %add3A_731 = arith.addi %add3A_730, %iota3A : vector<16xi32>
      %lt3A = arith.cmpi slt, %add3A_731, %add3A_452 : vector<16xi32>
      %shift_right_logical3A_732 = arith.constant 12 : i32
      %shift_right_logical3A_733 = vector.broadcast %shift_right_logical3A_732 : i32 to vector<16xi32>
      %shift_right_logical3A_734 = arith.shrui %get3A_727, %shift_right_logical3A_733 : vector<16xi32>
      %and3A = arith.constant 255 : i32
      %and3A_735 = vector.broadcast %and3A : i32 to vector<16xi32>
      %and3A_736 = arith.andi %shift_right_logical3A_734, %and3A_735 : vector<16xi32>
      %eq3A = arith.cmpi eq, %and3A_736, %add3A_529 : vector<16xi32>
      %and3A_737 = arith.andi %lt3A, %eq3A : vector<16xi1>
      %shift_right_logical3A_738 = arith.constant 4 : i32
      %shift_right_logical3A_739 = vector.broadcast %shift_right_logical3A_738 : i32 to vector<16xi32>
      %shift_right_logical3A_740 = arith.shrui %get3A_727, %shift_right_logical3A_739 : vector<16xi32>
      %and3A_741 = arith.constant 255 : i32
      %and3A_742 = vector.broadcast %and3A_741 : i32 to vector<16xi32>
      %and3A_743 = arith.andi %shift_right_logical3A_740, %and3A_742 : vector<16xi32>
      %eq3A_744 = arith.cmpi eq, %and3A_743, %add3A_602 : vector<16xi32>
      %and3A_745 = arith.andi %and3A_737, %eq3A_744 : vector<16xi1>
      %and3A_746 = arith.constant 15 : i32
      %and3A_747 = vector.broadcast %and3A_746 : i32 to vector<16xi32>
      %and3A_748 = arith.andi %get3A_727, %and3A_747 : vector<16xi32>
      %sub3A_749 = arith.constant 15 : i32
      %sub3A_750 = vector.broadcast %sub3A_749 : i32 to vector<16xi32>
      %sub3A_751 = arith.subi %sub3A_750, %and3A_748 : vector<16xi32>
      tpu.vector_store_idx %arg9[%sub3A_751], %broadcast_in_dim3A_8 masked %and3A_745 {add = true} : memref<2048xi32, #tpu.memory_space<vmem>>[vector<16xi32>], vector<16xi32>, vector<16xi1>
    }
    %while3A_619 = arith.constant 1 : i32
    scf.for %while3A_723 = %while3A_617 to %while3A_613 step %while3A_619  : i32 {
      %mul3A_724 = arith.constant 16 : i32
      %mul3A_725 = arith.muli %while3A_723, %mul3A_724 : i32
      %get3A_726 = arith.index_cast %mul3A_725 : i32 to index
      %get3A_727 = tpu.vector_load %arg8[%get3A_726] {strides = array<i32>} : memref<32784xi32, #tpu.memory_space<vmem>>, vector<16xi32>,
      %mul3A_728 = arith.constant 16 : i32
      %mul3A_729 = arith.muli %while3A_723, %mul3A_728 : i32
      %add3A_730 = vector.broadcast %mul3A_729 : i32 to vector<16xi32>
      %add3A_731 = arith.addi %add3A_730, %iota3A : vector<16xi32>
      %lt3A = arith.cmpi slt, %add3A_731, %add3A_452 : vector<16xi32>
      %shift_right_logical3A_732 = arith.constant 12 : i32
      %shift_right_logical3A_733 = vector.broadcast %shift_right_logical3A_732 : i32 to vector<16xi32>
      %shift_right_logical3A_734 = arith.shrui %get3A_727, %shift_right_logical3A_733 : vector<16xi32>
      %and3A = arith.constant 255 : i32
      %and3A_735 = vector.broadcast %and3A : i32 to vector<16xi32>
      %and3A_736 = arith.andi %shift_right_logical3A_734, %and3A_735 : vector<16xi32>
      %eq3A = arith.cmpi eq, %and3A_736, %add3A_529 : vector<16xi32>
      %and3A_737 = arith.andi %lt3A, %eq3A : vector<16xi1>
      %shift_right_logical3A_738 = arith.constant 4 : i32
      %shift_right_logical3A_739 = vector.broadcast %shift_right_logical3A_738 : i32 to vector<16xi32>
      %shift_right_logical3A_740 = arith.shrui %get3A_727, %shift_right_logical3A_739 : vector<16xi32>
      %and3A_741 = arith.constant 255 : i32
      %and3A_742 = vector.broadcast %and3A_741 : i32 to vector<16xi32>
      %and3A_743 = arith.andi %shift_right_logical3A_740, %and3A_742 : vector<16xi32>
      %eq3A_744 = arith.cmpi eq, %and3A_743, %add3A_602 : vector<16xi32>
      %and3A_745 = arith.andi %and3A_737, %eq3A_744 : vector<16xi1>
      %and3A_746 = arith.constant 15 : i32
      %and3A_747 = vector.broadcast %and3A_746 : i32 to vector<16xi32>
      %and3A_748 = arith.andi %get3A_727, %and3A_747 : vector<16xi32>
      %sub3A_749 = arith.constant 15 : i32
      %sub3A_750 = vector.broadcast %sub3A_749 : i32 to vector<16xi32>
      %sub3A_751 = arith.subi %sub3A_750, %and3A_748 : vector<16xi32>
      tpu.vector_store_idx %arg9[%sub3A_751], %broadcast_in_dim3A_8 masked %and3A_745 {add = true} : memref<2048xi32, #tpu.memory_space<vmem>>[vector<16xi32>], vector<16xi32>, vector<16xi1>
    }
    %mul3A_620 = arith.constant 0 : i32
    %mul3A_621 = arith.constant 16 : i32
    %mul3A_622 = arith.muli %mul3A_620, %mul3A_621 : i32
    %get3A_623 = arith.index_cast %mul3A_622 : i32 to index
    %get3A_624 = tpu.vector_load %arg9[%get3A_623] {strides = array<i32>} : memref<2048xi32, #tpu.memory_space<vmem>>, vector<16xi32>,
    %broadcast_in_dim3A_625 = arith.constant true
    %broadcast_in_dim3A_626 = vector.broadcast %broadcast_in_dim3A_625 : i1 to vector<16xi1>
    %masked_cumsum3A_627 = tpu.scan <sum>, %get3A_624 masked %broadcast_in_dim3A_626 : vector<16xi32>, vector<16xi1> -> vector<16xi32>
    %add3A_628 = arith.constant 0 : i32
    %add3A_629 = vector.broadcast %add3A_628 : i32 to vector<16xi32>
    %add3A_630 = arith.addi %masked_cumsum3A_627, %add3A_629 : vector<16xi32>
    %ge3A_631 = vector.broadcast %sub3A_597 : i32 to vector<16xi32>
    %ge3A_632 = arith.cmpi sge, %add3A_630, %ge3A_631 : vector<16xi32>
    %not3A_633 = arith.constant dense<true> : vector<16xi1>
    %not3A_634 = arith.xori %ge3A_632, %not3A_633 : vector<16xi1>
    %all_reduce_population_count3A_635 = tpu.all_reduce %not3A_634 {dim = 0 : i64, kind = #tpu.reduction_kind<sum>} : vector<16xi1> -> vector<16xi32>
    %slice3A_636 = vector.extract_strided_slice %all_reduce_population_count3A_635 {offsets = [0], sizes = [1], strides = [1]} : vector<16xi32> to vector<1xi32>
    %squeeze3A_637 = vector.extract %slice3A_636[0] : i32 from vector<1xi32>
    %mul3A_638 = arith.constant 0 : i32
    %mul3A_639 = vector.broadcast %mul3A_638 : i32 to vector<16xi32>
    %mul3A_640 = arith.muli %iota3A, %mul3A_639 : vector<16xi32>
    %add3A_641 = vector.broadcast %squeeze3A_637 : i32 to vector<16xi32>
    %add3A_642 = arith.addi %mul3A_640, %add3A_641 : vector<16xi32>
    %broadcast_in_dim3A_643 = vector.shape_cast %add3A_642 : vector<16xi32> to vector<16x1xi32>
    %gather3A_644 = vector.shape_cast %broadcast_in_dim3A_643 : vector<16x1xi32> to vector<16xi32>
    %gather3A_645 = tpu.dynamic_gather %add3A_630[%gather3A_644] in [0] : vector<16xi32>, vector<16xi32> -> vector<16xi32>
    %slice3A_646 = vector.extract_strided_slice %gather3A_645 {offsets = [0], sizes = [1], strides = [1]} : vector<16xi32> to vector<1xi32>
    %squeeze3A_647 = vector.extract %slice3A_646[0] : i32 from vector<1xi32>
    %mul3A_648 = arith.constant 0 : i32
    %mul3A_649 = vector.broadcast %mul3A_648 : i32 to vector<16xi32>
    %mul3A_650 = arith.muli %iota3A, %mul3A_649 : vector<16xi32>
    %add3A_651 = vector.broadcast %squeeze3A_637 : i32 to vector<16xi32>
    %add3A_652 = arith.addi %mul3A_650, %add3A_651 : vector<16xi32>
    %broadcast_in_dim3A_653 = vector.shape_cast %add3A_652 : vector<16xi32> to vector<16x1xi32>
    %gather3A_654 = vector.shape_cast %broadcast_in_dim3A_653 : vector<16x1xi32> to vector<16xi32>
    %gather3A_655 = tpu.dynamic_gather %get3A_624[%gather3A_654] in [0] : vector<16xi32>, vector<16xi32> -> vector<16xi32>
    %slice3A_656 = vector.extract_strided_slice %gather3A_655 {offsets = [0], sizes = [1], strides = [1]} : vector<16xi32> to vector<1xi32>
    %squeeze3A_657 = vector.extract %slice3A_656[0] : i32 from vector<1xi32>
    %mul3A_658 = arith.constant 0 : i32
    %mul3A_659 = arith.constant 16 : i32
    %mul3A_660 = arith.muli %mul3A_658, %mul3A_659 : i32
    %add3A_661 = arith.addi %mul3A_660, %squeeze3A_637 : i32
    %sub3A_662 = arith.subi %squeeze3A_647, %squeeze3A_657 : i32
    %sub3A_663 = arith.constant 15 : i32
    %sub3A_664 = arith.subi %sub3A_663, %add3A_661 : i32
    %shift_left3A_665 = arith.constant 20 : i32
    %shift_left3A_666 = arith.shli %sub3A_417, %shift_left3A_665 : i32
    %shift_left3A_667 = arith.constant 12 : i32
    %shift_left3A_668 = arith.shli %sub3A_523, %shift_left3A_667 : i32
    %or3A_669 = arith.ori %shift_left3A_666, %shift_left3A_668 : i32
    %shift_left3A_670 = arith.constant 4 : i32
    %shift_left3A_671 = arith.shli %sub3A_596, %shift_left3A_670 : i32
    %or3A_672 = arith.ori %or3A_669, %shift_left3A_671 : i32
    %or3A_673 = arith.ori %or3A_672, %sub3A_664 : i32
    %mul3A_674 = arith.constant 0 : i32
    %mul3A_675 = vector.broadcast %mul3A_674 : i32 to vector<16xi32>
    %mul3A_676 = arith.muli %iota3A, %mul3A_675 : vector<16xi32>
    %add3A_677 = vector.broadcast %or3A_673 : i32 to vector<16xi32>
    %add3A_678 = arith.addi %mul3A_676, %add3A_677 : vector<16xi32>
    %scan3A_679 = arith.constant 0 : i32
    %scan3A_680 = arith.constant 0 : i32
    %scan3A_681 = arith.constant 128 : i32
    %scan3A_682 = arith.addi %scan3A_680, %scan3A_681 : i32
    %scan3A_683 = arith.constant 1 : i32
    scf.for %scan3A_723 = %scan3A_680 to %scan3A_682 step %scan3A_683  : i32 {
      %mul3A_724 = arith.constant 16 : i32
      %mul3A_725 = arith.muli %scan3A_723, %mul3A_724 : i32
      %add3A_726 = arith.constant 0 : i32
      %add3A_727 = arith.addi %mul3A_725, %add3A_726 : i32
      %mul3A_728 = arith.constant 16 : i32
      %mul3A_729 = arith.muli %add3A_727, %mul3A_728 : i32
      %get3A_730 = arith.index_cast %mul3A_729 : i32 to index
      %get3A_731 = tpu.vector_load %arg7[%get3A_730] {strides = array<i32>} : memref<32768xf32, #tpu.memory_space<vmem>>, vector<16xf32>,
      %bitcast_convert_type3A = tpu.bitcast %get3A_731 : vector<16xf32> -> vector<16xi32>
      %and3A = arith.constant 2147483647 : i32
      %and3A_732 = vector.broadcast %and3A : i32 to vector<16xi32>
      %and3A_733 = arith.andi %bitcast_convert_type3A, %and3A_732 : vector<16xi32>
      %ge3A_734 = arith.cmpi sge, %and3A_733, %add3A_678 : vector<16xi32>
      %jit3A = arith.constant 0.000000e+00 : f32
      %broadcast_in_dim3A_735 = vector.broadcast %jit3A : f32 to vector<16xf32>
      %select_n3A = arith.select %ge3A_734, %get3A_731, %broadcast_in_dim3A_735 : vector<16xi1>, vector<16xf32>
      %swap3A_736 = arith.index_cast %mul3A_729 : i32 to index
      %swap3A_737 = tpu.vector_load %arg7[%swap3A_736] {strides = array<i32>} : memref<32768xf32, #tpu.memory_space<vmem>>, vector<16xf32>,
      tpu.vector_store %arg7[%swap3A_736], %select_n3A {strides = array<i32>} : memref<32768xf32, #tpu.memory_space<vmem>>, vector<16xf32>,
      %jit3A_738 = arith.constant 1065353216 : i32
      %jit3A_739 = arith.constant 0 : i32
      %broadcast_in_dim3A_740 = vector.broadcast %jit3A_738 : i32 to vector<16xi32>
      %broadcast_in_dim3A_741 = vector.broadcast %jit3A_739 : i32 to vector<16xi32>
      %select_n3A_742 = arith.select %ge3A_734, %broadcast_in_dim3A_740, %broadcast_in_dim3A_741 : vector<16xi1>, vector<16xi32>
      %swap3A_743 = arith.index_cast %mul3A_729 : i32 to index
      %swap3A_744 = tpu.vector_load %arg8[%swap3A_743] {strides = array<i32>} : memref<32784xi32, #tpu.memory_space<vmem>>, vector<16xi32>,
      tpu.vector_store %arg8[%swap3A_743], %select_n3A_742 {strides = array<i32>} : memref<32784xi32, #tpu.memory_space<vmem>>, vector<16xi32>,
      %mul3A_745 = arith.constant 16 : i32
      %mul3A_746 = arith.muli %scan3A_723, %mul3A_745 : i32
      %add3A_747 = arith.constant 1 : i32
      %add3A_748 = arith.addi %mul3A_746, %add3A_747 : i32
      %mul3A_749 = arith.constant 16 : i32
      %mul3A_750 = arith.muli %add3A_748, %mul3A_749 : i32
      %get3A_751 = arith.index_cast %mul3A_750 : i32 to index
      %get3A_752 = tpu.vector_load %arg7[%get3A_751] {strides = array<i32>} : memref<32768xf32, #tpu.memory_space<vmem>>, vector<16xf32>,
      %bitcast_convert_type3A_753 = tpu.bitcast %get3A_752 : vector<16xf32> -> vector<16xi32>
      %and3A_754 = arith.constant 2147483647 : i32
      %and3A_755 = vector.broadcast %and3A_754 : i32 to vector<16xi32>
      %and3A_756 = arith.andi %bitcast_convert_type3A_753, %and3A_755 : vector<16xi32>
      %ge3A_757 = arith.cmpi sge, %and3A_756, %add3A_678 : vector<16xi32>
      %jit3A_758 = arith.constant 0.000000e+00 : f32
      %broadcast_in_dim3A_759 = vector.broadcast %jit3A_758 : f32 to vector<16xf32>
      %select_n3A_760 = arith.select %ge3A_757, %get3A_752, %broadcast_in_dim3A_759 : vector<16xi1>, vector<16xf32>
      %swap3A_761 = arith.index_cast %mul3A_750 : i32 to index
      %swap3A_762 = tpu.vector_load %arg7[%swap3A_761] {strides = array<i32>} : memref<32768xf32, #tpu.memory_space<vmem>>, vector<16xf32>,
      tpu.vector_store %arg7[%swap3A_761], %select_n3A_760 {strides = array<i32>} : memref<32768xf32, #tpu.memory_space<vmem>>, vector<16xf32>,
      %jit3A_763 = arith.constant 1065353216 : i32
      %jit3A_764 = arith.constant 0 : i32
      %broadcast_in_dim3A_765 = vector.broadcast %jit3A_763 : i32 to vector<16xi32>
      %broadcast_in_dim3A_766 = vector.broadcast %jit3A_764 : i32 to vector<16xi32>
      %select_n3A_767 = arith.select %ge3A_757, %broadcast_in_dim3A_765, %broadcast_in_dim3A_766 : vector<16xi1>, vector<16xi32>
      %swap3A_768 = arith.index_cast %mul3A_750 : i32 to index
      %swap3A_769 = tpu.vector_load %arg8[%swap3A_768] {strides = array<i32>} : memref<32784xi32, #tpu.memory_space<vmem>>, vector<16xi32>,
      tpu.vector_store %arg8[%swap3A_768], %select_n3A_767 {strides = array<i32>} : memref<32784xi32, #tpu.memory_space<vmem>>, vector<16xi32>,
      %mul3A_770 = arith.constant 16 : i32
      %mul3A_771 = arith.muli %scan3A_723, %mul3A_770 : i32
      %add3A_772 = arith.constant 2 : i32
      %add3A_773 = arith.addi %mul3A_771, %add3A_772 : i32
      %mul3A_774 = arith.constant 16 : i32
      %mul3A_775 = arith.muli %add3A_773, %mul3A_774 : i32
      %get3A_776 = arith.index_cast %mul3A_775 : i32 to index
      %get3A_777 = tpu.vector_load %arg7[%get3A_776] {strides = array<i32>} : memref<32768xf32, #tpu.memory_space<vmem>>, vector<16xf32>,
      %bitcast_convert_type3A_778 = tpu.bitcast %get3A_777 : vector<16xf32> -> vector<16xi32>
      %and3A_779 = arith.constant 2147483647 : i32
      %and3A_780 = vector.broadcast %and3A_779 : i32 to vector<16xi32>
      %and3A_781 = arith.andi %bitcast_convert_type3A_778, %and3A_780 : vector<16xi32>
      %ge3A_782 = arith.cmpi sge, %and3A_781, %add3A_678 : vector<16xi32>
      %jit3A_783 = arith.constant 0.000000e+00 : f32
      %broadcast_in_dim3A_784 = vector.broadcast %jit3A_783 : f32 to vector<16xf32>
      %select_n3A_785 = arith.select %ge3A_782, %get3A_777, %broadcast_in_dim3A_784 : vector<16xi1>, vector<16xf32>
      %swap3A_786 = arith.index_cast %mul3A_775 : i32 to index
      %swap3A_787 = tpu.vector_load %arg7[%swap3A_786] {strides = array<i32>} : memref<32768xf32, #tpu.memory_space<vmem>>, vector<16xf32>,
      tpu.vector_store %arg7[%swap3A_786], %select_n3A_785 {strides = array<i32>} : memref<32768xf32, #tpu.memory_space<vmem>>, vector<16xf32>,
      %jit3A_788 = arith.constant 1065353216 : i32
      %jit3A_789 = arith.constant 0 : i32
      %broadcast_in_dim3A_790 = vector.broadcast %jit3A_788 : i32 to vector<16xi32>
      %broadcast_in_dim3A_791 = vector.broadcast %jit3A_789 : i32 to vector<16xi32>
      %select_n3A_792 = arith.select %ge3A_782, %broadcast_in_dim3A_790, %broadcast_in_dim3A_791 : vector<16xi1>, vector<16xi32>
      %swap3A_793 = arith.index_cast %mul3A_775 : i32 to index
      %swap3A_794 = tpu.vector_load %arg8[%swap3A_793] {strides = array<i32>} : memref<32784xi32, #tpu.memory_space<vmem>>, vector<16xi32>,
      tpu.vector_store %arg8[%swap3A_793], %select_n3A_792 {strides = array<i32>} : memref<32784xi32, #tpu.memory_space<vmem>>, vector<16xi32>,
      %mul3A_795 = arith.constant 16 : i32
      %mul3A_796 = arith.muli %scan3A_723, %mul3A_795 : i32
      %add3A_797 = arith.constant 3 : i32
      %add3A_798 = arith.addi %mul3A_796, %add3A_797 : i32
      %mul3A_799 = arith.constant 16 : i32
      %mul3A_800 = arith.muli %add3A_798, %mul3A_799 : i32
      %get3A_801 = arith.index_cast %mul3A_800 : i32 to index
      %get3A_802 = tpu.vector_load %arg7[%get3A_801] {strides = array<i32>} : memref<32768xf32, #tpu.memory_space<vmem>>, vector<16xf32>,
      %bitcast_convert_type3A_803 = tpu.bitcast %get3A_802 : vector<16xf32> -> vector<16xi32>
      %and3A_804 = arith.constant 2147483647 : i32
      %and3A_805 = vector.broadcast %and3A_804 : i32 to vector<16xi32>
      %and3A_806 = arith.andi %bitcast_convert_type3A_803, %and3A_805 : vector<16xi32>
      %ge3A_807 = arith.cmpi sge, %and3A_806, %add3A_678 : vector<16xi32>
      %jit3A_808 = arith.constant 0.000000e+00 : f32
      %broadcast_in_dim3A_809 = vector.broadcast %jit3A_808 : f32 to vector<16xf32>
      %select_n3A_810 = arith.select %ge3A_807, %get3A_802, %broadcast_in_dim3A_809 : vector<16xi1>, vector<16xf32>
      %swap3A_811 = arith.index_cast %mul3A_800 : i32 to index
      %swap3A_812 = tpu.vector_load %arg7[%swap3A_811] {strides = array<i32>} : memref<32768xf32, #tpu.memory_space<vmem>>, vector<16xf32>,
      tpu.vector_store %arg7[%swap3A_811], %select_n3A_810 {strides = array<i32>} : memref<32768xf32, #tpu.memory_space<vmem>>, vector<16xf32>,
      %jit3A_813 = arith.constant 1065353216 : i32
      %jit3A_814 = arith.constant 0 : i32
      %broadcast_in_dim3A_815 = vector.broadcast %jit3A_813 : i32 to vector<16xi32>
      %broadcast_in_dim3A_816 = vector.broadcast %jit3A_814 : i32 to vector<16xi32>
      %select_n3A_817 = arith.select %ge3A_807, %broadcast_in_dim3A_815, %broadcast_in_dim3A_816 : vector<16xi1>, vector<16xi32>
      %swap3A_818 = arith.index_cast %mul3A_800 : i32 to index
      %swap3A_819 = tpu.vector_load %arg8[%swap3A_818] {strides = array<i32>} : memref<32784xi32, #tpu.memory_space<vmem>>, vector<16xi32>,
      tpu.vector_store %arg8[%swap3A_818], %select_n3A_817 {strides = array<i32>} : memref<32784xi32, #tpu.memory_space<vmem>>, vector<16xi32>,
      %mul3A_820 = arith.constant 16 : i32
      %mul3A_821 = arith.muli %scan3A_723, %mul3A_820 : i32
      %add3A_822 = arith.constant 4 : i32
      %add3A_823 = arith.addi %mul3A_821, %add3A_822 : i32
      %mul3A_824 = arith.constant 16 : i32
      %mul3A_825 = arith.muli %add3A_823, %mul3A_824 : i32
      %get3A_826 = arith.index_cast %mul3A_825 : i32 to index
      %get3A_827 = tpu.vector_load %arg7[%get3A_826] {strides = array<i32>} : memref<32768xf32, #tpu.memory_space<vmem>>, vector<16xf32>,
      %bitcast_convert_type3A_828 = tpu.bitcast %get3A_827 : vector<16xf32> -> vector<16xi32>
      %and3A_829 = arith.constant 2147483647 : i32
      %and3A_830 = vector.broadcast %and3A_829 : i32 to vector<16xi32>
      %and3A_831 = arith.andi %bitcast_convert_type3A_828, %and3A_830 : vector<16xi32>
      %ge3A_832 = arith.cmpi sge, %and3A_831, %add3A_678 : vector<16xi32>
      %jit3A_833 = arith.constant 0.000000e+00 : f32
      %broadcast_in_dim3A_834 = vector.broadcast %jit3A_833 : f32 to vector<16xf32>
      %select_n3A_835 = arith.select %ge3A_832, %get3A_827, %broadcast_in_dim3A_834 : vector<16xi1>, vector<16xf32>
      %swap3A_836 = arith.index_cast %mul3A_825 : i32 to index
      %swap3A_837 = tpu.vector_load %arg7[%swap3A_836] {strides = array<i32>} : memref<32768xf32, #tpu.memory_space<vmem>>, vector<16xf32>,
      tpu.vector_store %arg7[%swap3A_836], %select_n3A_835 {strides = array<i32>} : memref<32768xf32, #tpu.memory_space<vmem>>, vector<16xf32>,
      %jit3A_838 = arith.constant 1065353216 : i32
      %jit3A_839 = arith.constant 0 : i32
      %broadcast_in_dim3A_840 = vector.broadcast %jit3A_838 : i32 to vector<16xi32>
      %broadcast_in_dim3A_841 = vector.broadcast %jit3A_839 : i32 to vector<16xi32>
      %select_n3A_842 = arith.select %ge3A_832, %broadcast_in_dim3A_840, %broadcast_in_dim3A_841 : vector<16xi1>, vector<16xi32>
      %swap3A_843 = arith.index_cast %mul3A_825 : i32 to index
      %swap3A_844 = tpu.vector_load %arg8[%swap3A_843] {strides = array<i32>} : memref<32784xi32, #tpu.memory_space<vmem>>, vector<16xi32>,
      tpu.vector_store %arg8[%swap3A_843], %select_n3A_842 {strides = array<i32>} : memref<32784xi32, #tpu.memory_space<vmem>>, vector<16xi32>,
      %mul3A_845 = arith.constant 16 : i32
      %mul3A_846 = arith.muli %scan3A_723, %mul3A_845 : i32
      %add3A_847 = arith.constant 5 : i32
      %add3A_848 = arith.addi %mul3A_846, %add3A_847 : i32
      %mul3A_849 = arith.constant 16 : i32
      %mul3A_850 = arith.muli %add3A_848, %mul3A_849 : i32
      %get3A_851 = arith.index_cast %mul3A_850 : i32 to index
      %get3A_852 = tpu.vector_load %arg7[%get3A_851] {strides = array<i32>} : memref<32768xf32, #tpu.memory_space<vmem>>, vector<16xf32>,
      %bitcast_convert_type3A_853 = tpu.bitcast %get3A_852 : vector<16xf32> -> vector<16xi32>
      %and3A_854 = arith.constant 2147483647 : i32
      %and3A_855 = vector.broadcast %and3A_854 : i32 to vector<16xi32>
      %and3A_856 = arith.andi %bitcast_convert_type3A_853, %and3A_855 : vector<16xi32>
      %ge3A_857 = arith.cmpi sge, %and3A_856, %add3A_678 : vector<16xi32>
      %jit3A_858 = arith.constant 0.000000e+00 : f32
      %broadcast_in_dim3A_859 = vector.broadcast %jit3A_858 : f32 to vector<16xf32>
      %select_n3A_860 = arith.select %ge3A_857, %get3A_852, %broadcast_in_dim3A_859 : vector<16xi1>, vector<16xf32>
      %swap3A_861 = arith.index_cast %mul3A_850 : i32 to index
      %swap3A_862 = tpu.vector_load %arg7[%swap3A_861] {strides = array<i32>} : memref<32768xf32, #tpu.memory_space<vmem>>, vector<16xf32>,
      tpu.vector_store %arg7[%swap3A_861], %select_n3A_860 {strides = array<i32>} : memref<32768xf32, #tpu.memory_space<vmem>>, vector<16xf32>,
      %jit3A_863 = arith.constant 1065353216 : i32
      %jit3A_864 = arith.constant 0 : i32
      %broadcast_in_dim3A_865 = vector.broadcast %jit3A_863 : i32 to vector<16xi32>
      %broadcast_in_dim3A_866 = vector.broadcast %jit3A_864 : i32 to vector<16xi32>
      %select_n3A_867 = arith.select %ge3A_857, %broadcast_in_dim3A_865, %broadcast_in_dim3A_866 : vector<16xi1>, vector<16xi32>
      %swap3A_868 = arith.index_cast %mul3A_850 : i32 to index
      %swap3A_869 = tpu.vector_load %arg8[%swap3A_868] {strides = array<i32>} : memref<32784xi32, #tpu.memory_space<vmem>>, vector<16xi32>,
      tpu.vector_store %arg8[%swap3A_868], %select_n3A_867 {strides = array<i32>} : memref<32784xi32, #tpu.memory_space<vmem>>, vector<16xi32>,
      %mul3A_870 = arith.constant 16 : i32
      %mul3A_871 = arith.muli %scan3A_723, %mul3A_870 : i32
      %add3A_872 = arith.constant 6 : i32
      %add3A_873 = arith.addi %mul3A_871, %add3A_872 : i32
      %mul3A_874 = arith.constant 16 : i32
      %mul3A_875 = arith.muli %add3A_873, %mul3A_874 : i32
      %get3A_876 = arith.index_cast %mul3A_875 : i32 to index
      %get3A_877 = tpu.vector_load %arg7[%get3A_876] {strides = array<i32>} : memref<32768xf32, #tpu.memory_space<vmem>>, vector<16xf32>,
      %bitcast_convert_type3A_878 = tpu.bitcast %get3A_877 : vector<16xf32> -> vector<16xi32>
      %and3A_879 = arith.constant 2147483647 : i32
      %and3A_880 = vector.broadcast %and3A_879 : i32 to vector<16xi32>
      %and3A_881 = arith.andi %bitcast_convert_type3A_878, %and3A_880 : vector<16xi32>
      %ge3A_882 = arith.cmpi sge, %and3A_881, %add3A_678 : vector<16xi32>
      %jit3A_883 = arith.constant 0.000000e+00 : f32
      %broadcast_in_dim3A_884 = vector.broadcast %jit3A_883 : f32 to vector<16xf32>
      %select_n3A_885 = arith.select %ge3A_882, %get3A_877, %broadcast_in_dim3A_884 : vector<16xi1>, vector<16xf32>
      %swap3A_886 = arith.index_cast %mul3A_875 : i32 to index
      %swap3A_887 = tpu.vector_load %arg7[%swap3A_886] {strides = array<i32>} : memref<32768xf32, #tpu.memory_space<vmem>>, vector<16xf32>,
      tpu.vector_store %arg7[%swap3A_886], %select_n3A_885 {strides = array<i32>} : memref<32768xf32, #tpu.memory_space<vmem>>, vector<16xf32>,
      %jit3A_888 = arith.constant 1065353216 : i32
      %jit3A_889 = arith.constant 0 : i32
      %broadcast_in_dim3A_890 = vector.broadcast %jit3A_888 : i32 to vector<16xi32>
      %broadcast_in_dim3A_891 = vector.broadcast %jit3A_889 : i32 to vector<16xi32>
      %select_n3A_892 = arith.select %ge3A_882, %broadcast_in_dim3A_890, %broadcast_in_dim3A_891 : vector<16xi1>, vector<16xi32>
      %swap3A_893 = arith.index_cast %mul3A_875 : i32 to index
      %swap3A_894 = tpu.vector_load %arg8[%swap3A_893] {strides = array<i32>} : memref<32784xi32, #tpu.memory_space<vmem>>, vector<16xi32>,
      tpu.vector_store %arg8[%swap3A_893], %select_n3A_892 {strides = array<i32>} : memref<32784xi32, #tpu.memory_space<vmem>>, vector<16xi32>,
      %mul3A_895 = arith.constant 16 : i32
      %mul3A_896 = arith.muli %scan3A_723, %mul3A_895 : i32
      %add3A_897 = arith.constant 7 : i32
      %add3A_898 = arith.addi %mul3A_896, %add3A_897 : i32
      %mul3A_899 = arith.constant 16 : i32
      %mul3A_900 = arith.muli %add3A_898, %mul3A_899 : i32
      %get3A_901 = arith.index_cast %mul3A_900 : i32 to index
      %get3A_902 = tpu.vector_load %arg7[%get3A_901] {strides = array<i32>} : memref<32768xf32, #tpu.memory_space<vmem>>, vector<16xf32>,
      %bitcast_convert_type3A_903 = tpu.bitcast %get3A_902 : vector<16xf32> -> vector<16xi32>
      %and3A_904 = arith.constant 2147483647 : i32
      %and3A_905 = vector.broadcast %and3A_904 : i32 to vector<16xi32>
      %and3A_906 = arith.andi %bitcast_convert_type3A_903, %and3A_905 : vector<16xi32>
      %ge3A_907 = arith.cmpi sge, %and3A_906, %add3A_678 : vector<16xi32>
      %jit3A_908 = arith.constant 0.000000e+00 : f32
      %broadcast_in_dim3A_909 = vector.broadcast %jit3A_908 : f32 to vector<16xf32>
      %select_n3A_910 = arith.select %ge3A_907, %get3A_902, %broadcast_in_dim3A_909 : vector<16xi1>, vector<16xf32>
      %swap3A_911 = arith.index_cast %mul3A_900 : i32 to index
      %swap3A_912 = tpu.vector_load %arg7[%swap3A_911] {strides = array<i32>} : memref<32768xf32, #tpu.memory_space<vmem>>, vector<16xf32>,
      tpu.vector_store %arg7[%swap3A_911], %select_n3A_910 {strides = array<i32>} : memref<32768xf32, #tpu.memory_space<vmem>>, vector<16xf32>,
      %jit3A_913 = arith.constant 1065353216 : i32
      %jit3A_914 = arith.constant 0 : i32
      %broadcast_in_dim3A_915 = vector.broadcast %jit3A_913 : i32 to vector<16xi32>
      %broadcast_in_dim3A_916 = vector.broadcast %jit3A_914 : i32 to vector<16xi32>
      %select_n3A_917 = arith.select %ge3A_907, %broadcast_in_dim3A_915, %broadcast_in_dim3A_916 : vector<16xi1>, vector<16xi32>
      %swap3A_918 = arith.index_cast %mul3A_900 : i32 to index
      %swap3A_919 = tpu.vector_load %arg8[%swap3A_918] {strides = array<i32>} : memref<32784xi32, #tpu.memory_space<vmem>>, vector<16xi32>,
      tpu.vector_store %arg8[%swap3A_918], %select_n3A_917 {strides = array<i32>} : memref<32784xi32, #tpu.memory_space<vmem>>, vector<16xi32>,
      %mul3A_920 = arith.constant 16 : i32
      %mul3A_921 = arith.muli %scan3A_723, %mul3A_920 : i32
      %add3A_922 = arith.constant 8 : i32
      %add3A_923 = arith.addi %mul3A_921, %add3A_922 : i32
      %mul3A_924 = arith.constant 16 : i32
      %mul3A_925 = arith.muli %add3A_923, %mul3A_924 : i32
      %get3A_926 = arith.index_cast %mul3A_925 : i32 to index
      %get3A_927 = tpu.vector_load %arg7[%get3A_926] {strides = array<i32>} : memref<32768xf32, #tpu.memory_space<vmem>>, vector<16xf32>,
      %bitcast_convert_type3A_928 = tpu.bitcast %get3A_927 : vector<16xf32> -> vector<16xi32>
      %and3A_929 = arith.constant 2147483647 : i32
      %and3A_930 = vector.broadcast %and3A_929 : i32 to vector<16xi32>
      %and3A_931 = arith.andi %bitcast_convert_type3A_928, %and3A_930 : vector<16xi32>
      %ge3A_932 = arith.cmpi sge, %and3A_931, %add3A_678 : vector<16xi32>
      %jit3A_933 = arith.constant 0.000000e+00 : f32
      %broadcast_in_dim3A_934 = vector.broadcast %jit3A_933 : f32 to vector<16xf32>
      %select_n3A_935 = arith.select %ge3A_932, %get3A_927, %broadcast_in_dim3A_934 : vector<16xi1>, vector<16xf32>
      %swap3A_936 = arith.index_cast %mul3A_925 : i32 to index
      %swap3A_937 = tpu.vector_load %arg7[%swap3A_936] {strides = array<i32>} : memref<32768xf32, #tpu.memory_space<vmem>>, vector<16xf32>,
      tpu.vector_store %arg7[%swap3A_936], %select_n3A_935 {strides = array<i32>} : memref<32768xf32, #tpu.memory_space<vmem>>, vector<16xf32>,
      %jit3A_938 = arith.constant 1065353216 : i32
      %jit3A_939 = arith.constant 0 : i32
      %broadcast_in_dim3A_940 = vector.broadcast %jit3A_938 : i32 to vector<16xi32>
      %broadcast_in_dim3A_941 = vector.broadcast %jit3A_939 : i32 to vector<16xi32>
      %select_n3A_942 = arith.select %ge3A_932, %broadcast_in_dim3A_940, %broadcast_in_dim3A_941 : vector<16xi1>, vector<16xi32>
      %swap3A_943 = arith.index_cast %mul3A_925 : i32 to index
      %swap3A_944 = tpu.vector_load %arg8[%swap3A_943] {strides = array<i32>} : memref<32784xi32, #tpu.memory_space<vmem>>, vector<16xi32>,
      tpu.vector_store %arg8[%swap3A_943], %select_n3A_942 {strides = array<i32>} : memref<32784xi32, #tpu.memory_space<vmem>>, vector<16xi32>,
      %mul3A_945 = arith.constant 16 : i32
      %mul3A_946 = arith.muli %scan3A_723, %mul3A_945 : i32
      %add3A_947 = arith.constant 9 : i32
      %add3A_948 = arith.addi %mul3A_946, %add3A_947 : i32
      %mul3A_949 = arith.constant 16 : i32
      %mul3A_950 = arith.muli %add3A_948, %mul3A_949 : i32
      %get3A_951 = arith.index_cast %mul3A_950 : i32 to index
      %get3A_952 = tpu.vector_load %arg7[%get3A_951] {strides = array<i32>} : memref<32768xf32, #tpu.memory_space<vmem>>, vector<16xf32>,
      %bitcast_convert_type3A_953 = tpu.bitcast %get3A_952 : vector<16xf32> -> vector<16xi32>
      %and3A_954 = arith.constant 2147483647 : i32
      %and3A_955 = vector.broadcast %and3A_954 : i32 to vector<16xi32>
      %and3A_956 = arith.andi %bitcast_convert_type3A_953, %and3A_955 : vector<16xi32>
      %ge3A_957 = arith.cmpi sge, %and3A_956, %add3A_678 : vector<16xi32>
      %jit3A_958 = arith.constant 0.000000e+00 : f32
      %broadcast_in_dim3A_959 = vector.broadcast %jit3A_958 : f32 to vector<16xf32>
      %select_n3A_960 = arith.select %ge3A_957, %get3A_952, %broadcast_in_dim3A_959 : vector<16xi1>, vector<16xf32>
      %swap3A_961 = arith.index_cast %mul3A_950 : i32 to index
      %swap3A_962 = tpu.vector_load %arg7[%swap3A_961] {strides = array<i32>} : memref<32768xf32, #tpu.memory_space<vmem>>, vector<16xf32>,
      tpu.vector_store %arg7[%swap3A_961], %select_n3A_960 {strides = array<i32>} : memref<32768xf32, #tpu.memory_space<vmem>>, vector<16xf32>,
      %jit3A_963 = arith.constant 1065353216 : i32
      %jit3A_964 = arith.constant 0 : i32
      %broadcast_in_dim3A_965 = vector.broadcast %jit3A_963 : i32 to vector<16xi32>
      %broadcast_in_dim3A_966 = vector.broadcast %jit3A_964 : i32 to vector<16xi32>
      %select_n3A_967 = arith.select %ge3A_957, %broadcast_in_dim3A_965, %broadcast_in_dim3A_966 : vector<16xi1>, vector<16xi32>
      %swap3A_968 = arith.index_cast %mul3A_950 : i32 to index
      %swap3A_969 = tpu.vector_load %arg8[%swap3A_968] {strides = array<i32>} : memref<32784xi32, #tpu.memory_space<vmem>>, vector<16xi32>,
      tpu.vector_store %arg8[%swap3A_968], %select_n3A_967 {strides = array<i32>} : memref<32784xi32, #tpu.memory_space<vmem>>, vector<16xi32>,
      %mul3A_970 = arith.constant 16 : i32
      %mul3A_971 = arith.muli %scan3A_723, %mul3A_970 : i32
      %add3A_972 = arith.constant 10 : i32
      %add3A_973 = arith.addi %mul3A_971, %add3A_972 : i32
      %mul3A_974 = arith.constant 16 : i32
      %mul3A_975 = arith.muli %add3A_973, %mul3A_974 : i32
      %get3A_976 = arith.index_cast %mul3A_975 : i32 to index
      %get3A_977 = tpu.vector_load %arg7[%get3A_976] {strides = array<i32>} : memref<32768xf32, #tpu.memory_space<vmem>>, vector<16xf32>,
      %bitcast_convert_type3A_978 = tpu.bitcast %get3A_977 : vector<16xf32> -> vector<16xi32>
      %and3A_979 = arith.constant 2147483647 : i32
      %and3A_980 = vector.broadcast %and3A_979 : i32 to vector<16xi32>
      %and3A_981 = arith.andi %bitcast_convert_type3A_978, %and3A_980 : vector<16xi32>
      %ge3A_982 = arith.cmpi sge, %and3A_981, %add3A_678 : vector<16xi32>
      %jit3A_983 = arith.constant 0.000000e+00 : f32
      %broadcast_in_dim3A_984 = vector.broadcast %jit3A_983 : f32 to vector<16xf32>
      %select_n3A_985 = arith.select %ge3A_982, %get3A_977, %broadcast_in_dim3A_984 : vector<16xi1>, vector<16xf32>
      %swap3A_986 = arith.index_cast %mul3A_975 : i32 to index
      %swap3A_987 = tpu.vector_load %arg7[%swap3A_986] {strides = array<i32>} : memref<32768xf32, #tpu.memory_space<vmem>>, vector<16xf32>,
      tpu.vector_store %arg7[%swap3A_986], %select_n3A_985 {strides = array<i32>} : memref<32768xf32, #tpu.memory_space<vmem>>, vector<16xf32>,
      %jit3A_988 = arith.constant 1065353216 : i32
      %jit3A_989 = arith.constant 0 : i32
      %broadcast_in_dim3A_990 = vector.broadcast %jit3A_988 : i32 to vector<16xi32>
      %broadcast_in_dim3A_991 = vector.broadcast %jit3A_989 : i32 to vector<16xi32>
      %select_n3A_992 = arith.select %ge3A_982, %broadcast_in_dim3A_990, %broadcast_in_dim3A_991 : vector<16xi1>, vector<16xi32>
      %swap3A_993 = arith.index_cast %mul3A_975 : i32 to index
      %swap3A_994 = tpu.vector_load %arg8[%swap3A_993] {strides = array<i32>} : memref<32784xi32, #tpu.memory_space<vmem>>, vector<16xi32>,
      tpu.vector_store %arg8[%swap3A_993], %select_n3A_992 {strides = array<i32>} : memref<32784xi32, #tpu.memory_space<vmem>>, vector<16xi32>,
      %mul3A_995 = arith.constant 16 : i32
      %mul3A_996 = arith.muli %scan3A_723, %mul3A_995 : i32
      %add3A_997 = arith.constant 11 : i32
      %add3A_998 = arith.addi %mul3A_996, %add3A_997 : i32
      %mul3A_999 = arith.constant 16 : i32
      %mul3A_1000 = arith.muli %add3A_998, %mul3A_999 : i32
      %get3A_1001 = arith.index_cast %mul3A_1000 : i32 to index
      %get3A_1002 = tpu.vector_load %arg7[%get3A_1001] {strides = array<i32>} : memref<32768xf32, #tpu.memory_space<vmem>>, vector<16xf32>,
      %bitcast_convert_type3A_1003 = tpu.bitcast %get3A_1002 : vector<16xf32> -> vector<16xi32>
      %and3A_1004 = arith.constant 2147483647 : i32
      %and3A_1005 = vector.broadcast %and3A_1004 : i32 to vector<16xi32>
      %and3A_1006 = arith.andi %bitcast_convert_type3A_1003, %and3A_1005 : vector<16xi32>
      %ge3A_1007 = arith.cmpi sge, %and3A_1006, %add3A_678 : vector<16xi32>
      %jit3A_1008 = arith.constant 0.000000e+00 : f32
      %broadcast_in_dim3A_1009 = vector.broadcast %jit3A_1008 : f32 to vector<16xf32>
      %select_n3A_1010 = arith.select %ge3A_1007, %get3A_1002, %broadcast_in_dim3A_1009 : vector<16xi1>, vector<16xf32>
      %swap3A_1011 = arith.index_cast %mul3A_1000 : i32 to index
      %swap3A_1012 = tpu.vector_load %arg7[%swap3A_1011] {strides = array<i32>} : memref<32768xf32, #tpu.memory_space<vmem>>, vector<16xf32>,
      tpu.vector_store %arg7[%swap3A_1011], %select_n3A_1010 {strides = array<i32>} : memref<32768xf32, #tpu.memory_space<vmem>>, vector<16xf32>,
      %jit3A_1013 = arith.constant 1065353216 : i32
      %jit3A_1014 = arith.constant 0 : i32
      %broadcast_in_dim3A_1015 = vector.broadcast %jit3A_1013 : i32 to vector<16xi32>
      %broadcast_in_dim3A_1016 = vector.broadcast %jit3A_1014 : i32 to vector<16xi32>
      %select_n3A_1017 = arith.select %ge3A_1007, %broadcast_in_dim3A_1015, %broadcast_in_dim3A_1016 : vector<16xi1>, vector<16xi32>
      %swap3A_1018 = arith.index_cast %mul3A_1000 : i32 to index
      %swap3A_1019 = tpu.vector_load %arg8[%swap3A_1018] {strides = array<i32>} : memref<32784xi32, #tpu.memory_space<vmem>>, vector<16xi32>,
      tpu.vector_store %arg8[%swap3A_1018], %select_n3A_1017 {strides = array<i32>} : memref<32784xi32, #tpu.memory_space<vmem>>, vector<16xi32>,
      %mul3A_1020 = arith.constant 16 : i32
      %mul3A_1021 = arith.muli %scan3A_723, %mul3A_1020 : i32
      %add3A_1022 = arith.constant 12 : i32
      %add3A_1023 = arith.addi %mul3A_1021, %add3A_1022 : i32
      %mul3A_1024 = arith.constant 16 : i32
      %mul3A_1025 = arith.muli %add3A_1023, %mul3A_1024 : i32
      %get3A_1026 = arith.index_cast %mul3A_1025 : i32 to index
      %get3A_1027 = tpu.vector_load %arg7[%get3A_1026] {strides = array<i32>} : memref<32768xf32, #tpu.memory_space<vmem>>, vector<16xf32>,
      %bitcast_convert_type3A_1028 = tpu.bitcast %get3A_1027 : vector<16xf32> -> vector<16xi32>
      %and3A_1029 = arith.constant 2147483647 : i32
      %and3A_1030 = vector.broadcast %and3A_1029 : i32 to vector<16xi32>
      %and3A_1031 = arith.andi %bitcast_convert_type3A_1028, %and3A_1030 : vector<16xi32>
      %ge3A_1032 = arith.cmpi sge, %and3A_1031, %add3A_678 : vector<16xi32>
      %jit3A_1033 = arith.constant 0.000000e+00 : f32
      %broadcast_in_dim3A_1034 = vector.broadcast %jit3A_1033 : f32 to vector<16xf32>
      %select_n3A_1035 = arith.select %ge3A_1032, %get3A_1027, %broadcast_in_dim3A_1034 : vector<16xi1>, vector<16xf32>
      %swap3A_1036 = arith.index_cast %mul3A_1025 : i32 to index
      %swap3A_1037 = tpu.vector_load %arg7[%swap3A_1036] {strides = array<i32>} : memref<32768xf32, #tpu.memory_space<vmem>>, vector<16xf32>,
      tpu.vector_store %arg7[%swap3A_1036], %select_n3A_1035 {strides = array<i32>} : memref<32768xf32, #tpu.memory_space<vmem>>, vector<16xf32>,
      %jit3A_1038 = arith.constant 1065353216 : i32
      %jit3A_1039 = arith.constant 0 : i32
      %broadcast_in_dim3A_1040 = vector.broadcast %jit3A_1038 : i32 to vector<16xi32>
      %broadcast_in_dim3A_1041 = vector.broadcast %jit3A_1039 : i32 to vector<16xi32>
      %select_n3A_1042 = arith.select %ge3A_1032, %broadcast_in_dim3A_1040, %broadcast_in_dim3A_1041 : vector<16xi1>, vector<16xi32>
      %swap3A_1043 = arith.index_cast %mul3A_1025 : i32 to index
      %swap3A_1044 = tpu.vector_load %arg8[%swap3A_1043] {strides = array<i32>} : memref<32784xi32, #tpu.memory_space<vmem>>, vector<16xi32>,
      tpu.vector_store %arg8[%swap3A_1043], %select_n3A_1042 {strides = array<i32>} : memref<32784xi32, #tpu.memory_space<vmem>>, vector<16xi32>,
      %mul3A_1045 = arith.constant 16 : i32
      %mul3A_1046 = arith.muli %scan3A_723, %mul3A_1045 : i32
      %add3A_1047 = arith.constant 13 : i32
      %add3A_1048 = arith.addi %mul3A_1046, %add3A_1047 : i32
      %mul3A_1049 = arith.constant 16 : i32
      %mul3A_1050 = arith.muli %add3A_1048, %mul3A_1049 : i32
      %get3A_1051 = arith.index_cast %mul3A_1050 : i32 to index
      %get3A_1052 = tpu.vector_load %arg7[%get3A_1051] {strides = array<i32>} : memref<32768xf32, #tpu.memory_space<vmem>>, vector<16xf32>,
      %bitcast_convert_type3A_1053 = tpu.bitcast %get3A_1052 : vector<16xf32> -> vector<16xi32>
      %and3A_1054 = arith.constant 2147483647 : i32
      %and3A_1055 = vector.broadcast %and3A_1054 : i32 to vector<16xi32>
      %and3A_1056 = arith.andi %bitcast_convert_type3A_1053, %and3A_1055 : vector<16xi32>
      %ge3A_1057 = arith.cmpi sge, %and3A_1056, %add3A_678 : vector<16xi32>
      %jit3A_1058 = arith.constant 0.000000e+00 : f32
      %broadcast_in_dim3A_1059 = vector.broadcast %jit3A_1058 : f32 to vector<16xf32>
      %select_n3A_1060 = arith.select %ge3A_1057, %get3A_1052, %broadcast_in_dim3A_1059 : vector<16xi1>, vector<16xf32>
      %swap3A_1061 = arith.index_cast %mul3A_1050 : i32 to index
      %swap3A_1062 = tpu.vector_load %arg7[%swap3A_1061] {strides = array<i32>} : memref<32768xf32, #tpu.memory_space<vmem>>, vector<16xf32>,
      tpu.vector_store %arg7[%swap3A_1061], %select_n3A_1060 {strides = array<i32>} : memref<32768xf32, #tpu.memory_space<vmem>>, vector<16xf32>,
      %jit3A_1063 = arith.constant 1065353216 : i32
      %jit3A_1064 = arith.constant 0 : i32
      %broadcast_in_dim3A_1065 = vector.broadcast %jit3A_1063 : i32 to vector<16xi32>
      %broadcast_in_dim3A_1066 = vector.broadcast %jit3A_1064 : i32 to vector<16xi32>
      %select_n3A_1067 = arith.select %ge3A_1057, %broadcast_in_dim3A_1065, %broadcast_in_dim3A_1066 : vector<16xi1>, vector<16xi32>
      %swap3A_1068 = arith.index_cast %mul3A_1050 : i32 to index
      %swap3A_1069 = tpu.vector_load %arg8[%swap3A_1068] {strides = array<i32>} : memref<32784xi32, #tpu.memory_space<vmem>>, vector<16xi32>,
      tpu.vector_store %arg8[%swap3A_1068], %select_n3A_1067 {strides = array<i32>} : memref<32784xi32, #tpu.memory_space<vmem>>, vector<16xi32>,
      %mul3A_1070 = arith.constant 16 : i32
      %mul3A_1071 = arith.muli %scan3A_723, %mul3A_1070 : i32
      %add3A_1072 = arith.constant 14 : i32
      %add3A_1073 = arith.addi %mul3A_1071, %add3A_1072 : i32
      %mul3A_1074 = arith.constant 16 : i32
      %mul3A_1075 = arith.muli %add3A_1073, %mul3A_1074 : i32
      %get3A_1076 = arith.index_cast %mul3A_1075 : i32 to index
      %get3A_1077 = tpu.vector_load %arg7[%get3A_1076] {strides = array<i32>} : memref<32768xf32, #tpu.memory_space<vmem>>, vector<16xf32>,
      %bitcast_convert_type3A_1078 = tpu.bitcast %get3A_1077 : vector<16xf32> -> vector<16xi32>
      %and3A_1079 = arith.constant 2147483647 : i32
      %and3A_1080 = vector.broadcast %and3A_1079 : i32 to vector<16xi32>
      %and3A_1081 = arith.andi %bitcast_convert_type3A_1078, %and3A_1080 : vector<16xi32>
      %ge3A_1082 = arith.cmpi sge, %and3A_1081, %add3A_678 : vector<16xi32>
      %jit3A_1083 = arith.constant 0.000000e+00 : f32
      %broadcast_in_dim3A_1084 = vector.broadcast %jit3A_1083 : f32 to vector<16xf32>
      %select_n3A_1085 = arith.select %ge3A_1082, %get3A_1077, %broadcast_in_dim3A_1084 : vector<16xi1>, vector<16xf32>
      %swap3A_1086 = arith.index_cast %mul3A_1075 : i32 to index
      %swap3A_1087 = tpu.vector_load %arg7[%swap3A_1086] {strides = array<i32>} : memref<32768xf32, #tpu.memory_space<vmem>>, vector<16xf32>,
      tpu.vector_store %arg7[%swap3A_1086], %select_n3A_1085 {strides = array<i32>} : memref<32768xf32, #tpu.memory_space<vmem>>, vector<16xf32>,
      %jit3A_1088 = arith.constant 1065353216 : i32
      %jit3A_1089 = arith.constant 0 : i32
      %broadcast_in_dim3A_1090 = vector.broadcast %jit3A_1088 : i32 to vector<16xi32>
      %broadcast_in_dim3A_1091 = vector.broadcast %jit3A_1089 : i32 to vector<16xi32>
      %select_n3A_1092 = arith.select %ge3A_1082, %broadcast_in_dim3A_1090, %broadcast_in_dim3A_1091 : vector<16xi1>, vector<16xi32>
      %swap3A_1093 = arith.index_cast %mul3A_1075 : i32 to index
      %swap3A_1094 = tpu.vector_load %arg8[%swap3A_1093] {strides = array<i32>} : memref<32784xi32, #tpu.memory_space<vmem>>, vector<16xi32>,
      tpu.vector_store %arg8[%swap3A_1093], %select_n3A_1092 {strides = array<i32>} : memref<32784xi32, #tpu.memory_space<vmem>>, vector<16xi32>,
      %mul3A_1095 = arith.constant 16 : i32
      %mul3A_1096 = arith.muli %scan3A_723, %mul3A_1095 : i32
      %add3A_1097 = arith.constant 15 : i32
      %add3A_1098 = arith.addi %mul3A_1096, %add3A_1097 : i32
      %mul3A_1099 = arith.constant 16 : i32
      %mul3A_1100 = arith.muli %add3A_1098, %mul3A_1099 : i32
      %get3A_1101 = arith.index_cast %mul3A_1100 : i32 to index
      %get3A_1102 = tpu.vector_load %arg7[%get3A_1101] {strides = array<i32>} : memref<32768xf32, #tpu.memory_space<vmem>>, vector<16xf32>,
      %bitcast_convert_type3A_1103 = tpu.bitcast %get3A_1102 : vector<16xf32> -> vector<16xi32>
      %and3A_1104 = arith.constant 2147483647 : i32
      %and3A_1105 = vector.broadcast %and3A_1104 : i32 to vector<16xi32>
      %and3A_1106 = arith.andi %bitcast_convert_type3A_1103, %and3A_1105 : vector<16xi32>
      %ge3A_1107 = arith.cmpi sge, %and3A_1106, %add3A_678 : vector<16xi32>
      %jit3A_1108 = arith.constant 0.000000e+00 : f32
      %broadcast_in_dim3A_1109 = vector.broadcast %jit3A_1108 : f32 to vector<16xf32>
      %select_n3A_1110 = arith.select %ge3A_1107, %get3A_1102, %broadcast_in_dim3A_1109 : vector<16xi1>, vector<16xf32>
      %swap3A_1111 = arith.index_cast %mul3A_1100 : i32 to index
      %swap3A_1112 = tpu.vector_load %arg7[%swap3A_1111] {strides = array<i32>} : memref<32768xf32, #tpu.memory_space<vmem>>, vector<16xf32>,
      tpu.vector_store %arg7[%swap3A_1111], %select_n3A_1110 {strides = array<i32>} : memref<32768xf32, #tpu.memory_space<vmem>>, vector<16xf32>,
      %jit3A_1113 = arith.constant 1065353216 : i32
      %jit3A_1114 = arith.constant 0 : i32
      %broadcast_in_dim3A_1115 = vector.broadcast %jit3A_1113 : i32 to vector<16xi32>
      %broadcast_in_dim3A_1116 = vector.broadcast %jit3A_1114 : i32 to vector<16xi32>
      %select_n3A_1117 = arith.select %ge3A_1107, %broadcast_in_dim3A_1115, %broadcast_in_dim3A_1116 : vector<16xi1>, vector<16xi32>
      %swap3A_1118 = arith.index_cast %mul3A_1100 : i32 to index
      %swap3A_1119 = tpu.vector_load %arg8[%swap3A_1118] {strides = array<i32>} : memref<32784xi32, #tpu.memory_space<vmem>>, vector<16xi32>,
      tpu.vector_store %arg8[%swap3A_1118], %select_n3A_1117 {strides = array<i32>} : memref<32784xi32, #tpu.memory_space<vmem>>, vector<16xi32>,
    }
    %scan3A_684 = arith.constant 128 : i32
    %dma_start3A_685 = arith.constant 0 : i32
    %dma_start3A_686 = tpu.memref_slice %arg4[%add3A_4, %dma_start3A_685] : memref<64x32768xf32, #tpu.memory_space<hbm>> -> memref<1x32768xf32, #tpu.memory_space<hbm>>
    %dma_start3A_687 = tpu.memref_squeeze %dma_start3A_686 : memref<1x32768xf32, #tpu.memory_space<hbm>> -> memref<32768xf32, #tpu.memory_space<hbm>>
    %dma_start3A_688 = arith.constant 0 : i32
    %dma_start3A_689 = tpu.memref_slice %arg4[%add3A_4, %dma_start3A_688] : memref<64x32768xf32, #tpu.memory_space<hbm>> -> memref<1x32768xf32, #tpu.memory_space<hbm>>
    %dma_start3A_690 = tpu.memref_squeeze %dma_start3A_689 : memref<1x32768xf32, #tpu.memory_space<hbm>> -> memref<32768xf32, #tpu.memory_space<hbm>>
    tpu.enqueue_dma source(%arg7 : memref<32768xf32, #tpu.memory_space<vmem>>) target(%dma_start3A_690 : memref<32768xf32, #tpu.memory_space<hbm>>) target_semaphore(%arg12 : memref<!tpu.dma_semaphore, #tpu.memory_space<semaphore_mem>>)
    %dma_start3A_691 = arith.constant 0 : i32
    %dma_start3A_692 = tpu.memref_slice %arg8[%dma_start3A_691] : memref<32784xi32, #tpu.memory_space<vmem>> -> memref<32768xi32, #tpu.memory_space<vmem>>
    %dma_start3A_693 = arith.constant 0 : i32
    %dma_start3A_694 = tpu.memref_slice %arg5[%add3A_4, %dma_start3A_693] : memref<64x32768xi32, #tpu.memory_space<hbm>> -> memref<1x32768xi32, #tpu.memory_space<hbm>>
    %dma_start3A_695 = tpu.memref_squeeze %dma_start3A_694 : memref<1x32768xi32, #tpu.memory_space<hbm>> -> memref<32768xi32, #tpu.memory_space<hbm>>
    %dma_start3A_696 = arith.constant 0 : i32
    %dma_start3A_697 = tpu.memref_slice %arg5[%add3A_4, %dma_start3A_696] : memref<64x32768xi32, #tpu.memory_space<hbm>> -> memref<1x32768xi32, #tpu.memory_space<hbm>>
    %dma_start3A_698 = tpu.memref_squeeze %dma_start3A_697 : memref<1x32768xi32, #tpu.memory_space<hbm>> -> memref<32768xi32, #tpu.memory_space<hbm>>
    %dma_start3A_699 = arith.constant 0 : i32
    %dma_start3A_700 = tpu.memref_slice %arg8[%dma_start3A_699] : memref<32784xi32, #tpu.memory_space<vmem>> -> memref<32768xi32, #tpu.memory_space<vmem>>
    tpu.enqueue_dma source(%dma_start3A_700 : memref<32768xi32, #tpu.memory_space<vmem>>) target(%dma_start3A_698 : memref<32768xi32, #tpu.memory_space<hbm>>) target_semaphore(%arg13 : memref<!tpu.dma_semaphore, #tpu.memory_space<semaphore_mem>>)
    %dma_wait3A_701 = arith.constant 0 : i32
    %dma_wait3A_702 = tpu.memref_slice %arg4[%mul3A_2, %dma_wait3A_701] : memref<64x32768xf32, #tpu.memory_space<hbm>> -> memref<1x32768xf32, #tpu.memory_space<hbm>>
    %dma_wait3A_703 = tpu.memref_squeeze %dma_wait3A_702 : memref<1x32768xf32, #tpu.memory_space<hbm>> -> memref<32768xf32, #tpu.memory_space<hbm>>
    %dma_wait3A_704 = arith.constant 0 : i32
    %dma_wait3A_705 = tpu.memref_slice %arg4[%mul3A_2, %dma_wait3A_704] : memref<64x32768xf32, #tpu.memory_space<hbm>> -> memref<1x32768xf32, #tpu.memory_space<hbm>>
    %dma_wait3A_706 = tpu.memref_squeeze %dma_wait3A_705 : memref<1x32768xf32, #tpu.memory_space<hbm>> -> memref<32768xf32, #tpu.memory_space<hbm>>
    tpu.wait_dma2 semaphore(%arg12 : memref<!tpu.dma_semaphore, #tpu.memory_space<semaphore_mem>>) src(%arg6 : memref<32768xf32, #tpu.memory_space<vmem>>) dst(%dma_wait3A_706 : memref<32768xf32, #tpu.memory_space<hbm>>)
    %dma_wait3A_707 = arith.constant 0 : i32
    %dma_wait3A_708 = tpu.memref_slice %arg4[%add3A_4, %dma_wait3A_707] : memref<64x32768xf32, #tpu.memory_space<hbm>> -> memref<1x32768xf32, #tpu.memory_space<hbm>>
    %dma_wait3A_709 = tpu.memref_squeeze %dma_wait3A_708 : memref<1x32768xf32, #tpu.memory_space<hbm>> -> memref<32768xf32, #tpu.memory_space<hbm>>
    %dma_wait3A_710 = arith.constant 0 : i32
    %dma_wait3A_711 = tpu.memref_slice %arg4[%add3A_4, %dma_wait3A_710] : memref<64x32768xf32, #tpu.memory_space<hbm>> -> memref<1x32768xf32, #tpu.memory_space<hbm>>
    %dma_wait3A_712 = tpu.memref_squeeze %dma_wait3A_711 : memref<1x32768xf32, #tpu.memory_space<hbm>> -> memref<32768xf32, #tpu.memory_space<hbm>>
    tpu.wait_dma2 semaphore(%arg12 : memref<!tpu.dma_semaphore, #tpu.memory_space<semaphore_mem>>) src(%arg7 : memref<32768xf32, #tpu.memory_space<vmem>>) dst(%dma_wait3A_712 : memref<32768xf32, #tpu.memory_space<hbm>>)
    %dma_wait3A_713 = arith.constant 0 : i32
    %dma_wait3A_714 = tpu.memref_slice %arg8[%dma_wait3A_713] : memref<32784xi32, #tpu.memory_space<vmem>> -> memref<32768xi32, #tpu.memory_space<vmem>>
    %dma_wait3A_715 = arith.constant 0 : i32
    %dma_wait3A_716 = tpu.memref_slice %arg5[%add3A_4, %dma_wait3A_715] : memref<64x32768xi32, #tpu.memory_space<hbm>> -> memref<1x32768xi32, #tpu.memory_space<hbm>>
    %dma_wait3A_717 = tpu.memref_squeeze %dma_wait3A_716 : memref<1x32768xi32, #tpu.memory_space<hbm>> -> memref<32768xi32, #tpu.memory_space<hbm>>
    %dma_wait3A_718 = arith.constant 0 : i32
    %dma_wait3A_719 = tpu.memref_slice %arg5[%add3A_4, %dma_wait3A_718] : memref<64x32768xi32, #tpu.memory_space<hbm>> -> memref<1x32768xi32, #tpu.memory_space<hbm>>
    %dma_wait3A_720 = tpu.memref_squeeze %dma_wait3A_719 : memref<1x32768xi32, #tpu.memory_space<hbm>> -> memref<32768xi32, #tpu.memory_space<hbm>>
    %dma_wait3A_721 = arith.constant 0 : i32
    %dma_wait3A_722 = tpu.memref_slice %arg8[%dma_wait3A_721] : memref<32784xi32, #tpu.memory_space<vmem>> -> memref<32768xi32, #tpu.memory_space<vmem>>
    tpu.wait_dma2 semaphore(%arg13 : memref<!tpu.dma_semaphore, #tpu.memory_space<semaphore_mem>>) src(%dma_wait3A_722 : memref<32768xi32, #tpu.memory_space<vmem>>) dst(%dma_wait3A_720 : memref<32768xi32, #tpu.memory_space<hbm>>)
    return
  }
}

</mosaic_0001>

<sc_bundles>
// kernel: kernel.3.cloned.1.call-start
scs
__scs_entry_jumppad:
0x0: {  	(pc) =	sbr.rel $0x88, $3  }
0x1: {  	(tag) =	ssettag $0x0;
	lr =	simm.s32 $0x1  }
0x2: {  	[smem:$0x3F9F] =	sst lr;
	_ =	strace $0xD0000000  }
0x3: {  	_ = 	snop  }
0x4: {  	_ = 	snop  }
0x5: {  	_ = 	snop  }
0x6: {  	_ = 	snop  }
0x7: {  	_ = 	snop  }
__scs_overlays_trampoline_lowered:
0x8: {  	[smem:$0x3FAE] =	sst s0  }
0x9: {  	[smem:$0x3FAF] =	sst s1  }
0xa: {  	[smem:$0x3FB0] =	sst s2  }
0xb: {  	[smem:$0x3FB1] =	sst s3  }
0xc: {  	[smem:$0x3FB2] =	sst s4  }
0xd: {  	[smem:$0x3FB3] =	sst s5  }
0xe: {  	[smem:$0x3FB4] =	sst s6  }
0xf: {  	[smem:$0x3FB5] =	sst s7  }
0x10: {  	[smem:$0x3FB6] =	sst s8  }
0x11: {  	[smem:$0x3FB7] =	sst s9;
	s0 =	simm.s32 @!p0 $0x0  }
0x12: {  	s1 =	sld [smem:$0x3F9D];
	s0 =	simm.s32 @p0 $0x1  }
0x13: {  	[smem:$0x3FB8] =	sst s0;
	s0 =	simm.s32 @!p1 $0x0  }
0x14: {  	s2 =	sld [smem:$0x3F9C];
	s0 =	simm.s32 @p1 $0x1  }
0x15: {  	[smem:$0x3FB9] =	sst s0;
	s0 =	simm.s32 @!p2 $0x0  }
0x16: {  	s3 =	sld [smem:$0x3FDB];
	s0 =	simm.s32 @p2 $0x1  }
0x17: {  	s4 =	simm.s32 $0x1BF5;
	[smem:$0x3FBB] =	sst s0  }
0x18: {  	s0 =	sld [smem:$0x3F9E];
	_ =	swait.ge [sflag:s4], $0x0  }
0x19: {  	s7 =	sld [smem:$0x3F9F]  }
0x1a: {  	s8 =	sadd.s32 $0xFFFFE003, lr  }
0x1b: {  	s9 =	sadd.s32 $0xFFFFFEF7, lr;
	s5 =	simm.s32 $0xFFFFFFFF;
	p2 =	slt.u32 s8, $0xFFFFF086  }
0x1c: {  	p1 =	slt.u32 s9, $0xF7A;
	s5 =	simm.s32 @!p2 $0x0  }
0x1d: {  	s5 =	simm.s32 @p1 $0x1;
	p0 =	seq.s32 s7, s2  }
0x1e: {  	s7 =	smul.u32 @!p0 $0xF7A, s2;
	p2 =	seq.s32 @!p0 s5, $0x0  }
0x1f: {  	s9 =	smul.u32 $0xF7A, s1;
	s8 =	simm.s32 @!p0 $0x1BF5;
	p2 =	por !p2, p0  }
0x20: {  	[sflag:s8] =	ssyncset.s32 @!p0 $0xFFFFF086;
	s6 =	sadd.s32 @!p0 s3, s7;
	s7 =	simm.s32 @!p0 $0x108  }
0x21: {  	s3 =	sadd.s32 s3, s9;
	s6 =	sadd.s32 @!p0 $0x88, s6;
	s7 =	simm.s32 @p2 $0x1082  }
0x22: {  	[simem:s7], [sflag:s8] =	dma.local @!p0 [hbm:s6], $0xF7A  }
0x23: {  	s9 =	sor.u32 $0xD0000000, s2;
	s6 =	simm.s32 $0x108;
	_ =	swait.ge @!p0 [sflag:s8], $0x0  }
0x24: {  	s3 =	sadd.s32 $0x88, s3;
	s6 =	simm.s32 @!p1 $0x1082;
	[sflag:s4] =	ssyncset.s32 $0xFFFFF086  }
0x25: {  	[simem:s6], [sflag:s4] =	dma.local [hbm:s3], $0xF7A  }
0x26: {  	[smem:$0x3F9F] =	sst s1;
	(tag) =	ssettag s2;
	_ =	strace s9  }
0x27: {  	s1 =	sld [smem:$0x3FAF]  }
0x28: {  	s2 =	sld [smem:$0x3FB0]  }
0x29: {  	s4 =	sld [smem:$0x3FB2]  }
0x2a: {  	p0 =	seq.s32 s5, $0x0;
	s5 =	sld [smem:$0x3FB3]  }
0x2b: {  	s6 =	sld [smem:$0x3FB4]  }
0x2c: {  	s7 =	sld [smem:$0x3FB5]  }
0x2d: {  	s3 =	simm.s32 $0x108;
	s8 =	sld [smem:$0x3FB6]  }
0x2e: {  	s3 =	simm.s32 @!p0 $0x1082;
	s9 =	sld [smem:$0x3FB7]  }
0x2f: {  	lr =	sadd.s32 s0, s3;
	s0 =	sld [smem:$0x3FAE]  }
0x30: {  	s3 =	sld [smem:$0x3FB1]  }
0x31: {  	[smem:$0x3FBA] =	sst s10  }
0x32: {  	s10 =	sld [smem:$0x3FB8];
	_ =	sdelay $0x3  }
0x33: {  	p0 =	seq.s32 s10, $0x1;
	s10 =	sld [smem:$0x3FBA];
	_ =	sdelay $0x3  }
0x34: {  	[smem:$0x3FBA] =	sst s10  }
0x35: {  	s10 =	sld [smem:$0x3FB9];
	_ =	sdelay $0x3  }
0x36: {  	p1 =	seq.s32 s10, $0x1;
	s10 =	sld [smem:$0x3FBA];
	_ =	sdelay $0x3  }
0x37: {  	[smem:$0x3FBA] =	sst s10  }
0x38: {  	s10 =	sld [smem:$0x3FBB]  }
0x39: {  	_ = 	snop;
	(pc) =	sbr.ind lr, $3  }
0x3a: {  	_ = 	snop  }
0x3b: {  	_ = 	snop  }
0x3c: {  	p2 =	seq.s32 s10, $0x1;
	s10 =	sld [smem:$0x3FBA]  }
0x3d: {  	_ =	shalt  }
0x3e: {  	_ =	shalt  }
0x3f: {  	_ =	shalt  }
0x40: {  	_ =	shalt  }
0x41: {  	_ =	shalt  }
0x42: {  	_ =	shalt  }
0x43: {  	_ =	shalt  }
0x44: {  	_ =	shalt  }
0x45: {  	_ =	shalt  }
0x46: {  	_ =	shalt  }
0x47: {  	_ =	shalt  }
0x48: {  	_ =	shalt  }
0x49: {  	_ =	shalt  }
0x4a: {  	_ =	shalt  }
0x4b: {  	_ =	shalt  }
0x4c: {  	_ =	shalt  }
0x4d: {  	_ =	shalt  }
0x4e: {  	_ =	shalt  }
0x4f: {  	_ =	shalt  }
0x50: {  	_ =	shalt  }
0x51: {  	_ =	shalt  }
0x52: {  	_ =	shalt  }
0x53: {  	_ =	shalt  }
0x54: {  	_ =	shalt  }
0x55: {  	_ =	shalt  }
0x56: {  	_ =	shalt  }
0x57: {  	_ =	shalt  }
0x58: {  	_ =	shalt  }
0x59: {  	_ =	shalt  }
0x5a: {  	_ =	shalt  }
0x5b: {  	_ =	shalt  }
0x5c: {  	_ =	shalt  }
0x5d: {  	_ =	shalt  }
0x5e: {  	_ =	shalt  }
0x5f: {  	_ =	shalt  }
0x60: {  	_ =	shalt  }
0x61: {  	_ =	shalt  }
0x62: {  	_ =	shalt  }
0x63: {  	_ =	shalt  }
0x64: {  	_ =	shalt  }
0x65: {  	_ =	shalt  }
0x66: {  	_ =	shalt  }
0x67: {  	_ =	shalt  }
0x68: {  	_ =	shalt  }
0x69: {  	_ =	shalt  }
0x6a: {  	_ =	shalt  }
0x6b: {  	_ =	shalt  }
0x6c: {  	_ =	shalt  }
0x6d: {  	_ =	shalt  }
0x6e: {  	_ =	shalt  }
0x6f: {  	_ =	shalt  }
0x70: {  	_ =	shalt  }
0x71: {  	_ =	shalt  }
0x72: {  	_ =	shalt  }
0x73: {  	_ =	shalt  }
0x74: {  	_ =	shalt  }
0x75: {  	_ =	shalt  }
0x76: {  	_ =	shalt  }
0x77: {  	_ =	shalt  }
0x78: {  	_ =	shalt  }
0x79: {  	_ =	shalt  }
0x7a: {  	_ =	shalt  }
0x7b: {  	_ =	shalt  }
0x7c: {  	_ =	shalt  }
0x7d: {  	_ =	shalt  }
0x7e: {  	_ =	shalt  }
0x7f: {  	_ =	shalt  }
0x80: {  	_ =	shalt  }
0x81: {  	_ =	shalt  }
0x82: {  	_ =	shalt  }
0x83: {  	_ =	shalt  }
0x84: {  	_ =	shalt  }
0x85: {  	_ =	shalt  }
0x86: {  	_ =	shalt  }
0x87: {  	_ =	shalt  }
.Lfunc_end0:
.L_simem_size_0:
called_computation_lowered:
.L_overlay_start_0:
0x88: {  	s2 =	sld [smem:$0x3FD9]  }
0x89: {  	s3 =	sld [smem:$0x3FFE];
	_ =	sdelay $0x1  }
0x8a: {  	s1 =	srdreg.scid  }
0x8b: {  	s0 =	sand.u32 $0x1, s1  }
0x8c: {  	s14 =	sshll.u32 s0, $0xA;
	s2 =	sadd.s32 s3, s2  }
0x8d: {  	s2 =	sadd.s32 s2, s14  }
0x8e: {  	[smem:$0x3FC6] =	sst s2  }
0x8f: {  	_ = 	snop  }
0x90: {  	s2 =	sld [smem:$0x3FD0];
	_ =	sdelay $0x2  }
0x91: {  	s4 =	simm.s32 $0xA;
	s5 =	simm.s32 $0x10;
	s15 =	sld [smem:$0x3FC9]  }
0x92: {  	[smem:s5], [sflag:s4] =	dma.local [hbm:s2], $0x1  }
0x93: {  	_ =	swait.eq [sflag:s4], $0x1  }
0x94: {  	[sflag:s4] =	ssyncset.done $0x0  }
0x95: {  	s16 =	sld [smem:$0x10];
	[sflag:s4] =	ssyncadd.s32 $0xFFFFFFFF  }
0x96: {  	s17 =	sld [smem:$0x11];
	(tm) =	ssettm $0x1  }
0x97: {  	s18 =	sld [smem:$0x3FFB];
	_ =	sdelay $0x3  }
0x98: {  	_ =	strace s18  }
0x99: {  	s5 =	sld [smem:$0x3FFC];
	_ =	sdelay $0x3  }
0x9a: {  	_ =	strace s5  }
0x9b: {  	s5 =	sld [smem:$0x3FFD];
	_ =	sdelay $0x3  }
0x9c: {  	_ =	strace s5  }
0x9d: {  	_ =	strace $0x8FFFFFFF  }
0x9e: {  	s19 =	sld [smem:$0x3FDB];
	_ =	sdelay $0x1  }
0x9f: {  	s6 =	simm.s32 $_scs_section_size  }
0xa0: {  	s7 =	simm.s32 $_size__tile_overlayer_lowered;
	s8 =	simm.s32 $_tile_overlayer_lowered  }
0xa1: {  	s22 =	simm.s32 $0x1BFF;
	s21 =	sshll.u32 s8, $0x1;
	s5 =	sadd.s32 s6, s19  }
0xa2: {  	s9 =	simm.s32 $0x0;
	s20 =	sshll.u32 s7, $0x1;
	s7 =	sadd.s32 s21, s5  }
0xa3: {  	[timem:s9], [sflag:s22] =	dma.local [hbm:s7], s20  }
0xa4: {  	_ =	swait.ge [sflag:s22], s20  }
0xa5: {  	s6 =	ssub.s32 $0x0, s20;
	[sflag:s22] =	ssyncset.done $0x0  }
0xa6: {  	[sflag:s22] =	ssyncadd.s32 s6;
	_ =	sdelay $0x1  }
0xa7: {  	s23 =	simm.s32 $0x1B8B  }
0xa8: {  	_ =	swait.ge [sflag:s23], $0x1  }
0xa9: {  	[sflag:s23] =	ssyncset.done $0x0  }
0xaa: {  	s25 =	simm.s32 $0x1B8E;
	s24 =	sld [smem:$0x3FFE];
	[sflag:s23] =	ssyncadd.s32 $0xFFFFFFFF  }
0xab: {  	s26 =	simm.s32 $execute0_lowered;
	[smem:$0x3FD2] =	sst s25  }
0xac: {  	s7 =	sshll.u32 s26, $0x1;
	_ =	strace $0x80000046;
	[dreg:$0x1] =	wrdreg $0xFFFFFFFF  }
0xad: {  	s28 =	simm.s32 $_size_execute0_lowered;
	s5 =	sadd.s32 s5, s7;
	[dreg:$0x0] =	wrdreg $0x0  }
0xae: {  	s7 =	sshll.u32 s28, $0x1;
	[dreg:$0x2] =	wrdreg s5  }
0xaf: {  	[dreg:$0x3] =	wrdreg s7  }
0xb0: {  	[dreg:$0x4] =	wrdreg $0xC0  }
0xb1: {  	_ =	task [dreg:s9], $0x5FFFF  }
0xb2: {  	[dreg:$0x1] =	wrdreg $0xFFFFFFFF  }
0xb3: {  	[dreg:$0x0] =	wrdreg $0x60  }
0xb4: {  	[dreg:$0x2] =	wrdreg s15  }
0xb5: {  	[dreg:$0x3] =	wrdreg s17  }
0xb6: {  	[dreg:$0x4] =	wrdreg s16  }
0xb7: {  	[dreg:$0x5] =	wrdreg s24  }
0xb8: {  	[dreg:$0x6] =	wrdreg $0x9  }
0xb9: {  	_ =	task.clear_ibuf [dreg:s9], $0x7FFFF;
	_ =	strace $0x90000046  }
0xba: {  	s29 =	simm.s32 $0x9;
	_ =	strace $0x80000048  }
0xbb: {  	_ =	swait.ge [sflag:s29], $0x1  }
0xbc: {  	[sflag:s29] =	ssyncadd.s32 $0xFFFFFFFF  }
0xbd: {  	_ =	strace $0x90000048  }
0xbe: {  	_ =	sfence  }
0xbf: {  	s30 =	sld [smem:$0x0];
	_ =	sdelay $0x2  }
0xc0: {  	s31 =	sshll.u32 s1, $0xD;
	s1 =	sshrl.u32 s1, $0x2  }
0xc1: {  	s3 =	sand.u32 $0x4000, s31;
	s1 =	sadd.s32 s1, s30  }
0xc2: {  	s0 =	sor.u32 s3, s0;
	s1 =	sshll.u32 s1, $0x11  }
0xc3: {  	s0 =	sor.u32 s1, s0  }
0xc4: {  	s0 =	sadd.s32 $0x8F2B, s0  }
0xc5: {  	[sflag:s0] =	ssyncadd.remote.s32 $0x1  }
0xc6: {  	_ =	sfence.sel $0xFFFF  }
0xc7: {  	[dreg:$0x0] =	wrdreg $0xFFFFFFFF;
	(pc) =	sbr.abs _section_cstart, $3  }
0xc8: {  	[dreg:$0x1] =	wrdreg $0xFFFFFFFF  }
0xc9: {  	_ =	task.clear_ibuf [dreg:s9], $0x2FFFF;
	_ =	strace $0x9FFFFFFF  }
0xca: {  	(tm) =	ssettm $0x7FFFFFFF  }
0xcb: {  	_ =	shalt  }
tec
execute0_lowered:
.L_overlay_start_1:
0x0: {  	(tag) =	ssettag $0x1  }
0x1: {  	s0 =	rddreg [dreg:$0x0]  }
0x2: {  	s1 =	rddreg [dreg:$0x2]  }
0x3: {  	s2 =	rddreg [dreg:$0x3]  }
0x4: {  	s4 =	simm.s32 $0x0;
	s3 =	srdreg.scid;
	s6 =	stileid.u32  }
0x5: {  	s12 =	simm.s32 $0x4;
	s13 =	simm.s32 $0x80;
	s14 =	simm.s32 $0x400  }
0x6: {  	[smem:$0x7FF] =	sst s4;
	s3 =	sand.u32 $0x1, s3;
	s23 =	sshll.u32 s6, $0x6  }
0x7: {  	s6 =	sshll.u32 s6, $0xE;
	s5 =	sshll.u32 s3, $0x5;
	s4 =	sand.u32 $0x40, s23  }
0x8: {  	s15 =	simm.s32 $0x1;
	s6 =	sand.u32 $0x38000, s6;
	s4 =	sor.u32 s5, s4  }
0x9: {  	s17 =	simm.s32 $0x18080;
	s2 =	sadd.s32 $0x800, s2;
	s4 =	sor.u32 s6, s4  }
0xa: {  	s3 =	ssub.s32 $0x2, s3;
	_ =	strace $0x80000047;
	s6 =	sadd.s32 s0, s4  }
0xb: {  	s24 =	sshrl.u32 s3, $0x1;
	s26 =	sadd.s32 s1, s4;
	[dreg:$0x5] =	wrdreg s6  }
0xc: {  	s3 =	ssub.s32 s3, s24;
	s28 =	sadd.s32 s2, s4;
	[dreg:$0x7] =	wrdreg s26  }
0xd: {  	s25 =	sor.u32 $0x10, s4;
	s31 =	smax.u32 s3, $0x1;
	[dreg:$0x8] =	wrdreg s28  }
0xe: {  	s18 =	simm.s32 $0x10000;
	s0 =	sadd.s32 s0, s25;
	[dreg:$0xb] =	wrdreg s31  }
0xf: {  	s19 =	simm.s32 $0x3;
	s29 =	sadd.s32 s1, s25;
	[dreg:$0x6] =	wrdreg s0  }
0x10: {  	v0 =	vimm.s32 $0x0;
	s20 =	simm.s32 $0x2;
	s30 =	sadd.s32 s2, s25;
	[dreg:$0x9] =	wrdreg s29  }
0x11: {  	v1 =	vimm.s32 $0x1;
	v2 =	vimm.s32 $0x3F800000;
	v3 =	vlaneseq.u32;
	s21 =	simm.s32 $0x0;
	s3 =	simm.s32 $0x8000;
	[dreg:$0xa] =	wrdreg s30  }
.LBB2_1:
0x12: {  	s0 =	rddreg [dreg:$0x1];
	s1 =	simm.s32 $0x0;
	s2 =	simm.s32 $0x18880  }
0x13: {  	[tilespmem:s2], [sflag:$0x4] =	stream.linear.gather [hbm4b:s0+s1], $0x80, $0x38;
	[tilespmem:$0x18900] =	vst v63  }
0x14: {  	_ =	swait.ge [sflag:s12], $0x80  }
0x15: {  	[sflag:s12] =	ssyncset.done $0x0  }
0x16: {  	s30 =	rddreg [dreg:$0x5];
	[sflag:s12] =	ssyncadd.s32 $0xFFFFFF80  }
0x17: {  	v4 =	vld [tilespmem:$0x18880];
	[tilespmem:s1], [sflag:$0x1] =	stream.strided.gather [hbm4b:s30+s13], $0x8000, s14, s13, $0x38  }
0x18: {  	_ =	swait.ge [sflag:s15], $0x8000  }
0x19: {  	[sflag:s15] =	ssyncset.done $0x0  }
0x1a: {  	s0 =	simm.s32 $0x0;
	s31 =	rddreg [dreg:$0x6];
	[sflag:s15] =	ssyncadd.s32 $0xFFFF8000  }
0x1b: {  	[tilespmem:s3], [sflag:$0x1] =	stream.strided.gather [hbm4b:s31+s13], $0x8000, s14, s13, $0x38;
	[tilespmem:$0x18900] =	vst v63  }
.LBB2_2:
0x1c: {  	p0 =	sne.s32 s0, $0x1FC0  }
.Ltmp0:
0x1d: {  	_ = 	snop;
	(pc) =	sbr.rel @p0 .LBB2_2-.Ltmp0, $3  }
0x1e: {  	_ =	sdelay $0x1  }
0x1f: {  	s1 =	sshra.s32 s0, $0x2  }
0x20: {  	s0 =	sadd.s32 $0x40, s0;
	[tilespmem:s1+$0x18080] =	vst v0  }
0x21: {  	s0 =	simm.s32 $0x0  }
.LBB2_4:
0x22: {  	s1 =	sshra.s32 s0, $0x2  }
0x23: {  	v5 =	vld [tilespmem:s1+$0x0];
	_ =	sdelay $0x4  }
0x24: {  	v5 =	vxor.u32 $0xFFFFFFFF, v5  }
0x25: {  	v5 =	vshrl.u32 v5, $0x14  }
0x26: {  	v5 =	vand.u32 $0x7FF, v5;
	_ =	sdelay $0x4  }
0x27: {  	[tilespmem:v5+s17+$0x0] =	vst.idx.add.s32.msk $0xffff, v1  }
0x28: {  	v5 =	vld [tilespmem:s1+$0x10];
	_ =	sdelay $0x4  }
0x29: {  	v5 =	vxor.u32 $0xFFFFFFFF, v5  }
0x2a: {  	v5 =	vshrl.u32 v5, $0x14  }
0x2b: {  	v5 =	vand.u32 $0x7FF, v5;
	_ =	sdelay $0x4  }
0x2c: {  	[tilespmem:v5+s17+$0x0] =	vst.idx.add.s32.msk $0xffff, v1  }
0x2d: {  	v5 =	vld [tilespmem:s1+$0x20];
	_ =	sdelay $0x4  }
0x2e: {  	v5 =	vxor.u32 $0xFFFFFFFF, v5  }
0x2f: {  	v5 =	vshrl.u32 v5, $0x14  }
0x30: {  	v5 =	vand.u32 $0x7FF, v5;
	_ =	sdelay $0x4  }
0x31: {  	[tilespmem:v5+s17+$0x0] =	vst.idx.add.s32.msk $0xffff, v1  }
0x32: {  	v5 =	vld [tilespmem:s1+$0x30];
	_ =	sdelay $0x4  }
0x33: {  	v5 =	vxor.u32 $0xFFFFFFFF, v5  }
0x34: {  	v5 =	vshrl.u32 v5, $0x14  }
0x35: {  	v5 =	vand.u32 $0x7FF, v5;
	_ =	sdelay $0x4  }
0x36: {  	[tilespmem:v5+s17+$0x0] =	vst.idx.add.s32.msk $0xffff, v1  }
0x37: {  	v5 =	vld [tilespmem:s1+$0x40];
	_ =	sdelay $0x4  }
0x38: {  	v5 =	vxor.u32 $0xFFFFFFFF, v5  }
0x39: {  	v5 =	vshrl.u32 v5, $0x14  }
0x3a: {  	v5 =	vand.u32 $0x7FF, v5;
	_ =	sdelay $0x4  }
0x3b: {  	[tilespmem:v5+s17+$0x0] =	vst.idx.add.s32.msk $0xffff, v1  }
0x3c: {  	v5 =	vld [tilespmem:s1+$0x50];
	_ =	sdelay $0x4  }
0x3d: {  	v5 =	vxor.u32 $0xFFFFFFFF, v5  }
0x3e: {  	v5 =	vshrl.u32 v5, $0x14  }
0x3f: {  	v5 =	vand.u32 $0x7FF, v5;
	_ =	sdelay $0x4  }
0x40: {  	[tilespmem:v5+s17+$0x0] =	vst.idx.add.s32.msk $0xffff, v1  }
0x41: {  	v5 =	vld [tilespmem:s1+$0x60];
	_ =	sdelay $0x4  }
0x42: {  	v5 =	vxor.u32 $0xFFFFFFFF, v5  }
0x43: {  	v5 =	vshrl.u32 v5, $0x14  }
0x44: {  	v5 =	vand.u32 $0x7FF, v5;
	_ =	sdelay $0x4  }
0x45: {  	[tilespmem:v5+s17+$0x0] =	vst.idx.add.s32.msk $0xffff, v1  }
0x46: {  	v5 =	vld [tilespmem:s1+$0x70];
	_ =	sdelay $0x4  }
0x47: {  	v5 =	vxor.u32 $0xFFFFFFFF, v5  }
0x48: {  	v5 =	vshrl.u32 v5, $0x14  }
0x49: {  	v5 =	vand.u32 $0x7FF, v5;
	_ =	sdelay $0x4  }
0x4a: {  	[tilespmem:v5+s17+$0x0] =	vst.idx.add.s32.msk $0xffff, v1  }
0x4b: {  	v5 =	vld [tilespmem:s1+$0x80];
	_ =	sdelay $0x4  }
0x4c: {  	v5 =	vxor.u32 $0xFFFFFFFF, v5  }
0x4d: {  	v5 =	vshrl.u32 v5, $0x14  }
0x4e: {  	v5 =	vand.u32 $0x7FF, v5;
	_ =	sdelay $0x4  }
0x4f: {  	[tilespmem:v5+s17+$0x0] =	vst.idx.add.s32.msk $0xffff, v1  }
0x50: {  	v5 =	vld [tilespmem:s1+$0x90];
	_ =	sdelay $0x4  }
0x51: {  	v5 =	vxor.u32 $0xFFFFFFFF, v5  }
0x52: {  	v5 =	vshrl.u32 v5, $0x14  }
0x53: {  	v5 =	vand.u32 $0x7FF, v5;
	_ =	sdelay $0x4  }
0x54: {  	[tilespmem:v5+s17+$0x0] =	vst.idx.add.s32.msk $0xffff, v1  }
0x55: {  	v5 =	vld [tilespmem:s1+$0xA0];
	_ =	sdelay $0x4  }
0x56: {  	v5 =	vxor.u32 $0xFFFFFFFF, v5  }
0x57: {  	v5 =	vshrl.u32 v5, $0x14  }
0x58: {  	v5 =	vand.u32 $0x7FF, v5;
	_ =	sdelay $0x4  }
0x59: {  	[tilespmem:v5+s17+$0x0] =	vst.idx.add.s32.msk $0xffff, v1  }
0x5a: {  	v5 =	vld [tilespmem:s1+$0xB0];
	_ =	sdelay $0x4  }
0x5b: {  	v5 =	vxor.u32 $0xFFFFFFFF, v5  }
0x5c: {  	v5 =	vshrl.u32 v5, $0x14  }
0x5d: {  	v5 =	vand.u32 $0x7FF, v5;
	_ =	sdelay $0x4  }
0x5e: {  	[tilespmem:v5+s17+$0x0] =	vst.idx.add.s32.msk $0xffff, v1  }
0x5f: {  	v5 =	vld [tilespmem:s1+$0xC0];
	_ =	sdelay $0x4  }
0x60: {  	v5 =	vxor.u32 $0xFFFFFFFF, v5  }
0x61: {  	v5 =	vshrl.u32 v5, $0x14  }
0x62: {  	v5 =	vand.u32 $0x7FF, v5;
	_ =	sdelay $0x4  }
0x63: {  	[tilespmem:v5+s17+$0x0] =	vst.idx.add.s32.msk $0xffff, v1  }
0x64: {  	v5 =	vld [tilespmem:s1+$0xD0];
	_ =	sdelay $0x4  }
0x65: {  	v5 =	vxor.u32 $0xFFFFFFFF, v5  }
0x66: {  	v5 =	vshrl.u32 v5, $0x14  }
0x67: {  	v5 =	vand.u32 $0x7FF, v5;
	_ =	sdelay $0x4  }
0x68: {  	[tilespmem:v5+s17+$0x0] =	vst.idx.add.s32.msk $0xffff, v1  }
0x69: {  	v5 =	vld [tilespmem:s1+$0xE0];
	_ =	sdelay $0x4  }
0x6a: {  	v5 =	vxor.u32 $0xFFFFFFFF, v5  }
0x6b: {  	v5 =	vshrl.u32 v5, $0x14  }
0x6c: {  	v5 =	vand.u32 $0x7FF, v5;
	_ =	sdelay $0x4  }
0x6d: {  	[tilespmem:v5+s17+$0x0] =	vst.idx.add.s32.msk $0xffff, v1  }
0x6e: {  	v5 =	vld [tilespmem:s1+$0xF0];
	_ =	sdelay $0x4  }
0x6f: {  	v5 =	vxor.u32 $0xFFFFFFFF, v5  }
0x70: {  	v5 =	vshrl.u32 v5, $0x14  }
0x71: {  	p0 =	sne.s32 s0, $0x1FC00;
	v5 =	vand.u32 $0x7FF, v5  }
.Ltmp1:
0x72: {  	_ = 	snop;
	(pc) =	sbr.rel @p0 .LBB2_4-.Ltmp1, $2  }
0x73: {  	_ =	sdelay $0x2  }
0x74: {  	s0 =	sadd.s32 $0x400, s0;
	[tilespmem:v5+s17+$0x0] =	vst.idx.add.s32.msk $0xffff, v1  }
0x75: {  	s0 =	simm.s32 $0x180C0  }
0x76: {  	v5 =	vld [tilespmem:s0+$0xFFFFFFC0];
	_ =	sdelay $0x1  }
0x77: {  	v6 =	vld [tilespmem:s0+$0xFFFFFFD0]  }
0x78: {  	v7 =	vld [tilespmem:s0+$0xFFFFFFE0]  }
0x79: {  	v8 =	vld [tilespmem:s0+$0xFFFFFFF0]  }
0x7a: {  	v9 =	vld [tilespmem:s0+$0x0];
	(xrf0) =	vadd.scan.msk.s32 $0xffff, v5  }
0x7b: {  	v5 =	vld [tilespmem:s0+$0x10]  }
0x7c: {  	(xrf0) =	vadd.scan.msk.s32 $0xffff, v6  }
0x7d: {  	(v2sf) =	vpush v4, $0x0;
	v6 =	vld [tilespmem:s0+$0x20];
	(xrf0) =	vadd.scan.msk.s32 $0xffff, v7  }
0x7e: {  	(xrf0) =	vadd.scan.msk.s32 $0xffff, v8  }
0x7f: {  	(xrf0) =	vadd.scan.msk.s32 $0xffff, v9  }
0x80: {  	(xrf0) =	vadd.scan.msk.s32 $0xffff, v5;
	v5, _, _ =	vpop (xrf0)  }
0x81: {  	(v2sf) =	vpush v5, $0xF  }
0x82: {  	(xrf0) =	vadd.scan.msk.s32 $0xffff, v6;
	v6, _, _ =	vpop (xrf0)  }
0x83: {  	v5, _, _ =	vpop (xrf0);
	(v2sf) =	vpush v6, $0xF  }
0x84: {  	v6 =	vld [tilespmem:s0+$0x30];
	(v2sf) =	vpush v5, $0xF;
	_ =	sdelay $0x1  }
0x85: {  	v5, _, _ =	vpop (xrf0)  }
0x86: {  	(v2sf) =	vpush v5, $0xF;
	v5, _, _ =	vpop (xrf0)  }
0x87: {  	(v2sf) =	vpush v5, $0xF;
	v5, _, _ =	vpop (xrf0)  }
0x88: {  	(v2sf) =	vpush v5, $0xF;
	v5, _, _ =	vpop (xrf0);
	(xrf0) =	vadd.scan.msk.s32 $0xffff, v6  }
0x89: {  	s24 =	simm.s32 $0x0  }
0x8a: {  	s25 =	simm.s32 $0x7;
	s29 =	simm.s32 $0xF;
	s28 =	simm.s32 $0x18140  }
0x8b: {  	s26 =	simm.s32 $0x0;
	s23 =	simm.s32 $0x0;
	s22 =	spop (v2sf);
	(v2sf) =	vpush v5, $0xF  }
.LBB2_6:
0x8c: {  	s2 =	sadd.s32 $0xFFFFFFFE, s25;
	s0 =	sadd.s32 $0xFFFFFFFF, s25  }
0x8d: {  	v5 =	vld [tilespmem:s28+$0xFFFFFFC0];
	s30 =	smov.u32 s25;
	s25 =	smov.u32 s29;
	s31 =	sadd.s32 $0x8, s29  }
0x8e: {  	v6 =	vld [tilespmem:s28+$0xFFFFFFD0];
	s3 =	sadd.s32 $0xFFFFFFFB, s30;
	s11 =	sadd.s32 $0xFFFFFFFC, s30;
	s1 =	sadd.s32 $0xFFFFFFFD, s30;
	v7, _, _ =	vpop (xrf0)  }
0x8f: {  	s4 =	spop (v2sf)  }
0x90: {  	s5 =	sadd.s32 $0xFFFFFFF9, s30;
	s7 =	sadd.s32 $0xFFFFFFFA, s30;
	v8 =	vld [tilespmem:s28+$0xFFFFFFE0];
	(v2sf) =	vpush v7, $0xF;
	s16 =	sadd.s32 s26, s4  }
0x91: {  	p0 =	slt.s32 s26, s22;
	s4 =	spop (v2sf);
	p1 =	sge.s32 s16, s22  }
0x92: {  	s6 =	sadd.s32 s4, s16;
	s4 =	spop (v2sf);
	p1 =	por !p0, !p1  }
0x93: {  	v7 =	vld [tilespmem:s28+$0xFFFFFFF0];
	(xrf0) =	vadd.scan.msk.s32 $0xffff, v5;
	p2 =	sge.s32 s6, s22;
	p0 =	slt.s32 s6, s22;
	s4 =	sadd.s32 s4, s6  }
0x94: {  	(xrf0) =	vadd.scan.msk.s32 $0xffff, v6;
	p3 =	por !p1, !p1;
	p1 =	slt.s32 s16, s22;
	p4 =	slt.s32 s4, s22  }
0x95: {  	v5 =	vld [tilespmem:s28+$0x0];
	(xrf0) =	vadd.scan.msk.s32 $0xffff, v8;
	p1 =	por !p1, !p2;
	s8 =	spop (v2sf);
	s24 =	smov.u32 @p3 s5  }
0x96: {  	p2 =	sge.s32 s4, s22;
	s23 =	smov.u32 @p3 s26;
	s5 =	sadd.s32 s8, s4  }
0x97: {  	p1 =	por !p1, !p1;
	p0 =	por !p0, !p2;
	v6 =	vld [tilespmem:s28+$0x10];
	s8 =	spop (v2sf)  }
0x98: {  	p2 =	por !p0, !p0;
	p0 =	slt.s32 s5, s22;
	(xrf0) =	vadd.scan.msk.s32 $0xffff, v7;
	s8 =	sadd.s32 s8, s5  }
0x99: {  	s24 =	smov.u32 @p1 s7;
	p5 =	sge.s32 s5, s22;
	v7, _, _ =	vpop (xrf0);
	s7 =	spop (v2sf)  }
0x9a: {  	s23 =	smov.u32 @p1 s16;
	p3 =	por !p4, !p5;
	v8 =	vld [tilespmem:s28+$0x20];
	(v2sf) =	vpush v7, $0xF;
	v7, _, _ =	vpop (xrf0);
	(xrf0) =	vadd.scan.msk.s32 $0xffff, v5;
	s7 =	sadd.s32 s7, s8  }
0x9b: {  	p3 =	por !p3, !p3;
	p4 =	sge.s32 s8, s22;
	(v2sf) =	vpush v7, $0xF;
	v5, _, _ =	vpop (xrf0);
	p5 =	slt.s32 s7, s22  }
0x9c: {  	s24 =	smov.u32 @p2 s3;
	s23 =	smov.u32 @p2 s6;
	s3 =	spop (v2sf)  }
0x9d: {  	p6 =	slt.s32 s8, s22;
	s24 =	smov.u32 @p3 s11;
	(v2sf) =	vpush v5, $0xF;
	(xrf0) =	vadd.scan.msk.s32 $0xffff, v6;
	s3 =	sadd.s32 s3, s7  }
0x9e: {  	p4 =	por !p0, !p4;
	p1 =	sge.s32 s7, s22;
	v5 =	vld [tilespmem:s28+$0x30];
	p2 =	sge.s32 s3, s22  }
0x9f: {  	s23 =	smov.u32 @p3 s4;
	p1 =	por !p6, !p1;
	v6, _, _ =	vpop (xrf0);
	p2 =	por !p5, !p2  }
0xa0: {  	s6 =	spop (v2sf);
	p0 =	por !p2, !p2;
	p2 =	por !p4, !p4  }
0xa1: {  	p1 =	por !p1, !p1;
	s26 =	sadd.s32 s6, s3;
	s24 =	smov.u32 @p2 s1  }
0xa2: {  	(v2sf) =	vpush v6, $0xF;
	(xrf0) =	vadd.scan.msk.s32 $0xffff, v8;
	s23 =	smov.u32 @p2 s5;
	p2 =	slt.s32 s3, s22;
	s24 =	smov.u32 @p1 s2  }
0xa3: {  	v6, _, _ =	vpop (xrf0);
	s23 =	smov.u32 @p1 s8;
	p1 =	sge.s32 s26, s22;
	s24 =	smov.u32 @p0 s0  }
0xa4: {  	(v2sf) =	vpush v6, $0xF;
	s23 =	smov.u32 @p0 s7;
	p0 =	por !p2, !p1;
	p1 =	sne.s32 s29, $0x7F  }
.Ltmp2:
0xa5: {  	v6, _, _ =	vpop (xrf0);
	(xrf0) =	vadd.scan.msk.s32 $0xffff, v5;
	(pc) =	sbr.rel @p1 .LBB2_6-.Ltmp2, $3  }
0xa6: {  	(v2sf) =	vpush v6, $0xF;
	_ =	sdelay $0x1  }
0xa7: {  	s28 =	sadd.s32 $0x80, s28;
	p0 =	por !p0, !p0;
	v5, _, _ =	vpop (xrf0)  }
0xa8: {  	s29 =	smov.u32 s31;
	s24 =	smov.u32 @p0 s30;
	s23 =	smov.u32 @p0 s3;
	(v2sf) =	vpush v5, $0xF  }
0xa9: {  	_ =	sdelay $0x2  }
0xaa: {  	v5, _, _ =	vpop (xrf0)  }
0xab: {  	(v2sf) =	vpush v5, $0xF;
	_ =	sdelay $0x1  }
0xac: {  	s0 =	spop (v2sf)  }
0xad: {  	p0 =	slt.s32 s26, s22;
	s0 =	sadd.s32 s26, s0;
	s1 =	spop (v2sf)  }
0xae: {  	p1 =	sge.s32 s0, s22;
	s1 =	sadd.s32 s1, s0;
	s2 =	spop (v2sf)  }
0xaf: {  	p3 =	slt.s32 s0, s22;
	p0 =	por !p0, !p1;
	p5 =	sge.s32 s1, s22  }
0xb0: {  	p2 =	slt.s32 s1, s22;
	s2 =	sadd.s32 s2, s1;
	s3 =	simm.s32 @!p0 $0x0  }
0xb1: {  	p1 =	por !p3, !p5;
	s3 =	simm.s32 @p0 $0x1;
	s9 =	spop (v2sf)  }
0xb2: {  	[smem:$0x7F9] =	sst s3;
	s3 =	sadd.s32 s9, s2;
	s4 =	spop (v2sf)  }
0xb3: {  	p6 =	slt.s32 s2, s22;
	s4 =	sadd.s32 s4, s3;
	s5 =	spop (v2sf)  }
0xb4: {  	p4 =	sge.s32 s2, s22;
	s5 =	sadd.s32 s5, s4;
	s6 =	spop (v2sf)  }
0xb5: {  	p2 =	por !p2, !p4;
	p0 =	sge.s32 s3, s22;
	s6 =	sadd.s32 s6, s5  }
0xb6: {  	p4 =	por !p6, !p0;
	p3 =	slt.s32 s5, s22;
	p0 =	sge.s32 s6, s22  }
0xb7: {  	p5 =	slt.s32 s4, s22;
	p6 =	sge.s32 s5, s22;
	p0 =	por !p3, !p0  }
0xb8: {  	s8 =	sld [smem:$0x7F9];
	p5 =	por !p5, !p6;
	s7 =	simm.s32 @!p0 $0x0  }
0xb9: {  	p6 =	sge.s32 s4, s22;
	s10 =	spop (v2sf);
	s7 =	simm.s32 @p0 $0x1  }
0xba: {  	p3 =	slt.s32 s3, s22;
	[smem:$0x7FA] =	sst s7;
	s7 =	sadd.s32 s10, s6  }
0xbb: {  	p3 =	por !p3, !p6;
	p0 =	slt.s32 s6, s22;
	p6 =	sge.s32 s7, s22  }
0xbc: {  	p4 =	por !p4, !p4;
	s11 =	sld [smem:$0x7FA];
	p0 =	por !p0, !p6  }
0xbd: {  	p5 =	por !p5, !p5;
	p6 =	seq.s32 s8, $0x1;
	s7 =	simm.s32 @!p0 $0x0  }
0xbe: {  	p3 =	por !p3, !p3;
	s7 =	simm.s32 @p0 $0x1;
	p0 =	por !p6, !p6  }
0xbf: {  	p6 =	por !p1, !p1;
	p1 =	seq.s32 s11, $0x1;
	s8 =	simm.s32 @!p0 $0x0  }
0xc0: {  	[smem:$0x7FB] =	sst s7;
	s7 =	sadd.s32 $0xFFFFFFF9, s25;
	s8 =	simm.s32 @p0 $0x1  }
0xc1: {  	s24 =	smov.u32 @p0 s7;
	[smem:$0x7FC] =	sst s8;
	s8 =	sadd.s32 $0xFFFFFFFA, s25  }
0xc2: {  	s7 =	sadd.s32 $0xFFFFFFFB, s25;
	p0 =	por !p2, !p2;
	s24 =	smov.u32 @p6 s8  }
0xc3: {  	s16 =	sld [smem:$0x7FB];
	s8 =	sadd.s32 $0xFFFFFFFC, s25;
	s24 =	smov.u32 @p0 s7  }
0xc4: {  	p1 =	por !p1, !p1;
	s7 =	sadd.s32 $0xFFFFFFFD, s25;
	s24 =	smov.u32 @p4 s8  }
0xc5: {  	s9 =	simm.s32 @!p0 $0x0;
	s8 =	sadd.s32 $0xFFFFFFFE, s25;
	s24 =	smov.u32 @p3 s7  }
0xc6: {  	p2 =	seq.s32 s16, $0x1;
	s7 =	sadd.s32 $0xFFFFFFFF, s25;
	s24 =	smov.u32 @p5 s8  }
0xc7: {  	s9 =	simm.s32 @p0 $0x1;
	p0 =	por !p2, !p2;
	s24 =	smov.u32 @p1 s7  }
0xc8: {  	s24 =	smov.u32 @p0 s25  }
0xc9: {  	s25 =	sshll.u32 s24, $0x4  }
0xca: {  	s28 =	sld [smem:$0x7FC];
	v6 =	vld [tilespmem:s25+$0x18080]  }
0xcb: {  	[smem:$0x7FD] =	sst s9  }
0xcc: {  	s29 =	sld [smem:$0x7FD]  }
0xcd: {  	p2 =	seq.s32 s28, $0x1  }
0xce: {  	s23 =	smov.u32 @p2 s26  }
0xcf: {  	s23 =	smov.u32 @p6 s0;
	p2 =	seq.s32 s29, $0x1;
	(xrf0) =	vadd.scan.msk.s32 $0xffff, v6  }
0xd0: {  	s23 =	smov.u32 @p2 s1  }
0xd1: {  	s23 =	smov.u32 @p4 s2  }
0xd2: {  	s23 =	smov.u32 @p3 s3  }
0xd3: {  	s23 =	smov.u32 @p5 s4  }
0xd4: {  	s23 =	smov.u32 @p1 s5  }
0xd5: {  	v4 =	vbroadcast v4, $0x0;
	s23 =	smov.u32 @p0 s6;
	v5, _, _ =	vpop (xrf0)  }
0xd6: {  	v5 =	vadd.s32 s23, v5  }
0xd7: {  	vm0 =	vlt.s32 v5, v4  }
0xd8: {  	v7 =	vmpcnt.ones.xlane vm0;
	_ =	sdelay $0x1  }
0xd9: {  	(v2sf) =	vpush v7, $0x0;
	_ =	sdelay $0x9  }
0xda: {  	s30 =	simm.s32 $0x0  }
0xdb: {  	v8 =	vld [tilespmem:s30+$0x0]  }
0xdc: {  	v9 =	vld [tilespmem:s30+$0x10];
	_ =	sdelay $0x1  }
0xdd: {  	v12 =	vld [tilespmem:s30+$0x20]  }
0xde: {  	v14 =	vld [tilespmem:s30+$0x30];
	s31 =	spop (v2sf)  }
0xdf: {  	s1 =	sadd.s32 s31, s25  }
0xe0: {  	v11 =	vand.u32 $0x7FFFFFFF, v8;
	v10 =	vand.u32 $0x7FFFFFFF, v9;
	v13 =	vbroadcast v7, $0x0;
	s23 =	ssub.s32 $0x7FF, s1  }
0xe1: {  	v15 =	vld [tilespmem:s30+$0x50];
	v8 =	vshrl.u32 v11, $0x14;
	v9 =	vshrl.u32 v10, $0x14;
	v7 =	vmov s23  }
0xe2: {  	v5 =	vperm.xlane v5, v13;
	v6 =	vperm.xlane v6, v13;
	v13 =	vld [tilespmem:s30+$0x40];
	vm3 =	veq.s32 v8, v7  }
0xe3: {  	v17 =	vld [tilespmem:s30+$0x60];
	v8 =	vand.u32 $0x7FFFFFFF, v12;
	vm2 =	veq.s32 v9, v7;
	v9 =	vand.u32 $0x7FFFFFFF, v14  }
0xe4: {  	v12 =	vshrl.u32 v8, $0x14;
	v14 =	vshrl.u32 v9, $0x14;
	v16 =	vsel vm3, $0x1, v0  }
0xe5: {  	vm0 =	veq.s32 v12, v7;
	vm1 =	veq.s32 v14, v7;
	v12 =	vsel vm2, $0x1, v0;
	(xrf0) =	vadd.scan.msk.s32 $0xffff, v16  }
0xe6: {  	v18 =	vld [tilespmem:s30+$0x70];
	v16 =	vsel vm1, $0x1, v0;
	(xrf0) =	vadd.scan.msk.s32 $0xffff, v12  }
0xe7: {  	v13 =	vand.u32 $0x7FFFFFFF, v13;
	v14 =	vsel vm0, $0x1, v0;
	v12 =	vand.u32 $0x7FFFFFFF, v15;
	(xrf0) =	vadd.scan.msk.s32 $0xffff, v16  }
0xe8: {  	v21 =	vshrl.u32 v13, $0x14;
	v15 =	vshrl.u32 v12, $0x14;
	(xrf0) =	vadd.scan.msk.s32 $0xffff, v14;
	v14 =	vand.u32 $0x7FFFFFFF, v17  }
0xe9: {  	vm6 =	veq.s32 v21, v7;
	vm5 =	veq.s32 v15, v7;
	v21 =	vshrl.u32 v14, $0x14  }
0xea: {  	v19 =	vimm.s32 $0xFFFFFFFF;
	v20 =	vmpcnt.ones.xlane vm3;
	v17 =	vsel vm5, $0x1, v0  }
0xeb: {  	v22 =	vmpcnt.ones.xlane vm2;
	v15 =	vand.u32 $0x7FFFFFFF, v18;
	v18 =	vsel vm6, $0x1, v0;
	(xrf0) =	vadd.scan.msk.s32 $0xffff, v17  }
0xec: {  	v20 =	vadd.s32 v19, v20;
	vm7 =	veq.s32 v21, v7;
	v17 =	vshrl.u32 v15, $0x14;
	v21, _, _ =	vpop (xrf0);
	(xrf0) =	vadd.scan.msk.s32 $0xffff, v18  }
0xed: {  	vm4 =	veq.s32 v17, v7;
	v18 =	vsel vm7, $0x1, v0;
	v23, _, _ =	vpop (xrf0);
	v17 =	vadd.s32 v19, v21  }
0xee: {  	v24 =	vsel vm4, $0x1, v0;
	(xrf0) =	vadd.scan.msk.s32 $0xffff, v18;
	v19, _, _ =	vpop (xrf0);
	v18 =	vadd.s32 v20, v23  }
0xef: {  	s26 =	simm.s32 $0x600;
	s24 =	simm.s32 $0x100;
	s25 =	simm.s32 $0x80;
	v16 =	vmpcnt.ones.xlane vm1;
	v21 =	vmpcnt.ones.xlane vm0;
	v20 =	vadd.s32 v20, v22;
	(xrf0) =	vadd.scan.msk.s32 $0xffff, v24;
	v22, _, _ =	vpop (xrf0)  }
.LBB2_8:
0xf0: {  	p0 =	sne.s32 s26, $0x1FE00;
	s0 =	smov.u32 s26;
	s26 =	sadd.s32 $0x200, s26  }
0xf1: {  	v23 =	vmpcnt.ones.xlane vm6;
	v22 =	vadd.s32 v20, v22;
	v20 =	vadd.s32 v20, v21;
	v21, _, _ =	vpop (xrf0)  }
0xf2: {  	v24 =	vmpcnt.ones.xlane vm5;
	[tilespmem:v17+s18+$0x0] =	vst.idx.msk vm3, v11;
	v11 =	vadd.s32 v20, v19;
	v16 =	vadd.s32 v20, v16;
	v17, _, _ =	vpop (xrf0)  }
0xf3: {  	v25 =	vmpcnt.ones.xlane vm7;
	s0 =	sshra.s32 s0, $0x2;
	[tilespmem:v18+s18+$0x0] =	vst.idx.msk vm2, v10;
	v10 =	vadd.s32 v16, v17;
	v16 =	vadd.s32 v16, v23  }
0xf4: {  	v17 =	vmpcnt.ones.xlane vm4;
	v18 =	vadd.s32 v16, v21;
	v16 =	vadd.s32 v16, v24;
	v20, _, _ =	vpop (xrf0)  }
0xf5: {  	v20 =	vadd.s32 v16, v20;
	v16 =	vadd.s32 v16, v25;
	v19, _, _ =	vpop (xrf0)  }
0xf6: {  	[tilespmem:v22+s18+$0x0] =	vst.idx.msk vm0, v8;
	v8 =	vadd.s32 v16, v19;
	v17 =	vadd.s32 v16, v17  }
0xf7: {  	[tilespmem:v11+s18+$0x0] =	vst.idx.msk vm1, v9  }
0xf8: {  	[tilespmem:v10+s18+$0x0] =	vst.idx.msk vm6, v13  }
0xf9: {  	[tilespmem:v18+s18+$0x0] =	vst.idx.msk vm5, v12  }
0xfa: {  	[tilespmem:v20+s18+$0x0] =	vst.idx.msk vm7, v14  }
0xfb: {  	[tilespmem:v8+s18+$0x0] =	vst.idx.msk vm4, v15  }
0xfc: {  	v8 =	vld [tilespmem:s25+$0x0]  }
0xfd: {  	v9 =	vld [tilespmem:s25+$0x10]  }
0xfe: {  	v12 =	vld [tilespmem:s25+$0x20]  }
0xff: {  	v13 =	vld [tilespmem:s25+$0x30]  }
0x100: {  	v15 =	vld [tilespmem:s25+$0x70]  }
0x101: {  	v11 =	vand.u32 $0x7FFFFFFF, v8;
	v14 =	vld [tilespmem:s25+$0x50]  }
0x102: {  	v8 =	vshrl.u32 v11, $0x14;
	v10 =	vand.u32 $0x7FFFFFFF, v9  }
0x103: {  	vm3 =	veq.s32 v8, v7;
	v9 =	vshrl.u32 v10, $0x14;
	v8 =	vand.u32 $0x7FFFFFFF, v12;
	v18 =	vld [tilespmem:s25+$0x40]  }
0x104: {  	vm2 =	veq.s32 v9, v7;
	v12 =	vshrl.u32 v8, $0x14;
	v9 =	vand.u32 $0x7FFFFFFF, v13  }
0x105: {  	v13 =	vsel vm3, $0x1, v0;
	vm0 =	veq.s32 v12, v7;
	v12 =	vshrl.u32 v9, $0x14;
	v19 =	vld [tilespmem:s25+$0x60];
	s25 =	smov.u32 s24;
	s24 =	smov.u32 s0  }
0x106: {  	v16 =	vsel vm2, $0x1, v0;
	vm1 =	veq.s32 v12, v7;
	v20 =	vsel vm0, $0x1, v0;
	(xrf0) =	vadd.scan.msk.s32 $0xffff, v13  }
0x107: {  	v21 =	vmpcnt.ones.xlane vm3;
	v12 =	vand.u32 $0x7FFFFFFF, v14;
	v14 =	vsel vm1, $0x1, v0;
	(xrf0) =	vadd.scan.msk.s32 $0xffff, v16  }
0x108: {  	v16 =	vmpcnt.ones.xlane vm1;
	v13 =	vand.u32 $0x7FFFFFFF, v18;
	v18 =	vshrl.u32 v12, $0x14;
	(xrf0) =	vadd.scan.msk.s32 $0xffff, v14  }
0x109: {  	v21 =	vadd.s32 v17, v21;
	v14 =	vshrl.u32 v13, $0x14;
	vm5 =	veq.s32 v18, v7;
	(xrf0) =	vadd.scan.msk.s32 $0xffff, v20  }
0x10a: {  	vm6 =	veq.s32 v14, v7;
	v14 =	vand.u32 $0x7FFFFFFF, v19;
	v18 =	vsel vm5, $0x1, v0  }
.Ltmp3:
0x10b: {  	v15 =	vand.u32 $0x7FFFFFFF, v15;
	v23 =	vshrl.u32 v14, $0x14;
	v20 =	vsel vm6, $0x1, v0;
	(xrf0) =	vadd.scan.msk.s32 $0xffff, v18;
	(pc) =	sbr.rel @p0 .LBB2_8-.Ltmp3, $4  }
0x10c: {  	v25 =	vmpcnt.ones.xlane vm2;
	v24 =	vshrl.u32 v15, $0x14;
	vm7 =	veq.s32 v23, v7;
	v19, _, _ =	vpop (xrf0);
	(xrf0) =	vadd.scan.msk.s32 $0xffff, v20  }
0x10d: {  	vm4 =	veq.s32 v24, v7;
	v17 =	vadd.s32 v17, v19;
	v23 =	vsel vm7, $0x1, v0;
	v18, _, _ =	vpop (xrf0)  }
0x10e: {  	v24 =	vsel vm4, $0x1, v0;
	v20 =	vadd.s32 v21, v25;
	v18 =	vadd.s32 v21, v18;
	v19, _, _ =	vpop (xrf0);
	(xrf0) =	vadd.scan.msk.s32 $0xffff, v23  }
0x10f: {  	v21 =	vmpcnt.ones.xlane vm0;
	v22, _, _ =	vpop (xrf0);
	(xrf0) =	vadd.scan.msk.s32 $0xffff, v24  }
0x110: {  	_ = 	snop  }
0x111: {  	v24 =	vmpcnt.ones.xlane vm5  }
0x112: {  	v23 =	vmpcnt.ones.xlane vm6;
	v22 =	vadd.s32 v20, v22;
	v60 =	vadd.s32 v20, v21;
	v61, _, _ =	vpop (xrf0)  }
0x113: {  	v19 =	vadd.s32 v60, v19;
	v16 =	vadd.s32 v60, v16;
	v62, _, _ =	vpop (xrf0)  }
0x114: {  	v63 =	vmpcnt.ones.xlane vm7;
	v20 =	vadd.s32 v16, v62;
	v16 =	vadd.s32 v16, v23  }
0x115: {  	[tilespmem:v17+s18+$0x0] =	vst.idx.msk vm3, v11;
	v21 =	vadd.s32 v16, v61;
	v16 =	vadd.s32 v16, v24;
	v24, _, _ =	vpop (xrf0)  }
0x116: {  	[tilespmem:v18+s18+$0x0] =	vst.idx.msk vm2, v10;
	v25 =	vadd.s32 v16, v24;
	v16 =	vadd.s32 v16, v63;
	v26, _, _ =	vpop (xrf0)  }
0x117: {  	[tilespmem:v22+s18+$0x0] =	vst.idx.msk vm0, v8;
	v27 =	vadd.s32 v16, v26  }
0x118: {  	[tilespmem:v19+s18+$0x0] =	vst.idx.msk vm1, v9  }
0x119: {  	[tilespmem:v20+s18+$0x0] =	vst.idx.msk vm6, v13  }
0x11a: {  	[tilespmem:v21+s18+$0x0] =	vst.idx.msk vm5, v12  }
0x11b: {  	[tilespmem:v25+s18+$0x0] =	vst.idx.msk vm7, v14  }
0x11c: {  	[tilespmem:v27+s18+$0x0] =	vst.idx.msk vm4, v15  }
0x11d: {  	v8 =	vld [tilespmem:s25+$0x0]  }
0x11e: {  	v9 =	vld [tilespmem:s25+$0x10]  }
0x11f: {  	v10 =	vld [tilespmem:s25+$0x20]  }
0x120: {  	v11 =	vld [tilespmem:s25+$0x30]  }
0x121: {  	v12 =	vld [tilespmem:s25+$0x50]  }
0x122: {  	v14 =	vld [tilespmem:s25+$0x40];
	_ =	sdelay $0x2  }
0x123: {  	v8 =	vand.u32 $0x7FFFFFFF, v8;
	v9 =	vand.u32 $0x7FFFFFFF, v9;
	v10 =	vand.u32 $0x7FFFFFFF, v10  }
0x124: {  	v11 =	vand.u32 $0x7FFFFFFF, v11;
	v12 =	vand.u32 $0x7FFFFFFF, v12;
	v28 =	vshrl.u32 v8, $0x14  }
0x125: {  	v15 =	vld [tilespmem:s25+$0x60];
	v36 =	vand.u32 $0x7FFFFFFF, v14;
	v29 =	vshrl.u32 v9, $0x14;
	vm2 =	veq.s32 v28, v7  }
0x126: {  	v31 =	vld [tilespmem:s25+$0x70];
	v32 =	vshrl.u32 v11, $0x14;
	vm9 =	veq.s32 v29, v7;
	v33 =	vsel vm2, $0x1, v0  }
0x127: {  	v30 =	vshrl.u32 v10, $0x14;
	vm11 =	veq.s32 v32, v7;
	v34 =	vsel vm9, $0x1, v0;
	(xrf0) =	vadd.scan.msk.s32 $0xffff, v33  }
0x128: {  	v37 =	vshrl.u32 v12, $0x14;
	vm10 =	veq.s32 v30, v7;
	v35 =	vsel vm11, $0x1, v0;
	(xrf0) =	vadd.scan.msk.s32 $0xffff, v34  }
0x129: {  	v39 =	vshrl.u32 v36, $0x14;
	vm12 =	veq.s32 v37, v7;
	v38 =	vsel vm10, $0x1, v0;
	(xrf0) =	vadd.scan.msk.s32 $0xffff, v35  }
0x12a: {  	v40 =	vand.u32 $0x7FFFFFFF, v15;
	vm13 =	veq.s32 v39, v7;
	v41 =	vsel vm12, $0x1, v0;
	(xrf0) =	vadd.scan.msk.s32 $0xffff, v38  }
0x12b: {  	v17 =	vand.u32 $0x7FFFFFFF, v31;
	v42 =	vshrl.u32 v40, $0x14;
	v43 =	vsel vm13, $0x1, v0;
	(xrf0) =	vadd.scan.msk.s32 $0xffff, v41  }
0x12c: {  	v44 =	vmpcnt.ones.xlane vm4;
	v45 =	vshrl.u32 v17, $0x14;
	vm14 =	veq.s32 v42, v7;
	(xrf0) =	vadd.scan.msk.s32 $0xffff, v43  }
0x12d: {  	vm15 =	veq.s32 v45, v7;
	v46 =	vmpcnt.ones.xlane vm2;
	v48 =	vsel vm14, $0x1, v0;
	v47, _, _ =	vpop (xrf0)  }
0x12e: {  	v15 =	vadd.s32 v16, v44;
	v49 =	vmpcnt.ones.xlane vm9;
	v51 =	vsel vm15, $0x1, v0;
	v50, _, _ =	vpop (xrf0);
	(xrf0) =	vadd.scan.msk.s32 $0xffff, v48  }
0x12f: {  	v54 =	vmpcnt.ones.xlane vm10;
	v52 =	vadd.s32 v15, v46;
	v15 =	vadd.s32 v15, v47;
	v53, _, _ =	vpop (xrf0);
	(xrf0) =	vadd.scan.msk.s32 $0xffff, v51  }
0x130: {  	v55 =	vmpcnt.ones.xlane vm11;
	v16 =	vadd.s32 v52, v49;
	v21 =	vadd.s32 v52, v50;
	v56, _, _ =	vpop (xrf0)  }
0x131: {  	v57 =	vmpcnt.ones.xlane vm13;
	v18 =	vadd.s32 v16, v56;
	v16 =	vadd.s32 v16, v54;
	v58, _, _ =	vpop (xrf0)  }
0x132: {  	v59 =	vmpcnt.ones.xlane vm12;
	v19 =	vadd.s32 v16, v53;
	v16 =	vadd.s32 v16, v55;
	v60, _, _ =	vpop (xrf0)  }
0x133: {  	v61 =	vmpcnt.ones.xlane vm14;
	v22 =	vadd.s32 v16, v60;
	v16 =	vadd.s32 v16, v57  }
0x134: {  	[tilespmem:v15+s18+$0x0] =	vst.idx.msk vm2, v8;
	v62 =	vadd.s32 v16, v58;
	v63 =	vadd.s32 v16, v59;
	v20, _, _ =	vpop (xrf0)  }
0x135: {  	[tilespmem:v21+s18+$0x0] =	vst.idx.msk vm9, v9;
	v24 =	vadd.s32 v63, v20;
	v15 =	vadd.s32 v63, v61;
	v25, _, _ =	vpop (xrf0)  }
0x136: {  	[tilespmem:v18+s18+$0x0] =	vst.idx.msk vm10, v10;
	v26 =	vadd.s32 v15, v25  }
0x137: {  	[tilespmem:v19+s18+$0x0] =	vst.idx.msk vm11, v11  }
0x138: {  	[tilespmem:v22+s18+$0x0] =	vst.idx.msk vm13, v36  }
0x139: {  	[tilespmem:v62+s18+$0x0] =	vst.idx.msk vm12, v12  }
0x13a: {  	[tilespmem:v24+s18+$0x0] =	vst.idx.msk vm14, v40  }
0x13b: {  	[tilespmem:v26+s18+$0x0] =	vst.idx.msk vm15, v17  }
0x13c: {  	v8 =	vld [tilespmem:s24+$0x0]  }
0x13d: {  	v9 =	vld [tilespmem:s24+$0x10]  }
0x13e: {  	v10 =	vld [tilespmem:s24+$0x20]  }
0x13f: {  	v11 =	vld [tilespmem:s24+$0x30]  }
0x140: {  	v12 =	vld [tilespmem:s24+$0x50]  }
0x141: {  	v14 =	vld [tilespmem:s24+$0x40];
	_ =	sdelay $0x2  }
0x142: {  	v8 =	vand.u32 $0x7FFFFFFF, v8;
	v9 =	vand.u32 $0x7FFFFFFF, v9;
	v10 =	vand.u32 $0x7FFFFFFF, v10  }
0x143: {  	v11 =	vand.u32 $0x7FFFFFFF, v11;
	v12 =	vand.u32 $0x7FFFFFFF, v12;
	v27 =	vshrl.u32 v8, $0x14  }
0x144: {  	v30 =	vld [tilespmem:s24+$0x60];
	v35 =	vand.u32 $0x7FFFFFFF, v14;
	v28 =	vshrl.u32 v9, $0x14;
	vm4 =	veq.s32 v27, v7  }
0x145: {  	v17 =	vld [tilespmem:s24+$0x70];
	v31 =	vshrl.u32 v11, $0x14;
	vm9 =	veq.s32 v28, v7;
	v32 =	vsel vm4, $0x1, v0  }
0x146: {  	v29 =	vshrl.u32 v10, $0x14;
	vm11 =	veq.s32 v31, v7;
	v33 =	vsel vm9, $0x1, v0;
	(xrf0) =	vadd.scan.msk.s32 $0xffff, v32  }
0x147: {  	v36 =	vshrl.u32 v12, $0x14;
	vm10 =	veq.s32 v29, v7;
	v34 =	vsel vm11, $0x1, v0;
	(xrf0) =	vadd.scan.msk.s32 $0xffff, v33  }
0x148: {  	v38 =	vshrl.u32 v35, $0x14;
	vm12 =	veq.s32 v36, v7;
	v37 =	vsel vm10, $0x1, v0;
	(xrf0) =	vadd.scan.msk.s32 $0xffff, v34  }
0x149: {  	v39 =	vand.u32 $0x7FFFFFFF, v30;
	vm13 =	veq.s32 v38, v7;
	v40 =	vsel vm12, $0x1, v0;
	(xrf0) =	vadd.scan.msk.s32 $0xffff, v37  }
0x14a: {  	v17 =	vand.u32 $0x7FFFFFFF, v17;
	v41 =	vshrl.u32 v39, $0x14;
	v42 =	vsel vm13, $0x1, v0;
	(xrf0) =	vadd.scan.msk.s32 $0xffff, v40  }
0x14b: {  	v43 =	vmpcnt.ones.xlane vm15;
	v44 =	vshrl.u32 v17, $0x14;
	vm14 =	veq.s32 v41, v7;
	(xrf0) =	vadd.scan.msk.s32 $0xffff, v42  }
0x14c: {  	vm15 =	veq.s32 v44, v7;
	v46 =	vmpcnt.ones.xlane vm4;
	v7 =	vsel vm14, $0x1, v0;
	v45, _, _ =	vpop (xrf0)  }
0x14d: {  	v15 =	vadd.s32 v15, v43;
	v47 =	vmpcnt.ones.xlane vm9;
	v49 =	vsel vm15, $0x1, v0;
	(xrf0) =	vadd.scan.msk.s32 $0xffff, v7;
	v48, _, _ =	vpop (xrf0)  }
0x14e: {  	v51 =	vmpcnt.ones.xlane vm10;
	v52 =	vmpcnt.ones.xlane vm11;
	v7 =	vadd.s32 v15, v46;
	v50, _, _ =	vpop (xrf0)  }
0x14f: {  	v15 =	vadd.s32 v15, v45;
	v18 =	vadd.s32 v7, v48;
	v7 =	vadd.s32 v7, v47;
	v53, _, _ =	vpop (xrf0)  }
0x150: {  	v54 =	vmpcnt.ones.xlane vm13;
	v16 =	vadd.s32 v7, v53;
	v7 =	vadd.s32 v7, v51;
	v55, _, _ =	vpop (xrf0)  }
0x151: {  	v56 =	vmpcnt.ones.xlane vm12;
	(xrf0) =	vadd.scan.msk.s32 $0xffff, v49;
	v19 =	vadd.s32 v7, v50;
	v7 =	vadd.s32 v7, v52;
	v57, _, _ =	vpop (xrf0)  }
0x152: {  	v58 =	vmpcnt.ones.xlane vm14;
	v21 =	vadd.s32 v7, v57;
	v7 =	vadd.s32 v7, v54  }
0x153: {  	v61 =	vmpcnt.ones.xlane vm15;
	v60, _, _ =	vpop (xrf0);
	v59 =	vadd.s32 v7, v55;
	v7 =	vadd.s32 v7, v56  }
0x154: {  	(v2sf) =	vpush v5, $0x0;
	[tilespmem:v15+s18+$0x0] =	vst.idx.msk vm4, v8;
	v15 =	vadd.s32 v7, v60;
	v7 =	vadd.s32 v7, v58  }
0x155: {  	(v2sf) =	vpush v6, $0x0;
	v5 =	vadd.s32 v7, v61  }
0x156: {  	(v2sf) =	vpush v5, $0x0  }
0x157: {  	[tilespmem:v18+s18+$0x0] =	vst.idx.msk vm9, v9;
	v62, _, _ =	vpop (xrf0)  }
0x158: {  	[tilespmem:v16+s18+$0x0] =	vst.idx.msk vm10, v10;
	v63 =	vadd.s32 v7, v62  }
0x159: {  	[tilespmem:v19+s18+$0x0] =	vst.idx.msk vm11, v11  }
0x15a: {  	[tilespmem:v21+s18+$0x0] =	vst.idx.msk vm13, v35  }
0x15b: {  	[tilespmem:v59+s18+$0x0] =	vst.idx.msk vm12, v12  }
0x15c: {  	[tilespmem:v15+s18+$0x0] =	vst.idx.msk vm14, v39  }
0x15d: {  	[tilespmem:v63+s18+$0x0] =	vst.idx.msk vm15, v17  }
0x15e: {  	[tilespmem:$0x18080] =	vst v0  }
0x15f: {  	[tilespmem:$0x18090] =	vst v0  }
0x160: {  	[tilespmem:$0x180A0] =	vst v0  }
0x161: {  	[tilespmem:$0x180B0] =	vst v0  }
0x162: {  	[tilespmem:$0x180C0] =	vst v0  }
0x163: {  	s26 =	spop (v2sf);
	[tilespmem:$0x180D0] =	vst v0  }
0x164: {  	s28 =	spop (v2sf);
	[tilespmem:$0x180E0] =	vst v0  }
0x165: {  	[tilespmem:$0x180F0] =	vst v0;
	s0 =	spop (v2sf)  }
0x166: {  	[tilespmem:$0x18100] =	vst v0;
	s0 =	sadd.s32 $0x10, s0  }
0x167: {  	[tilespmem:$0x18110] =	vst v0;
	s24 =	sshrl.u32 s0, $0x4  }
0x168: {  	[tilespmem:$0x18120] =	vst v0;
	p0 =	sne.s32 s24, $0x0  }
.Ltmp4:
0x169: {  	[tilespmem:$0x18130] =	vst v0;
	(pc) =	sbr.rel @!p0 .LBB2_12-.Ltmp4, $4  }
0x16a: {  	[tilespmem:$0x18140] =	vst v0  }
0x16b: {  	[tilespmem:$0x18150] =	vst v0  }
0x16c: {  	[tilespmem:$0x18160] =	vst v0  }
0x16d: {  	v5 =	vadd.s32 $0x1, v5;
	[tilespmem:$0x18170] =	vst v0  }
0x16e: {  	p1 =	seq.s32 s24, $0x1  }
.Ltmp5:
0x16f: {  	_ = 	snop;
	(pc) =	sbr.rel @p1 .LBB2_11-.Ltmp5, $3  }
0x170: {  	_ =	sdelay $0x1  }
0x171: {  	s1 =	simm.s32 $0x10000  }
0x172: {  	s0 =	simm.s32 $0x0;
	p0 =	por $0x0, $0x0;
	v6 =	vld [tilespmem:s1+$0x0];
	s1 =	sadd.s32 $0xFFFFFFFF, s24  }
0x173: {  	_ =	sdelay $0x3  }
0x174: {  	v7 =	vor.u32 s0, v3;
	v6 =	vxor.u32 $0xFFFFFFFF, v6  }
0x175: {  	vm0 =	vlt.s32 v7, v5;
	v6 =	vshrl.u32 v6, $0xC  }
0x176: {  	v6 =	vand.u32 $0xFF, v6  }
0x177: {  	p1 =	seq.s32 s1, $0x1  }
.Ltmp6:
0x178: {  	_ = 	snop;
	(pc) =	sbr.rel @p1 .LBB2_16-.Ltmp6, $3  }
0x179: {  	_ =	sdelay $0x1  }
0x17a: {  	s2 =	simm.s32 $0x10010;
	[tilespmem:v6+s17+$0x0] =	vst.idx.add.s32.msk vm0, v1  }
0x17b: {  	s3 =	sadd.s32 $0xFFFFFFFF, s1;
	p0 =	por $0x1, $0x1;
	s1 =	simm.s32 $0x0;
	v6 =	vld [tilespmem:s2+$0x0]  }
.LBB2_17:
0x17c: {  	p1 =	seq.s32 s3, $0x1;
	_ =	sdelay $0x2  }
0x17d: {  	s1 =	sadd.s32 $0x10, s1  }
0x17e: {  	v7 =	vor.u32 s1, v3;
	v6 =	vxor.u32 $0xFFFFFFFF, v6  }
0x17f: {  	vm0 =	vlt.s32 v7, v5;
	v6 =	vshrl.u32 v6, $0xC  }
0x180: {  	v6 =	vand.u32 $0xFF, v6;
	_ =	sdelay $0x1  }
.Ltmp7:
0x181: {  	(pc) =	sbr.rel @!p1 .LBB2_17-.Ltmp7, $3  }
0x182: {  	_ =	sdelay $0x1  }
0x183: {  	s2 =	sadd.s32 $0x10, s2;
	[tilespmem:v6+s17+$0x0] =	vst.idx.add.s32.msk vm0, v1  }
0x184: {  	s3 =	sadd.s32 $0xFFFFFFFF, s3;
	v6 =	vld [tilespmem:s2+$0x0]  }
.LBB2_18:
0x185: {  	_ =	sdelay $0x1  }
0x186: {  	s1 =	sadd.s32 @p0 $0x10, s1  }
0x187: {  	s0 =	smov.u32 @p0 s1  }
0x188: {  	v7 =	vor.u32 s0, v3;
	v6 =	vxor.u32 $0xFFFFFFFF, v6  }
0x189: {  	vm0 =	vlt.s32 v7, v5;
	v6 =	vshrl.u32 v6, $0xC  }
0x18a: {  	v6 =	vand.u32 $0xFF, v6;
	_ =	sdelay $0x4  }
0x18b: {  	[tilespmem:v6+s17+$0x0] =	vst.idx.add.s32.msk vm0, v1  }
.LBB2_12:
0x18c: {  	v6 =	vld [tilespmem:$0x18080]  }
0x18d: {  	v7 =	vld [tilespmem:$0x18090]  }
0x18e: {  	v8 =	vld [tilespmem:$0x180A0]  }
0x18f: {  	v9 =	vld [tilespmem:$0x180B0];
	_ =	sdelay $0x1  }
0x190: {  	v10 =	vld [tilespmem:$0x180C0];
	(xrf0) =	vadd.scan.msk.s32 $0xffff, v6  }
0x191: {  	v6 =	vld [tilespmem:$0x180D0];
	(xrf0) =	vadd.scan.msk.s32 $0xffff, v7  }
0x192: {  	(xrf0) =	vadd.scan.msk.s32 $0xffff, v8  }
0x193: {  	v7 =	vld [tilespmem:$0x180E0];
	(xrf0) =	vadd.scan.msk.s32 $0xffff, v9;
	_ =	sdelay $0x1  }
0x194: {  	v8 =	vld [tilespmem:$0x180F0];
	(xrf0) =	vadd.scan.msk.s32 $0xffff, v10  }
0x195: {  	(xrf0) =	vadd.scan.msk.s32 $0xffff, v6;
	v6, _, _ =	vpop (xrf0)  }
0x196: {  	(v2sf) =	vpush v6, $0xF;
	v6, _, _ =	vpop (xrf0)  }
0x197: {  	(xrf0) =	vadd.scan.msk.s32 $0xffff, v7;
	v7, _, _ =	vpop (xrf0);
	(v2sf) =	vpush v6, $0xF  }
0x198: {  	v6, _, _ =	vpop (xrf0);
	(v2sf) =	vpush v7, $0xF  }
0x199: {  	(xrf0) =	vadd.scan.msk.s32 $0xffff, v8;
	(v2sf) =	vpush v6, $0xF  }
0x19a: {  	v6, _, _ =	vpop (xrf0)  }
0x19b: {  	(v2sf) =	vpush v6, $0xF;
	v6, _, _ =	vpop (xrf0)  }
0x19c: {  	v7 =	vld [tilespmem:$0x18100];
	(v2sf) =	vpush v6, $0xF  }
0x19d: {  	v8 =	vld [tilespmem:$0x18110]  }
0x19e: {  	v62 =	vld [tilespmem:$0x18120];
	v6, _, _ =	vpop (xrf0)  }
0x19f: {  	(v2sf) =	vpush v6, $0xF;
	v6, _, _ =	vpop (xrf0)  }
0x1a0: {  	(v2sf) =	vpush v6, $0xF  }
0x1a1: {  	(xrf0) =	vadd.scan.msk.s32 $0xffff, v7;
	v6 =	vld [tilespmem:$0x18130]  }
0x1a2: {  	v7 =	vld [tilespmem:$0x18140];
	(xrf0) =	vadd.scan.msk.s32 $0xffff, v8  }
0x1a3: {  	(xrf0) =	vadd.scan.msk.s32 $0xffff, v62;
	_ =	sdelay $0x1  }
0x1a4: {  	s25 =	spop (v2sf)  }
0x1a5: {  	s2 =	ssub.s32 s28, s26;
	(xrf0) =	vadd.scan.msk.s32 $0xffff, v6;
	s0 =	spop (v2sf)  }
0x1a6: {  	s26 =	sadd.s32 s22, s2;
	v8, _, _ =	vpop (xrf0);
	(xrf0) =	vadd.scan.msk.s32 $0xffff, v7;
	s1 =	spop (v2sf)  }
0x1a7: {  	v7, _, _ =	vpop (xrf0);
	(v2sf) =	vpush v8, $0xF;
	p0 =	slt.s32 s25, s26;
	s0 =	sadd.s32 s0, s25;
	s3 =	spop (v2sf)  }
0x1a8: {  	(v2sf) =	vpush v7, $0xF;
	v7, _, _ =	vpop (xrf0);
	p1 =	sge.s32 s0, s26;
	s2 =	sadd.s32 s1, s0;
	p5 =	slt.s32 s0, s26  }
0x1a9: {  	v6 =	vld [tilespmem:$0x18150];
	(v2sf) =	vpush v7, $0xF;
	s4 =	spop (v2sf);
	p3 =	por !p0, !p1;
	s28 =	sadd.s32 s3, s2  }
0x1aa: {  	p6 =	sge.s32 s2, s26;
	p2 =	slt.s32 s2, s26;
	s5 =	spop (v2sf)  }
0x1ab: {  	v7, _, _ =	vpop (xrf0);
	p4 =	sge.s32 s28, s26;
	p6 =	por !p5, !p6;
	s1 =	sadd.s32 s4, s28  }
0x1ac: {  	(v2sf) =	vpush v7, $0xF;
	v7, _, _ =	vpop (xrf0);
	p1 =	por !p2, !p4;
	p4 =	slt.s32 s28, s26;
	p5 =	sge.s32 s1, s26  }
0x1ad: {  	(v2sf) =	vpush v7, $0xF;
	s6 =	spop (v2sf);
	s29 =	sadd.s32 s5, s1;
	p0 =	por !p4, !p5  }
0x1ae: {  	(xrf0) =	vadd.scan.msk.s32 $0xffff, v6;
	s7 =	spop (v2sf);
	s30 =	sadd.s32 s6, s29;
	s3 =	simm.s32 @!p0 $0x0  }
0x1af: {  	v6 =	vld [tilespmem:$0x18160];
	p2 =	sge.s32 s29, s26;
	s3 =	simm.s32 @p0 $0x1;
	p0 =	slt.s32 s1, s26  }
0x1b0: {  	p4 =	slt.s32 s29, s26;
	p5 =	sge.s32 s30, s26;
	p0 =	por !p0, !p2  }
0x1b1: {  	s31 =	sadd.s32 s7, s30;
	[smem:$0x7E8] =	sst s3;
	s3 =	simm.s32 @!p0 $0x0  }
0x1b2: {  	s3 =	simm.s32 @p0 $0x1;
	p0 =	por !p4, !p5;
	p4 =	slt.s32 s30, s26  }
0x1b3: {  	p5 =	sge.s32 s31, s26;
	[smem:$0x7E9] =	sst s3;
	s3 =	simm.s32 @!p0 $0x0  }
0x1b4: {  	(xrf0) =	vadd.scan.msk.s32 $0xffff, v6;
	v6, _, _ =	vpop (xrf0);
	s3 =	simm.s32 @p0 $0x1;
	p0 =	por !p4, !p5  }
0x1b5: {  	s11 =	simm.s32 $0x10;
	(v2sf) =	vpush v6, $0xF;
	s10 =	sld [smem:$0x7E8];
	s4 =	simm.s32 @!p0 $0x0  }
0x1b6: {  	[smem:$0x7EA] =	sst s3;
	s16 =	spop (v2sf);
	s4 =	simm.s32 @p0 $0x1  }
0x1b7: {  	s5 =	spop (v2sf);
	s16 =	sadd.s32 s31, s16;
	p0 =	slt.s32 s31, s26  }
0x1b8: {  	[smem:$0x7EB] =	sst s4;
	s6 =	spop (v2sf);
	p2 =	sge.s32 s16, s26  }
0x1b9: {  	s3 =	sadd.s32 s5, s16;
	p4 =	slt.s32 s16, s26;
	p0 =	por !p0, !p2  }
0x1ba: {  	p5 =	sge.s32 s3, s26;
	p2 =	slt.s32 s3, s26;
	s4 =	simm.s32 @!p0 $0x0  }
0x1bb: {  	p4 =	por !p4, !p5;
	s7 =	spop (v2sf);
	s4 =	simm.s32 @p0 $0x1  }
0x1bc: {  	s8 =	spop (v2sf);
	[smem:$0x7EC] =	sst s4;
	s4 =	sadd.s32 s6, s3  }
0x1bd: {  	p0 =	por !p3, !p3;
	p5 =	sge.s32 s4, s26;
	s5 =	sadd.s32 s7, s4  }
0x1be: {  	p5 =	por !p2, !p5;
	p2 =	slt.s32 s4, s26;
	p3 =	sge.s32 s5, s26  }
0x1bf: {  	s25 =	simm.s32 @!p0 $0x0;
	s11 =	simm.s32 @!p0 $0x0;
	p2 =	por !p2, !p3  }
0x1c0: {  	v7 =	vld [tilespmem:$0x18170];
	p0 =	por !p6, !p6;
	s6 =	sadd.s32 s8, s5;
	s7 =	simm.s32 @!p2 $0x0  }
0x1c1: {  	p3 =	sge.s32 s6, s26;
	s7 =	simm.s32 @p2 $0x1;
	p2 =	slt.s32 s5, s26  }
0x1c2: {  	s11 =	simm.s32 @p0 $0x20;
	s8 =	simm.s32 @!p0 $0x0;
	p2 =	por !p2, !p3  }
0x1c3: {  	v6, _, _ =	vpop (xrf0);
	s8 =	simm.s32 @p0 $0x1;
	[smem:$0x7ED] =	sst s7;
	s7 =	simm.s32 @!p2 $0x0  }
0x1c4: {  	(v2sf) =	vpush v6, $0xF;
	s9 =	spop (v2sf);
	[smem:$0x7F0] =	sst s8;
	s7 =	simm.s32 @p2 $0x1  }
0x1c5: {  	(xrf0) =	vadd.scan.msk.s32 $0xffff, v7;
	p2 =	por !p1, !p1;
	[smem:$0x7EE] =	sst s7;
	s7 =	sadd.s32 s9, s6  }
0x1c6: {  	p3 =	slt.s32 s6, s26;
	s8 =	simm.s32 @!p2 $0x0;
	p6 =	sge.s32 s7, s26  }
0x1c7: {  	s9 =	sld [smem:$0x7E9];
	s8 =	simm.s32 @p2 $0x1;
	p0 =	por !p3, !p6  }
0x1c8: {  	[smem:$0x7F1] =	sst s8;
	s8 =	simm.s32 @!p0 $0x0  }
0x1c9: {  	s8 =	simm.s32 @p0 $0x1;
	p0 =	seq.s32 s10, $0x1  }
0x1ca: {  	s11 =	simm.s32 @p2 $0x30;
	s10 =	sld [smem:$0x7EA];
	p0 =	por !p0, !p0  }
0x1cb: {  	v6, _, _ =	vpop (xrf0);
	p3 =	seq.s32 s9, $0x1;
	[smem:$0x7EF] =	sst s8;
	s8 =	simm.s32 @!p0 $0x0  }
0x1cc: {  	(v2sf) =	vpush v6, $0xF;
	s9 =	sld [smem:$0x7EB];
	p2 =	por !p3, !p3;
	s8 =	simm.s32 @p0 $0x1  }
0x1cd: {  	p6 =	seq.s32 s10, $0x1;
	[smem:$0x7F2] =	sst s8;
	s8 =	simm.s32 @!p2 $0x0  }
0x1ce: {  	s11 =	simm.s32 @p0 $0x40;
	p6 =	por !p6, !p6;
	s8 =	simm.s32 @p2 $0x1  }
0x1cf: {  	p0 =	seq.s32 s9, $0x1;
	[smem:$0x7F3] =	sst s8;
	s8 =	simm.s32 @!p6 $0x0  }
0x1d0: {  	s9 =	sld [smem:$0x7EC];
	p3 =	por !p0, !p0;
	s8 =	simm.s32 @p6 $0x1  }
0x1d1: {  	[smem:$0x7F4] =	sst s8;
	s8 =	simm.s32 @!p3 $0x0  }
0x1d2: {  	s11 =	simm.s32 @p2 $0x50;
	s8 =	simm.s32 @p3 $0x1  }
0x1d3: {  	s10 =	spop (v2sf);
	s11 =	simm.s32 @p6 $0x60;
	[smem:$0x7F5] =	sst s8  }
0x1d4: {  	p2 =	seq.s32 s9, $0x1;
	s8 =	sadd.s32 s10, s7;
	s10 =	sld [smem:$0x7ED]  }
0x1d5: {  	s11 =	simm.s32 @p3 $0x70;
	p0 =	por !p2, !p2  }
0x1d6: {  	s9 =	simm.s32 @!p0 $0x0;
	s11 =	simm.s32 @p0 $0x80  }
0x1d7: {  	s9 =	simm.s32 @p0 $0x1;
	p0 =	seq.s32 s10, $0x1;
	s10 =	sld [smem:$0x7EE]  }
0x1d8: {  	p1 =	por !p4, !p4;
	p3 =	slt.s32 s7, s26  }
0x1d9: {  	s11 =	simm.s32 @p1 $0x90;
	[smem:$0x7F6] =	sst s9;
	s9 =	simm.s32 @!p1 $0x0  }
0x1da: {  	s9 =	simm.s32 @p1 $0x1;
	p1 =	seq.s32 s10, $0x1;
	s10 =	sld [smem:$0x7EF]  }
0x1db: {  	p6 =	sge.s32 s8, s26;
	[smem:$0x7F7] =	sst s9;
	s9 =	spop (v2sf)  }
0x1dc: {  	p5 =	por !p5, !p5;
	p6 =	por !p3, !p6;
	s9 =	sadd.s32 s9, s8  }
0x1dd: {  	p4 =	por !p0, !p0;
	p2 =	seq.s32 s10, $0x1;
	s10 =	sld [smem:$0x7F0]  }
0x1de: {  	p0 =	sge.s32 s9, s26;
	p3 =	por !p1, !p1;
	p1 =	slt.s32 s8, s26  }
0x1df: {  	s11 =	simm.s32 @p5 $0xA0;
	s9 =	sld [smem:$0x7F1];
	p0 =	por !p1, !p0  }
0x1e0: {  	p1 =	por !p6, !p6;
	p6 =	seq.s32 s10, $0x1;
	s10 =	sld [smem:$0x7F2]  }
0x1e1: {  	s11 =	simm.s32 @p4 $0xB0  }
0x1e2: {  	s11 =	simm.s32 @p3 $0xC0;
	s25 =	smov.u32 @p6 s0;
	p6 =	seq.s32 s9, $0x1  }
0x1e3: {  	p2 =	por !p2, !p2;
	s25 =	smov.u32 @p6 s2;
	p6 =	seq.s32 s10, $0x1  }
0x1e4: {  	s11 =	simm.s32 @p2 $0xD0;
	s25 =	smov.u32 @p6 s28;
	s28 =	sld [smem:$0x7F3]  }
0x1e5: {  	p0 =	por !p0, !p0;
	s11 =	simm.s32 @p1 $0xE0;
	s2 =	sld [smem:$0x7F4]  }
0x1e6: {  	s11 =	simm.s32 @p0 $0xF0;
	s9 =	sld [smem:$0x7F5]  }
0x1e7: {  	v6 =	vld [tilespmem:s11+$0x18080];
	s10 =	sld [smem:$0x7F6];
	p6 =	seq.s32 s28, $0x1  }
0x1e8: {  	s28 =	sld [smem:$0x7F7];
	s25 =	smov.u32 @p6 s1;
	p6 =	seq.s32 s2, $0x1  }
0x1e9: {  	s25 =	smov.u32 @p6 s29;
	p6 =	seq.s32 s9, $0x1  }
0x1ea: {  	s25 =	smov.u32 @p6 s30;
	p6 =	seq.s32 s10, $0x1  }
0x1eb: {  	s25 =	smov.u32 @p6 s31;
	p6 =	seq.s32 s28, $0x1  }
0x1ec: {  	(xrf0) =	vadd.scan.msk.s32 $0xffff, v6;
	s25 =	smov.u32 @p6 s16  }
0x1ed: {  	s25 =	smov.u32 @p5 s3  }
0x1ee: {  	s25 =	smov.u32 @p4 s4  }
0x1ef: {  	s25 =	smov.u32 @p3 s5  }
0x1f0: {  	s25 =	smov.u32 @p2 s6  }
0x1f1: {  	s25 =	smov.u32 @p1 s7  }
0x1f2: {  	v7, _, _ =	vpop (xrf0);
	s25 =	smov.u32 @p0 s8  }
0x1f3: {  	v7 =	vadd.s32 s25, v7  }
0x1f4: {  	vm0 =	vlt.s32 v7, s26  }
0x1f5: {  	v8 =	vmpcnt.ones.xlane vm0;
	_ =	sdelay $0x1  }
0x1f6: {  	v63 =	vbroadcast v8, $0x0  }
0x1f7: {  	(v2sf) =	vpush v8, $0x0  }
0x1f8: {  	v7 =	vperm.xlane v7, v63  }
0x1f9: {  	v6 =	vperm.xlane v6, v63  }
0x1fa: {  	(v2sf) =	vpush v7, $0x0  }
0x1fb: {  	[tilespmem:$0x18080] =	vst v0;
	(v2sf) =	vpush v6, $0x0  }
0x1fc: {  	[tilespmem:$0x18090] =	vst v0  }
0x1fd: {  	[tilespmem:$0x180A0] =	vst v0  }
0x1fe: {  	[tilespmem:$0x180B0] =	vst v0  }
0x1ff: {  	[tilespmem:$0x180C0] =	vst v0  }
0x200: {  	[tilespmem:$0x180D0] =	vst v0  }
0x201: {  	[tilespmem:$0x180E0] =	vst v0  }
0x202: {  	[tilespmem:$0x180F0] =	vst v0  }
0x203: {  	[tilespmem:$0x18100] =	vst v0  }
0x204: {  	[tilespmem:$0x18110] =	vst v0  }
0x205: {  	[tilespmem:$0x18120] =	vst v0;
	p0 =	seq.s32 s24, $0x0  }
.Ltmp8:
0x206: {  	[tilespmem:$0x18130] =	vst v0;
	s31 =	spop (v2sf);
	(pc) =	sbr.rel @p0 .LBB2_19-.Ltmp8, $4  }
0x207: {  	[tilespmem:$0x18140] =	vst v0;
	s0 =	sadd.s32 s31, s11  }
0x208: {  	[tilespmem:$0x18150] =	vst v0;
	s25 =	ssub.s32 $0xFF, s0;
	s0 =	simm.s32 @!p0 $0x0  }
0x209: {  	[tilespmem:$0x18160] =	vst v0;
	s0 =	simm.s32 @p0 $0x1;
	s29 =	spop (v2sf)  }
0x20a: {  	[tilespmem:$0x18170] =	vst v0;
	v6 =	vmov s25;
	[smem:$0x7F8] =	sst s0;
	s30 =	spop (v2sf)  }
0x20b: {  	p0 =	seq.s32 s24, $0x1  }
.Ltmp9:
0x20c: {  	_ = 	snop;
	(pc) =	sbr.rel @p0 .LBB2_14-.Ltmp9, $3  }
0x20d: {  	_ =	sdelay $0x1  }
0x20e: {  	s1 =	simm.s32 $0x10000  }
0x20f: {  	s0 =	simm.s32 $0x0;
	p1 =	por $0x0, $0x0;
	v7 =	vld [tilespmem:s1+$0x0];
	s1 =	sadd.s32 $0xFFFFFFFF, s24  }
0x210: {  	_ =	sdelay $0x3  }
0x211: {  	v8 =	vshrl.u32 v7, $0xC  }
0x212: {  	v9 =	vor.u32 s0, v3;
	v8 =	vand.u32 $0xFF, v8  }
0x213: {  	vm0 =	vlt.s32 v9, v5;
	v7 =	vxor.u32 $0xFFFFFFFF, v7;
	vm1 =	veq.s32 v8, v6  }
0x214: {  	v7 =	vshrl.u32 v7, $0x4;
	vm0 =	vmand vm0, vm1  }
0x215: {  	v7 =	vand.u32 $0xFF, v7  }
0x216: {  	p0 =	seq.s32 s1, $0x1  }
.Ltmp10:
0x217: {  	_ = 	snop;
	(pc) =	sbr.rel @p0 .LBB2_23-.Ltmp10, $3  }
0x218: {  	_ =	sdelay $0x1  }
0x219: {  	s2 =	simm.s32 $0x10010;
	[tilespmem:v7+s17+$0x0] =	vst.idx.add.s32.msk vm0, v1  }
0x21a: {  	s3 =	sadd.s32 $0xFFFFFFFF, s1;
	p1 =	por $0x1, $0x1;
	s1 =	simm.s32 $0x0;
	v7 =	vld [tilespmem:s2+$0x0]  }
.LBB2_24:
0x21b: {  	p0 =	seq.s32 s3, $0x1;
	_ =	sdelay $0x3  }
0x21c: {  	s1 =	sadd.s32 $0x10, s1;
	v8 =	vshrl.u32 v7, $0xC  }
0x21d: {  	v9 =	vor.u32 s1, v3;
	v8 =	vand.u32 $0xFF, v8  }
0x21e: {  	vm0 =	vlt.s32 v9, v5;
	v7 =	vxor.u32 $0xFFFFFFFF, v7;
	vm1 =	veq.s32 v8, v6  }
0x21f: {  	v7 =	vshrl.u32 v7, $0x4;
	vm0 =	vmand vm0, vm1  }
0x220: {  	v7 =	vand.u32 $0xFF, v7;
	_ =	sdelay $0x1  }
.Ltmp11:
0x221: {  	(pc) =	sbr.rel @!p0 .LBB2_24-.Ltmp11, $3  }
0x222: {  	_ =	sdelay $0x1  }
0x223: {  	s2 =	sadd.s32 $0x10, s2;
	[tilespmem:v7+s17+$0x0] =	vst.idx.add.s32.msk vm0, v1  }
0x224: {  	s3 =	sadd.s32 $0xFFFFFFFF, s3;
	v7 =	vld [tilespmem:s2+$0x0]  }
.LBB2_25:
0x225: {  	_ =	sdelay $0x2  }
0x226: {  	s1 =	sadd.s32 @p1 $0x10, s1  }
0x227: {  	s0 =	smov.u32 @p1 s1;
	v8 =	vshrl.u32 v7, $0xC  }
0x228: {  	v9 =	vor.u32 s0, v3;
	v8 =	vand.u32 $0xFF, v8  }
0x229: {  	vm0 =	vlt.s32 v9, v5;
	v7 =	vxor.u32 $0xFFFFFFFF, v7;
	vm1 =	veq.s32 v8, v6  }
0x22a: {  	v7 =	vshrl.u32 v7, $0x4;
	vm0 =	vmand vm0, vm1  }
0x22b: {  	v7 =	vand.u32 $0xFF, v7;
	_ =	sdelay $0x4  }
0x22c: {  	[tilespmem:v7+s17+$0x0] =	vst.idx.add.s32.msk vm0, v1  }
.LBB2_19:
0x22d: {  	v7 =	vld [tilespmem:$0x18080]  }
0x22e: {  	v8 =	vld [tilespmem:$0x18090]  }
0x22f: {  	v9 =	vld [tilespmem:$0x180A0]  }
0x230: {  	v10 =	vld [tilespmem:$0x180B0];
	_ =	sdelay $0x1  }
0x231: {  	v11 =	vld [tilespmem:$0x180C0];
	(xrf0) =	vadd.scan.msk.s32 $0xffff, v7  }
0x232: {  	v7 =	vld [tilespmem:$0x180D0];
	(xrf0) =	vadd.scan.msk.s32 $0xffff, v8  }
0x233: {  	(xrf0) =	vadd.scan.msk.s32 $0xffff, v9  }
0x234: {  	v8 =	vld [tilespmem:$0x180E0];
	(xrf0) =	vadd.scan.msk.s32 $0xffff, v10;
	_ =	sdelay $0x1  }
0x235: {  	v58 =	vld [tilespmem:$0x180F0];
	(xrf0) =	vadd.scan.msk.s32 $0xffff, v11  }
0x236: {  	(xrf0) =	vadd.scan.msk.s32 $0xffff, v7;
	v7, _, _ =	vpop (xrf0)  }
0x237: {  	(v2sf) =	vpush v7, $0xF;
	v7, _, _ =	vpop (xrf0)  }
0x238: {  	(xrf0) =	vadd.scan.msk.s32 $0xffff, v8;
	v8, _, _ =	vpop (xrf0);
	(v2sf) =	vpush v7, $0xF  }
0x239: {  	v7, _, _ =	vpop (xrf0);
	(v2sf) =	vpush v8, $0xF  }
0x23a: {  	(xrf0) =	vadd.scan.msk.s32 $0xffff, v58;
	(v2sf) =	vpush v7, $0xF  }
0x23b: {  	v7, _, _ =	vpop (xrf0)  }
0x23c: {  	(v2sf) =	vpush v7, $0xF;
	v7, _, _ =	vpop (xrf0)  }
0x23d: {  	v8 =	vld [tilespmem:$0x18100];
	(v2sf) =	vpush v7, $0xF  }
0x23e: {  	v59 =	vld [tilespmem:$0x18110]  }
0x23f: {  	v60 =	vld [tilespmem:$0x18120];
	v7, _, _ =	vpop (xrf0)  }
0x240: {  	(v2sf) =	vpush v7, $0xF;
	v7, _, _ =	vpop (xrf0)  }
0x241: {  	(v2sf) =	vpush v7, $0xF  }
0x242: {  	(xrf0) =	vadd.scan.msk.s32 $0xffff, v8  }
0x243: {  	v7 =	vld [tilespmem:$0x18130];
	(xrf0) =	vadd.scan.msk.s32 $0xffff, v59  }
0x244: {  	v8 =	vld [tilespmem:$0x18140];
	(xrf0) =	vadd.scan.msk.s32 $0xffff, v60;
	_ =	sdelay $0x1  }
0x245: {  	s28 =	spop (v2sf)  }
0x246: {  	s2 =	ssub.s32 s30, s29;
	s0 =	spop (v2sf)  }
0x247: {  	s26 =	sadd.s32 s26, s2;
	(xrf0) =	vadd.scan.msk.s32 $0xffff, v7;
	v61, _, _ =	vpop (xrf0);
	s1 =	spop (v2sf)  }
0x248: {  	(xrf0) =	vadd.scan.msk.s32 $0xffff, v8;
	v8, _, _ =	vpop (xrf0);
	(v2sf) =	vpush v61, $0xF;
	p0 =	slt.s32 s28, s26;
	s0 =	sadd.s32 s0, s28;
	s3 =	spop (v2sf)  }
0x249: {  	(v2sf) =	vpush v8, $0xF;
	v8, _, _ =	vpop (xrf0);
	p1 =	sge.s32 s0, s26;
	s2 =	sadd.s32 s1, s0;
	p5 =	slt.s32 s0, s26  }
0x24a: {  	(v2sf) =	vpush v8, $0xF;
	s4 =	spop (v2sf);
	p4 =	por !p0, !p1;
	s29 =	sadd.s32 s3, s2  }
0x24b: {  	p6 =	sge.s32 s2, s26;
	p2 =	slt.s32 s2, s26;
	s5 =	spop (v2sf)  }
0x24c: {  	v7 =	vld [tilespmem:$0x18150];
	p3 =	sge.s32 s29, s26;
	p6 =	por !p5, !p6;
	s1 =	sadd.s32 s4, s29  }
0x24d: {  	p2 =	por !p2, !p3;
	p3 =	slt.s32 s29, s26;
	p5 =	sge.s32 s1, s26  }
0x24e: {  	s6 =	spop (v2sf);
	s30 =	sadd.s32 s5, s1;
	p0 =	por !p3, !p5  }
0x24f: {  	v8, _, _ =	vpop (xrf0);
	s7 =	spop (v2sf);
	s31 =	sadd.s32 s6, s30;
	s3 =	simm.s32 @!p0 $0x0  }
0x250: {  	(v2sf) =	vpush v8, $0xF;
	v8, _, _ =	vpop (xrf0);
	p1 =	sge.s32 s30, s26;
	s3 =	simm.s32 @p0 $0x1;
	p0 =	slt.s32 s1, s26  }
0x251: {  	(xrf0) =	vadd.scan.msk.s32 $0xffff, v7;
	(v2sf) =	vpush v8, $0xF;
	p3 =	slt.s32 s30, s26;
	p5 =	sge.s32 s31, s26;
	p0 =	por !p0, !p1  }
0x252: {  	v7 =	vld [tilespmem:$0x18160];
	s11 =	sadd.s32 s7, s31;
	[smem:$0x7D6] =	sst s3;
	s3 =	simm.s32 @!p0 $0x0  }
0x253: {  	s3 =	simm.s32 @p0 $0x1;
	p0 =	por !p3, !p5;
	p3 =	slt.s32 s31, s26  }
0x254: {  	p5 =	sge.s32 s11, s26;
	[smem:$0x7D7] =	sst s3;
	s3 =	simm.s32 @!p0 $0x0  }
0x255: {  	s3 =	simm.s32 @p0 $0x1;
	p0 =	por !p3, !p5  }
0x256: {  	s4 =	simm.s32 @!p0 $0x0  }
0x257: {  	(xrf0) =	vadd.scan.msk.s32 $0xffff, v7;
	v7, _, _ =	vpop (xrf0);
	[smem:$0x7D8] =	sst s3;
	s5 =	spop (v2sf);
	s4 =	simm.s32 @p0 $0x1  }
0x258: {  	(v2sf) =	vpush v7, $0xF;
	s6 =	spop (v2sf);
	s3 =	sadd.s32 s11, s5;
	p0 =	slt.s32 s11, s26  }
0x259: {  	[smem:$0x7D9] =	sst s4;
	s7 =	spop (v2sf);
	s16 =	sadd.s32 s6, s3  }
0x25a: {  	p1 =	sge.s32 s3, s26;
	p3 =	slt.s32 s3, s26;
	p5 =	sge.s32 s16, s26  }
0x25b: {  	p0 =	por !p0, !p1;
	s5 =	sadd.s32 s7, s16;
	p1 =	slt.s32 s16, s26  }
0x25c: {  	s4 =	simm.s32 @!p0 $0x0;
	p5 =	por !p3, !p5;
	p3 =	sge.s32 s5, s26  }
0x25d: {  	s4 =	simm.s32 @p0 $0x1;
	p0 =	por !p1, !p3  }
0x25e: {  	s6 =	simm.s32 @!p0 $0x0  }
0x25f: {  	s8 =	spop (v2sf);
	s6 =	simm.s32 @p0 $0x1  }
0x260: {  	s9 =	spop (v2sf);
	[smem:$0x7DB] =	sst s6;
	s6 =	sadd.s32 s8, s5  }
0x261: {  	p3 =	slt.s32 s5, s26;
	p0 =	por !p4, !p4;
	p4 =	sge.s32 s6, s26  }
0x262: {  	[smem:$0x7DA] =	sst s4;
	s7 =	sadd.s32 s9, s6;
	p1 =	por !p3, !p4  }
0x263: {  	p3 =	slt.s32 s6, s26;
	p4 =	sge.s32 s7, s26;
	s4 =	simm.s32 @!p1 $0x0  }
0x264: {  	s4 =	simm.s32 @p1 $0x1;
	p1 =	por !p3, !p4  }
0x265: {  	s8 =	simm.s32 @!p1 $0x0  }
0x266: {  	v8 =	vld [tilespmem:$0x18170];
	[smem:$0x7DC] =	sst s4;
	s8 =	simm.s32 @p1 $0x1  }
0x267: {  	p2 =	por !p2, !p2;
	s10 =	spop (v2sf);
	[smem:$0x7DE] =	sst s8  }
0x268: {  	v7, _, _ =	vpop (xrf0);
	s4 =	simm.s32 $0x10;
	s8 =	sadd.s32 s10, s7;
	s10 =	sld [smem:$0x7D6]  }
0x269: {  	(v2sf) =	vpush v7, $0xF;
	s28 =	simm.s32 @!p0 $0x0;
	s4 =	simm.s32 @!p0 $0x0;
	p0 =	por !p6, !p6  }
0x26a: {  	p3 =	slt.s32 s7, s26;
	s9 =	simm.s32 @!p0 $0x0;
	s4 =	simm.s32 @p0 $0x20  }
0x26b: {  	(xrf0) =	vadd.scan.msk.s32 $0xffff, v8;
	s9 =	simm.s32 @p0 $0x1;
	p6 =	seq.s32 s10, $0x1;
	s10 =	sld [smem:$0x7D7]  }
0x26c: {  	p4 =	sge.s32 s8, s26;
	[smem:$0x7E0] =	sst s9;
	s9 =	simm.s32 @!p2 $0x0  }
0x26d: {  	s4 =	simm.s32 @p2 $0x30;
	p0 =	por !p3, !p4;
	s9 =	simm.s32 @p2 $0x1  }
0x26e: {  	p3 =	por !p6, !p6;
	p2 =	seq.s32 s10, $0x1;
	s10 =	sld [smem:$0x7D8]  }
0x26f: {  	[smem:$0x7E1] =	sst s9;
	s9 =	simm.s32 @!p3 $0x0  }
0x270: {  	s9 =	simm.s32 @p3 $0x1  }
0x271: {  	v7, _, _ =	vpop (xrf0);
	p2 =	por !p2, !p2;
	p4 =	seq.s32 s10, $0x1;
	s10 =	sld [smem:$0x7D9]  }
0x272: {  	(v2sf) =	vpush v7, $0xF;
	[smem:$0x7E2] =	sst s9;
	s9 =	simm.s32 @!p2 $0x0  }
0x273: {  	s4 =	simm.s32 @p3 $0x40;
	s9 =	simm.s32 @p2 $0x1;
	p4 =	por !p4, !p4  }
0x274: {  	[smem:$0x7E3] =	sst s9;
	s9 =	simm.s32 @!p4 $0x0;
	p6 =	seq.s32 s10, $0x1  }
0x275: {  	s9 =	simm.s32 @p4 $0x1;
	s10 =	sld [smem:$0x7DA];
	p3 =	por !p6, !p6  }
0x276: {  	s4 =	simm.s32 @p2 $0x50;
	[smem:$0x7E4] =	sst s9;
	s9 =	simm.s32 @!p3 $0x0  }
0x277: {  	s4 =	simm.s32 @p4 $0x60;
	s9 =	simm.s32 @p3 $0x1  }
0x278: {  	p2 =	seq.s32 s10, $0x1;
	[smem:$0x7E5] =	sst s9;
	s9 =	spop (v2sf)  }
0x279: {  	s4 =	simm.s32 @p3 $0x70;
	p6 =	por !p2, !p2;
	s9 =	sadd.s32 s9, s8  }
0x27a: {  	p3 =	slt.s32 s8, s26;
	s10 =	simm.s32 @!p6 $0x0;
	p4 =	sge.s32 s9, s26  }
0x27b: {  	s10 =	simm.s32 @p6 $0x1;
	p1 =	por !p3, !p4  }
0x27c: {  	[smem:$0x7E6] =	sst s10;
	s10 =	simm.s32 @!p1 $0x0  }
0x27d: {  	p2 =	por !p5, !p5;
	s10 =	simm.s32 @p1 $0x1  }
0x27e: {  	[smem:$0x7DF] =	sst s10;
	s10 =	simm.s32 @!p2 $0x0  }
0x27f: {  	s10 =	simm.s32 @p2 $0x1  }
0x280: {  	[smem:$0x7E7] =	sst s10  }
0x281: {  	s10 =	spop (v2sf);
	[smem:$0x7DD] =	sst s0  }
0x282: {  	s0 =	sld [smem:$0x7DB];
	_ =	sdelay $0x2  }
0x283: {  	p3 =	seq.s32 s0, $0x1;
	s0 =	sld [smem:$0x7DD];
	_ =	sdelay $0x2  }
0x284: {  	[smem:$0x7DD] =	sst s0  }
0x285: {  	s0 =	sld [smem:$0x7DC];
	_ =	sdelay $0x2  }
0x286: {  	p4 =	seq.s32 s0, $0x1;
	s0 =	sld [smem:$0x7DD];
	_ =	sdelay $0x2  }
0x287: {  	[smem:$0x7DD] =	sst s0  }
0x288: {  	s0 =	sld [smem:$0x7DE];
	_ =	sdelay $0x1  }
0x289: {  	s4 =	simm.s32 @p6 $0x80  }
0x28a: {  	s10 =	sadd.s32 s10, s9;
	p6 =	seq.s32 s0, $0x1;
	s0 =	sld [smem:$0x7DD]  }
0x28b: {  	p1 =	sge.s32 s10, s26;
	s10 =	sld [smem:$0x7DF]  }
0x28c: {  	s4 =	simm.s32 @p2 $0x90;
	p2 =	por !p0, !p0  }
0x28d: {  	p5 =	por !p3, !p3;
	p3 =	por !p6, !p6;
	p6 =	slt.s32 s9, s26  }
0x28e: {  	p0 =	por !p6, !p1;
	p6 =	seq.s32 s10, $0x1;
	s10 =	sld [smem:$0x7E0]  }
0x28f: {  	_ =	sdelay $0x1  }
0x290: {  	p1 =	por !p6, !p6;
	p6 =	seq.s32 s10, $0x1;
	s10 =	sld [smem:$0x7E1]  }
0x291: {  	_ =	sdelay $0x1  }
0x292: {  	s28 =	smov.u32 @p6 s0;
	p6 =	seq.s32 s10, $0x1;
	s10 =	sld [smem:$0x7E2]  }
0x293: {  	_ =	sdelay $0x1  }
0x294: {  	s4 =	simm.s32 @p5 $0xA0;
	s28 =	smov.u32 @p6 s2;
	p6 =	seq.s32 s10, $0x1  }
0x295: {  	p4 =	por !p4, !p4;
	s28 =	smov.u32 @p6 s29;
	s29 =	sld [smem:$0x7E3]  }
0x296: {  	s4 =	simm.s32 @p4 $0xB0  }
0x297: {  	s4 =	simm.s32 @p3 $0xC0  }
0x298: {  	s4 =	simm.s32 @p2 $0xD0;
	p0 =	por !p0, !p0;
	p6 =	seq.s32 s29, $0x1  }
0x299: {  	s4 =	simm.s32 @p1 $0xE0;
	s28 =	smov.u32 @p6 s1;
	s1 =	sld [smem:$0x7E4]  }
0x29a: {  	s4 =	simm.s32 @p0 $0xF0;
	s2 =	sld [smem:$0x7E5]  }
0x29b: {  	v7 =	vld [tilespmem:s4+$0x18080];
	s10 =	sld [smem:$0x7E6]  }
0x29c: {  	s29 =	sld [smem:$0x7E7];
	p6 =	seq.s32 s1, $0x1  }
0x29d: {  	s28 =	smov.u32 @p6 s30;
	p6 =	seq.s32 s2, $0x1  }
0x29e: {  	s28 =	smov.u32 @p6 s31;
	p6 =	seq.s32 s10, $0x1  }
0x29f: {  	s28 =	smov.u32 @p6 s11;
	p6 =	seq.s32 s29, $0x1  }
0x2a0: {  	(xrf0) =	vadd.scan.msk.s32 $0xffff, v7;
	s28 =	smov.u32 @p6 s3  }
0x2a1: {  	s28 =	smov.u32 @p5 s16  }
0x2a2: {  	s28 =	smov.u32 @p4 s5  }
0x2a3: {  	s28 =	smov.u32 @p3 s6  }
0x2a4: {  	s28 =	smov.u32 @p2 s7  }
0x2a5: {  	s28 =	smov.u32 @p1 s8  }
0x2a6: {  	v8, _, _ =	vpop (xrf0);
	s28 =	smov.u32 @p0 s9  }
0x2a7: {  	v8 =	vadd.s32 s28, v8  }
0x2a8: {  	vm0 =	vlt.s32 v8, s26  }
0x2a9: {  	v62 =	vmpcnt.ones.xlane vm0;
	_ =	sdelay $0x1  }
0x2aa: {  	v63 =	vbroadcast v62, $0x0;
	_ =	sdelay $0x1  }
0x2ab: {  	v8 =	vperm.xlane v8, v63  }
0x2ac: {  	(v2sf) =	vpush v62, $0x0;
	v7 =	vperm.xlane v7, v63  }
0x2ad: {  	(v2sf) =	vpush v8, $0x0  }
0x2ae: {  	(v2sf) =	vpush v7, $0x0;
	_ =	sdelay $0x6  }
0x2af: {  	s31 =	sld [smem:$0x7F8];
	_ =	sdelay $0x2  }
0x2b0: {  	p0 =	seq.s32 s31, $0x1  }
.Ltmp12:
0x2b1: {  	_ = 	snop;
	(pc) =	sbr.rel @p0 .LBB2_30-.Ltmp12, $4  }
0x2b2: {  	_ = 	snop  }
0x2b3: {  	s30 =	spop (v2sf)  }
0x2b4: {  	s0 =	sadd.s32 s30, s4;
	s1 =	spop (v2sf)  }
0x2b5: {  	[tilespmem:$0x18080] =	vst v0;
	s0 =	ssub.s32 $0xFF, s0;
	s2 =	spop (v2sf)  }
0x2b6: {  	p1 =	sne.s32 s24, $0x1  }
.Ltmp13:
0x2b7: {  	_ = 	snop;
	(pc) =	sbr.rel @!p1 .LBB2_21-.Ltmp13, $3  }
0x2b8: {  	_ =	sdelay $0x1  }
0x2b9: {  	s4 =	simm.s32 $0x10000  }
0x2ba: {  	v7 =	vmov s0;
	s3 =	simm.s32 $0x0;
	p0 =	por $0x0, $0x0;
	v8 =	vld [tilespmem:s4+$0x0];
	s4 =	sadd.s32 $0xFFFFFFFF, s24  }
0x2bb: {  	_ =	sdelay $0x3  }
0x2bc: {  	v9 =	vshrl.u32 v8, $0xC;
	v10 =	vshrl.u32 v8, $0x4  }
0x2bd: {  	v9 =	vand.u32 $0xFF, v9;
	v10 =	vand.u32 $0xFF, v10  }
0x2be: {  	v11 =	vor.u32 s3, v3;
	vm0 =	veq.s32 v9, v6;
	vm1 =	veq.s32 v10, v7  }
0x2bf: {  	vm2 =	vlt.s32 v11, v5;
	vm0 =	vmand vm0, vm1  }
0x2c0: {  	vm0 =	vmand vm0, vm2  }
0x2c1: {  	v8 =	vandn.u32 $0xF, v8  }
0x2c2: {  	p1 =	sne.s32 s4, $0x1  }
.Ltmp14:
0x2c3: {  	_ = 	snop;
	(pc) =	sbr.rel @!p1 .LBB2_27-.Ltmp14, $3  }
0x2c4: {  	_ =	sdelay $0x1  }
0x2c5: {  	s5 =	simm.s32 $0x10010;
	[tilespmem:v8+s17+$0x0] =	vst.idx.add.s32.msk vm0, v1  }
0x2c6: {  	s6 =	sadd.s32 $0xFFFFFFFF, s4;
	p0 =	por $0x1, $0x1;
	s4 =	simm.s32 $0x0;
	v8 =	vld [tilespmem:s5+$0x0]  }
.LBB2_28:
0x2c7: {  	p1 =	sne.s32 s6, $0x1;
	_ =	sdelay $0x3  }
0x2c8: {  	v9 =	vshrl.u32 v8, $0xC;
	v10 =	vshrl.u32 v8, $0x4  }
0x2c9: {  	s4 =	sadd.s32 $0x10, s4;
	v9 =	vand.u32 $0xFF, v9;
	v10 =	vand.u32 $0xFF, v10  }
0x2ca: {  	v11 =	vor.u32 s4, v3;
	vm0 =	veq.s32 v9, v6;
	vm1 =	veq.s32 v10, v7  }
0x2cb: {  	vm2 =	vlt.s32 v11, v5;
	vm0 =	vmand vm0, vm1  }
0x2cc: {  	vm0 =	vmand vm0, vm2  }
0x2cd: {  	v8 =	vandn.u32 $0xF, v8;
	_ =	sdelay $0x1  }
.Ltmp15:
0x2ce: {  	(pc) =	sbr.rel @p1 .LBB2_28-.Ltmp15, $3  }
0x2cf: {  	_ =	sdelay $0x1  }
0x2d0: {  	s5 =	sadd.s32 $0x10, s5;
	[tilespmem:v8+s17+$0x0] =	vst.idx.add.s32.msk vm0, v1  }
0x2d1: {  	s6 =	sadd.s32 $0xFFFFFFFF, s6;
	v8 =	vld [tilespmem:s5+$0x0]  }
.LBB2_29:
0x2d2: {  	_ =	sdelay $0x3  }
0x2d3: {  	s4 =	sadd.s32 @p0 $0x10, s4;
	v9 =	vshrl.u32 v8, $0xC;
	v10 =	vshrl.u32 v8, $0x4  }
0x2d4: {  	s3 =	smov.u32 @p0 s4;
	v9 =	vand.u32 $0xFF, v9;
	v10 =	vand.u32 $0xFF, v10  }
0x2d5: {  	v11 =	vor.u32 s3, v3;
	vm0 =	veq.s32 v9, v6;
	vm1 =	veq.s32 v10, v7  }
0x2d6: {  	vm2 =	vlt.s32 v11, v5;
	vm0 =	vmand vm0, vm1  }
0x2d7: {  	vm0 =	vmand vm0, vm2  }
0x2d8: {  	v5 =	vandn.u32 $0xF, v8;
	_ =	sdelay $0x4  }
0x2d9: {  	[tilespmem:v5+s17+$0x0] =	vst.idx.add.s32.msk vm0, v1  }
.LBB2_30:
0x2da: {  	v5 =	vld [tilespmem:$0x18080];
	_ =	sdelay $0x4  }
0x2db: {  	(xrf0) =	vadd.scan.msk.s32 $0xffff, v5;
	_ =	sdelay $0x4  }
0x2dc: {  	s1 =	ssub.s32 s26, s1  }
0x2dd: {  	s1 =	sadd.s32 s2, s1;
	v5, _, _ =	vpop (xrf0)  }
0x2de: {  	vm0 =	vlt.s32 v5, s1  }
0x2df: {  	v5 =	vmpcnt.ones.xlane vm0;
	_ =	sdelay $0x1  }
0x2e0: {  	(v2sf) =	vpush v5, $0x0;
	_ =	sdelay $0xb  }
0x2e1: {  	s24 =	simm.s32 $0x0  }
0x2e2: {  	v6 =	vld [tilespmem:s24+$0x0]  }
0x2e3: {  	s29 =	sshll.u32 s23, $0x14;
	s30 =	sshll.u32 s25, $0xC;
	v7 =	vld [tilespmem:s24+$0x10]  }
0x2e4: {  	s0 =	sshll.u32 s0, $0x4;
	v8 =	vld [tilespmem:s24+$0x20];
	s1 =	sor.u32 s29, s30;
	s3 =	spop (v2sf)  }
0x2e5: {  	v9 =	vld [tilespmem:s24+$0x30];
	s0 =	sor.u32 s0, s1;
	s31 =	ssub.s32 $0xF, s3  }
0x2e6: {  	v10 =	vld [tilespmem:s24+$0x40];
	s0 =	sor.u32 s31, s0  }
0x2e7: {  	v12 =	vld [tilespmem:s24+$0x50];
	v11 =	vand.u32 $0x7FFFFFFF, v6;
	v5 =	vmov s0  }
0x2e8: {  	v13 =	vand.u32 $0x7FFFFFFF, v7;
	vm0 =	vgt.s32 v5, v11  }
0x2e9: {  	v11 =	vld [tilespmem:s24+$0x60];
	vm1 =	vgt.s32 v5, v13;
	v13 =	vand.u32 $0x7FFFFFFF, v8;
	v6 =	vsel vm0, $0x0, v6  }
0x2ea: {  	v14 =	vld [tilespmem:s24+$0x70];
	v7 =	vsel vm1, $0x0, v7;
	vm2 =	vgt.s32 v5, v13;
	v13 =	vand.u32 $0x7FFFFFFF, v9;
	[tilespmem:s24+$0x0] =	vst v6  }
0x2eb: {  	v6 =	vld [tilespmem:s24+$0x80];
	[tilespmem:s24+$0x10] =	vst v7;
	v8 =	vsel vm2, $0x0, v8;
	vm3 =	vgt.s32 v5, v13;
	v13 =	vand.u32 $0x7FFFFFFF, v10  }
0x2ec: {  	v7 =	vld [tilespmem:s24+$0x90];
	[tilespmem:s24+$0x20] =	vst v8;
	v9 =	vsel vm3, $0x0, v9;
	vm4 =	vgt.s32 v5, v13;
	v13 =	vand.u32 $0x7FFFFFFF, v12  }
0x2ed: {  	v8 =	vld [tilespmem:s24+$0xA0];
	[tilespmem:s24+$0x30] =	vst v9;
	v10 =	vsel vm4, $0x0, v10;
	vm5 =	vgt.s32 v5, v13  }
0x2ee: {  	v9 =	vld [tilespmem:s24+$0xB0];
	[tilespmem:s24+$0x40] =	vst v10;
	v13 =	vand.u32 $0x7FFFFFFF, v11;
	v12 =	vsel vm5, $0x0, v12  }
0x2ef: {  	v10 =	vld [tilespmem:s24+$0xC0];
	vm6 =	vgt.s32 v5, v13;
	[tilespmem:s24+$0x50] =	vst v12;
	v12 =	vand.u32 $0x7FFFFFFF, v14  }
0x2f0: {  	v13 =	vsel vm6, $0x0, v11;
	v11 =	vld [tilespmem:s24+$0xD0];
	vm7 =	vgt.s32 v5, v12;
	v12 =	vand.u32 $0x7FFFFFFF, v6  }
0x2f1: {  	s23 =	simm.s32 $0x400;
	[tilespmem:s24+$0x60] =	vst v13;
	v13 =	vsel vm7, $0x0, v14;
	vm8 =	vgt.s32 v5, v12;
	v14 =	vand.u32 $0x7FFFFFFF, v7;
	v12 =	vld [tilespmem:s24+$0xE0]  }
.LBB2_31:
0x2f2: {  	p0 =	sne.s32 s23, $0x1FC00;
	[tilespmem:s24+$0x70] =	vst v13;
	v6 =	vsel vm8, $0x0, v6;
	vm9 =	vgt.s32 v5, v14;
	v13 =	vand.u32 $0x7FFFFFFF, v8;
	v14 =	vld [tilespmem:s24+$0xF0]  }
0x2f3: {  	[tilespmem:s24+$0x80] =	vst v6;
	v6 =	vsel vm9, $0x0, v7;
	vm10 =	vgt.s32 v5, v13;
	v7 =	vand.u32 $0x7FFFFFFF, v9  }
0x2f4: {  	[tilespmem:s24+$0x90] =	vst v6;
	v6 =	vsel vm10, $0x0, v8;
	vm11 =	vgt.s32 v5, v7;
	v7 =	vand.u32 $0x7FFFFFFF, v10  }
0x2f5: {  	[tilespmem:s24+$0xA0] =	vst v6;
	v6 =	vsel vm11, $0x0, v9;
	vm12 =	vgt.s32 v5, v7;
	v7 =	vand.u32 $0x7FFFFFFF, v11  }
0x2f6: {  	[tilespmem:s24+$0xB0] =	vst v6;
	v6 =	vsel vm12, $0x0, v10;
	vm13 =	vgt.s32 v5, v7;
	v7 =	vand.u32 $0x7FFFFFFF, v12  }
0x2f7: {  	[tilespmem:s24+$0xC0] =	vst v6;
	v6 =	vsel vm13, $0x0, v11;
	vm14 =	vgt.s32 v5, v7;
	v7 =	vand.u32 $0x7FFFFFFF, v14  }
0x2f8: {  	v8 =	vsel vm0, $0x0, v2;
	[tilespmem:s24+$0xD0] =	vst v6;
	v6 =	vsel vm14, $0x0, v12;
	vm0 =	vgt.s32 v5, v7  }
0x2f9: {  	v9 =	vsel vm2, $0x0, v2;
	v7 =	vsel vm1, $0x0, v2;
	[tilespmem:s24+$0xE0] =	vst v6;
	v6 =	vsel vm0, $0x0, v14  }
0x2fa: {  	v10 =	vsel vm3, $0x0, v2;
	v11 =	vsel vm4, $0x0, v2;
	v12 =	vsel vm5, $0x0, v2;
	[tilespmem:s24+$0xF0] =	vst v6  }
0x2fb: {  	v13 =	vsel vm8, $0x0, v2;
	v6 =	vsel vm6, $0x0, v2;
	[tilespmem:s24+$0x10000] =	vst v8;
	v8 =	vsel vm7, $0x0, v2  }
0x2fc: {  	v15 =	vsel vm11, $0x0, v2;
	v14 =	vsel vm10, $0x0, v2;
	[tilespmem:s24+$0x10010] =	vst v7;
	v7 =	vsel vm9, $0x0, v2  }
0x2fd: {  	v16 =	vsel vm13, $0x0, v2;
	v17 =	vsel vm14, $0x0, v2;
	[tilespmem:s24+$0x10020] =	vst v9;
	v9 =	vsel vm12, $0x0, v2  }
0x2fe: {  	[tilespmem:s24+$0x10030] =	vst v10;
	v10 =	vsel vm0, $0x0, v2  }
0x2ff: {  	[tilespmem:s24+$0x10040] =	vst v11  }
0x300: {  	[tilespmem:s24+$0x10050] =	vst v12  }
0x301: {  	[tilespmem:s24+$0x10060] =	vst v6  }
0x302: {  	s0 =	sshra.s32 s23, $0x2;
	[tilespmem:s24+$0x10070] =	vst v8  }
0x303: {  	v6 =	vld [tilespmem:s0+$0x0];
	[tilespmem:s24+$0x10080] =	vst v13  }
0x304: {  	v8 =	vld [tilespmem:s0+$0x10];
	[tilespmem:s24+$0x10090] =	vst v7  }
0x305: {  	v7 =	vld [tilespmem:s0+$0x20];
	[tilespmem:s24+$0x100A0] =	vst v14  }
0x306: {  	v11 =	vld [tilespmem:s0+$0x30];
	[tilespmem:s24+$0x100B0] =	vst v15  }
0x307: {  	v12 =	vld [tilespmem:s0+$0x40];
	[tilespmem:s24+$0x100C0] =	vst v9  }
0x308: {  	v9 =	vand.u32 $0x7FFFFFFF, v6;
	v13 =	vld [tilespmem:s0+$0x50];
	[tilespmem:s24+$0x100D0] =	vst v16  }
0x309: {  	vm0 =	vgt.s32 v5, v9;
	v9 =	vand.u32 $0x7FFFFFFF, v8;
	v14 =	vld [tilespmem:s0+$0x60];
	[tilespmem:s24+$0x100E0] =	vst v17  }
0x30a: {  	v6 =	vsel vm0, $0x0, v6;
	vm1 =	vgt.s32 v5, v9;
	v9 =	vand.u32 $0x7FFFFFFF, v7;
	v15 =	vld [tilespmem:s0+$0x70];
	[tilespmem:s24+$0x100F0] =	vst v10;
	s24 =	smov.u32 s0  }
0x30b: {  	[tilespmem:s24+$0x0] =	vst v6;
	v8 =	vsel vm1, $0x0, v8;
	vm2 =	vgt.s32 v5, v9;
	v9 =	vand.u32 $0x7FFFFFFF, v11;
	v6 =	vld [tilespmem:s24+$0x80]  }
0x30c: {  	[tilespmem:s24+$0x10] =	vst v8;
	v8 =	vsel vm2, $0x0, v7;
	vm3 =	vgt.s32 v5, v9;
	v9 =	vand.u32 $0x7FFFFFFF, v12;
	v7 =	vld [tilespmem:s24+$0x90]  }
.Ltmp16:
0x30d: {  	[tilespmem:s24+$0x20] =	vst v8;
	v10 =	vsel vm3, $0x0, v11;
	vm4 =	vgt.s32 v5, v9;
	v9 =	vand.u32 $0x7FFFFFFF, v13;
	v8 =	vld [tilespmem:s24+$0xA0];
	(pc) =	sbr.rel @p0 .LBB2_31-.Ltmp16, $4  }
0x30e: {  	[tilespmem:s24+$0x30] =	vst v10;
	v10 =	vsel vm4, $0x0, v12;
	vm5 =	vgt.s32 v5, v9;
	v11 =	vand.u32 $0x7FFFFFFF, v14;
	v9 =	vld [tilespmem:s24+$0xB0]  }
0x30f: {  	[tilespmem:s24+$0x40] =	vst v10;
	v12 =	vsel vm5, $0x0, v13;
	vm6 =	vgt.s32 v5, v11;
	v11 =	vand.u32 $0x7FFFFFFF, v15;
	v10 =	vld [tilespmem:s24+$0xC0]  }
0x310: {  	[tilespmem:s24+$0x50] =	vst v12;
	v12 =	vsel vm6, $0x0, v14;
	vm7 =	vgt.s32 v5, v11;
	v14 =	vand.u32 $0x7FFFFFFF, v6;
	v11 =	vld [tilespmem:s24+$0xD0]  }
0x311: {  	s23 =	sadd.s32 $0x400, s23;
	[tilespmem:s24+$0x60] =	vst v12;
	v13 =	vsel vm7, $0x0, v15;
	vm8 =	vgt.s32 v5, v14;
	v14 =	vand.u32 $0x7FFFFFFF, v7;
	v12 =	vld [tilespmem:s24+$0xE0]  }
0x312: {  	[tilespmem:s24+$0x70] =	vst v13;
	v6 =	vsel vm8, $0x0, v6;
	vm9 =	vgt.s32 v5, v14;
	v62 =	vand.u32 $0x7FFFFFFF, v8;
	v63 =	vld [tilespmem:s24+$0xF0]  }
0x313: {  	[tilespmem:s24+$0x80] =	vst v6;
	v6 =	vsel vm9, $0x0, v7;
	vm10 =	vgt.s32 v5, v62;
	v7 =	vand.u32 $0x7FFFFFFF, v9  }
0x314: {  	[tilespmem:s24+$0x90] =	vst v6;
	v6 =	vsel vm10, $0x0, v8;
	vm11 =	vgt.s32 v5, v7;
	v7 =	vand.u32 $0x7FFFFFFF, v10  }
0x315: {  	[tilespmem:s24+$0xA0] =	vst v6;
	v6 =	vsel vm11, $0x0, v9;
	vm12 =	vgt.s32 v5, v7;
	v7 =	vand.u32 $0x7FFFFFFF, v11  }
0x316: {  	[tilespmem:s24+$0xB0] =	vst v6;
	v6 =	vsel vm12, $0x0, v10;
	vm13 =	vgt.s32 v5, v7;
	v7 =	vand.u32 $0x7FFFFFFF, v12  }
0x317: {  	[tilespmem:s24+$0xC0] =	vst v6;
	v6 =	vsel vm13, $0x0, v11;
	vm14 =	vgt.s32 v5, v7;
	v7 =	vand.u32 $0x7FFFFFFF, v63  }
0x318: {  	[tilespmem:s24+$0xD0] =	vst v6;
	v6 =	vsel vm14, $0x0, v12;
	vm15 =	vgt.s32 v5, v7  }
0x319: {  	[tilespmem:s24+$0xE0] =	vst v6;
	v5 =	vsel vm15, $0x0, v63  }
0x31a: {  	v6 =	vsel vm0, $0x0, v2;
	[tilespmem:s24+$0xF0] =	vst v5  }
0x31b: {  	v5 =	vsel vm1, $0x0, v2;
	[tilespmem:s24+$0x10000] =	vst v6  }
0x31c: {  	v6 =	vsel vm2, $0x0, v2;
	[tilespmem:s24+$0x10010] =	vst v5  }
0x31d: {  	v5 =	vsel vm3, $0x0, v2;
	[tilespmem:s24+$0x10020] =	vst v6  }
0x31e: {  	v6 =	vsel vm4, $0x0, v2;
	[tilespmem:s24+$0x10030] =	vst v5  }
0x31f: {  	v5 =	vsel vm5, $0x0, v2;
	[tilespmem:s24+$0x10040] =	vst v6  }
0x320: {  	v6 =	vsel vm6, $0x0, v2;
	[tilespmem:s24+$0x10050] =	vst v5  }
0x321: {  	v5 =	vsel vm7, $0x0, v2;
	[tilespmem:s24+$0x10060] =	vst v6  }
0x322: {  	v6 =	vsel vm8, $0x0, v2;
	[tilespmem:s24+$0x10070] =	vst v5  }
0x323: {  	v5 =	vsel vm9, $0x0, v2;
	[tilespmem:s24+$0x10080] =	vst v6  }
0x324: {  	v6 =	vsel vm10, $0x0, v2;
	[tilespmem:s24+$0x10090] =	vst v5  }
0x325: {  	v5 =	vsel vm11, $0x0, v2;
	[tilespmem:s24+$0x100A0] =	vst v6  }
0x326: {  	v6 =	vsel vm12, $0x0, v2;
	[tilespmem:s24+$0x100B0] =	vst v5  }
0x327: {  	v5 =	vsel vm13, $0x0, v2;
	[tilespmem:s24+$0x100C0] =	vst v6  }
0x328: {  	v6 =	vsel vm14, $0x0, v2;
	[tilespmem:s24+$0x100D0] =	vst v5  }
0x329: {  	v5 =	vsel vm15, $0x0, v2;
	[tilespmem:s24+$0x100E0] =	vst v6  }
0x32a: {  	s0 =	simm.s32 $0x0;
	s1 =	rddreg [dreg:$0x7];
	[tilespmem:s24+$0x100F0] =	vst v5  }
0x32b: {  	[hbm4b:s1+s13] =	stream.strided.scatter [tilespmem:s0], [sflag:$0x2], $0x8000, s14, s13, $0x38;
	[tilespmem:$0x18900] =	vst v63  }
0x32c: {  	s31 =	rddreg [dreg:$0x8]  }
0x32d: {  	[hbm4b:s31+s13] =	stream.strided.scatter [tilespmem:s18], [sflag:$0x3], $0x8000, s14, s13, $0x38;
	[tilespmem:$0x18900] =	vst v63  }
0x32e: {  	_ =	swait.ge [sflag:s15], $0x8000  }
0x32f: {  	[sflag:s15] =	ssyncset.done $0x0  }
0x330: {  	s2 =	simm.s32 $0x0;
	s1 =	simm.s32 $0x40;
	[sflag:s15] =	ssyncadd.s32 $0xFFFF8000  }
.LBB2_33:
0x331: {  	p0 =	sne.s32 s1, $0x1FC0;
	[tilespmem:s2+$0x18080] =	vst v0;
	s2 =	smov.u32 s1;
	s1 =	sadd.s32 $0x40, s1  }
.Ltmp17:
0x332: {  	(pc) =	sbr.rel @p0 .LBB2_33-.Ltmp17, $2  }
0x333: {  	_ =	sdelay $0x2  }
0x334: {  	s2 =	sshra.s32 s2, $0x2  }
0x335: {  	[tilespmem:s2+$0x18080] =	vst v0  }
.LBB2_35:
0x336: {  	s1 =	sshra.s32 s0, $0x2  }
0x337: {  	v5 =	vld [tilespmem:s1+$0x8000];
	_ =	sdelay $0x4  }
0x338: {  	v5 =	vxor.u32 $0xFFFFFFFF, v5  }
0x339: {  	v5 =	vshrl.u32 v5, $0x14  }
0x33a: {  	v5 =	vand.u32 $0x7FF, v5;
	_ =	sdelay $0x4  }
0x33b: {  	[tilespmem:v5+s17+$0x0] =	vst.idx.add.s32.msk $0xffff, v1  }
0x33c: {  	v5 =	vld [tilespmem:s1+$0x8010];
	_ =	sdelay $0x4  }
0x33d: {  	v5 =	vxor.u32 $0xFFFFFFFF, v5  }
0x33e: {  	v5 =	vshrl.u32 v5, $0x14  }
0x33f: {  	v5 =	vand.u32 $0x7FF, v5;
	_ =	sdelay $0x4  }
0x340: {  	[tilespmem:v5+s17+$0x0] =	vst.idx.add.s32.msk $0xffff, v1  }
0x341: {  	v5 =	vld [tilespmem:s1+$0x8020];
	_ =	sdelay $0x4  }
0x342: {  	v5 =	vxor.u32 $0xFFFFFFFF, v5  }
0x343: {  	v5 =	vshrl.u32 v5, $0x14  }
0x344: {  	v5 =	vand.u32 $0x7FF, v5;
	_ =	sdelay $0x4  }
0x345: {  	[tilespmem:v5+s17+$0x0] =	vst.idx.add.s32.msk $0xffff, v1  }
0x346: {  	v5 =	vld [tilespmem:s1+$0x8030];
	_ =	sdelay $0x4  }
0x347: {  	v5 =	vxor.u32 $0xFFFFFFFF, v5  }
0x348: {  	v5 =	vshrl.u32 v5, $0x14  }
0x349: {  	v5 =	vand.u32 $0x7FF, v5;
	_ =	sdelay $0x4  }
0x34a: {  	[tilespmem:v5+s17+$0x0] =	vst.idx.add.s32.msk $0xffff, v1  }
0x34b: {  	v5 =	vld [tilespmem:s1+$0x8040];
	_ =	sdelay $0x4  }
0x34c: {  	v5 =	vxor.u32 $0xFFFFFFFF, v5  }
0x34d: {  	v5 =	vshrl.u32 v5, $0x14  }
0x34e: {  	v5 =	vand.u32 $0x7FF, v5;
	_ =	sdelay $0x4  }
0x34f: {  	[tilespmem:v5+s17+$0x0] =	vst.idx.add.s32.msk $0xffff, v1  }
0x350: {  	v5 =	vld [tilespmem:s1+$0x8050];
	_ =	sdelay $0x4  }
0x351: {  	v5 =	vxor.u32 $0xFFFFFFFF, v5  }
0x352: {  	v5 =	vshrl.u32 v5, $0x14  }
0x353: {  	v5 =	vand.u32 $0x7FF, v5;
	_ =	sdelay $0x4  }
0x354: {  	[tilespmem:v5+s17+$0x0] =	vst.idx.add.s32.msk $0xffff, v1  }
0x355: {  	v5 =	vld [tilespmem:s1+$0x8060];
	_ =	sdelay $0x4  }
0x356: {  	v5 =	vxor.u32 $0xFFFFFFFF, v5  }
0x357: {  	v5 =	vshrl.u32 v5, $0x14  }
0x358: {  	v5 =	vand.u32 $0x7FF, v5;
	_ =	sdelay $0x4  }
0x359: {  	[tilespmem:v5+s17+$0x0] =	vst.idx.add.s32.msk $0xffff, v1  }
0x35a: {  	v5 =	vld [tilespmem:s1+$0x8070];
	_ =	sdelay $0x4  }
0x35b: {  	v5 =	vxor.u32 $0xFFFFFFFF, v5  }
0x35c: {  	v5 =	vshrl.u32 v5, $0x14  }
0x35d: {  	v5 =	vand.u32 $0x7FF, v5;
	_ =	sdelay $0x4  }
0x35e: {  	[tilespmem:v5+s17+$0x0] =	vst.idx.add.s32.msk $0xffff, v1  }
0x35f: {  	v5 =	vld [tilespmem:s1+$0x8080];
	_ =	sdelay $0x4  }
0x360: {  	v5 =	vxor.u32 $0xFFFFFFFF, v5  }
0x361: {  	v5 =	vshrl.u32 v5, $0x14  }
0x362: {  	v5 =	vand.u32 $0x7FF, v5;
	_ =	sdelay $0x4  }
0x363: {  	[tilespmem:v5+s17+$0x0] =	vst.idx.add.s32.msk $0xffff, v1  }
0x364: {  	v5 =	vld [tilespmem:s1+$0x8090];
	_ =	sdelay $0x4  }
0x365: {  	v5 =	vxor.u32 $0xFFFFFFFF, v5  }
0x366: {  	v5 =	vshrl.u32 v5, $0x14  }
0x367: {  	v5 =	vand.u32 $0x7FF, v5;
	_ =	sdelay $0x4  }
0x368: {  	[tilespmem:v5+s17+$0x0] =	vst.idx.add.s32.msk $0xffff, v1  }
0x369: {  	v5 =	vld [tilespmem:s1+$0x80A0];
	_ =	sdelay $0x4  }
0x36a: {  	v5 =	vxor.u32 $0xFFFFFFFF, v5  }
0x36b: {  	v5 =	vshrl.u32 v5, $0x14  }
0x36c: {  	v5 =	vand.u32 $0x7FF, v5;
	_ =	sdelay $0x4  }
0x36d: {  	[tilespmem:v5+s17+$0x0] =	vst.idx.add.s32.msk $0xffff, v1  }
0x36e: {  	v5 =	vld [tilespmem:s1+$0x80B0];
	_ =	sdelay $0x4  }
0x36f: {  	v5 =	vxor.u32 $0xFFFFFFFF, v5  }
0x370: {  	v5 =	vshrl.u32 v5, $0x14  }
0x371: {  	v5 =	vand.u32 $0x7FF, v5;
	_ =	sdelay $0x4  }
0x372: {  	[tilespmem:v5+s17+$0x0] =	vst.idx.add.s32.msk $0xffff, v1  }
0x373: {  	v5 =	vld [tilespmem:s1+$0x80C0];
	_ =	sdelay $0x4  }
0x374: {  	v5 =	vxor.u32 $0xFFFFFFFF, v5  }
0x375: {  	v5 =	vshrl.u32 v5, $0x14  }
0x376: {  	v5 =	vand.u32 $0x7FF, v5;
	_ =	sdelay $0x4  }
0x377: {  	[tilespmem:v5+s17+$0x0] =	vst.idx.add.s32.msk $0xffff, v1  }
0x378: {  	v5 =	vld [tilespmem:s1+$0x80D0];
	_ =	sdelay $0x4  }
0x379: {  	v5 =	vxor.u32 $0xFFFFFFFF, v5  }
0x37a: {  	v5 =	vshrl.u32 v5, $0x14  }
0x37b: {  	v5 =	vand.u32 $0x7FF, v5;
	_ =	sdelay $0x4  }
0x37c: {  	[tilespmem:v5+s17+$0x0] =	vst.idx.add.s32.msk $0xffff, v1  }
0x37d: {  	v5 =	vld [tilespmem:s1+$0x80E0];
	_ =	sdelay $0x4  }
0x37e: {  	v5 =	vxor.u32 $0xFFFFFFFF, v5  }
0x37f: {  	v5 =	vshrl.u32 v5, $0x14  }
0x380: {  	v5 =	vand.u32 $0x7FF, v5;
	_ =	sdelay $0x4  }
0x381: {  	[tilespmem:v5+s17+$0x0] =	vst.idx.add.s32.msk $0xffff, v1  }
0x382: {  	v5 =	vld [tilespmem:s1+$0x80F0];
	_ =	sdelay $0x4  }
0x383: {  	v5 =	vxor.u32 $0xFFFFFFFF, v5  }
0x384: {  	v5 =	vshrl.u32 v5, $0x14  }
0x385: {  	p0 =	sne.s32 s0, $0x1FC00;
	v5 =	vand.u32 $0x7FF, v5  }
.Ltmp18:
0x386: {  	_ = 	snop;
	(pc) =	sbr.rel @p0 .LBB2_35-.Ltmp18, $2  }
0x387: {  	_ =	sdelay $0x2  }
0x388: {  	s0 =	sadd.s32 $0x400, s0;
	[tilespmem:v5+s17+$0x0] =	vst.idx.add.s32.msk $0xffff, v1  }
0x389: {  	s0 =	simm.s32 $0x180C0  }
0x38a: {  	v5 =	vld [tilespmem:s0+$0xFFFFFFC0];
	_ =	sdelay $0x1  }
0x38b: {  	v6 =	vld [tilespmem:s0+$0xFFFFFFD0]  }
0x38c: {  	v7 =	vld [tilespmem:s0+$0xFFFFFFE0]  }
0x38d: {  	v8 =	vld [tilespmem:s0+$0xFFFFFFF0]  }
0x38e: {  	v9 =	vld [tilespmem:s0+$0x0];
	(xrf0) =	vadd.scan.msk.s32 $0xffff, v5  }
0x38f: {  	v5 =	vld [tilespmem:s0+$0x10]  }
0x390: {  	(xrf0) =	vadd.scan.msk.s32 $0xffff, v6  }
0x391: {  	v6 =	vld [tilespmem:s0+$0x20];
	(xrf0) =	vadd.scan.msk.s32 $0xffff, v7  }
0x392: {  	(xrf0) =	vadd.scan.msk.s32 $0xffff, v8  }
0x393: {  	(xrf0) =	vadd.scan.msk.s32 $0xffff, v9  }
0x394: {  	(xrf0) =	vadd.scan.msk.s32 $0xffff, v5;
	v5, _, _ =	vpop (xrf0)  }
0x395: {  	(v2sf) =	vpush v5, $0xF  }
0x396: {  	(xrf0) =	vadd.scan.msk.s32 $0xffff, v6;
	v6, _, _ =	vpop (xrf0)  }
0x397: {  	v5, _, _ =	vpop (xrf0);
	(v2sf) =	vpush v6, $0xF  }
0x398: {  	v6 =	vld [tilespmem:s0+$0x30];
	(v2sf) =	vpush v5, $0xF;
	_ =	sdelay $0x1  }
0x399: {  	v5, _, _ =	vpop (xrf0)  }
0x39a: {  	(v2sf) =	vpush v5, $0xF;
	v5, _, _ =	vpop (xrf0)  }
0x39b: {  	(v2sf) =	vpush v5, $0xF;
	v5, _, _ =	vpop (xrf0)  }
0x39c: {  	(v2sf) =	vpush v5, $0xF;
	v5, _, _ =	vpop (xrf0);
	(xrf0) =	vadd.scan.msk.s32 $0xffff, v6;
	_ =	sdelay $0x1  }
0x39d: {  	s24 =	simm.s32 $0x0;
	s25 =	simm.s32 $0x7;
	s29 =	simm.s32 $0xF  }
0x39e: {  	s28 =	simm.s32 $0x18140;
	s26 =	simm.s32 $0x0;
	s23 =	simm.s32 $0x0;
	(v2sf) =	vpush v5, $0xF  }
.LBB2_37:
0x39f: {  	s2 =	sadd.s32 $0xFFFFFFFE, s25;
	s0 =	sadd.s32 $0xFFFFFFFF, s25  }
0x3a0: {  	v5 =	vld [tilespmem:s28+$0xFFFFFFC0];
	s30 =	smov.u32 s25;
	s25 =	smov.u32 s29;
	s31 =	sadd.s32 $0x8, s29  }
0x3a1: {  	v6 =	vld [tilespmem:s28+$0xFFFFFFD0];
	s3 =	sadd.s32 $0xFFFFFFFB, s30;
	s11 =	sadd.s32 $0xFFFFFFFC, s30;
	s1 =	sadd.s32 $0xFFFFFFFD, s30;
	v7, _, _ =	vpop (xrf0)  }
0x3a2: {  	s4 =	spop (v2sf)  }
0x3a3: {  	s5 =	sadd.s32 $0xFFFFFFF9, s30;
	s7 =	sadd.s32 $0xFFFFFFFA, s30;
	v8 =	vld [tilespmem:s28+$0xFFFFFFE0];
	(v2sf) =	vpush v7, $0xF;
	s16 =	sadd.s32 s26, s4  }
0x3a4: {  	p0 =	slt.s32 s26, s22;
	s4 =	spop (v2sf);
	p1 =	sge.s32 s16, s22  }
0x3a5: {  	s6 =	sadd.s32 s4, s16;
	s4 =	spop (v2sf);
	p1 =	por !p0, !p1  }
0x3a6: {  	v7 =	vld [tilespmem:s28+$0xFFFFFFF0];
	(xrf0) =	vadd.scan.msk.s32 $0xffff, v5;
	p2 =	sge.s32 s6, s22;
	p0 =	slt.s32 s6, s22;
	s4 =	sadd.s32 s4, s6  }
0x3a7: {  	(xrf0) =	vadd.scan.msk.s32 $0xffff, v6;
	p3 =	por !p1, !p1;
	p1 =	slt.s32 s16, s22;
	p4 =	slt.s32 s4, s22  }
0x3a8: {  	v5 =	vld [tilespmem:s28+$0x0];
	(xrf0) =	vadd.scan.msk.s32 $0xffff, v8;
	p1 =	por !p1, !p2;
	s8 =	spop (v2sf);
	s24 =	smov.u32 @p3 s5  }
0x3a9: {  	p2 =	sge.s32 s4, s22;
	s23 =	smov.u32 @p3 s26;
	s5 =	sadd.s32 s8, s4  }
0x3aa: {  	p1 =	por !p1, !p1;
	p0 =	por !p0, !p2;
	v6 =	vld [tilespmem:s28+$0x10];
	s8 =	spop (v2sf)  }
0x3ab: {  	p2 =	por !p0, !p0;
	p0 =	slt.s32 s5, s22;
	(xrf0) =	vadd.scan.msk.s32 $0xffff, v7;
	s8 =	sadd.s32 s8, s5  }
0x3ac: {  	s24 =	smov.u32 @p1 s7;
	p5 =	sge.s32 s5, s22;
	v7, _, _ =	vpop (xrf0);
	s7 =	spop (v2sf)  }
0x3ad: {  	s23 =	smov.u32 @p1 s16;
	p3 =	por !p4, !p5;
	v8 =	vld [tilespmem:s28+$0x20];
	(v2sf) =	vpush v7, $0xF;
	v7, _, _ =	vpop (xrf0);
	(xrf0) =	vadd.scan.msk.s32 $0xffff, v5;
	s7 =	sadd.s32 s7, s8  }
0x3ae: {  	p3 =	por !p3, !p3;
	p4 =	sge.s32 s8, s22;
	(v2sf) =	vpush v7, $0xF;
	v5, _, _ =	vpop (xrf0);
	p5 =	slt.s32 s7, s22  }
0x3af: {  	s24 =	smov.u32 @p2 s3;
	s23 =	smov.u32 @p2 s6;
	s3 =	spop (v2sf)  }
0x3b0: {  	p6 =	slt.s32 s8, s22;
	s24 =	smov.u32 @p3 s11;
	(v2sf) =	vpush v5, $0xF;
	(xrf0) =	vadd.scan.msk.s32 $0xffff, v6;
	s3 =	sadd.s32 s3, s7  }
0x3b1: {  	p4 =	por !p0, !p4;
	p1 =	sge.s32 s7, s22;
	v5 =	vld [tilespmem:s28+$0x30];
	p2 =	sge.s32 s3, s22  }
0x3b2: {  	s23 =	smov.u32 @p3 s4;
	p1 =	por !p6, !p1;
	v6, _, _ =	vpop (xrf0);
	p2 =	por !p5, !p2  }
0x3b3: {  	s6 =	spop (v2sf);
	p0 =	por !p2, !p2;
	p2 =	por !p4, !p4  }
0x3b4: {  	p1 =	por !p1, !p1;
	s26 =	sadd.s32 s6, s3;
	s24 =	smov.u32 @p2 s1  }
0x3b5: {  	(v2sf) =	vpush v6, $0xF;
	(xrf0) =	vadd.scan.msk.s32 $0xffff, v8;
	s23 =	smov.u32 @p2 s5;
	p2 =	slt.s32 s3, s22;
	s24 =	smov.u32 @p1 s2  }
0x3b6: {  	v6, _, _ =	vpop (xrf0);
	s23 =	smov.u32 @p1 s8;
	p1 =	sge.s32 s26, s22;
	s24 =	smov.u32 @p0 s0  }
0x3b7: {  	(v2sf) =	vpush v6, $0xF;
	s23 =	smov.u32 @p0 s7;
	p0 =	por !p2, !p1;
	p1 =	sne.s32 s29, $0x7F  }
.Ltmp19:
0x3b8: {  	v6, _, _ =	vpop (xrf0);
	(xrf0) =	vadd.scan.msk.s32 $0xffff, v5;
	(pc) =	sbr.rel @p1 .LBB2_37-.Ltmp19, $3  }
0x3b9: {  	(v2sf) =	vpush v6, $0xF;
	_ =	sdelay $0x1  }
0x3ba: {  	s28 =	sadd.s32 $0x80, s28;
	p0 =	por !p0, !p0;
	v5, _, _ =	vpop (xrf0)  }
0x3bb: {  	s29 =	smov.u32 s31;
	s24 =	smov.u32 @p0 s30;
	s23 =	smov.u32 @p0 s3;
	(v2sf) =	vpush v5, $0xF  }
0x3bc: {  	_ =	sdelay $0x2  }
0x3bd: {  	v5, _, _ =	vpop (xrf0)  }
0x3be: {  	(v2sf) =	vpush v5, $0xF;
	_ =	sdelay $0x1  }
0x3bf: {  	s0 =	spop (v2sf)  }
0x3c0: {  	p0 =	slt.s32 s26, s22;
	s0 =	sadd.s32 s26, s0;
	s1 =	spop (v2sf)  }
0x3c1: {  	p1 =	sge.s32 s0, s22;
	s1 =	sadd.s32 s1, s0;
	s2 =	spop (v2sf)  }
0x3c2: {  	p3 =	slt.s32 s0, s22;
	p0 =	por !p0, !p1;
	p5 =	sge.s32 s1, s22  }
0x3c3: {  	p2 =	slt.s32 s1, s22;
	s2 =	sadd.s32 s2, s1;
	s3 =	simm.s32 @!p0 $0x0  }
0x3c4: {  	p1 =	por !p3, !p5;
	s3 =	simm.s32 @p0 $0x1;
	s9 =	spop (v2sf)  }
0x3c5: {  	[smem:$0x7D1] =	sst s3;
	s3 =	sadd.s32 s9, s2;
	s4 =	spop (v2sf)  }
0x3c6: {  	p6 =	slt.s32 s2, s22;
	s4 =	sadd.s32 s4, s3;
	s5 =	spop (v2sf)  }
0x3c7: {  	p4 =	sge.s32 s2, s22;
	s5 =	sadd.s32 s5, s4;
	s6 =	spop (v2sf)  }
0x3c8: {  	p2 =	por !p2, !p4;
	p0 =	sge.s32 s3, s22;
	s6 =	sadd.s32 s6, s5  }
0x3c9: {  	p4 =	por !p6, !p0;
	p3 =	slt.s32 s5, s22;
	p0 =	sge.s32 s6, s22  }
0x3ca: {  	p5 =	slt.s32 s4, s22;
	p6 =	sge.s32 s5, s22;
	p0 =	por !p3, !p0  }
0x3cb: {  	s8 =	sld [smem:$0x7D1];
	p5 =	por !p5, !p6;
	s7 =	simm.s32 @!p0 $0x0  }
0x3cc: {  	p6 =	sge.s32 s4, s22;
	s10 =	spop (v2sf);
	s7 =	simm.s32 @p0 $0x1  }
0x3cd: {  	p3 =	slt.s32 s3, s22;
	[smem:$0x7D2] =	sst s7;
	s7 =	sadd.s32 s10, s6  }
0x3ce: {  	p3 =	por !p3, !p6;
	p0 =	slt.s32 s6, s22;
	p6 =	sge.s32 s7, s22  }
0x3cf: {  	p4 =	por !p4, !p4;
	s11 =	sld [smem:$0x7D2];
	p0 =	por !p0, !p6  }
0x3d0: {  	p5 =	por !p5, !p5;
	p6 =	seq.s32 s8, $0x1;
	s7 =	simm.s32 @!p0 $0x0  }
0x3d1: {  	p3 =	por !p3, !p3;
	s7 =	simm.s32 @p0 $0x1;
	p0 =	por !p6, !p6  }
0x3d2: {  	p6 =	por !p1, !p1;
	p1 =	seq.s32 s11, $0x1;
	s8 =	simm.s32 @!p0 $0x0  }
0x3d3: {  	[smem:$0x7D3] =	sst s7;
	s7 =	sadd.s32 $0xFFFFFFF9, s25;
	s8 =	simm.s32 @p0 $0x1  }
0x3d4: {  	s24 =	smov.u32 @p0 s7;
	[smem:$0x7D4] =	sst s8;
	s8 =	sadd.s32 $0xFFFFFFFA, s25  }
0x3d5: {  	s7 =	sadd.s32 $0xFFFFFFFB, s25;
	p0 =	por !p2, !p2;
	s24 =	smov.u32 @p6 s8  }
0x3d6: {  	s16 =	sld [smem:$0x7D3];
	s8 =	sadd.s32 $0xFFFFFFFC, s25;
	s24 =	smov.u32 @p0 s7  }
0x3d7: {  	p1 =	por !p1, !p1;
	s7 =	sadd.s32 $0xFFFFFFFD, s25;
	s24 =	smov.u32 @p4 s8  }
0x3d8: {  	s9 =	simm.s32 @!p0 $0x0;
	s8 =	sadd.s32 $0xFFFFFFFE, s25;
	s24 =	smov.u32 @p3 s7  }
0x3d9: {  	p2 =	seq.s32 s16, $0x1;
	s7 =	sadd.s32 $0xFFFFFFFF, s25;
	s24 =	smov.u32 @p5 s8  }
0x3da: {  	s9 =	simm.s32 @p0 $0x1;
	p0 =	por !p2, !p2;
	s24 =	smov.u32 @p1 s7  }
0x3db: {  	s24 =	smov.u32 @p0 s25  }
0x3dc: {  	s25 =	sshll.u32 s24, $0x4  }
0x3dd: {  	s28 =	sld [smem:$0x7D4];
	v5 =	vld [tilespmem:s25+$0x18080]  }
0x3de: {  	[smem:$0x7D5] =	sst s9  }
0x3df: {  	s29 =	sld [smem:$0x7D5]  }
0x3e0: {  	p2 =	seq.s32 s28, $0x1  }
0x3e1: {  	s23 =	smov.u32 @p2 s26  }
0x3e2: {  	s23 =	smov.u32 @p6 s0;
	p2 =	seq.s32 s29, $0x1;
	(xrf0) =	vadd.scan.msk.s32 $0xffff, v5  }
0x3e3: {  	s23 =	smov.u32 @p2 s1  }
0x3e4: {  	s23 =	smov.u32 @p4 s2  }
0x3e5: {  	s23 =	smov.u32 @p3 s3  }
0x3e6: {  	s23 =	smov.u32 @p5 s4  }
0x3e7: {  	s23 =	smov.u32 @p1 s5  }
0x3e8: {  	s23 =	smov.u32 @p0 s6;
	v6, _, _ =	vpop (xrf0)  }
0x3e9: {  	v6 =	vadd.s32 s23, v6  }
0x3ea: {  	vm0 =	vlt.s32 v6, v4  }
0x3eb: {  	v4 =	vmpcnt.ones.xlane vm0;
	_ =	sdelay $0x1  }
0x3ec: {  	(v2sf) =	vpush v4, $0x0;
	_ =	sdelay $0xe  }
0x3ed: {  	s30 =	spop (v2sf)  }
0x3ee: {  	_ =	swait.ge [sflag:s19], $0x8000  }
0x3ef: {  	[sflag:s19] =	ssyncset.done $0x0  }
0x3f0: {  	s31 =	simm.s32 $0x0;
	[sflag:s19] =	ssyncadd.s32 $0xFFFF8000  }
0x3f1: {  	v7 =	vld [tilespmem:s31+$0x8000]  }
0x3f2: {  	v8 =	vld [tilespmem:s31+$0x8010]  }
0x3f3: {  	v11 =	vld [tilespmem:s31+$0x8020]  }
0x3f4: {  	v12 =	vbroadcast v4, $0x0;
	v13 =	vld [tilespmem:s31+$0x8030]  }
0x3f5: {  	s0 =	sadd.s32 s30, s25  }
0x3f6: {  	v4 =	vperm.xlane v6, v12;
	s23 =	ssub.s32 $0x7FF, s0;
	v10 =	vand.u32 $0x7FFFFFFF, v7  }
0x3f7: {  	v6 =	vmov s23;
	v14 =	vld [tilespmem:s31+$0x8050];
	v9 =	vand.u32 $0x7FFFFFFF, v8;
	v7 =	vshrl.u32 v10, $0x14  }
0x3f8: {  	v5 =	vperm.xlane v5, v12;
	v12 =	vld [tilespmem:s31+$0x8040];
	v8 =	vshrl.u32 v9, $0x14;
	vm3 =	veq.s32 v7, v6  }
0x3f9: {  	v16 =	vld [tilespmem:s31+$0x8060];
	v7 =	vand.u32 $0x7FFFFFFF, v11;
	vm2 =	veq.s32 v8, v6;
	v8 =	vand.u32 $0x7FFFFFFF, v13  }
0x3fa: {  	v11 =	vshrl.u32 v7, $0x14;
	v13 =	vshrl.u32 v8, $0x14;
	v15 =	vsel vm3, $0x1, v0  }
0x3fb: {  	vm0 =	veq.s32 v11, v6;
	vm1 =	veq.s32 v13, v6;
	v11 =	vsel vm2, $0x1, v0;
	(xrf0) =	vadd.scan.msk.s32 $0xffff, v15  }
0x3fc: {  	v17 =	vld [tilespmem:s31+$0x8070];
	v15 =	vsel vm1, $0x1, v0;
	(xrf0) =	vadd.scan.msk.s32 $0xffff, v11  }
0x3fd: {  	v12 =	vand.u32 $0x7FFFFFFF, v12;
	v13 =	vsel vm0, $0x1, v0;
	v11 =	vand.u32 $0x7FFFFFFF, v14;
	(xrf0) =	vadd.scan.msk.s32 $0xffff, v15  }
0x3fe: {  	v20 =	vshrl.u32 v12, $0x14;
	v14 =	vshrl.u32 v11, $0x14;
	(xrf0) =	vadd.scan.msk.s32 $0xffff, v13;
	v13 =	vand.u32 $0x7FFFFFFF, v16  }
0x3ff: {  	vm6 =	veq.s32 v20, v6;
	vm5 =	veq.s32 v14, v6;
	v20 =	vshrl.u32 v13, $0x14  }
0x400: {  	v18 =	vimm.s32 $0xFFFFFFFF;
	v19 =	vmpcnt.ones.xlane vm3;
	v16 =	vsel vm5, $0x1, v0  }
0x401: {  	v21 =	vmpcnt.ones.xlane vm2;
	v14 =	vand.u32 $0x7FFFFFFF, v17;
	v17 =	vsel vm6, $0x1, v0;
	(xrf0) =	vadd.scan.msk.s32 $0xffff, v16  }
0x402: {  	v19 =	vadd.s32 v18, v19;
	vm7 =	veq.s32 v20, v6;
	v16 =	vshrl.u32 v14, $0x14;
	v20, _, _ =	vpop (xrf0);
	(xrf0) =	vadd.scan.msk.s32 $0xffff, v17  }
0x403: {  	vm4 =	veq.s32 v16, v6;
	v17 =	vsel vm7, $0x1, v0;
	v22, _, _ =	vpop (xrf0);
	v16 =	vadd.s32 v18, v20  }
0x404: {  	v23 =	vsel vm4, $0x1, v0;
	(xrf0) =	vadd.scan.msk.s32 $0xffff, v17;
	v18, _, _ =	vpop (xrf0);
	v17 =	vadd.s32 v19, v22  }
0x405: {  	s26 =	simm.s32 $0x600;
	s24 =	simm.s32 $0x100;
	s25 =	simm.s32 $0x80;
	v15 =	vmpcnt.ones.xlane vm1;
	v20 =	vmpcnt.ones.xlane vm0;
	v19 =	vadd.s32 v19, v21;
	(xrf0) =	vadd.scan.msk.s32 $0xffff, v23;
	v21, _, _ =	vpop (xrf0)  }
.LBB2_39:
0x406: {  	p0 =	sne.s32 s26, $0x1FE00;
	s0 =	smov.u32 s26;
	s26 =	sadd.s32 $0x200, s26  }
0x407: {  	v22 =	vmpcnt.ones.xlane vm6;
	v21 =	vadd.s32 v19, v21;
	v19 =	vadd.s32 v19, v20;
	v20, _, _ =	vpop (xrf0)  }
0x408: {  	v23 =	vmpcnt.ones.xlane vm5;
	[tilespmem:v16+s18+$0x0] =	vst.idx.msk vm3, v10;
	v10 =	vadd.s32 v19, v18;
	v15 =	vadd.s32 v19, v15;
	v16, _, _ =	vpop (xrf0)  }
0x409: {  	v24 =	vmpcnt.ones.xlane vm7;
	s0 =	sshra.s32 s0, $0x2;
	[tilespmem:v17+s18+$0x0] =	vst.idx.msk vm2, v9;
	v9 =	vadd.s32 v15, v16;
	v15 =	vadd.s32 v15, v22  }
0x40a: {  	v16 =	vmpcnt.ones.xlane vm4;
	v17 =	vadd.s32 v15, v20;
	v15 =	vadd.s32 v15, v23;
	v19, _, _ =	vpop (xrf0)  }
0x40b: {  	v19 =	vadd.s32 v15, v19;
	v15 =	vadd.s32 v15, v24;
	v18, _, _ =	vpop (xrf0)  }
0x40c: {  	[tilespmem:v21+s18+$0x0] =	vst.idx.msk vm0, v7;
	v7 =	vadd.s32 v15, v18;
	v16 =	vadd.s32 v15, v16  }
0x40d: {  	[tilespmem:v10+s18+$0x0] =	vst.idx.msk vm1, v8  }
0x40e: {  	[tilespmem:v9+s18+$0x0] =	vst.idx.msk vm6, v12  }
0x40f: {  	[tilespmem:v17+s18+$0x0] =	vst.idx.msk vm5, v11  }
0x410: {  	[tilespmem:v19+s18+$0x0] =	vst.idx.msk vm7, v13  }
0x411: {  	[tilespmem:v7+s18+$0x0] =	vst.idx.msk vm4, v14  }
0x412: {  	v7 =	vld [tilespmem:s25+$0x8000]  }
0x413: {  	v8 =	vld [tilespmem:s25+$0x8010]  }
0x414: {  	v11 =	vld [tilespmem:s25+$0x8020]  }
0x415: {  	v12 =	vld [tilespmem:s25+$0x8030]  }
0x416: {  	v14 =	vld [tilespmem:s25+$0x8070]  }
0x417: {  	v10 =	vand.u32 $0x7FFFFFFF, v7;
	v13 =	vld [tilespmem:s25+$0x8050]  }
0x418: {  	v7 =	vshrl.u32 v10, $0x14;
	v9 =	vand.u32 $0x7FFFFFFF, v8  }
0x419: {  	vm3 =	veq.s32 v7, v6;
	v8 =	vshrl.u32 v9, $0x14;
	v7 =	vand.u32 $0x7FFFFFFF, v11;
	v17 =	vld [tilespmem:s25+$0x8040]  }
0x41a: {  	vm2 =	veq.s32 v8, v6;
	v11 =	vshrl.u32 v7, $0x14;
	v8 =	vand.u32 $0x7FFFFFFF, v12  }
0x41b: {  	v12 =	vsel vm3, $0x1, v0;
	vm0 =	veq.s32 v11, v6;
	v11 =	vshrl.u32 v8, $0x14;
	v18 =	vld [tilespmem:s25+$0x8060];
	s25 =	smov.u32 s24;
	s24 =	smov.u32 s0  }
0x41c: {  	v15 =	vsel vm2, $0x1, v0;
	vm1 =	veq.s32 v11, v6;
	v19 =	vsel vm0, $0x1, v0;
	(xrf0) =	vadd.scan.msk.s32 $0xffff, v12  }
0x41d: {  	v20 =	vmpcnt.ones.xlane vm3;
	v11 =	vand.u32 $0x7FFFFFFF, v13;
	v13 =	vsel vm1, $0x1, v0;
	(xrf0) =	vadd.scan.msk.s32 $0xffff, v15  }
0x41e: {  	v15 =	vmpcnt.ones.xlane vm1;
	v12 =	vand.u32 $0x7FFFFFFF, v17;
	v17 =	vshrl.u32 v11, $0x14;
	(xrf0) =	vadd.scan.msk.s32 $0xffff, v13  }
0x41f: {  	v20 =	vadd.s32 v16, v20;
	v13 =	vshrl.u32 v12, $0x14;
	vm5 =	veq.s32 v17, v6;
	(xrf0) =	vadd.scan.msk.s32 $0xffff, v19  }
0x420: {  	vm6 =	veq.s32 v13, v6;
	v13 =	vand.u32 $0x7FFFFFFF, v18;
	v17 =	vsel vm5, $0x1, v0  }
.Ltmp20:
0x421: {  	v14 =	vand.u32 $0x7FFFFFFF, v14;
	v22 =	vshrl.u32 v13, $0x14;
	v19 =	vsel vm6, $0x1, v0;
	(xrf0) =	vadd.scan.msk.s32 $0xffff, v17;
	(pc) =	sbr.rel @p0 .LBB2_39-.Ltmp20, $4  }
0x422: {  	v24 =	vmpcnt.ones.xlane vm2;
	v23 =	vshrl.u32 v14, $0x14;
	vm7 =	veq.s32 v22, v6;
	v18, _, _ =	vpop (xrf0);
	(xrf0) =	vadd.scan.msk.s32 $0xffff, v19  }
0x423: {  	vm4 =	veq.s32 v23, v6;
	v16 =	vadd.s32 v16, v18;
	v22 =	vsel vm7, $0x1, v0;
	v17, _, _ =	vpop (xrf0)  }
0x424: {  	v23 =	vsel vm4, $0x1, v0;
	v19 =	vadd.s32 v20, v24;
	v17 =	vadd.s32 v20, v17;
	v18, _, _ =	vpop (xrf0);
	(xrf0) =	vadd.scan.msk.s32 $0xffff, v22  }
0x425: {  	v20 =	vmpcnt.ones.xlane vm0;
	v21, _, _ =	vpop (xrf0);
	(xrf0) =	vadd.scan.msk.s32 $0xffff, v23  }
0x426: {  	_ =	sdelay $0x1  }
0x427: {  	v22 =	vmpcnt.ones.xlane vm6;
	v21 =	vadd.s32 v19, v21;
	v62 =	vadd.s32 v19, v20;
	v63, _, _ =	vpop (xrf0)  }
0x428: {  	v23 =	vmpcnt.ones.xlane vm5;
	v18 =	vadd.s32 v62, v18;
	v15 =	vadd.s32 v62, v15;
	v24, _, _ =	vpop (xrf0)  }
0x429: {  	v25 =	vmpcnt.ones.xlane vm7;
	v19 =	vadd.s32 v15, v24;
	v15 =	vadd.s32 v15, v22  }
0x42a: {  	[tilespmem:v16+s18+$0x0] =	vst.idx.msk vm3, v10;
	v26 =	vadd.s32 v15, v63;
	v15 =	vadd.s32 v15, v23;
	v27, _, _ =	vpop (xrf0)  }
0x42b: {  	[tilespmem:v17+s18+$0x0] =	vst.idx.msk vm2, v9;
	v28 =	vadd.s32 v15, v27;
	v15 =	vadd.s32 v15, v25;
	v29, _, _ =	vpop (xrf0)  }
0x42c: {  	[tilespmem:v21+s18+$0x0] =	vst.idx.msk vm0, v7;
	v7 =	vadd.s32 v15, v29  }
0x42d: {  	[tilespmem:v18+s18+$0x0] =	vst.idx.msk vm1, v8  }
0x42e: {  	[tilespmem:v19+s18+$0x0] =	vst.idx.msk vm6, v12  }
0x42f: {  	[tilespmem:v26+s18+$0x0] =	vst.idx.msk vm5, v11  }
0x430: {  	[tilespmem:v28+s18+$0x0] =	vst.idx.msk vm7, v13  }
0x431: {  	[tilespmem:v7+s18+$0x0] =	vst.idx.msk vm4, v14  }
0x432: {  	v7 =	vld [tilespmem:s25+$0x8000]  }
0x433: {  	v8 =	vld [tilespmem:s25+$0x8010]  }
0x434: {  	v9 =	vld [tilespmem:s25+$0x8020]  }
0x435: {  	v10 =	vld [tilespmem:s25+$0x8030]  }
0x436: {  	v11 =	vld [tilespmem:s25+$0x8050]  }
0x437: {  	v13 =	vld [tilespmem:s25+$0x8040];
	_ =	sdelay $0x2  }
0x438: {  	v7 =	vand.u32 $0x7FFFFFFF, v7;
	v8 =	vand.u32 $0x7FFFFFFF, v8;
	v9 =	vand.u32 $0x7FFFFFFF, v9  }
0x439: {  	v10 =	vand.u32 $0x7FFFFFFF, v10;
	v11 =	vand.u32 $0x7FFFFFFF, v11;
	v30 =	vshrl.u32 v7, $0x14  }
0x43a: {  	v14 =	vld [tilespmem:s25+$0x8060];
	v38 =	vand.u32 $0x7FFFFFFF, v13;
	v31 =	vshrl.u32 v8, $0x14;
	vm2 =	veq.s32 v30, v6  }
0x43b: {  	v33 =	vld [tilespmem:s25+$0x8070];
	v34 =	vshrl.u32 v10, $0x14;
	vm9 =	veq.s32 v31, v6;
	v35 =	vsel vm2, $0x1, v0  }
0x43c: {  	v32 =	vshrl.u32 v9, $0x14;
	vm11 =	veq.s32 v34, v6;
	v36 =	vsel vm9, $0x1, v0;
	(xrf0) =	vadd.scan.msk.s32 $0xffff, v35  }
0x43d: {  	v39 =	vshrl.u32 v11, $0x14;
	vm10 =	veq.s32 v32, v6;
	v37 =	vsel vm11, $0x1, v0;
	(xrf0) =	vadd.scan.msk.s32 $0xffff, v36  }
0x43e: {  	v41 =	vshrl.u32 v38, $0x14;
	vm12 =	veq.s32 v39, v6;
	v40 =	vsel vm10, $0x1, v0;
	(xrf0) =	vadd.scan.msk.s32 $0xffff, v37  }
0x43f: {  	v42 =	vand.u32 $0x7FFFFFFF, v14;
	vm13 =	veq.s32 v41, v6;
	v43 =	vsel vm12, $0x1, v0;
	(xrf0) =	vadd.scan.msk.s32 $0xffff, v40  }
0x440: {  	v16 =	vand.u32 $0x7FFFFFFF, v33;
	v44 =	vshrl.u32 v42, $0x14;
	v45 =	vsel vm13, $0x1, v0;
	(xrf0) =	vadd.scan.msk.s32 $0xffff, v43  }
0x441: {  	v46 =	vmpcnt.ones.xlane vm4;
	v47 =	vshrl.u32 v16, $0x14;
	vm14 =	veq.s32 v44, v6;
	(xrf0) =	vadd.scan.msk.s32 $0xffff, v45  }
0x442: {  	vm15 =	veq.s32 v47, v6;
	v48 =	vmpcnt.ones.xlane vm2;
	v50 =	vsel vm14, $0x1, v0;
	v49, _, _ =	vpop (xrf0)  }
0x443: {  	v14 =	vadd.s32 v15, v46;
	v51 =	vmpcnt.ones.xlane vm9;
	v53 =	vsel vm15, $0x1, v0;
	v52, _, _ =	vpop (xrf0);
	(xrf0) =	vadd.scan.msk.s32 $0xffff, v50  }
0x444: {  	v56 =	vmpcnt.ones.xlane vm10;
	v54 =	vadd.s32 v14, v48;
	v14 =	vadd.s32 v14, v49;
	v55, _, _ =	vpop (xrf0);
	(xrf0) =	vadd.scan.msk.s32 $0xffff, v53  }
0x445: {  	v57 =	vmpcnt.ones.xlane vm11;
	v15 =	vadd.s32 v54, v51;
	v20 =	vadd.s32 v54, v52;
	v58, _, _ =	vpop (xrf0)  }
0x446: {  	v59 =	vmpcnt.ones.xlane vm13;
	v17 =	vadd.s32 v15, v58;
	v15 =	vadd.s32 v15, v56;
	v60, _, _ =	vpop (xrf0)  }
0x447: {  	v61 =	vmpcnt.ones.xlane vm12;
	v18 =	vadd.s32 v15, v55;
	v15 =	vadd.s32 v15, v57;
	v62, _, _ =	vpop (xrf0)  }
0x448: {  	v63 =	vmpcnt.ones.xlane vm14;
	v21 =	vadd.s32 v15, v62;
	v15 =	vadd.s32 v15, v59  }
0x449: {  	[tilespmem:v14+s18+$0x0] =	vst.idx.msk vm2, v7;
	v7 =	vadd.s32 v15, v60;
	v23 =	vadd.s32 v15, v61;
	v24, _, _ =	vpop (xrf0)  }
0x44a: {  	[tilespmem:v20+s18+$0x0] =	vst.idx.msk vm9, v8;
	v25 =	vadd.s32 v23, v24;
	v14 =	vadd.s32 v23, v63;
	v26, _, _ =	vpop (xrf0)  }
0x44b: {  	[tilespmem:v17+s18+$0x0] =	vst.idx.msk vm10, v9;
	v27 =	vadd.s32 v14, v26  }
0x44c: {  	[tilespmem:v18+s18+$0x0] =	vst.idx.msk vm11, v10  }
0x44d: {  	[tilespmem:v21+s18+$0x0] =	vst.idx.msk vm13, v38  }
0x44e: {  	[tilespmem:v7+s18+$0x0] =	vst.idx.msk vm12, v11  }
0x44f: {  	[tilespmem:v25+s18+$0x0] =	vst.idx.msk vm14, v42  }
0x450: {  	[tilespmem:v27+s18+$0x0] =	vst.idx.msk vm15, v16  }
0x451: {  	v7 =	vld [tilespmem:s24+$0x8000]  }
0x452: {  	v8 =	vld [tilespmem:s24+$0x8010]  }
0x453: {  	v9 =	vld [tilespmem:s24+$0x8020]  }
0x454: {  	v10 =	vld [tilespmem:s24+$0x8030]  }
0x455: {  	v11 =	vld [tilespmem:s24+$0x8050]  }
0x456: {  	v13 =	vld [tilespmem:s24+$0x8040];
	_ =	sdelay $0x2  }
0x457: {  	v7 =	vand.u32 $0x7FFFFFFF, v7;
	v8 =	vand.u32 $0x7FFFFFFF, v8;
	v9 =	vand.u32 $0x7FFFFFFF, v9  }
0x458: {  	v10 =	vand.u32 $0x7FFFFFFF, v10;
	v11 =	vand.u32 $0x7FFFFFFF, v11;
	v28 =	vshrl.u32 v7, $0x14  }
0x459: {  	v31 =	vld [tilespmem:s24+$0x8060];
	v36 =	vand.u32 $0x7FFFFFFF, v13;
	v29 =	vshrl.u32 v8, $0x14;
	vm4 =	veq.s32 v28, v6  }
0x45a: {  	v16 =	vld [tilespmem:s24+$0x8070];
	v32 =	vshrl.u32 v10, $0x14;
	vm9 =	veq.s32 v29, v6;
	v33 =	vsel vm4, $0x1, v0  }
0x45b: {  	v30 =	vshrl.u32 v9, $0x14;
	vm11 =	veq.s32 v32, v6;
	v34 =	vsel vm9, $0x1, v0;
	(xrf0) =	vadd.scan.msk.s32 $0xffff, v33  }
0x45c: {  	v37 =	vshrl.u32 v11, $0x14;
	vm10 =	veq.s32 v30, v6;
	v35 =	vsel vm11, $0x1, v0;
	(xrf0) =	vadd.scan.msk.s32 $0xffff, v34  }
0x45d: {  	v39 =	vshrl.u32 v36, $0x14;
	vm12 =	veq.s32 v37, v6;
	v38 =	vsel vm10, $0x1, v0;
	(xrf0) =	vadd.scan.msk.s32 $0xffff, v35  }
0x45e: {  	v40 =	vand.u32 $0x7FFFFFFF, v31;
	vm13 =	veq.s32 v39, v6;
	v41 =	vsel vm12, $0x1, v0;
	(xrf0) =	vadd.scan.msk.s32 $0xffff, v38  }
0x45f: {  	v16 =	vand.u32 $0x7FFFFFFF, v16;
	v42 =	vshrl.u32 v40, $0x14;
	v43 =	vsel vm13, $0x1, v0;
	(xrf0) =	vadd.scan.msk.s32 $0xffff, v41  }
0x460: {  	v44 =	vmpcnt.ones.xlane vm15;
	v45 =	vshrl.u32 v16, $0x14;
	vm14 =	veq.s32 v42, v6;
	(xrf0) =	vadd.scan.msk.s32 $0xffff, v43  }
0x461: {  	vm15 =	veq.s32 v45, v6;
	v47 =	vmpcnt.ones.xlane vm4;
	v6 =	vsel vm14, $0x1, v0;
	v46, _, _ =	vpop (xrf0)  }
0x462: {  	v14 =	vadd.s32 v14, v44;
	v48 =	vmpcnt.ones.xlane vm9;
	v50 =	vsel vm15, $0x1, v0;
	(xrf0) =	vadd.scan.msk.s32 $0xffff, v6;
	v49, _, _ =	vpop (xrf0)  }
0x463: {  	v52 =	vmpcnt.ones.xlane vm10;
	v6 =	vadd.s32 v14, v47;
	v14 =	vadd.s32 v14, v46;
	v51, _, _ =	vpop (xrf0)  }
0x464: {  	v53 =	vmpcnt.ones.xlane vm11;
	v17 =	vadd.s32 v6, v49;
	v6 =	vadd.s32 v6, v48;
	v54, _, _ =	vpop (xrf0)  }
0x465: {  	v55 =	vmpcnt.ones.xlane vm13;
	v15 =	vadd.s32 v6, v54;
	v6 =	vadd.s32 v6, v52;
	v56, _, _ =	vpop (xrf0)  }
0x466: {  	v57 =	vmpcnt.ones.xlane vm12;
	(xrf0) =	vadd.scan.msk.s32 $0xffff, v50;
	v18 =	vadd.s32 v6, v51;
	v6 =	vadd.s32 v6, v53;
	v58, _, _ =	vpop (xrf0)  }
0x467: {  	v59 =	vmpcnt.ones.xlane vm14;
	v20 =	vadd.s32 v6, v58;
	v6 =	vadd.s32 v6, v55  }
0x468: {  	v61 =	vmpcnt.ones.xlane vm15;
	[tilespmem:v14+s18+$0x0] =	vst.idx.msk vm4, v7;
	v60, _, _ =	vpop (xrf0);
	v7 =	vadd.s32 v6, v56;
	v6 =	vadd.s32 v6, v57  }
0x469: {  	(v2sf) =	vpush v4, $0x0;
	v14 =	vadd.s32 v6, v60;
	v6 =	vadd.s32 v6, v59  }
0x46a: {  	(v2sf) =	vpush v5, $0x0;
	v4 =	vadd.s32 v6, v61  }
0x46b: {  	(v2sf) =	vpush v4, $0x0  }
0x46c: {  	[tilespmem:v17+s18+$0x0] =	vst.idx.msk vm9, v8;
	v62, _, _ =	vpop (xrf0)  }
0x46d: {  	[tilespmem:v15+s18+$0x0] =	vst.idx.msk vm10, v9;
	v63 =	vadd.s32 v6, v62  }
0x46e: {  	[tilespmem:v18+s18+$0x0] =	vst.idx.msk vm11, v10  }
0x46f: {  	[tilespmem:v20+s18+$0x0] =	vst.idx.msk vm13, v36  }
0x470: {  	[tilespmem:v7+s18+$0x0] =	vst.idx.msk vm12, v11  }
0x471: {  	[tilespmem:v14+s18+$0x0] =	vst.idx.msk vm14, v40  }
0x472: {  	[tilespmem:v63+s18+$0x0] =	vst.idx.msk vm15, v16  }
0x473: {  	[tilespmem:$0x18080] =	vst v0  }
0x474: {  	[tilespmem:$0x18090] =	vst v0  }
0x475: {  	[tilespmem:$0x180A0] =	vst v0  }
0x476: {  	[tilespmem:$0x180B0] =	vst v0  }
0x477: {  	[tilespmem:$0x180C0] =	vst v0  }
0x478: {  	s25 =	spop (v2sf);
	[tilespmem:$0x180D0] =	vst v0  }
0x479: {  	s28 =	spop (v2sf);
	[tilespmem:$0x180E0] =	vst v0  }
0x47a: {  	[tilespmem:$0x180F0] =	vst v0;
	s0 =	spop (v2sf)  }
0x47b: {  	[tilespmem:$0x18100] =	vst v0;
	s0 =	sadd.s32 $0x10, s0  }
0x47c: {  	[tilespmem:$0x18110] =	vst v0;
	s24 =	sshrl.u32 s0, $0x4  }
0x47d: {  	[tilespmem:$0x18120] =	vst v0;
	p0 =	sne.s32 s24, $0x0  }
.Ltmp21:
0x47e: {  	[tilespmem:$0x18130] =	vst v0;
	(pc) =	sbr.rel @!p0 .LBB2_43-.Ltmp21, $4  }
0x47f: {  	[tilespmem:$0x18140] =	vst v0  }
0x480: {  	[tilespmem:$0x18150] =	vst v0  }
0x481: {  	[tilespmem:$0x18160] =	vst v0  }
0x482: {  	v4 =	vadd.s32 $0x1, v4;
	[tilespmem:$0x18170] =	vst v0  }
0x483: {  	p1 =	seq.s32 s24, $0x1  }
.Ltmp22:
0x484: {  	_ = 	snop;
	(pc) =	sbr.rel @p1 .LBB2_42-.Ltmp22, $3  }
0x485: {  	_ =	sdelay $0x1  }
0x486: {  	s1 =	simm.s32 $0x10000  }
0x487: {  	s0 =	simm.s32 $0x0;
	p0 =	por $0x0, $0x0;
	v5 =	vld [tilespmem:s1+$0x0];
	s1 =	sadd.s32 $0xFFFFFFFF, s24  }
0x488: {  	_ =	sdelay $0x3  }
0x489: {  	v6 =	vor.u32 s0, v3;
	v5 =	vxor.u32 $0xFFFFFFFF, v5  }
0x48a: {  	vm0 =	vlt.s32 v6, v4;
	v5 =	vshrl.u32 v5, $0xC  }
0x48b: {  	v5 =	vand.u32 $0xFF, v5  }
0x48c: {  	p1 =	seq.s32 s1, $0x1  }
.Ltmp23:
0x48d: {  	_ = 	snop;
	(pc) =	sbr.rel @p1 .LBB2_47-.Ltmp23, $3  }
0x48e: {  	_ =	sdelay $0x1  }
0x48f: {  	s2 =	simm.s32 $0x10010;
	[tilespmem:v5+s17+$0x0] =	vst.idx.add.s32.msk vm0, v1  }
0x490: {  	s3 =	sadd.s32 $0xFFFFFFFF, s1;
	p0 =	por $0x1, $0x1;
	s1 =	simm.s32 $0x0;
	v5 =	vld [tilespmem:s2+$0x0]  }
.LBB2_48:
0x491: {  	p1 =	seq.s32 s3, $0x1;
	_ =	sdelay $0x2  }
0x492: {  	s1 =	sadd.s32 $0x10, s1  }
0x493: {  	v6 =	vor.u32 s1, v3;
	v5 =	vxor.u32 $0xFFFFFFFF, v5  }
0x494: {  	vm0 =	vlt.s32 v6, v4;
	v5 =	vshrl.u32 v5, $0xC  }
0x495: {  	v5 =	vand.u32 $0xFF, v5;
	_ =	sdelay $0x1  }
.Ltmp24:
0x496: {  	(pc) =	sbr.rel @!p1 .LBB2_48-.Ltmp24, $3  }
0x497: {  	_ =	sdelay $0x1  }
0x498: {  	s2 =	sadd.s32 $0x10, s2;
	[tilespmem:v5+s17+$0x0] =	vst.idx.add.s32.msk vm0, v1  }
0x499: {  	s3 =	sadd.s32 $0xFFFFFFFF, s3;
	v5 =	vld [tilespmem:s2+$0x0]  }
.LBB2_49:
0x49a: {  	_ =	sdelay $0x1  }
0x49b: {  	s1 =	sadd.s32 @p0 $0x10, s1  }
0x49c: {  	s0 =	smov.u32 @p0 s1  }
0x49d: {  	v6 =	vor.u32 s0, v3;
	v5 =	vxor.u32 $0xFFFFFFFF, v5  }
0x49e: {  	vm0 =	vlt.s32 v6, v4;
	v5 =	vshrl.u32 v5, $0xC  }
0x49f: {  	v5 =	vand.u32 $0xFF, v5;
	_ =	sdelay $0x4  }
0x4a0: {  	[tilespmem:v5+s17+$0x0] =	vst.idx.add.s32.msk vm0, v1  }
.LBB2_43:
0x4a1: {  	v5 =	vld [tilespmem:$0x18080]  }
0x4a2: {  	v6 =	vld [tilespmem:$0x18090]  }
0x4a3: {  	v7 =	vld [tilespmem:$0x180A0]  }
0x4a4: {  	v8 =	vld [tilespmem:$0x180B0];
	_ =	sdelay $0x1  }
0x4a5: {  	v9 =	vld [tilespmem:$0x180C0];
	(xrf0) =	vadd.scan.msk.s32 $0xffff, v5  }
0x4a6: {  	v5 =	vld [tilespmem:$0x180D0];
	(xrf0) =	vadd.scan.msk.s32 $0xffff, v6  }
0x4a7: {  	(xrf0) =	vadd.scan.msk.s32 $0xffff, v7  }
0x4a8: {  	v6 =	vld [tilespmem:$0x180E0];
	(xrf0) =	vadd.scan.msk.s32 $0xffff, v8;
	_ =	sdelay $0x1  }
0x4a9: {  	v7 =	vld [tilespmem:$0x180F0];
	(xrf0) =	vadd.scan.msk.s32 $0xffff, v9  }
0x4aa: {  	(xrf0) =	vadd.scan.msk.s32 $0xffff, v5;
	v5, _, _ =	vpop (xrf0)  }
0x4ab: {  	(v2sf) =	vpush v5, $0xF;
	v5, _, _ =	vpop (xrf0)  }
0x4ac: {  	(xrf0) =	vadd.scan.msk.s32 $0xffff, v6;
	v6, _, _ =	vpop (xrf0);
	(v2sf) =	vpush v5, $0xF  }
0x4ad: {  	v5, _, _ =	vpop (xrf0);
	(v2sf) =	vpush v6, $0xF  }
0x4ae: {  	(xrf0) =	vadd.scan.msk.s32 $0xffff, v7;
	(v2sf) =	vpush v5, $0xF  }
0x4af: {  	v5, _, _ =	vpop (xrf0)  }
0x4b0: {  	v6 =	vld [tilespmem:$0x18100];
	(v2sf) =	vpush v5, $0xF;
	v5, _, _ =	vpop (xrf0)  }
0x4b1: {  	v7 =	vld [tilespmem:$0x18110];
	(v2sf) =	vpush v5, $0xF;
	_ =	sdelay $0x1  }
0x4b2: {  	v62 =	vld [tilespmem:$0x18120];
	v5, _, _ =	vpop (xrf0)  }
0x4b3: {  	(v2sf) =	vpush v5, $0xF;
	v5, _, _ =	vpop (xrf0)  }
0x4b4: {  	(v2sf) =	vpush v5, $0xF;
	(xrf0) =	vadd.scan.msk.s32 $0xffff, v6;
	v5 =	vld [tilespmem:$0x18130]  }
0x4b5: {  	v6 =	vld [tilespmem:$0x18140];
	(xrf0) =	vadd.scan.msk.s32 $0xffff, v7;
	_ =	sdelay $0x1  }
0x4b6: {  	(xrf0) =	vadd.scan.msk.s32 $0xffff, v62;
	_ =	sdelay $0x1  }
0x4b7: {  	(xrf0) =	vadd.scan.msk.s32 $0xffff, v5;
	s26 =	spop (v2sf)  }
0x4b8: {  	s2 =	ssub.s32 s28, s25;
	v7, _, _ =	vpop (xrf0);
	(xrf0) =	vadd.scan.msk.s32 $0xffff, v6;
	s0 =	spop (v2sf)  }
0x4b9: {  	s25 =	sadd.s32 s22, s2;
	v5 =	vld [tilespmem:$0x18150];
	v6, _, _ =	vpop (xrf0);
	(v2sf) =	vpush v7, $0xF;
	s1 =	spop (v2sf)  }
0x4ba: {  	(v2sf) =	vpush v6, $0xF;
	p0 =	slt.s32 s26, s25;
	s0 =	sadd.s32 s0, s26;
	s3 =	spop (v2sf)  }
0x4bb: {  	v6, _, _ =	vpop (xrf0);
	p1 =	sge.s32 s0, s25;
	s2 =	sadd.s32 s1, s0;
	p5 =	slt.s32 s0, s25  }
0x4bc: {  	(v2sf) =	vpush v6, $0xF;
	s4 =	spop (v2sf);
	p3 =	por !p0, !p1;
	s22 =	sadd.s32 s3, s2  }
0x4bd: {  	v6, _, _ =	vpop (xrf0);
	p6 =	sge.s32 s2, s25;
	p2 =	slt.s32 s2, s25;
	s5 =	spop (v2sf)  }
0x4be: {  	(xrf0) =	vadd.scan.msk.s32 $0xffff, v5;
	(v2sf) =	vpush v6, $0xF;
	v6, _, _ =	vpop (xrf0);
	p4 =	sge.s32 s22, s25;
	p6 =	por !p5, !p6;
	s1 =	sadd.s32 s4, s22  }
0x4bf: {  	v5 =	vld [tilespmem:$0x18160];
	(v2sf) =	vpush v6, $0xF;
	p1 =	por !p2, !p4;
	p4 =	slt.s32 s22, s25;
	p5 =	sge.s32 s1, s25  }
0x4c0: {  	s6 =	spop (v2sf);
	s28 =	sadd.s32 s5, s1;
	p0 =	por !p4, !p5  }
0x4c1: {  	s7 =	spop (v2sf);
	s29 =	sadd.s32 s6, s28;
	s3 =	simm.s32 @!p0 $0x0  }
0x4c2: {  	p2 =	sge.s32 s28, s25;
	s3 =	simm.s32 @p0 $0x1;
	p0 =	slt.s32 s1, s25  }
0x4c3: {  	p4 =	slt.s32 s28, s25;
	p5 =	sge.s32 s29, s25;
	p0 =	por !p0, !p2  }
0x4c4: {  	(xrf0) =	vadd.scan.msk.s32 $0xffff, v5;
	v5, _, _ =	vpop (xrf0);
	s30 =	sadd.s32 s7, s29;
	[smem:$0x7C0] =	sst s3;
	s3 =	simm.s32 @!p0 $0x0  }
0x4c5: {  	(v2sf) =	vpush v5, $0xF;
	s3 =	simm.s32 @p0 $0x1;
	p0 =	por !p4, !p5;
	p4 =	slt.s32 s29, s25  }
0x4c6: {  	p5 =	sge.s32 s30, s25;
	[smem:$0x7C1] =	sst s3;
	s3 =	simm.s32 @!p0 $0x0  }
0x4c7: {  	s3 =	simm.s32 @p0 $0x1;
	p0 =	por !p4, !p5  }
0x4c8: {  	s7 =	spop (v2sf);
	s4 =	simm.s32 @!p0 $0x0  }
0x4c9: {  	[smem:$0x7C2] =	sst s3;
	s4 =	simm.s32 @p0 $0x1;
	s8 =	spop (v2sf)  }
0x4ca: {  	s3 =	sadd.s32 s30, s7;
	p0 =	slt.s32 s30, s25;
	[smem:$0x7C3] =	sst s4  }
0x4cb: {  	s9 =	spop (v2sf);
	s16 =	sadd.s32 s8, s3;
	p2 =	sge.s32 s3, s25  }
0x4cc: {  	p4 =	slt.s32 s3, s25;
	p5 =	sge.s32 s16, s25;
	p0 =	por !p0, !p2  }
0x4cd: {  	p2 =	slt.s32 s16, s25;
	s4 =	simm.s32 @!p0 $0x0;
	s10 =	spop (v2sf)  }
0x4ce: {  	p4 =	por !p4, !p5;
	s4 =	simm.s32 @p0 $0x1;
	s11 =	spop (v2sf)  }
0x4cf: {  	p0 =	por !p3, !p3;
	[smem:$0x7C4] =	sst s4;
	s4 =	sadd.s32 s9, s16  }
0x4d0: {  	s26 =	simm.s32 @!p0 $0x0;
	s9 =	sld [smem:$0x7C0];
	p5 =	sge.s32 s4, s25  }
0x4d1: {  	s5 =	sadd.s32 s10, s4;
	s10 =	sld [smem:$0x7C1];
	p5 =	por !p2, !p5  }
0x4d2: {  	v6 =	vld [tilespmem:$0x18170];
	v5, _, _ =	vpop (xrf0);
	p2 =	slt.s32 s4, s25;
	p3 =	sge.s32 s5, s25;
	s6 =	sadd.s32 s11, s5  }
0x4d3: {  	(v2sf) =	vpush v5, $0xF;
	s11 =	simm.s32 $0x10;
	p2 =	por !p2, !p3;
	p3 =	sge.s32 s6, s25  }
0x4d4: {  	s11 =	simm.s32 @!p0 $0x0;
	s31 =	spop (v2sf);
	p0 =	por !p6, !p6  }
0x4d5: {  	p5 =	por !p5, !p5;
	s7 =	simm.s32 @!p2 $0x0;
	s8 =	simm.s32 @!p0 $0x0  }
0x4d6: {  	s11 =	simm.s32 @p0 $0x20;
	s7 =	simm.s32 @p2 $0x1;
	p2 =	slt.s32 s5, s25  }
0x4d7: {  	(xrf0) =	vadd.scan.msk.s32 $0xffff, v6;
	s8 =	simm.s32 @p0 $0x1;
	[smem:$0x7C5] =	sst s7;
	p2 =	por !p2, !p3  }
0x4d8: {  	[smem:$0x7C8] =	sst s8;
	p3 =	slt.s32 s6, s25;
	s7 =	simm.s32 @!p2 $0x0  }
0x4d9: {  	s7 =	simm.s32 @p2 $0x1;
	p2 =	por !p1, !p1;
	p1 =	por !p4, !p4  }
0x4da: {  	[smem:$0x7C6] =	sst s7;
	s8 =	simm.s32 @!p2 $0x0;
	s7 =	sadd.s32 s31, s6  }
0x4db: {  	s11 =	simm.s32 @p2 $0x30;
	s31 =	sld [smem:$0x7C2];
	p6 =	sge.s32 s7, s25  }
0x4dc: {  	s8 =	simm.s32 @p2 $0x1;
	p0 =	por !p3, !p6;
	p3 =	seq.s32 s10, $0x1  }
0x4dd: {  	v5, _, _ =	vpop (xrf0);
	[smem:$0x7C9] =	sst s8;
	s8 =	simm.s32 @!p0 $0x0;
	p2 =	por !p3, !p3  }
0x4de: {  	(v2sf) =	vpush v5, $0xF;
	s8 =	simm.s32 @p0 $0x1;
	p0 =	seq.s32 s9, $0x1;
	s9 =	sld [smem:$0x7C3]  }
0x4df: {  	p6 =	seq.s32 s31, $0x1;
	s31 =	sld [smem:$0x7C6];
	p0 =	por !p0, !p0  }
0x4e0: {  	[smem:$0x7C7] =	sst s8;
	s8 =	simm.s32 @!p0 $0x0;
	s11 =	simm.s32 @p0 $0x40  }
0x4e1: {  	s8 =	simm.s32 @p0 $0x1;
	p0 =	seq.s32 s9, $0x1;
	s9 =	sld [smem:$0x7C4]  }
0x4e2: {  	s10 =	spop (v2sf);
	[smem:$0x7CA] =	sst s8;
	s8 =	simm.s32 @!p2 $0x0  }
0x4e3: {  	p6 =	por !p6, !p6;
	s11 =	simm.s32 @p2 $0x50;
	s8 =	simm.s32 @p2 $0x1  }
0x4e4: {  	p3 =	por !p0, !p0;
	[smem:$0x7CB] =	sst s8;
	s8 =	simm.s32 @!p6 $0x0  }
0x4e5: {  	s11 =	simm.s32 @p6 $0x60;
	p2 =	seq.s32 s9, $0x1;
	s8 =	simm.s32 @p6 $0x1  }
0x4e6: {  	s11 =	simm.s32 @p3 $0x70;
	p0 =	por !p2, !p2;
	[smem:$0x7CC] =	sst s8  }
0x4e7: {  	s8 =	simm.s32 @!p3 $0x0;
	s9 =	simm.s32 @!p0 $0x0;
	s11 =	simm.s32 @p0 $0x80  }
0x4e8: {  	s8 =	simm.s32 @p3 $0x1;
	s9 =	simm.s32 @p0 $0x1;
	p3 =	slt.s32 s7, s25  }
0x4e9: {  	s11 =	simm.s32 @p1 $0x90;
	[smem:$0x7CD] =	sst s8;
	s8 =	sadd.s32 s10, s7  }
0x4ea: {  	[smem:$0x7CE] =	sst s9;
	s9 =	simm.s32 @!p1 $0x0;
	p6 =	sge.s32 s8, s25  }
0x4eb: {  	s9 =	simm.s32 @p1 $0x1;
	p1 =	seq.s32 s31, $0x1;
	s31 =	sld [smem:$0x7C7]  }
0x4ec: {  	s10 =	sld [smem:$0x7C5];
	s11 =	simm.s32 @p5 $0xA0;
	p6 =	por !p3, !p6  }
0x4ed: {  	[smem:$0x7CF] =	sst s9;
	s9 =	spop (v2sf);
	p3 =	por !p1, !p1  }
0x4ee: {  	p1 =	slt.s32 s8, s25;
	p2 =	seq.s32 s31, $0x1;
	s31 =	sld [smem:$0x7C8]  }
0x4ef: {  	p0 =	seq.s32 s10, $0x1;
	s9 =	sadd.s32 s9, s8;
	s10 =	sld [smem:$0x7C9]  }
0x4f0: {  	p4 =	por !p0, !p0;
	p0 =	sge.s32 s9, s25;
	s9 =	sld [smem:$0x7CC]  }
0x4f1: {  	p0 =	por !p1, !p0;
	p1 =	por !p6, !p6;
	p6 =	seq.s32 s31, $0x1  }
0x4f2: {  	s31 =	sld [smem:$0x7CA];
	s26 =	smov.u32 @p6 s0;
	p6 =	seq.s32 s10, $0x1  }
0x4f3: {  	s11 =	simm.s32 @p4 $0xB0;
	s26 =	smov.u32 @p6 s2;
	s2 =	sld [smem:$0x7CB]  }
0x4f4: {  	p2 =	por !p2, !p2;
	s11 =	simm.s32 @p3 $0xC0;
	p0 =	por !p0, !p0  }
0x4f5: {  	s11 =	simm.s32 @p2 $0xD0;
	s10 =	sld [smem:$0x7CD];
	p6 =	seq.s32 s31, $0x1  }
0x4f6: {  	s26 =	smov.u32 @p6 s22;
	s22 =	sld [smem:$0x7CE];
	p6 =	seq.s32 s2, $0x1  }
0x4f7: {  	s11 =	simm.s32 @p1 $0xE0;
	s26 =	smov.u32 @p6 s1;
	p6 =	seq.s32 s9, $0x1  }
0x4f8: {  	s11 =	simm.s32 @p0 $0xF0;
	s26 =	smov.u32 @p6 s28;
	p6 =	seq.s32 s10, $0x1  }
0x4f9: {  	v5 =	vld [tilespmem:s11+$0x18080];
	s26 =	smov.u32 @p6 s29;
	p6 =	seq.s32 s22, $0x1  }
0x4fa: {  	s26 =	smov.u32 @p6 s30;
	s30 =	sld [smem:$0x7CF];
	_ =	sdelay $0x2  }
0x4fb: {  	p6 =	seq.s32 s30, $0x1  }
0x4fc: {  	(xrf0) =	vadd.scan.msk.s32 $0xffff, v5;
	s26 =	smov.u32 @p6 s3  }
0x4fd: {  	s26 =	smov.u32 @p5 s16  }
0x4fe: {  	s26 =	smov.u32 @p4 s4  }
0x4ff: {  	s26 =	smov.u32 @p3 s5  }
0x500: {  	s26 =	smov.u32 @p2 s6  }
0x501: {  	s26 =	smov.u32 @p1 s7  }
0x502: {  	v6, _, _ =	vpop (xrf0);
	s26 =	smov.u32 @p0 s8  }
0x503: {  	v6 =	vadd.s32 s26, v6  }
0x504: {  	vm0 =	vlt.s32 v6, s25  }
0x505: {  	v7 =	vmpcnt.ones.xlane vm0;
	_ =	sdelay $0x1  }
0x506: {  	v63 =	vbroadcast v7, $0x0  }
0x507: {  	(v2sf) =	vpush v7, $0x0  }
0x508: {  	v6 =	vperm.xlane v6, v63  }
0x509: {  	v5 =	vperm.xlane v5, v63  }
0x50a: {  	(v2sf) =	vpush v6, $0x0  }
0x50b: {  	[tilespmem:$0x18080] =	vst v0;
	(v2sf) =	vpush v5, $0x0  }
0x50c: {  	[tilespmem:$0x18090] =	vst v0  }
0x50d: {  	[tilespmem:$0x180A0] =	vst v0  }
0x50e: {  	[tilespmem:$0x180B0] =	vst v0  }
0x50f: {  	[tilespmem:$0x180C0] =	vst v0  }
0x510: {  	[tilespmem:$0x180D0] =	vst v0  }
0x511: {  	[tilespmem:$0x180E0] =	vst v0  }
0x512: {  	[tilespmem:$0x180F0] =	vst v0  }
0x513: {  	[tilespmem:$0x18100] =	vst v0  }
0x514: {  	[tilespmem:$0x18110] =	vst v0  }
0x515: {  	[tilespmem:$0x18120] =	vst v0;
	p0 =	seq.s32 s24, $0x0  }
.Ltmp25:
0x516: {  	[tilespmem:$0x18130] =	vst v0;
	s31 =	spop (v2sf);
	(pc) =	sbr.rel @p0 .LBB2_50-.Ltmp25, $4  }
0x517: {  	[tilespmem:$0x18140] =	vst v0;
	s0 =	sadd.s32 s31, s11  }
0x518: {  	[tilespmem:$0x18150] =	vst v0;
	s22 =	ssub.s32 $0xFF, s0;
	s0 =	simm.s32 @!p0 $0x0  }
0x519: {  	[tilespmem:$0x18160] =	vst v0;
	s0 =	simm.s32 @p0 $0x1;
	s28 =	spop (v2sf)  }
0x51a: {  	[tilespmem:$0x18170] =	vst v0;
	v5 =	vmov s22;
	[smem:$0x7D0] =	sst s0;
	s29 =	spop (v2sf)  }
0x51b: {  	p0 =	seq.s32 s24, $0x1  }
.Ltmp26:
0x51c: {  	_ = 	snop;
	(pc) =	sbr.rel @p0 .LBB2_45-.Ltmp26, $3  }
0x51d: {  	_ =	sdelay $0x1  }
0x51e: {  	s1 =	simm.s32 $0x10000  }
0x51f: {  	s0 =	simm.s32 $0x0;
	p1 =	por $0x0, $0x0;
	v6 =	vld [tilespmem:s1+$0x0];
	s1 =	sadd.s32 $0xFFFFFFFF, s24  }
0x520: {  	_ =	sdelay $0x3  }
0x521: {  	v7 =	vshrl.u32 v6, $0xC  }
0x522: {  	v8 =	vor.u32 s0, v3;
	v7 =	vand.u32 $0xFF, v7  }
0x523: {  	vm0 =	vlt.s32 v8, v4;
	v6 =	vxor.u32 $0xFFFFFFFF, v6;
	vm1 =	veq.s32 v7, v5  }
0x524: {  	v6 =	vshrl.u32 v6, $0x4;
	vm0 =	vmand vm0, vm1  }
0x525: {  	v6 =	vand.u32 $0xFF, v6  }
0x526: {  	p0 =	seq.s32 s1, $0x1  }
.Ltmp27:
0x527: {  	_ = 	snop;
	(pc) =	sbr.rel @p0 .LBB2_54-.Ltmp27, $3  }
0x528: {  	_ =	sdelay $0x1  }
0x529: {  	s2 =	simm.s32 $0x10010;
	[tilespmem:v6+s17+$0x0] =	vst.idx.add.s32.msk vm0, v1  }
0x52a: {  	s3 =	sadd.s32 $0xFFFFFFFF, s1;
	p1 =	por $0x1, $0x1;
	s1 =	simm.s32 $0x0;
	v6 =	vld [tilespmem:s2+$0x0]  }
.LBB2_55:
0x52b: {  	p0 =	seq.s32 s3, $0x1;
	_ =	sdelay $0x3  }
0x52c: {  	s1 =	sadd.s32 $0x10, s1;
	v7 =	vshrl.u32 v6, $0xC  }
0x52d: {  	v8 =	vor.u32 s1, v3;
	v7 =	vand.u32 $0xFF, v7  }
0x52e: {  	vm0 =	vlt.s32 v8, v4;
	v6 =	vxor.u32 $0xFFFFFFFF, v6;
	vm1 =	veq.s32 v7, v5  }
0x52f: {  	v6 =	vshrl.u32 v6, $0x4;
	vm0 =	vmand vm0, vm1  }
0x530: {  	v6 =	vand.u32 $0xFF, v6;
	_ =	sdelay $0x1  }
.Ltmp28:
0x531: {  	(pc) =	sbr.rel @!p0 .LBB2_55-.Ltmp28, $3  }
0x532: {  	_ =	sdelay $0x1  }
0x533: {  	s2 =	sadd.s32 $0x10, s2;
	[tilespmem:v6+s17+$0x0] =	vst.idx.add.s32.msk vm0, v1  }
0x534: {  	s3 =	sadd.s32 $0xFFFFFFFF, s3;
	v6 =	vld [tilespmem:s2+$0x0]  }
.LBB2_56:
0x535: {  	_ =	sdelay $0x2  }
0x536: {  	s1 =	sadd.s32 @p1 $0x10, s1  }
0x537: {  	s0 =	smov.u32 @p1 s1;
	v7 =	vshrl.u32 v6, $0xC  }
0x538: {  	v8 =	vor.u32 s0, v3;
	v7 =	vand.u32 $0xFF, v7  }
0x539: {  	vm0 =	vlt.s32 v8, v4;
	v6 =	vxor.u32 $0xFFFFFFFF, v6;
	vm1 =	veq.s32 v7, v5  }
0x53a: {  	v6 =	vshrl.u32 v6, $0x4;
	vm0 =	vmand vm0, vm1  }
0x53b: {  	v6 =	vand.u32 $0xFF, v6;
	_ =	sdelay $0x4  }
0x53c: {  	[tilespmem:v6+s17+$0x0] =	vst.idx.add.s32.msk vm0, v1  }
.LBB2_50:
0x53d: {  	v6 =	vld [tilespmem:$0x18080]  }
0x53e: {  	v7 =	vld [tilespmem:$0x18090]  }
0x53f: {  	v8 =	vld [tilespmem:$0x180A0]  }
0x540: {  	v9 =	vld [tilespmem:$0x180B0];
	_ =	sdelay $0x1  }
0x541: {  	v10 =	vld [tilespmem:$0x180C0];
	(xrf0) =	vadd.scan.msk.s32 $0xffff, v6  }
0x542: {  	v6 =	vld [tilespmem:$0x180D0];
	(xrf0) =	vadd.scan.msk.s32 $0xffff, v7  }
0x543: {  	(xrf0) =	vadd.scan.msk.s32 $0xffff, v8  }
0x544: {  	v7 =	vld [tilespmem:$0x180E0];
	(xrf0) =	vadd.scan.msk.s32 $0xffff, v9;
	_ =	sdelay $0x1  }
0x545: {  	v58 =	vld [tilespmem:$0x180F0];
	(xrf0) =	vadd.scan.msk.s32 $0xffff, v10  }
0x546: {  	(xrf0) =	vadd.scan.msk.s32 $0xffff, v6;
	v6, _, _ =	vpop (xrf0)  }
0x547: {  	(v2sf) =	vpush v6, $0xF;
	v6, _, _ =	vpop (xrf0)  }
0x548: {  	(xrf0) =	vadd.scan.msk.s32 $0xffff, v7;
	v7, _, _ =	vpop (xrf0);
	(v2sf) =	vpush v6, $0xF  }
0x549: {  	v6, _, _ =	vpop (xrf0);
	(v2sf) =	vpush v7, $0xF  }
0x54a: {  	(xrf0) =	vadd.scan.msk.s32 $0xffff, v58;
	(v2sf) =	vpush v6, $0xF  }
0x54b: {  	v6, _, _ =	vpop (xrf0)  }
0x54c: {  	(v2sf) =	vpush v6, $0xF;
	v6, _, _ =	vpop (xrf0)  }
0x54d: {  	v7 =	vld [tilespmem:$0x18100];
	(v2sf) =	vpush v6, $0xF  }
0x54e: {  	v59 =	vld [tilespmem:$0x18110]  }
0x54f: {  	v60 =	vld [tilespmem:$0x18120];
	v6, _, _ =	vpop (xrf0)  }
0x550: {  	(v2sf) =	vpush v6, $0xF;
	v6, _, _ =	vpop (xrf0)  }
0x551: {  	(v2sf) =	vpush v6, $0xF  }
0x552: {  	(xrf0) =	vadd.scan.msk.s32 $0xffff, v7  }
0x553: {  	v6 =	vld [tilespmem:$0x18130];
	(xrf0) =	vadd.scan.msk.s32 $0xffff, v59  }
0x554: {  	v7 =	vld [tilespmem:$0x18140];
	(xrf0) =	vadd.scan.msk.s32 $0xffff, v60;
	_ =	sdelay $0x1  }
0x555: {  	s26 =	spop (v2sf)  }
0x556: {  	s2 =	ssub.s32 s29, s28;
	s0 =	spop (v2sf)  }
0x557: {  	s25 =	sadd.s32 s25, s2;
	(xrf0) =	vadd.scan.msk.s32 $0xffff, v6;
	v61, _, _ =	vpop (xrf0);
	s1 =	spop (v2sf)  }
0x558: {  	(xrf0) =	vadd.scan.msk.s32 $0xffff, v7;
	v7, _, _ =	vpop (xrf0);
	(v2sf) =	vpush v61, $0xF;
	p0 =	slt.s32 s26, s25;
	s0 =	sadd.s32 s0, s26;
	s3 =	spop (v2sf)  }
0x559: {  	v6 =	vld [tilespmem:$0x18150];
	(v2sf) =	vpush v7, $0xF;
	v7, _, _ =	vpop (xrf0);
	p1 =	sge.s32 s0, s25;
	s2 =	sadd.s32 s1, s0;
	p5 =	slt.s32 s0, s25  }
0x55a: {  	(v2sf) =	vpush v7, $0xF;
	s4 =	spop (v2sf);
	p4 =	por !p0, !p1;
	s28 =	sadd.s32 s3, s2  }
0x55b: {  	p6 =	sge.s32 s2, s25;
	p2 =	slt.s32 s2, s25;
	s5 =	spop (v2sf)  }
0x55c: {  	p3 =	sge.s32 s28, s25;
	p6 =	por !p5, !p6;
	s1 =	sadd.s32 s4, s28  }
0x55d: {  	p2 =	por !p2, !p3;
	p3 =	slt.s32 s28, s25;
	p5 =	sge.s32 s1, s25  }
0x55e: {  	(xrf0) =	vadd.scan.msk.s32 $0xffff, v6;
	v7, _, _ =	vpop (xrf0);
	s6 =	spop (v2sf);
	s29 =	sadd.s32 s5, s1;
	p0 =	por !p3, !p5  }
0x55f: {  	v6 =	vld [tilespmem:$0x18160];
	(v2sf) =	vpush v7, $0xF;
	v7, _, _ =	vpop (xrf0);
	s7 =	spop (v2sf);
	s30 =	sadd.s32 s6, s29;
	s3 =	simm.s32 @!p0 $0x0  }
0x560: {  	(v2sf) =	vpush v7, $0xF;
	p1 =	sge.s32 s29, s25;
	s3 =	simm.s32 @p0 $0x1;
	p0 =	slt.s32 s1, s25  }
0x561: {  	p3 =	slt.s32 s29, s25;
	p5 =	sge.s32 s30, s25;
	p0 =	por !p0, !p1  }
0x562: {  	s11 =	sadd.s32 s7, s30;
	[smem:$0x7AF] =	sst s3;
	s3 =	simm.s32 @!p0 $0x0  }
0x563: {  	s3 =	simm.s32 @p0 $0x1;
	p0 =	por !p3, !p5;
	p3 =	slt.s32 s30, s25  }
0x564: {  	(xrf0) =	vadd.scan.msk.s32 $0xffff, v6;
	v6, _, _ =	vpop (xrf0);
	p5 =	sge.s32 s11, s25;
	[smem:$0x7B0] =	sst s3;
	s3 =	simm.s32 @!p0 $0x0  }
0x565: {  	(v2sf) =	vpush v6, $0xF;
	s3 =	simm.s32 @p0 $0x1;
	p0 =	por !p3, !p5  }
0x566: {  	s4 =	simm.s32 @!p0 $0x0  }
0x567: {  	[smem:$0x7B1] =	sst s3;
	s5 =	spop (v2sf);
	s4 =	simm.s32 @p0 $0x1  }
0x568: {  	s6 =	spop (v2sf);
	s3 =	sadd.s32 s11, s5;
	p0 =	slt.s32 s11, s25  }
0x569: {  	[smem:$0x7B2] =	sst s4;
	s7 =	spop (v2sf);
	s16 =	sadd.s32 s6, s3  }
0x56a: {  	p1 =	sge.s32 s3, s25;
	p3 =	slt.s32 s3, s25;
	p5 =	sge.s32 s16, s25  }
0x56b: {  	p0 =	por !p0, !p1;
	s5 =	sadd.s32 s7, s16;
	p1 =	slt.s32 s16, s25  }
0x56c: {  	s4 =	simm.s32 @!p0 $0x0;
	p5 =	por !p3, !p5;
	p3 =	sge.s32 s5, s25  }
0x56d: {  	s4 =	simm.s32 @p0 $0x1;
	p0 =	por !p1, !p3  }
0x56e: {  	p2 =	por !p2, !p2;
	s8 =	spop (v2sf);
	s6 =	simm.s32 @!p0 $0x0  }
0x56f: {  	s31 =	sld [smem:$0x7AF];
	s9 =	spop (v2sf);
	s6 =	simm.s32 @p0 $0x1  }
0x570: {  	p3 =	slt.s32 s5, s25;
	[smem:$0x7B4] =	sst s6;
	s6 =	sadd.s32 s8, s5  }
0x571: {  	v6, _, _ =	vpop (xrf0);
	[smem:$0x7B3] =	sst s4;
	p0 =	por !p4, !p4;
	p4 =	sge.s32 s6, s25  }
0x572: {  	(v2sf) =	vpush v6, $0xF;
	s26 =	simm.s32 @!p0 $0x0;
	s7 =	sadd.s32 s9, s6;
	p1 =	por !p3, !p4  }
0x573: {  	p3 =	slt.s32 s6, s25;
	p4 =	sge.s32 s7, s25;
	s4 =	simm.s32 @!p1 $0x0  }
0x574: {  	v7 =	vld [tilespmem:$0x18170];
	s10 =	spop (v2sf);
	s4 =	simm.s32 @p1 $0x1;
	p1 =	por !p3, !p4  }
0x575: {  	[smem:$0x7B5] =	sst s4;
	s4 =	simm.s32 $0x10;
	s8 =	simm.s32 @!p1 $0x0  }
0x576: {  	p3 =	slt.s32 s7, s25;
	s8 =	simm.s32 @p1 $0x1;
	s4 =	simm.s32 @!p0 $0x0  }
0x577: {  	p0 =	por !p6, !p6;
	p6 =	seq.s32 s31, $0x1;
	s31 =	sld [smem:$0x7B1]  }
0x578: {  	[smem:$0x7B6] =	sst s8;
	s9 =	simm.s32 @!p0 $0x0;
	s8 =	sadd.s32 s10, s7  }
0x579: {  	(xrf0) =	vadd.scan.msk.s32 $0xffff, v7;
	s4 =	simm.s32 @p0 $0x20;
	s10 =	sld [smem:$0x7B0];
	s9 =	simm.s32 @p0 $0x1  }
0x57a: {  	p4 =	sge.s32 s8, s25;
	s4 =	simm.s32 @p2 $0x30;
	[smem:$0x7B8] =	sst s9  }
0x57b: {  	s9 =	simm.s32 @!p2 $0x0;
	p0 =	por !p3, !p4;
	p3 =	por !p6, !p6  }
0x57c: {  	s9 =	simm.s32 @p2 $0x1;
	p2 =	seq.s32 s10, $0x1;
	s10 =	sld [smem:$0x7B2]  }
0x57d: {  	[smem:$0x7B9] =	sst s9;
	s9 =	simm.s32 @!p3 $0x0  }
0x57e: {  	p4 =	seq.s32 s31, $0x1;
	p2 =	por !p2, !p2;
	s9 =	simm.s32 @p3 $0x1  }
0x57f: {  	v6, _, _ =	vpop (xrf0);
	p4 =	por !p4, !p4;
	[smem:$0x7BA] =	sst s9;
	s9 =	simm.s32 @!p2 $0x0  }
0x580: {  	(v2sf) =	vpush v6, $0xF;
	p6 =	seq.s32 s10, $0x1;
	s10 =	sld [smem:$0x7B3];
	s9 =	simm.s32 @p2 $0x1  }
0x581: {  	s31 =	spop (v2sf);
	[smem:$0x7BB] =	sst s9;
	s9 =	simm.s32 @!p4 $0x0  }
0x582: {  	s4 =	simm.s32 @p3 $0x40;
	p3 =	por !p6, !p6;
	s9 =	simm.s32 @p4 $0x1  }
0x583: {  	s4 =	simm.s32 @p2 $0x50;
	[smem:$0x7BC] =	sst s9;
	s9 =	simm.s32 @!p3 $0x0  }
0x584: {  	s4 =	simm.s32 @p4 $0x60;
	p2 =	seq.s32 s10, $0x1;
	s9 =	simm.s32 @p3 $0x1  }
0x585: {  	s4 =	simm.s32 @p3 $0x70;
	p6 =	por !p2, !p2;
	[smem:$0x7BD] =	sst s9  }
0x586: {  	s10 =	simm.s32 @!p6 $0x0;
	s9 =	sadd.s32 s31, s8;
	s31 =	sld [smem:$0x7B4]  }
0x587: {  	p3 =	slt.s32 s8, s25;
	s10 =	simm.s32 @p6 $0x1;
	p4 =	sge.s32 s9, s25  }
0x588: {  	[smem:$0x7BE] =	sst s10;
	p1 =	por !p3, !p4  }
0x589: {  	s10 =	simm.s32 @!p1 $0x0;
	p3 =	seq.s32 s31, $0x1;
	s31 =	sld [smem:$0x7B5]  }
0x58a: {  	s10 =	simm.s32 @p1 $0x1  }
0x58b: {  	p2 =	por !p5, !p5;
	[smem:$0x7B7] =	sst s10  }
0x58c: {  	s10 =	simm.s32 @!p2 $0x0;
	p4 =	seq.s32 s31, $0x1;
	s31 =	sld [smem:$0x7B6]  }
0x58d: {  	s4 =	simm.s32 @p6 $0x80;
	s10 =	simm.s32 @p2 $0x1  }
0x58e: {  	s4 =	simm.s32 @p2 $0x90;
	[smem:$0x7BF] =	sst s10  }
0x58f: {  	s10 =	spop (v2sf);
	p6 =	seq.s32 s31, $0x1;
	s31 =	sld [smem:$0x7B7]  }
0x590: {  	p5 =	por !p3, !p3;
	p2 =	por !p0, !p0;
	s10 =	sadd.s32 s10, s9  }
0x591: {  	p1 =	sge.s32 s10, s25;
	p3 =	por !p6, !p6;
	p6 =	slt.s32 s9, s25  }
0x592: {  	p0 =	por !p6, !p1;
	p6 =	seq.s32 s31, $0x1;
	s31 =	sld [smem:$0x7B8]  }
0x593: {  	s4 =	simm.s32 @p5 $0xA0;
	p4 =	por !p4, !p4  }
0x594: {  	s4 =	simm.s32 @p4 $0xB0  }
0x595: {  	p1 =	por !p6, !p6;
	p6 =	seq.s32 s31, $0x1;
	s31 =	sld [smem:$0x7B9]  }
0x596: {  	s4 =	simm.s32 @p3 $0xC0  }
0x597: {  	s10 =	sld [smem:$0x7BA];
	s4 =	simm.s32 @p2 $0xD0;
	p0 =	por !p0, !p0  }
0x598: {  	s26 =	smov.u32 @p6 s0;
	p6 =	seq.s32 s31, $0x1;
	s31 =	sld [smem:$0x7BB]  }
0x599: {  	s4 =	simm.s32 @p1 $0xE0;
	s26 =	smov.u32 @p6 s2;
	s2 =	sld [smem:$0x7BC]  }
0x59a: {  	s4 =	simm.s32 @p0 $0xF0;
	p6 =	seq.s32 s10, $0x1  }
0x59b: {  	s10 =	sld [smem:$0x7BD];
	s26 =	smov.u32 @p6 s28;
	p6 =	seq.s32 s31, $0x1  }
0x59c: {  	v6 =	vld [tilespmem:s4+$0x18080];
	s28 =	sld [smem:$0x7BE];
	s26 =	smov.u32 @p6 s1;
	p6 =	seq.s32 s2, $0x1  }
0x59d: {  	s26 =	smov.u32 @p6 s29;
	s29 =	sld [smem:$0x7BF]  }
0x59e: {  	p6 =	seq.s32 s10, $0x1  }
0x59f: {  	s26 =	smov.u32 @p6 s30;
	p6 =	seq.s32 s28, $0x1  }
0x5a0: {  	s26 =	smov.u32 @p6 s11;
	p6 =	seq.s32 s29, $0x1  }
0x5a1: {  	(xrf0) =	vadd.scan.msk.s32 $0xffff, v6;
	s26 =	smov.u32 @p6 s3  }
0x5a2: {  	s26 =	smov.u32 @p5 s16  }
0x5a3: {  	s26 =	smov.u32 @p4 s5  }
0x5a4: {  	s26 =	smov.u32 @p3 s6  }
0x5a5: {  	s26 =	smov.u32 @p2 s7  }
0x5a6: {  	s26 =	smov.u32 @p1 s8  }
0x5a7: {  	v7, _, _ =	vpop (xrf0);
	s26 =	smov.u32 @p0 s9  }
0x5a8: {  	v7 =	vadd.s32 s26, v7  }
0x5a9: {  	vm0 =	vlt.s32 v7, s25  }
0x5aa: {  	v62 =	vmpcnt.ones.xlane vm0;
	_ =	sdelay $0x1  }
0x5ab: {  	v63 =	vbroadcast v62, $0x0;
	_ =	sdelay $0x1  }
0x5ac: {  	v7 =	vperm.xlane v7, v63  }
0x5ad: {  	(v2sf) =	vpush v62, $0x0;
	v6 =	vperm.xlane v6, v63  }
0x5ae: {  	(v2sf) =	vpush v7, $0x0  }
0x5af: {  	(v2sf) =	vpush v6, $0x0;
	_ =	sdelay $0x6  }
0x5b0: {  	s31 =	sld [smem:$0x7D0];
	_ =	sdelay $0x2  }
0x5b1: {  	p0 =	seq.s32 s31, $0x1  }
.Ltmp29:
0x5b2: {  	_ = 	snop;
	(pc) =	sbr.rel @p0 .LBB2_61-.Ltmp29, $4  }
0x5b3: {  	_ = 	snop  }
0x5b4: {  	s30 =	spop (v2sf)  }
0x5b5: {  	s0 =	sadd.s32 s30, s4;
	s1 =	spop (v2sf)  }
0x5b6: {  	[tilespmem:$0x18080] =	vst v0;
	s0 =	ssub.s32 $0xFF, s0;
	s2 =	spop (v2sf)  }
0x5b7: {  	p1 =	sne.s32 s24, $0x1  }
.Ltmp30:
0x5b8: {  	_ = 	snop;
	(pc) =	sbr.rel @!p1 .LBB2_52-.Ltmp30, $3  }
0x5b9: {  	_ =	sdelay $0x1  }
0x5ba: {  	s4 =	simm.s32 $0x10000  }
0x5bb: {  	v6 =	vmov s0;
	s3 =	simm.s32 $0x0;
	p0 =	por $0x0, $0x0;
	v7 =	vld [tilespmem:s4+$0x0];
	s4 =	sadd.s32 $0xFFFFFFFF, s24  }
0x5bc: {  	_ =	sdelay $0x3  }
0x5bd: {  	v8 =	vshrl.u32 v7, $0xC;
	v9 =	vshrl.u32 v7, $0x4  }
0x5be: {  	v8 =	vand.u32 $0xFF, v8;
	v9 =	vand.u32 $0xFF, v9  }
0x5bf: {  	v10 =	vor.u32 s3, v3;
	vm0 =	veq.s32 v8, v5;
	vm1 =	veq.s32 v9, v6  }
0x5c0: {  	vm2 =	vlt.s32 v10, v4;
	vm0 =	vmand vm0, vm1  }
0x5c1: {  	vm0 =	vmand vm0, vm2  }
0x5c2: {  	v7 =	vandn.u32 $0xF, v7  }
0x5c3: {  	p1 =	sne.s32 s4, $0x1  }
.Ltmp31:
0x5c4: {  	_ = 	snop;
	(pc) =	sbr.rel @!p1 .LBB2_58-.Ltmp31, $3  }
0x5c5: {  	_ =	sdelay $0x1  }
0x5c6: {  	s5 =	simm.s32 $0x10010;
	[tilespmem:v7+s17+$0x0] =	vst.idx.add.s32.msk vm0, v1  }
0x5c7: {  	s6 =	sadd.s32 $0xFFFFFFFF, s4;
	p0 =	por $0x1, $0x1;
	s4 =	simm.s32 $0x0;
	v7 =	vld [tilespmem:s5+$0x0]  }
.LBB2_59:
0x5c8: {  	p1 =	sne.s32 s6, $0x1;
	_ =	sdelay $0x3  }
0x5c9: {  	v8 =	vshrl.u32 v7, $0xC;
	v9 =	vshrl.u32 v7, $0x4  }
0x5ca: {  	s4 =	sadd.s32 $0x10, s4;
	v8 =	vand.u32 $0xFF, v8;
	v9 =	vand.u32 $0xFF, v9  }
0x5cb: {  	v10 =	vor.u32 s4, v3;
	vm0 =	veq.s32 v8, v5;
	vm1 =	veq.s32 v9, v6  }
0x5cc: {  	vm2 =	vlt.s32 v10, v4;
	vm0 =	vmand vm0, vm1  }
0x5cd: {  	vm0 =	vmand vm0, vm2  }
0x5ce: {  	v7 =	vandn.u32 $0xF, v7;
	_ =	sdelay $0x1  }
.Ltmp32:
0x5cf: {  	(pc) =	sbr.rel @p1 .LBB2_59-.Ltmp32, $3  }
0x5d0: {  	_ =	sdelay $0x1  }
0x5d1: {  	s5 =	sadd.s32 $0x10, s5;
	[tilespmem:v7+s17+$0x0] =	vst.idx.add.s32.msk vm0, v1  }
0x5d2: {  	s6 =	sadd.s32 $0xFFFFFFFF, s6;
	v7 =	vld [tilespmem:s5+$0x0]  }
.LBB2_60:
0x5d3: {  	_ =	sdelay $0x3  }
0x5d4: {  	s4 =	sadd.s32 @p0 $0x10, s4;
	v8 =	vshrl.u32 v7, $0xC;
	v9 =	vshrl.u32 v7, $0x4  }
0x5d5: {  	s3 =	smov.u32 @p0 s4;
	v8 =	vand.u32 $0xFF, v8;
	v9 =	vand.u32 $0xFF, v9  }
0x5d6: {  	v10 =	vor.u32 s3, v3;
	vm0 =	veq.s32 v8, v5;
	vm1 =	veq.s32 v9, v6  }
0x5d7: {  	vm2 =	vlt.s32 v10, v4;
	vm0 =	vmand vm0, vm1  }
0x5d8: {  	vm0 =	vmand vm0, vm2  }
0x5d9: {  	v4 =	vandn.u32 $0xF, v7;
	_ =	sdelay $0x4  }
0x5da: {  	[tilespmem:v4+s17+$0x0] =	vst.idx.add.s32.msk vm0, v1  }
.LBB2_61:
0x5db: {  	v4 =	vld [tilespmem:$0x18080];
	_ =	sdelay $0x4  }
0x5dc: {  	(xrf0) =	vadd.scan.msk.s32 $0xffff, v4;
	_ =	sdelay $0x4  }
0x5dd: {  	s1 =	ssub.s32 s25, s1  }
0x5de: {  	s1 =	sadd.s32 s2, s1;
	v4, _, _ =	vpop (xrf0)  }
0x5df: {  	vm0 =	vlt.s32 v4, s1  }
0x5e0: {  	v4 =	vmpcnt.ones.xlane vm0;
	_ =	sdelay $0x1  }
0x5e1: {  	(v2sf) =	vpush v4, $0x0;
	_ =	sdelay $0xb  }
0x5e2: {  	s24 =	simm.s32 $0x0  }
0x5e3: {  	v5 =	vld [tilespmem:s24+$0x8000]  }
0x5e4: {  	s29 =	sshll.u32 s23, $0x14;
	s30 =	sshll.u32 s22, $0xC;
	v6 =	vld [tilespmem:s24+$0x8010]  }
0x5e5: {  	s0 =	sshll.u32 s0, $0x4;
	v7 =	vld [tilespmem:s24+$0x8020];
	s1 =	sor.u32 s29, s30;
	s3 =	spop (v2sf)  }
0x5e6: {  	v8 =	vld [tilespmem:s24+$0x8030];
	s0 =	sor.u32 s0, s1;
	s31 =	ssub.s32 $0xF, s3  }
0x5e7: {  	v9 =	vld [tilespmem:s24+$0x8040];
	s0 =	sor.u32 s31, s0  }
0x5e8: {  	v11 =	vld [tilespmem:s24+$0x8050];
	v10 =	vand.u32 $0x7FFFFFFF, v5;
	v4 =	vmov s0  }
0x5e9: {  	v12 =	vand.u32 $0x7FFFFFFF, v6;
	vm0 =	vgt.s32 v4, v10  }
0x5ea: {  	v10 =	vld [tilespmem:s24+$0x8060];
	vm1 =	vgt.s32 v4, v12;
	v12 =	vand.u32 $0x7FFFFFFF, v7;
	v5 =	vsel vm0, $0x0, v5  }
0x5eb: {  	v13 =	vld [tilespmem:s24+$0x8070];
	v6 =	vsel vm1, $0x0, v6;
	vm2 =	vgt.s32 v4, v12;
	v12 =	vand.u32 $0x7FFFFFFF, v8;
	[tilespmem:s24+$0x8000] =	vst v5  }
0x5ec: {  	v5 =	vld [tilespmem:s24+$0x8080];
	[tilespmem:s24+$0x8010] =	vst v6;
	v7 =	vsel vm2, $0x0, v7;
	vm3 =	vgt.s32 v4, v12;
	v12 =	vand.u32 $0x7FFFFFFF, v9  }
0x5ed: {  	v6 =	vld [tilespmem:s24+$0x8090];
	[tilespmem:s24+$0x8020] =	vst v7;
	v8 =	vsel vm3, $0x0, v8;
	vm4 =	vgt.s32 v4, v12;
	v12 =	vand.u32 $0x7FFFFFFF, v11  }
0x5ee: {  	v7 =	vld [tilespmem:s24+$0x80A0];
	[tilespmem:s24+$0x8030] =	vst v8;
	v9 =	vsel vm4, $0x0, v9;
	vm5 =	vgt.s32 v4, v12  }
0x5ef: {  	v8 =	vld [tilespmem:s24+$0x80B0];
	[tilespmem:s24+$0x8040] =	vst v9;
	v12 =	vand.u32 $0x7FFFFFFF, v10;
	v11 =	vsel vm5, $0x0, v11  }
0x5f0: {  	v9 =	vld [tilespmem:s24+$0x80C0];
	vm6 =	vgt.s32 v4, v12;
	[tilespmem:s24+$0x8050] =	vst v11;
	v11 =	vand.u32 $0x7FFFFFFF, v13  }
0x5f1: {  	v12 =	vsel vm6, $0x0, v10;
	v10 =	vld [tilespmem:s24+$0x80D0];
	vm7 =	vgt.s32 v4, v11;
	v11 =	vand.u32 $0x7FFFFFFF, v5  }
0x5f2: {  	s22 =	simm.s32 $0x400;
	[tilespmem:s24+$0x8060] =	vst v12;
	v12 =	vsel vm7, $0x0, v13;
	vm8 =	vgt.s32 v4, v11;
	v13 =	vand.u32 $0x7FFFFFFF, v6;
	v11 =	vld [tilespmem:s24+$0x80E0]  }
.LBB2_62:
0x5f3: {  	p0 =	sne.s32 s22, $0x1FC00;
	[tilespmem:s24+$0x8070] =	vst v12;
	v5 =	vsel vm8, $0x0, v5;
	vm9 =	vgt.s32 v4, v13;
	v12 =	vand.u32 $0x7FFFFFFF, v7;
	v13 =	vld [tilespmem:s24+$0x80F0]  }
0x5f4: {  	[tilespmem:s24+$0x8080] =	vst v5;
	v5 =	vsel vm9, $0x0, v6;
	vm10 =	vgt.s32 v4, v12;
	v6 =	vand.u32 $0x7FFFFFFF, v8  }
0x5f5: {  	[tilespmem:s24+$0x8090] =	vst v5;
	v5 =	vsel vm10, $0x0, v7;
	vm11 =	vgt.s32 v4, v6;
	v6 =	vand.u32 $0x7FFFFFFF, v9  }
0x5f6: {  	[tilespmem:s24+$0x80A0] =	vst v5;
	v5 =	vsel vm11, $0x0, v8;
	vm12 =	vgt.s32 v4, v6;
	v6 =	vand.u32 $0x7FFFFFFF, v10  }
0x5f7: {  	[tilespmem:s24+$0x80B0] =	vst v5;
	v5 =	vsel vm12, $0x0, v9;
	vm13 =	vgt.s32 v4, v6;
	v6 =	vand.u32 $0x7FFFFFFF, v11  }
0x5f8: {  	[tilespmem:s24+$0x80C0] =	vst v5;
	v5 =	vsel vm13, $0x0, v10;
	vm14 =	vgt.s32 v4, v6;
	v6 =	vand.u32 $0x7FFFFFFF, v13  }
0x5f9: {  	v7 =	vsel vm0, $0x0, v2;
	[tilespmem:s24+$0x80D0] =	vst v5;
	v5 =	vsel vm14, $0x0, v11;
	vm0 =	vgt.s32 v4, v6  }
0x5fa: {  	v8 =	vsel vm2, $0x0, v2;
	v6 =	vsel vm1, $0x0, v2;
	[tilespmem:s24+$0x80E0] =	vst v5;
	v5 =	vsel vm0, $0x0, v13  }
0x5fb: {  	v9 =	vsel vm3, $0x0, v2;
	v10 =	vsel vm4, $0x0, v2;
	v11 =	vsel vm5, $0x0, v2;
	[tilespmem:s24+$0x80F0] =	vst v5  }
0x5fc: {  	v12 =	vsel vm8, $0x0, v2;
	v5 =	vsel vm6, $0x0, v2;
	[tilespmem:s24+$0x10000] =	vst v7;
	v7 =	vsel vm7, $0x0, v2  }
0x5fd: {  	v14 =	vsel vm11, $0x0, v2;
	v13 =	vsel vm10, $0x0, v2;
	[tilespmem:s24+$0x10010] =	vst v6;
	v6 =	vsel vm9, $0x0, v2  }
0x5fe: {  	v15 =	vsel vm13, $0x0, v2;
	v16 =	vsel vm14, $0x0, v2;
	[tilespmem:s24+$0x10020] =	vst v8;
	v8 =	vsel vm12, $0x0, v2  }
0x5ff: {  	[tilespmem:s24+$0x10030] =	vst v9;
	v9 =	vsel vm0, $0x0, v2  }
0x600: {  	[tilespmem:s24+$0x10040] =	vst v10  }
0x601: {  	[tilespmem:s24+$0x10050] =	vst v11  }
0x602: {  	[tilespmem:s24+$0x10060] =	vst v5  }
0x603: {  	s0 =	sshra.s32 s22, $0x2;
	[tilespmem:s24+$0x10070] =	vst v7  }
0x604: {  	v5 =	vld [tilespmem:s0+$0x8000];
	[tilespmem:s24+$0x10080] =	vst v12  }
0x605: {  	v7 =	vld [tilespmem:s0+$0x8010];
	[tilespmem:s24+$0x10090] =	vst v6  }
0x606: {  	v6 =	vld [tilespmem:s0+$0x8020];
	[tilespmem:s24+$0x100A0] =	vst v13  }
0x607: {  	v10 =	vld [tilespmem:s0+$0x8030];
	[tilespmem:s24+$0x100B0] =	vst v14  }
0x608: {  	v11 =	vld [tilespmem:s0+$0x8040];
	[tilespmem:s24+$0x100C0] =	vst v8  }
0x609: {  	v8 =	vand.u32 $0x7FFFFFFF, v5;
	v12 =	vld [tilespmem:s0+$0x8050];
	[tilespmem:s24+$0x100D0] =	vst v15  }
0x60a: {  	vm0 =	vgt.s32 v4, v8;
	v8 =	vand.u32 $0x7FFFFFFF, v7;
	v13 =	vld [tilespmem:s0+$0x8060];
	[tilespmem:s24+$0x100E0] =	vst v16  }
0x60b: {  	v5 =	vsel vm0, $0x0, v5;
	vm1 =	vgt.s32 v4, v8;
	v8 =	vand.u32 $0x7FFFFFFF, v6;
	v14 =	vld [tilespmem:s0+$0x8070];
	[tilespmem:s24+$0x100F0] =	vst v9;
	s24 =	smov.u32 s0  }
0x60c: {  	[tilespmem:s24+$0x8000] =	vst v5;
	v7 =	vsel vm1, $0x0, v7;
	vm2 =	vgt.s32 v4, v8;
	v8 =	vand.u32 $0x7FFFFFFF, v10;
	v5 =	vld [tilespmem:s24+$0x8080]  }
0x60d: {  	[tilespmem:s24+$0x8010] =	vst v7;
	v7 =	vsel vm2, $0x0, v6;
	vm3 =	vgt.s32 v4, v8;
	v8 =	vand.u32 $0x7FFFFFFF, v11;
	v6 =	vld [tilespmem:s24+$0x8090]  }
.Ltmp33:
0x60e: {  	[tilespmem:s24+$0x8020] =	vst v7;
	v9 =	vsel vm3, $0x0, v10;
	vm4 =	vgt.s32 v4, v8;
	v8 =	vand.u32 $0x7FFFFFFF, v12;
	v7 =	vld [tilespmem:s24+$0x80A0];
	(pc) =	sbr.rel @p0 .LBB2_62-.Ltmp33, $4  }
0x60f: {  	[tilespmem:s24+$0x8030] =	vst v9;
	v9 =	vsel vm4, $0x0, v11;
	vm5 =	vgt.s32 v4, v8;
	v10 =	vand.u32 $0x7FFFFFFF, v13;
	v8 =	vld [tilespmem:s24+$0x80B0]  }
0x610: {  	[tilespmem:s24+$0x8040] =	vst v9;
	v11 =	vsel vm5, $0x0, v12;
	vm6 =	vgt.s32 v4, v10;
	v10 =	vand.u32 $0x7FFFFFFF, v14;
	v9 =	vld [tilespmem:s24+$0x80C0]  }
0x611: {  	[tilespmem:s24+$0x8050] =	vst v11;
	v11 =	vsel vm6, $0x0, v13;
	vm7 =	vgt.s32 v4, v10;
	v13 =	vand.u32 $0x7FFFFFFF, v5;
	v10 =	vld [tilespmem:s24+$0x80D0]  }
0x612: {  	s22 =	sadd.s32 $0x400, s22;
	[tilespmem:s24+$0x8060] =	vst v11;
	v12 =	vsel vm7, $0x0, v14;
	vm8 =	vgt.s32 v4, v13;
	v13 =	vand.u32 $0x7FFFFFFF, v6;
	v11 =	vld [tilespmem:s24+$0x80E0]  }
0x613: {  	[tilespmem:s24+$0x8070] =	vst v12;
	v5 =	vsel vm8, $0x0, v5;
	vm9 =	vgt.s32 v4, v13;
	v57 =	vand.u32 $0x7FFFFFFF, v7;
	v58 =	vld [tilespmem:s24+$0x80F0]  }
0x614: {  	[tilespmem:s24+$0x8080] =	vst v5;
	v5 =	vsel vm9, $0x0, v6;
	vm10 =	vgt.s32 v4, v57;
	v59 =	vand.u32 $0x7FFFFFFF, v8  }
0x615: {  	[tilespmem:s24+$0x8090] =	vst v5;
	v5 =	vsel vm10, $0x0, v7;
	vm11 =	vgt.s32 v4, v59;
	v60 =	vand.u32 $0x7FFFFFFF, v9  }
0x616: {  	[tilespmem:s24+$0x80A0] =	vst v5;
	v5 =	vsel vm11, $0x0, v8;
	vm12 =	vgt.s32 v4, v60;
	v61 =	vand.u32 $0x7FFFFFFF, v10  }
0x617: {  	[tilespmem:s24+$0x80B0] =	vst v5;
	v5 =	vsel vm12, $0x0, v9;
	vm13 =	vgt.s32 v4, v61;
	v62 =	vand.u32 $0x7FFFFFFF, v11  }
0x618: {  	[tilespmem:s24+$0x80C0] =	vst v5;
	v5 =	vsel vm13, $0x0, v10;
	vm14 =	vgt.s32 v4, v62;
	v63 =	vand.u32 $0x7FFFFFFF, v58  }
0x619: {  	[tilespmem:s24+$0x80D0] =	vst v5;
	v5 =	vsel vm14, $0x0, v11;
	vm15 =	vgt.s32 v4, v63  }
0x61a: {  	[tilespmem:s24+$0x80E0] =	vst v5;
	v4 =	vsel vm15, $0x0, v58  }
0x61b: {  	v5 =	vsel vm0, $0x0, v2;
	[tilespmem:s24+$0x80F0] =	vst v4  }
0x61c: {  	v4 =	vsel vm1, $0x0, v2;
	[tilespmem:s24+$0x10000] =	vst v5  }
0x61d: {  	v5 =	vsel vm2, $0x0, v2;
	[tilespmem:s24+$0x10010] =	vst v4  }
0x61e: {  	v4 =	vsel vm3, $0x0, v2;
	[tilespmem:s24+$0x10020] =	vst v5  }
0x61f: {  	v5 =	vsel vm4, $0x0, v2;
	[tilespmem:s24+$0x10030] =	vst v4  }
0x620: {  	v4 =	vsel vm5, $0x0, v2;
	[tilespmem:s24+$0x10040] =	vst v5  }
0x621: {  	v5 =	vsel vm6, $0x0, v2;
	[tilespmem:s24+$0x10050] =	vst v4  }
0x622: {  	v4 =	vsel vm7, $0x0, v2;
	[tilespmem:s24+$0x10060] =	vst v5  }
0x623: {  	v5 =	vsel vm8, $0x0, v2;
	[tilespmem:s24+$0x10070] =	vst v4  }
0x624: {  	v4 =	vsel vm9, $0x0, v2;
	[tilespmem:s24+$0x10080] =	vst v5  }
0x625: {  	v5 =	vsel vm10, $0x0, v2;
	[tilespmem:s24+$0x10090] =	vst v4  }
0x626: {  	v4 =	vsel vm11, $0x0, v2;
	[tilespmem:s24+$0x100A0] =	vst v5  }
0x627: {  	v5 =	vsel vm12, $0x0, v2;
	[tilespmem:s24+$0x100B0] =	vst v4  }
0x628: {  	v4 =	vsel vm13, $0x0, v2;
	[tilespmem:s24+$0x100C0] =	vst v5  }
0x629: {  	v5 =	vsel vm14, $0x0, v2;
	[tilespmem:s24+$0x100D0] =	vst v4  }
0x62a: {  	v4 =	vsel vm15, $0x0, v2;
	[tilespmem:s24+$0x100E0] =	vst v5  }
0x62b: {  	s0 =	rddreg [dreg:$0x9];
	s3 =	simm.s32 $0x8000;
	[tilespmem:s24+$0x100F0] =	vst v4  }
0x62c: {  	[hbm4b:s0+s13] =	stream.strided.scatter [tilespmem:s3], [sflag:$0x2], $0x8000, s14, s13, $0x38;
	[tilespmem:$0x18900] =	vst v63  }
0x62d: {  	s30 =	rddreg [dreg:$0xa]  }
0x62e: {  	[hbm4b:s30+s13] =	stream.strided.scatter [tilespmem:s18], [sflag:$0x3], $0x8000, s14, s13, $0x38;
	[tilespmem:$0x18900] =	vst v63  }
0x62f: {  	_ =	swait.ge [sflag:s20], $0x8000  }
0x630: {  	[sflag:s20] =	ssyncset.done $0x0  }
0x631: {  	[sflag:s20] =	ssyncadd.s32 $0xFFFF8000  }
0x632: {  	_ =	swait.ge [sflag:s20], $0x8000  }
0x633: {  	[sflag:s20] =	ssyncset.done $0x0  }
0x634: {  	[sflag:s20] =	ssyncadd.s32 $0xFFFF8000  }
0x635: {  	_ =	swait.ge [sflag:s19], $0x8000  }
0x636: {  	s21 =	sadd.s32 $0x1, s21;
	s31 =	rddreg [dreg:$0xb]  }
0x637: {  	p0 =	sne.s32 s21, s31  }
.Ltmp34:
0x638: {  	_ = 	snop;
	(pc) =	sbr.rel @p0 .LBB2_1-.Ltmp34, $4  }
.Ltmp35:
0x639: {  	_ = 	snop;
	(pc) =	sbr.rel @!p0 .LBB2_64-.Ltmp35, $4  }
0x63a: {  	_ = 	snop  }
0x63b: {  	[sflag:s19] =	ssyncset.done $0x0  }
0x63c: {  	[sflag:s19] =	ssyncadd.s32 $0xFFFF8000  }
0x63d: {  	_ = 	snop  }
.LBB2_11:
.Ltmp36:
0x63e: {  	(pc) =	sbr.rel .LBB2_18-.Ltmp36, $2  }
0x63f: {  	_ =	sdelay $0x2  }
0x640: {  	s1 =	simm.s32 $0x0  }
.LBB2_14:
.Ltmp37:
0x641: {  	(pc) =	sbr.rel .LBB2_25-.Ltmp37, $2  }
0x642: {  	_ =	sdelay $0x2  }
0x643: {  	s1 =	simm.s32 $0x0  }
.LBB2_21:
.Ltmp38:
0x644: {  	(pc) =	sbr.rel .LBB2_29-.Ltmp38, $2  }
0x645: {  	_ =	sdelay $0x2  }
0x646: {  	s4 =	simm.s32 $0x0  }
.LBB2_42:
.Ltmp39:
0x647: {  	(pc) =	sbr.rel .LBB2_49-.Ltmp39, $2  }
0x648: {  	_ =	sdelay $0x2  }
0x649: {  	s1 =	simm.s32 $0x0  }
.LBB2_45:
.Ltmp40:
0x64a: {  	(pc) =	sbr.rel .LBB2_56-.Ltmp40, $2  }
0x64b: {  	_ =	sdelay $0x2  }
0x64c: {  	s1 =	simm.s32 $0x0  }
.LBB2_52:
.Ltmp41:
0x64d: {  	(pc) =	sbr.rel .LBB2_60-.Ltmp41, $2  }
0x64e: {  	_ =	sdelay $0x2  }
0x64f: {  	s4 =	simm.s32 $0x0  }
.LBB2_16:
.Ltmp42:
0x650: {  	(pc) =	sbr.rel .LBB2_18-.Ltmp42, $2  }
0x651: {  	_ =	sdelay $0x2  }
0x652: {  	s1 =	simm.s32 $0x0  }
.LBB2_23:
.Ltmp43:
0x653: {  	(pc) =	sbr.rel .LBB2_25-.Ltmp43, $2  }
0x654: {  	_ =	sdelay $0x2  }
0x655: {  	s1 =	simm.s32 $0x0  }
.LBB2_27:
.Ltmp44:
0x656: {  	(pc) =	sbr.rel .LBB2_29-.Ltmp44, $2  }
0x657: {  	_ =	sdelay $0x2  }
0x658: {  	s4 =	simm.s32 $0x0  }
.LBB2_47:
.Ltmp45:
0x659: {  	(pc) =	sbr.rel .LBB2_49-.Ltmp45, $2  }
0x65a: {  	_ =	sdelay $0x2  }
0x65b: {  	s1 =	simm.s32 $0x0  }
.LBB2_54:
.Ltmp46:
0x65c: {  	(pc) =	sbr.rel .LBB2_56-.Ltmp46, $2  }
0x65d: {  	_ =	sdelay $0x2  }
0x65e: {  	s1 =	simm.s32 $0x0  }
.LBB2_58:
.Ltmp47:
0x65f: {  	(pc) =	sbr.rel .LBB2_60-.Ltmp47, $2  }
0x660: {  	_ =	sdelay $0x2  }
0x661: {  	s4 =	simm.s32 $0x0  }
.LBB2_64:
0x662: {  	_ =	sfence.sel $0x180000  }
0x663: {  	[bflag:$0x0] =	sbarrier.arrive $0xFFFF  }
0x664: {  	_ =	strace $0x90000047  }
0x665: {  	s0 =	stileid.u32;
	[bflag:$0x2] =	sbarrier.arrive $0xFFFF  }
0x666: {  	p0 =	sne.s32 s0, $0x0;
	s0 =	rddreg [dreg:$0x4]  }
0x667: {  	s0 =	sadd.s32 @!p0 $0x100000, s0  }
0x668: {  	[sflag:s0] =	ssyncadd.tile.s32 @!p0 $0x1;
	_ =	shalt  }
.Lfunc_end2:
_tile_overlayer_lowered:
.L_overlay_start_2:
0x669: {  	(tag) =	ssettag $0x2  }
0x66a: {  	s0 =	rddreg [dreg:$0x0];
	s2 =	stileid.u32  }
0x66b: {  	s1 =	rddreg [dreg:$0x1];
	p0 =	sne.s32 s2, $0x0  }
0x66c: {  	s3 =	rddreg [dreg:$0x2];
	[bflag:$0x3] =	sbarrier.arrive $0xFFFF;
	s2 =	simm.s32 @!p0 $0x1C04  }
0x66d: {  	[timem:s3], [sflag:s2] =	dma.local @!p0 [hbm:s0], s1  }
0x66e: {  	s0 =	simm.s32 @!p0 $0x4  }
0x66f: {  	_ =	swait.ge @!p0 [sflag:s0], s1  }
0x670: {  	s1 =	ssub.s32 @!p0 $0x0, s1;
	[sflag:s0] =	ssyncset.done @!p0 $0x0  }
0x671: {  	[sflag:s0] =	ssyncadd.s32 @!p0 s1  }
0x672: {  	[bflag:$0x3] =	sbarrier.arrive $0xFFFF  }
0x673: {  	_ =	shalt  }

</sc_bundles>
